<compile_context>
chip_gen: v7x
topology: tpu7x:2x2x1
jax: 0.10.2.dev20260603
libtpu: 0.0.44.dev20260713+nightly
codegen_flags: <defaults>
</compile_context>

<pallas_src>
import functools

import jax
import jax.numpy as jnp
from jax import lax
from jax.experimental import pallas as pl
from jax.experimental.pallas import tpu as pltpu
from jax.experimental.pallas import tpu_sc as plsc

B = 16
N = 65536
K = 4096
CAP = 6144
NH = N // 2

_PAD_I = 0x7FFFFFFF
_HALF_BITS = 0x3F000000


def _scores_body(a_ref, b_ref, c_ref, o_ref):
    s = jnp.maximum(jnp.maximum(a_ref[...], b_ref[...]), c_ref[...])
    o_ref[...] = lax.bitcast_convert_type(jax.nn.sigmoid(s), jnp.int32)


def _topk_body(keys_ref, out_ref,
               keys, hist, tot, tot2a, tot2b, keya, ida, keyb, idb,
               pstk, psti, scr_d, scr_k, scr_i, sh_hist, sh_ck, sh_ci):
    ci = lax.axis_index("c")
    si = lax.axis_index("s")
    bl = si // 2
    h = si % 2
    b = ci * 8 + bl
    lane = lax.iota(jnp.int32, 16)
    ones = jnp.ones((16,), jnp.int32)

    lane256 = lane * 256

    pltpu.sync_copy(keys_ref.at[b, pl.ds(h * NH, NH)], keys)

    def zero_hist(i, _):
        hist[pl.ds(i * 16, 16)] = jnp.zeros((16,), jnp.int32)
        return 0

    lax.fori_loop(0, 256, zero_hist, 0)

    def l1(g, _):
        kv = keys[pl.ds(g * 16, 16)]
        d = (kv >> 24) & 0xFF
        plsc.addupdate_scatter(hist, [d + lane256], ones)
        return 0

    lax.fori_loop(0, NH // 16, l1, 0, unroll=8)

    def tsum(i, _):
        acc = hist[pl.ds(i * 16, 16)]
        for l in range(1, 16):
            acc = acc + hist[pl.ds(l * 256 + i * 16, 16)]
        tot[pl.ds(i * 16, 16)] = acc
        return 0

    lax.fori_loop(0, 16, tsum, 0)
    pltpu.sync_copy(tot, sh_hist.at[bl, h])
    plsc.subcore_barrier()
    pltpu.sync_copy(sh_hist.at[bl, 0], tot2a)
    pltpu.sync_copy(sh_hist.at[bl, 1], tot2b)

    def decide(kneed):
        def dec(i, carry):
            run, bsel, cab, done = carry
            v = 15 - i
            hv = tot2a[pl.ds(v * 16, 16)] + tot2b[pl.ds(v * 16, 16)]
            r = lax.rev(hv, (0,))
            csum = plsc.cumsum(r) + run
            m = csum >= kneed
            i0 = jnp.min(jnp.where(m, lane, 16))
            sel = lane == i0
            csum_i0 = jnp.sum(jnp.where(sel, csum, 0))
            r_i0 = jnp.sum(jnp.where(sel, r, 0))
            blocktot = jnp.sum(hv)
            hit = jnp.logical_and(jnp.logical_not(done), i0 < 16)
            bsel = jnp.where(hit, v * 16 + 15 - i0, bsel)
            cab = jnp.where(hit, csum_i0 - r_i0, cab)
            done = jnp.logical_or(done, hit)
            return (run + blocktot, bsel, cab, done)

        _, bsel, cab, _ = lax.fori_loop(
            0, 16, dec, (jnp.int32(0), jnp.int32(0), jnp.int32(0), False))
        return bsel, cab

    b1, cab1 = decide(jnp.int32(K))
    k1 = K - cab1

    lax.fori_loop(0, 256, zero_hist, 0)

    def l2(g, _):
        kv = keys[pl.ds(g * 16, 16)]
        m = ((kv >> 24) & 0xFF) == b1
        d2 = (kv >> 16) & 0xFF
        plsc.addupdate_scatter(hist, [d2 + lane256], ones, mask=m)
        return 0

    lax.fori_loop(0, NH // 16, l2, 0, unroll=8)
    lax.fori_loop(0, 16, tsum, 0)
    pltpu.sync_copy(tot, sh_hist.at[bl, h])
    plsc.subcore_barrier()
    pltpu.sync_copy(sh_hist.at[bl, 0], tot2a)
    pltpu.sync_copy(sh_hist.at[bl, 1], tot2b)
    b2, _ = decide(k1)
    thr = (b1 << 24) | (b2 << 16)

    padk = jnp.where(thr >= _HALF_BITS, jnp.int32(_HALF_BITS), jnp.int32(0))
    padsort = ~padk

    def prefill(i, _):
        keya[pl.ds(i * 16, 16)] = jnp.broadcast_to(padsort, (16,))
        ida[pl.ds(i * 16, 16)] = jnp.full((16,), _PAD_I, jnp.int32)
        return 0

    lax.fori_loop(0, CAP // 16, prefill, 0, unroll=8)

    def cp(g, off):
        kv = keys[pl.ds(g * 16, 16)]
        m = kv >= thr
        mi = lax.convert_element_type(m, jnp.int32)
        dest = jnp.minimum(off + plsc.cumsum(mi) - 1, CAP - 1)
        idxv = h * NH + g * 16 + lane
        plsc.store_scatter(keya, [dest], ~kv, mask=m)
        plsc.store_scatter(ida, [dest], idxv, mask=m)
        return off + plsc.all_reduce_population_count(m)

    off = lax.fori_loop(0, NH // 16, cp, jnp.zeros((16,), jnp.int32), unroll=4)

    @pl.when(h == 1)
    def _():
        pltpu.sync_copy(keya, sh_ck.at[bl])
        pltpu.sync_copy(ida, sh_ci.at[bl])
        scr_k[...] = off
        pltpu.sync_copy(scr_k, sh_hist.at[bl, 1, pl.ds(0, 16)])

    plsc.subcore_barrier()

    @pl.when(h == 0)
    def _():
        pltpu.sync_copy(sh_ck.at[bl], pstk)
        pltpu.sync_copy(sh_ci.at[bl], psti)
        pltpu.sync_copy(sh_hist.at[bl, 1, pl.ds(0, 16)], scr_k)
        n1 = jnp.max(scr_k[...])
        cn = jnp.max(off) + n1
        gn = jnp.minimum((cn + 15) >> 4, CAP // 16)

        def mg(j, _):
            kv = pstk[pl.ds(j * 16, 16)]
            iv = psti[pl.ds(j * 16, 16)]
            dest = jnp.minimum(off + j * 16 + lane, CAP - 1)
            plsc.store_scatter(keya, [dest], kv)
            plsc.store_scatter(ida, [dest], iv)
            return 0

        lax.fori_loop(0, CAP // 16, mg, 0, unroll=4)

        def radix_pass(shift, src_k, src_i, dst_k, dst_i):
            lax.fori_loop(0, 256, zero_hist, 0)

            def hp(g, _):
                kv = src_k[pl.ds(g * 16, 16)]
                d = (kv >> shift) & 0xFF
                plsc.addupdate_scatter(hist, [d + lane256], ones)
                return 0

            lax.fori_loop(0, gn, hp, 0)

            def sc(i, run):
                acc = hist[pl.ds(i * 16, 16)]
                for l in range(1, 16):
                    acc = acc + hist[pl.ds(l * 256 + i * 16, 16)]
                tot[pl.ds(i * 16, 16)] = plsc.cumsum(acc) - acc + run
                return run + jnp.sum(acc)

            lax.fori_loop(0, 16, sc, jnp.int32(0))

            def pp(g, _):
                kv = src_k[pl.ds(g * 16, 16)]
                iv = src_i[pl.ds(g * 16, 16)]
                d = (kv >> shift) & 0xFF
                sk = d * 16 + lane
                sks, lo = plsc.sort_key_val(sk, lane)
                ds_ = sks >> 4
                scr_d[...] = ds_
                prev = plsc.load_gather(scr_d, [jnp.maximum(lane - 1, 0)])
                isnew = jnp.logical_or(ds_ != prev, lane == 0)
                first = plsc.cummax(jnp.where(isnew, lane, 0))
                occ = lane - first
                basev = plsc.load_gather(tot, [ds_])
                dest = basev + occ
                nxt = plsc.load_gather(scr_d, [jnp.minimum(lane + 1, 15)])
                islast = jnp.logical_or(ds_ != nxt, lane == 15)
                plsc.addupdate_scatter(tot, [ds_], occ + 1, mask=islast)
                scr_k[...] = kv
                kvs = plsc.load_gather(scr_k, [lo])
                scr_i[...] = iv
                ivs = plsc.load_gather(scr_i, [lo])
                plsc.store_scatter(dst_k, [dest], kvs)
                plsc.store_scatter(dst_i, [dest], ivs)
                return 0

            lax.fori_loop(0, gn, pp, 0)

        radix_pass(0, keya, ida, keyb, idb)
        radix_pass(8, keyb, idb, keya, ida)
        radix_pass(16, keya, ida, keyb, idb)

        @pl.when(thr < _HALF_BITS)
        def _():
            radix_pass(24, keyb, idb, keya, ida)

            def cpy(j, _):
                idb[pl.ds(j * 16, 16)] = ida[pl.ds(j * 16, 16)]
                return 0

            lax.fori_loop(0, K // 16, cpy, 0)

        pltpu.sync_copy(idb.at[pl.ds(0, K)], out_ref.at[b])


@functools.partial(
    pl.kernel,
    out_type=jax.ShapeDtypeStruct((B, K), jnp.int32),
    mesh=plsc.VectorSubcoreMesh(core_axis_name="c", subcore_axis_name="s"),
    compiler_params=pltpu.CompilerParams(
        use_tc_tiling_on_sc=False, needs_layout_passes=False),
    scratch_types=[
        pltpu.VMEM((NH,), jnp.int32),
        pltpu.VMEM((4096,), jnp.int32),
        pltpu.VMEM((256,), jnp.int32),
        pltpu.VMEM((256,), jnp.int32),
        pltpu.VMEM((256,), jnp.int32),
        pltpu.VMEM((CAP,), jnp.int32),
        pltpu.VMEM((CAP,), jnp.int32),
        pltpu.VMEM((CAP,), jnp.int32),
        pltpu.VMEM((CAP,), jnp.int32),
        pltpu.VMEM((CAP,), jnp.int32),
        pltpu.VMEM((CAP,), jnp.int32),
        pltpu.VMEM((16,), jnp.int32),
        pltpu.VMEM((16,), jnp.int32),
        pltpu.VMEM((16,), jnp.int32),
        pltpu.VMEM_SHARED((8, 2, 256), jnp.int32),
        pltpu.VMEM_SHARED((8, CAP), jnp.int32),
        pltpu.VMEM_SHARED((8, CAP), jnp.int32),
    ],
)
def _sc_topk(keys_ref, out_ref, *scratch):
    _topk_body(keys_ref, out_ref, *scratch)


def kernel(points, cls_features):
    a = cls_features[:, :, 0]
    b = cls_features[:, :, 1]
    c = cls_features[:, :, 2]
    keys = pl.pallas_call(
        _scores_body,
        out_shape=jax.ShapeDtypeStruct((B, N), jnp.int32),
    )(a, b, c)
    return _sc_topk(keys)

# --- scband reference (transcript-rebuilt; emitter-appended) ---
"""Pipeline reference for scband-sampling-layer-27608049778808 (READ-ONLY COPY).

The authoritative reference and input builder live on the scoring server;
editing this copy changes nothing except your own understanding.
"""

import jax, jax.numpy as jnp
import numpy as np

NUM_POINTS = 4096

def setup_inputs(seed: int = 0) -> dict:
    key = jax.random.key(seed)
    k1, k2 = jax.random.split(key)
    points = jax.random.normal(k1, (16, 65536, 3), dtype=jnp.float32)
    cls_features = jax.random.normal(k2, (16, 65536, 3), dtype=jnp.float32)
    return {"points": points, "cls_features": cls_features}

def reference(points, cls_features):
    # SamplingLayer.forward with method='CentroidAware' (IA-SSD ctr-aware sampling):
    # per-point foreground score = sigmoid(max over classes), then top-k indices.
    total_points = points.shape[1]
    batch_size = points.shape[0]
    if total_points <= NUM_POINTS:
        indices = jnp.broadcast_to(
            jnp.arange(total_points, dtype=jnp.int32)[None, :],
            (batch_size, total_points),
        )
        return indices
    cls_features_max = jnp.max(cls_features, axis=-1)          # (B, N)
    score_pred = jax.nn.sigmoid(cls_features_max)              # (B, N)
    _, indices = jax.lax.top_k(score_pred, NUM_POINTS)         # (B, M)
    return indices

if __name__ == "__main__":
    import jax
    _d = setup_inputs()
    print(jax.jit(kernel)(*tuple(_d.values())))

</pallas_src>

<mosaic_0001>
#map = affine_map<(d0, d1) -> (0, 0)>
module attributes {stable_mosaic.version = 14 : i64} {
  func.func @_sc_topk(%arg0: i32, %arg1: i32, %arg2: memref<16x65536xi32, #tpu.memory_space<hbm>>, %arg3: memref<16x4096xi32, #tpu.memory_space<hbm>>, %arg4: memref<32768xi32, #tpu.memory_space<vmem>>, %arg5: memref<4096xi32, #tpu.memory_space<vmem>>, %arg6: memref<256xi32, #tpu.memory_space<vmem>>, %arg7: memref<256xi32, #tpu.memory_space<vmem>>, %arg8: memref<256xi32, #tpu.memory_space<vmem>>, %arg9: memref<6144xi32, #tpu.memory_space<vmem>>, %arg10: memref<6144xi32, #tpu.memory_space<vmem>>, %arg11: memref<6144xi32, #tpu.memory_space<vmem>>, %arg12: memref<6144xi32, #tpu.memory_space<vmem>>, %arg13: memref<6144xi32, #tpu.memory_space<vmem>>, %arg14: memref<6144xi32, #tpu.memory_space<vmem>>, %arg15: memref<16xi32, #tpu.memory_space<vmem>>, %arg16: memref<16xi32, #tpu.memory_space<vmem>>, %arg17: memref<16xi32, #tpu.memory_space<vmem>>, %arg18: memref<8x2x256xi32, #tpu.memory_space<vmem_shared>>, %arg19: memref<8x6144xi32, #tpu.memory_space<vmem_shared>>, %arg20: memref<8x6144xi32, #tpu.memory_space<vmem_shared>>) attributes {dimension_semantics = [#tpu.dimension_semantics<core_parallel>, #tpu.dimension_semantics<subcore_parallel>], iteration_bounds = array<i64: 2, 16>, scalar_prefetch = 0 : i64, scratch_operands = 17 : i64, tpu.core_type = #tpu.core_type<sc_vector_subcore>, window_params = [{transform_indices = #map}, {transform_indices = #map}]} {
    %jit3A = arith.constant 2 : i32
    %div3A = arith.divsi %arg1, %jit3A : i32
    %sign3A = arith.constant 0 : i32
    %sign3A_0 = arith.cmpi sgt, %arg1, %sign3A : i32
    %sign3A_1 = arith.extui %sign3A_0 : i1 to i32
    %sign3A_2 = arith.constant 0 : i32
    %sign3A_3 = arith.cmpi slt, %arg1, %sign3A_2 : i32
    %sign3A_4 = arith.extui %sign3A_3 : i1 to i32
    %sign3A_5 = arith.subi %sign3A_1, %sign3A_4 : i32
    %sign3A_6 = arith.constant 0 : i32
    %sign3A_7 = arith.cmpi sgt, %jit3A, %sign3A_6 : i32
    %sign3A_8 = arith.extui %sign3A_7 : i1 to i32
    %sign3A_9 = arith.constant 0 : i32
    %sign3A_10 = arith.cmpi slt, %jit3A, %sign3A_9 : i32
    %sign3A_11 = arith.extui %sign3A_10 : i1 to i32
    %sign3A_12 = arith.subi %sign3A_8, %sign3A_11 : i32
    %ne3A = arith.cmpi ne, %sign3A_5, %sign3A_12 : i32
    %rem3A = arith.remsi %arg1, %jit3A : i32
    %ne3A_13 = arith.constant 0 : i32
    %ne3A_14 = arith.cmpi ne, %rem3A, %ne3A_13 : i32
    %and3A = arith.andi %ne3A, %ne3A_14 : i1
    %sub3A = arith.constant 1 : i32
    %sub3A_15 = arith.subi %div3A, %sub3A : i32
    %select_n3A = arith.select %and3A, %sub3A_15, %div3A : i32
    %jit3A_16 = arith.constant 2 : i32
    %eq3A = arith.constant 0 : i32
    %eq3A_17 = arith.cmpi eq, %jit3A_16, %eq3A : i32
    %jit3A_18 = arith.constant 1 : i32
    %select_n3A_19 = arith.select %eq3A_17, %jit3A_18, %jit3A_16 : i32
    %rem3A_20 = arith.remsi %arg1, %select_n3A_19 : i32
    %ne3A_21 = arith.constant 0 : i32
    %ne3A_22 = arith.cmpi ne, %rem3A_20, %ne3A_21 : i32
    %lt3A = arith.constant 0 : i32
    %lt3A_23 = arith.cmpi slt, %rem3A_20, %lt3A : i32
    %lt3A_24 = arith.constant 0 : i32
    %lt3A_25 = arith.cmpi slt, %select_n3A_19, %lt3A_24 : i32
    %ne3A_26 = arith.xori %lt3A_23, %lt3A_25 : i1
    %and3A_27 = arith.andi %ne3A_26, %ne3A_22 : i1
    %add3A = arith.addi %rem3A_20, %select_n3A_19 : i32
    %select_n3A_28 = arith.select %and3A_27, %add3A, %rem3A_20 : i32
    %mul3A = arith.constant 8 : i32
    %mul3A_29 = arith.muli %arg0, %mul3A : i32
    %add3A_30 = arith.addi %mul3A_29, %select_n3A : i32
    %iota3A = tpu.iota {dimensions = array<i32: 0>} : vector<16xi32>
    %broadcast_in_dim3A = arith.constant 1 : i32
    %broadcast_in_dim3A_31 = vector.broadcast %broadcast_in_dim3A : i32 to vector<16xi32>
    %mul3A_32 = arith.constant 256 : i32
    %mul3A_33 = vector.broadcast %mul3A_32 : i32 to vector<16xi32>
    %mul3A_34 = arith.muli %iota3A, %mul3A_33 : vector<16xi32>
    %mul3A_35 = arith.constant 32768 : i32
    %mul3A_36 = arith.muli %select_n3A_28, %mul3A_35 : i32
    "tpu.region"() ({
      %run_scoped3A_137 = tpu.sem_alloc : memref<!tpu.dma_semaphore, #tpu.memory_space<semaphore_mem>>
      %dma_start3A = tpu.memref_slice %arg2[%add3A_30, %mul3A_36] : memref<16x65536xi32, #tpu.memory_space<hbm>> -> memref<1x32768xi32, #tpu.memory_space<hbm>>
      %dma_start3A_138 = tpu.memref_squeeze %dma_start3A : memref<1x32768xi32, #tpu.memory_space<hbm>> -> memref<32768xi32, #tpu.memory_space<hbm>>
      %dma_start3A_139 = tpu.memref_slice %arg2[%add3A_30, %mul3A_36] : memref<16x65536xi32, #tpu.memory_space<hbm>> -> memref<1x32768xi32, #tpu.memory_space<hbm>>
      %dma_start3A_140 = tpu.memref_squeeze %dma_start3A_139 : memref<1x32768xi32, #tpu.memory_space<hbm>> -> memref<32768xi32, #tpu.memory_space<hbm>>
      tpu.enqueue_dma source(%dma_start3A_140 : memref<32768xi32, #tpu.memory_space<hbm>>) target(%arg4 : memref<32768xi32, #tpu.memory_space<vmem>>) target_semaphore(%run_scoped3A_137 : memref<!tpu.dma_semaphore, #tpu.memory_space<semaphore_mem>>)
      %dma_wait3A = tpu.memref_slice %arg2[%add3A_30, %mul3A_36] : memref<16x65536xi32, #tpu.memory_space<hbm>> -> memref<1x32768xi32, #tpu.memory_space<hbm>>
      %dma_wait3A_141 = tpu.memref_squeeze %dma_wait3A : memref<1x32768xi32, #tpu.memory_space<hbm>> -> memref<32768xi32, #tpu.memory_space<hbm>>
      %dma_wait3A_142 = tpu.memref_slice %arg2[%add3A_30, %mul3A_36] : memref<16x65536xi32, #tpu.memory_space<hbm>> -> memref<1x32768xi32, #tpu.memory_space<hbm>>
      %dma_wait3A_143 = tpu.memref_squeeze %dma_wait3A_142 : memref<1x32768xi32, #tpu.memory_space<hbm>> -> memref<32768xi32, #tpu.memory_space<hbm>>
      tpu.wait_dma2 semaphore(%run_scoped3A_137 : memref<!tpu.dma_semaphore, #tpu.memory_space<semaphore_mem>>) src(%dma_wait3A_143 : memref<32768xi32, #tpu.memory_space<hbm>>) dst(%arg4 : memref<32768xi32, #tpu.memory_space<vmem>>)
      tpu.yield
    }) : () -> ()
    %scan3A = arith.constant 0 : i32
    %scan3A_37 = arith.constant 0 : i32
    %scan3A_38 = arith.constant 256 : i32
    %scan3A_39 = arith.addi %scan3A_37, %scan3A_38 : i32
    %scan3A_40 = arith.constant 1 : i32
    %scan3A_41 = scf.for %scan3A_137 = %scan3A_37 to %scan3A_39 step %scan3A_40 iter_args(%scan3A_138 = %scan3A) -> (i32)  : i32 {
      %broadcast_in_dim3A_139 = arith.constant 0 : i32
      %broadcast_in_dim3A_140 = vector.broadcast %broadcast_in_dim3A_139 : i32 to vector<16xi32>
      %mul3A_141 = arith.constant 16 : i32
      %mul3A_142 = arith.muli %scan3A_137, %mul3A_141 : i32
      %swap3A = arith.index_cast %mul3A_142 : i32 to index
      %swap3A_143 = tpu.vector_load %arg5[%swap3A] {strides = array<i32>} : memref<4096xi32, #tpu.memory_space<vmem>>, vector<16xi32>,
      tpu.vector_store %arg5[%swap3A], %broadcast_in_dim3A_140 {strides = array<i32>} : memref<4096xi32, #tpu.memory_space<vmem>>, vector<16xi32>,
      %scan3A_144 = arith.constant 0 : i32
      scf.yield %scan3A_144 : i32
    }
    %scan3A_42 = arith.constant 256 : i32
    %scan3A_43 = arith.constant 0 : i32
    %scan3A_44 = arith.constant 0 : i32
    %scan3A_45 = arith.constant 2048 : i32
    %scan3A_46 = arith.addi %scan3A_44, %scan3A_45 : i32
    %scan3A_47 = arith.constant 8 : i32
    %scan3A_48 = scf.for %scan3A_137 = %scan3A_44 to %scan3A_46 step %scan3A_47 iter_args(%scan3A_138 = %scan3A_43) -> (i32)  : i32 {
      %mul3A_139 = arith.constant 16 : i32
      %mul3A_140 = arith.muli %scan3A_137, %mul3A_139 : i32
      %get3A = arith.index_cast %mul3A_140 : i32 to index
      %get3A_141 = tpu.vector_load %arg4[%get3A] {strides = array<i32>} : memref<32768xi32, #tpu.memory_space<vmem>>, vector<16xi32>,
      %shift_right_arithmetic3A = arith.constant 24 : i32
      %shift_right_arithmetic3A_142 = vector.broadcast %shift_right_arithmetic3A : i32 to vector<16xi32>
      %shift_right_arithmetic3A_143 = arith.shrsi %get3A_141, %shift_right_arithmetic3A_142 : vector<16xi32>
      %and3A_144 = arith.constant 255 : i32
      %and3A_145 = vector.broadcast %and3A_144 : i32 to vector<16xi32>
      %and3A_146 = arith.andi %shift_right_arithmetic3A_143, %and3A_145 : vector<16xi32>
      %add3A_147 = arith.addi %and3A_146, %mul3A_34 : vector<16xi32>
      tpu.vector_store_idx %arg5[%add3A_147], %broadcast_in_dim3A_31 {add = true} : memref<4096xi32, #tpu.memory_space<vmem>>[vector<16xi32>], vector<16xi32>,
      %scan3A_148 = arith.constant 0 : i32
      %scan3A_149 = arith.constant 1 : i32
      %scan3A_150 = arith.addi %scan3A_137, %scan3A_149 : i32
      %mul3A_151 = arith.constant 16 : i32
      %mul3A_152 = arith.muli %scan3A_150, %mul3A_151 : i32
      %get3A_153 = arith.index_cast %mul3A_152 : i32 to index
      %get3A_154 = tpu.vector_load %arg4[%get3A_153] {strides = array<i32>} : memref<32768xi32, #tpu.memory_space<vmem>>, vector<16xi32>,
      %shift_right_arithmetic3A_155 = arith.constant 24 : i32
      %shift_right_arithmetic3A_156 = vector.broadcast %shift_right_arithmetic3A_155 : i32 to vector<16xi32>
      %shift_right_arithmetic3A_157 = arith.shrsi %get3A_154, %shift_right_arithmetic3A_156 : vector<16xi32>
      %and3A_158 = arith.constant 255 : i32
      %and3A_159 = vector.broadcast %and3A_158 : i32 to vector<16xi32>
      %and3A_160 = arith.andi %shift_right_arithmetic3A_157, %and3A_159 : vector<16xi32>
      %add3A_161 = arith.addi %and3A_160, %mul3A_34 : vector<16xi32>
      tpu.vector_store_idx %arg5[%add3A_161], %broadcast_in_dim3A_31 {add = true} : memref<4096xi32, #tpu.memory_space<vmem>>[vector<16xi32>], vector<16xi32>,
      %scan3A_162 = arith.constant 0 : i32
      %scan3A_163 = arith.constant 2 : i32
      %scan3A_164 = arith.addi %scan3A_137, %scan3A_163 : i32
      %mul3A_165 = arith.constant 16 : i32
      %mul3A_166 = arith.muli %scan3A_164, %mul3A_165 : i32
      %get3A_167 = arith.index_cast %mul3A_166 : i32 to index
      %get3A_168 = tpu.vector_load %arg4[%get3A_167] {strides = array<i32>} : memref<32768xi32, #tpu.memory_space<vmem>>, vector<16xi32>,
      %shift_right_arithmetic3A_169 = arith.constant 24 : i32
      %shift_right_arithmetic3A_170 = vector.broadcast %shift_right_arithmetic3A_169 : i32 to vector<16xi32>
      %shift_right_arithmetic3A_171 = arith.shrsi %get3A_168, %shift_right_arithmetic3A_170 : vector<16xi32>
      %and3A_172 = arith.constant 255 : i32
      %and3A_173 = vector.broadcast %and3A_172 : i32 to vector<16xi32>
      %and3A_174 = arith.andi %shift_right_arithmetic3A_171, %and3A_173 : vector<16xi32>
      %add3A_175 = arith.addi %and3A_174, %mul3A_34 : vector<16xi32>
      tpu.vector_store_idx %arg5[%add3A_175], %broadcast_in_dim3A_31 {add = true} : memref<4096xi32, #tpu.memory_space<vmem>>[vector<16xi32>], vector<16xi32>,
      %scan3A_176 = arith.constant 0 : i32
      %scan3A_177 = arith.constant 3 : i32
      %scan3A_178 = arith.addi %scan3A_137, %scan3A_177 : i32
      %mul3A_179 = arith.constant 16 : i32
      %mul3A_180 = arith.muli %scan3A_178, %mul3A_179 : i32
      %get3A_181 = arith.index_cast %mul3A_180 : i32 to index
      %get3A_182 = tpu.vector_load %arg4[%get3A_181] {strides = array<i32>} : memref<32768xi32, #tpu.memory_space<vmem>>, vector<16xi32>,
      %shift_right_arithmetic3A_183 = arith.constant 24 : i32
      %shift_right_arithmetic3A_184 = vector.broadcast %shift_right_arithmetic3A_183 : i32 to vector<16xi32>
      %shift_right_arithmetic3A_185 = arith.shrsi %get3A_182, %shift_right_arithmetic3A_184 : vector<16xi32>
      %and3A_186 = arith.constant 255 : i32
      %and3A_187 = vector.broadcast %and3A_186 : i32 to vector<16xi32>
      %and3A_188 = arith.andi %shift_right_arithmetic3A_185, %and3A_187 : vector<16xi32>
      %add3A_189 = arith.addi %and3A_188, %mul3A_34 : vector<16xi32>
      tpu.vector_store_idx %arg5[%add3A_189], %broadcast_in_dim3A_31 {add = true} : memref<4096xi32, #tpu.memory_space<vmem>>[vector<16xi32>], vector<16xi32>,
      %scan3A_190 = arith.constant 0 : i32
      %scan3A_191 = arith.constant 4 : i32
      %scan3A_192 = arith.addi %scan3A_137, %scan3A_191 : i32
      %mul3A_193 = arith.constant 16 : i32
      %mul3A_194 = arith.muli %scan3A_192, %mul3A_193 : i32
      %get3A_195 = arith.index_cast %mul3A_194 : i32 to index
      %get3A_196 = tpu.vector_load %arg4[%get3A_195] {strides = array<i32>} : memref<32768xi32, #tpu.memory_space<vmem>>, vector<16xi32>,
      %shift_right_arithmetic3A_197 = arith.constant 24 : i32
      %shift_right_arithmetic3A_198 = vector.broadcast %shift_right_arithmetic3A_197 : i32 to vector<16xi32>
      %shift_right_arithmetic3A_199 = arith.shrsi %get3A_196, %shift_right_arithmetic3A_198 : vector<16xi32>
      %and3A_200 = arith.constant 255 : i32
      %and3A_201 = vector.broadcast %and3A_200 : i32 to vector<16xi32>
      %and3A_202 = arith.andi %shift_right_arithmetic3A_199, %and3A_201 : vector<16xi32>
      %add3A_203 = arith.addi %and3A_202, %mul3A_34 : vector<16xi32>
      tpu.vector_store_idx %arg5[%add3A_203], %broadcast_in_dim3A_31 {add = true} : memref<4096xi32, #tpu.memory_space<vmem>>[vector<16xi32>], vector<16xi32>,
      %scan3A_204 = arith.constant 0 : i32
      %scan3A_205 = arith.constant 5 : i32
      %scan3A_206 = arith.addi %scan3A_137, %scan3A_205 : i32
      %mul3A_207 = arith.constant 16 : i32
      %mul3A_208 = arith.muli %scan3A_206, %mul3A_207 : i32
      %get3A_209 = arith.index_cast %mul3A_208 : i32 to index
      %get3A_210 = tpu.vector_load %arg4[%get3A_209] {strides = array<i32>} : memref<32768xi32, #tpu.memory_space<vmem>>, vector<16xi32>,
      %shift_right_arithmetic3A_211 = arith.constant 24 : i32
      %shift_right_arithmetic3A_212 = vector.broadcast %shift_right_arithmetic3A_211 : i32 to vector<16xi32>
      %shift_right_arithmetic3A_213 = arith.shrsi %get3A_210, %shift_right_arithmetic3A_212 : vector<16xi32>
      %and3A_214 = arith.constant 255 : i32
      %and3A_215 = vector.broadcast %and3A_214 : i32 to vector<16xi32>
      %and3A_216 = arith.andi %shift_right_arithmetic3A_213, %and3A_215 : vector<16xi32>
      %add3A_217 = arith.addi %and3A_216, %mul3A_34 : vector<16xi32>
      tpu.vector_store_idx %arg5[%add3A_217], %broadcast_in_dim3A_31 {add = true} : memref<4096xi32, #tpu.memory_space<vmem>>[vector<16xi32>], vector<16xi32>,
      %scan3A_218 = arith.constant 0 : i32
      %scan3A_219 = arith.constant 6 : i32
      %scan3A_220 = arith.addi %scan3A_137, %scan3A_219 : i32
      %mul3A_221 = arith.constant 16 : i32
      %mul3A_222 = arith.muli %scan3A_220, %mul3A_221 : i32
      %get3A_223 = arith.index_cast %mul3A_222 : i32 to index
      %get3A_224 = tpu.vector_load %arg4[%get3A_223] {strides = array<i32>} : memref<32768xi32, #tpu.memory_space<vmem>>, vector<16xi32>,
      %shift_right_arithmetic3A_225 = arith.constant 24 : i32
      %shift_right_arithmetic3A_226 = vector.broadcast %shift_right_arithmetic3A_225 : i32 to vector<16xi32>
      %shift_right_arithmetic3A_227 = arith.shrsi %get3A_224, %shift_right_arithmetic3A_226 : vector<16xi32>
      %and3A_228 = arith.constant 255 : i32
      %and3A_229 = vector.broadcast %and3A_228 : i32 to vector<16xi32>
      %and3A_230 = arith.andi %shift_right_arithmetic3A_227, %and3A_229 : vector<16xi32>
      %add3A_231 = arith.addi %and3A_230, %mul3A_34 : vector<16xi32>
      tpu.vector_store_idx %arg5[%add3A_231], %broadcast_in_dim3A_31 {add = true} : memref<4096xi32, #tpu.memory_space<vmem>>[vector<16xi32>], vector<16xi32>,
      %scan3A_232 = arith.constant 0 : i32
      %scan3A_233 = arith.constant 7 : i32
      %scan3A_234 = arith.addi %scan3A_137, %scan3A_233 : i32
      %mul3A_235 = arith.constant 16 : i32
      %mul3A_236 = arith.muli %scan3A_234, %mul3A_235 : i32
      %get3A_237 = arith.index_cast %mul3A_236 : i32 to index
      %get3A_238 = tpu.vector_load %arg4[%get3A_237] {strides = array<i32>} : memref<32768xi32, #tpu.memory_space<vmem>>, vector<16xi32>,
      %shift_right_arithmetic3A_239 = arith.constant 24 : i32
      %shift_right_arithmetic3A_240 = vector.broadcast %shift_right_arithmetic3A_239 : i32 to vector<16xi32>
      %shift_right_arithmetic3A_241 = arith.shrsi %get3A_238, %shift_right_arithmetic3A_240 : vector<16xi32>
      %and3A_242 = arith.constant 255 : i32
      %and3A_243 = vector.broadcast %and3A_242 : i32 to vector<16xi32>
      %and3A_244 = arith.andi %shift_right_arithmetic3A_241, %and3A_243 : vector<16xi32>
      %add3A_245 = arith.addi %and3A_244, %mul3A_34 : vector<16xi32>
      tpu.vector_store_idx %arg5[%add3A_245], %broadcast_in_dim3A_31 {add = true} : memref<4096xi32, #tpu.memory_space<vmem>>[vector<16xi32>], vector<16xi32>,
      %scan3A_246 = arith.constant 0 : i32
      scf.yield %scan3A_246 : i32
    }
    %scan3A_49 = arith.constant 2048 : i32
    %scan3A_50 = arith.constant 0 : i32
    %scan3A_51 = arith.constant 0 : i32
    %scan3A_52 = arith.constant 16 : i32
    %scan3A_53 = arith.addi %scan3A_51, %scan3A_52 : i32
    %scan3A_54 = arith.constant 1 : i32
    %scan3A_55 = scf.for %scan3A_137 = %scan3A_51 to %scan3A_53 step %scan3A_54 iter_args(%scan3A_138 = %scan3A_50) -> (i32)  : i32 {
      %mul3A_139 = arith.constant 16 : i32
      %mul3A_140 = arith.muli %scan3A_137, %mul3A_139 : i32
      %get3A = arith.index_cast %mul3A_140 : i32 to index
      %get3A_141 = tpu.vector_load %arg5[%get3A] {strides = array<i32>} : memref<4096xi32, #tpu.memory_space<vmem>>, vector<16xi32>,
      %mul3A_142 = arith.constant 16 : i32
      %mul3A_143 = arith.muli %scan3A_137, %mul3A_142 : i32
      %add3A_144 = arith.constant 256 : i32
      %add3A_145 = arith.addi %add3A_144, %mul3A_143 : i32
      %get3A_146 = arith.index_cast %add3A_145 : i32 to index
      %get3A_147 = tpu.vector_load %arg5[%get3A_146] {strides = array<i32>} : memref<4096xi32, #tpu.memory_space<vmem>>, vector<16xi32>,
      %add3A_148 = arith.addi %get3A_141, %get3A_147 : vector<16xi32>
      %mul3A_149 = arith.constant 16 : i32
      %mul3A_150 = arith.muli %scan3A_137, %mul3A_149 : i32
      %add3A_151 = arith.constant 512 : i32
      %add3A_152 = arith.addi %add3A_151, %mul3A_150 : i32
      %get3A_153 = arith.index_cast %add3A_152 : i32 to index
      %get3A_154 = tpu.vector_load %arg5[%get3A_153] {strides = array<i32>} : memref<4096xi32, #tpu.memory_space<vmem>>, vector<16xi32>,
      %add3A_155 = arith.addi %add3A_148, %get3A_154 : vector<16xi32>
      %mul3A_156 = arith.constant 16 : i32
      %mul3A_157 = arith.muli %scan3A_137, %mul3A_156 : i32
      %add3A_158 = arith.constant 768 : i32
      %add3A_159 = arith.addi %add3A_158, %mul3A_157 : i32
      %get3A_160 = arith.index_cast %add3A_159 : i32 to index
      %get3A_161 = tpu.vector_load %arg5[%get3A_160] {strides = array<i32>} : memref<4096xi32, #tpu.memory_space<vmem>>, vector<16xi32>,
      %add3A_162 = arith.addi %add3A_155, %get3A_161 : vector<16xi32>
      %mul3A_163 = arith.constant 16 : i32
      %mul3A_164 = arith.muli %scan3A_137, %mul3A_163 : i32
      %add3A_165 = arith.constant 1024 : i32
      %add3A_166 = arith.addi %add3A_165, %mul3A_164 : i32
      %get3A_167 = arith.index_cast %add3A_166 : i32 to index
      %get3A_168 = tpu.vector_load %arg5[%get3A_167] {strides = array<i32>} : memref<4096xi32, #tpu.memory_space<vmem>>, vector<16xi32>,
      %add3A_169 = arith.addi %add3A_162, %get3A_168 : vector<16xi32>
      %mul3A_170 = arith.constant 16 : i32
      %mul3A_171 = arith.muli %scan3A_137, %mul3A_170 : i32
      %add3A_172 = arith.constant 1280 : i32
      %add3A_173 = arith.addi %add3A_172, %mul3A_171 : i32
      %get3A_174 = arith.index_cast %add3A_173 : i32 to index
      %get3A_175 = tpu.vector_load %arg5[%get3A_174] {strides = array<i32>} : memref<4096xi32, #tpu.memory_space<vmem>>, vector<16xi32>,
      %add3A_176 = arith.addi %add3A_169, %get3A_175 : vector<16xi32>
      %mul3A_177 = arith.constant 16 : i32
      %mul3A_178 = arith.muli %scan3A_137, %mul3A_177 : i32
      %add3A_179 = arith.constant 1536 : i32
      %add3A_180 = arith.addi %add3A_179, %mul3A_178 : i32
      %get3A_181 = arith.index_cast %add3A_180 : i32 to index
      %get3A_182 = tpu.vector_load %arg5[%get3A_181] {strides = array<i32>} : memref<4096xi32, #tpu.memory_space<vmem>>, vector<16xi32>,
      %add3A_183 = arith.addi %add3A_176, %get3A_182 : vector<16xi32>
      %mul3A_184 = arith.constant 16 : i32
      %mul3A_185 = arith.muli %scan3A_137, %mul3A_184 : i32
      %add3A_186 = arith.constant 1792 : i32
      %add3A_187 = arith.addi %add3A_186, %mul3A_185 : i32
      %get3A_188 = arith.index_cast %add3A_187 : i32 to index
      %get3A_189 = tpu.vector_load %arg5[%get3A_188] {strides = array<i32>} : memref<4096xi32, #tpu.memory_space<vmem>>, vector<16xi32>,
      %add3A_190 = arith.addi %add3A_183, %get3A_189 : vector<16xi32>
      %mul3A_191 = arith.constant 16 : i32
      %mul3A_192 = arith.muli %scan3A_137, %mul3A_191 : i32
      %add3A_193 = arith.constant 2048 : i32
      %add3A_194 = arith.addi %add3A_193, %mul3A_192 : i32
      %get3A_195 = arith.index_cast %add3A_194 : i32 to index
      %get3A_196 = tpu.vector_load %arg5[%get3A_195] {strides = array<i32>} : memref<4096xi32, #tpu.memory_space<vmem>>, vector<16xi32>,
      %add3A_197 = arith.addi %add3A_190, %get3A_196 : vector<16xi32>
      %mul3A_198 = arith.constant 16 : i32
      %mul3A_199 = arith.muli %scan3A_137, %mul3A_198 : i32
      %add3A_200 = arith.constant 2304 : i32
      %add3A_201 = arith.addi %add3A_200, %mul3A_199 : i32
      %get3A_202 = arith.index_cast %add3A_201 : i32 to index
      %get3A_203 = tpu.vector_load %arg5[%get3A_202] {strides = array<i32>} : memref<4096xi32, #tpu.memory_space<vmem>>, vector<16xi32>,
      %add3A_204 = arith.addi %add3A_197, %get3A_203 : vector<16xi32>
      %mul3A_205 = arith.constant 16 : i32
      %mul3A_206 = arith.muli %scan3A_137, %mul3A_205 : i32
      %add3A_207 = arith.constant 2560 : i32
      %add3A_208 = arith.addi %add3A_207, %mul3A_206 : i32
      %get3A_209 = arith.index_cast %add3A_208 : i32 to index
      %get3A_210 = tpu.vector_load %arg5[%get3A_209] {strides = array<i32>} : memref<4096xi32, #tpu.memory_space<vmem>>, vector<16xi32>,
      %add3A_211 = arith.addi %add3A_204, %get3A_210 : vector<16xi32>
      %mul3A_212 = arith.constant 16 : i32
      %mul3A_213 = arith.muli %scan3A_137, %mul3A_212 : i32
      %add3A_214 = arith.constant 2816 : i32
      %add3A_215 = arith.addi %add3A_214, %mul3A_213 : i32
      %get3A_216 = arith.index_cast %add3A_215 : i32 to index
      %get3A_217 = tpu.vector_load %arg5[%get3A_216] {strides = array<i32>} : memref<4096xi32, #tpu.memory_space<vmem>>, vector<16xi32>,
      %add3A_218 = arith.addi %add3A_211, %get3A_217 : vector<16xi32>
      %mul3A_219 = arith.constant 16 : i32
      %mul3A_220 = arith.muli %scan3A_137, %mul3A_219 : i32
      %add3A_221 = arith.constant 3072 : i32
      %add3A_222 = arith.addi %add3A_221, %mul3A_220 : i32
      %get3A_223 = arith.index_cast %add3A_222 : i32 to index
      %get3A_224 = tpu.vector_load %arg5[%get3A_223] {strides = array<i32>} : memref<4096xi32, #tpu.memory_space<vmem>>, vector<16xi32>,
      %add3A_225 = arith.addi %add3A_218, %get3A_224 : vector<16xi32>
      %mul3A_226 = arith.constant 16 : i32
      %mul3A_227 = arith.muli %scan3A_137, %mul3A_226 : i32
      %add3A_228 = arith.constant 3328 : i32
      %add3A_229 = arith.addi %add3A_228, %mul3A_227 : i32
      %get3A_230 = arith.index_cast %add3A_229 : i32 to index
      %get3A_231 = tpu.vector_load %arg5[%get3A_230] {strides = array<i32>} : memref<4096xi32, #tpu.memory_space<vmem>>, vector<16xi32>,
      %add3A_232 = arith.addi %add3A_225, %get3A_231 : vector<16xi32>
      %mul3A_233 = arith.constant 16 : i32
      %mul3A_234 = arith.muli %scan3A_137, %mul3A_233 : i32
      %add3A_235 = arith.constant 3584 : i32
      %add3A_236 = arith.addi %add3A_235, %mul3A_234 : i32
      %get3A_237 = arith.index_cast %add3A_236 : i32 to index
      %get3A_238 = tpu.vector_load %arg5[%get3A_237] {strides = array<i32>} : memref<4096xi32, #tpu.memory_space<vmem>>, vector<16xi32>,
      %add3A_239 = arith.addi %add3A_232, %get3A_238 : vector<16xi32>
      %mul3A_240 = arith.constant 16 : i32
      %mul3A_241 = arith.muli %scan3A_137, %mul3A_240 : i32
      %add3A_242 = arith.constant 3840 : i32
      %add3A_243 = arith.addi %add3A_242, %mul3A_241 : i32
      %get3A_244 = arith.index_cast %add3A_243 : i32 to index
      %get3A_245 = tpu.vector_load %arg5[%get3A_244] {strides = array<i32>} : memref<4096xi32, #tpu.memory_space<vmem>>, vector<16xi32>,
      %add3A_246 = arith.addi %add3A_239, %get3A_245 : vector<16xi32>
      %mul3A_247 = arith.constant 16 : i32
      %mul3A_248 = arith.muli %scan3A_137, %mul3A_247 : i32
      %swap3A = arith.index_cast %mul3A_248 : i32 to index
      %swap3A_249 = tpu.vector_load %arg6[%swap3A] {strides = array<i32>} : memref<256xi32, #tpu.memory_space<vmem>>, vector<16xi32>,
      tpu.vector_store %arg6[%swap3A], %add3A_246 {strides = array<i32>} : memref<256xi32, #tpu.memory_space<vmem>>, vector<16xi32>,
      %scan3A_250 = arith.constant 0 : i32
      scf.yield %scan3A_250 : i32
    }
    %scan3A_56 = arith.constant 16 : i32
    "tpu.region"() ({
      %run_scoped3A_137 = tpu.sem_alloc : memref<!tpu.dma_semaphore, #tpu.memory_space<semaphore_mem>>
      %dma_start3A = arith.constant 0 : i32
      %dma_start3A_138 = tpu.memref_slice %arg18[%select_n3A, %select_n3A_28, %dma_start3A] : memref<8x2x256xi32, #tpu.memory_space<vmem_shared>> -> memref<1x1x256xi32, #tpu.memory_space<vmem_shared>>
      %dma_start3A_139 = tpu.memref_squeeze %dma_start3A_138 : memref<1x1x256xi32, #tpu.memory_space<vmem_shared>> -> memref<256xi32, #tpu.memory_space<vmem_shared>>
      %dma_start3A_140 = arith.constant 0 : i32
      %dma_start3A_141 = tpu.memref_slice %arg18[%select_n3A, %select_n3A_28, %dma_start3A_140] : memref<8x2x256xi32, #tpu.memory_space<vmem_shared>> -> memref<1x1x256xi32, #tpu.memory_space<vmem_shared>>
      %dma_start3A_142 = tpu.memref_squeeze %dma_start3A_141 : memref<1x1x256xi32, #tpu.memory_space<vmem_shared>> -> memref<256xi32, #tpu.memory_space<vmem_shared>>
      tpu.enqueue_dma source(%arg6 : memref<256xi32, #tpu.memory_space<vmem>>) target(%dma_start3A_142 : memref<256xi32, #tpu.memory_space<vmem_shared>>) target_semaphore(%run_scoped3A_137 : memref<!tpu.dma_semaphore, #tpu.memory_space<semaphore_mem>>)
      %dma_wait3A = arith.constant 0 : i32
      %dma_wait3A_143 = tpu.memref_slice %arg18[%select_n3A, %select_n3A_28, %dma_wait3A] : memref<8x2x256xi32, #tpu.memory_space<vmem_shared>> -> memref<1x1x256xi32, #tpu.memory_space<vmem_shared>>
      %dma_wait3A_144 = tpu.memref_squeeze %dma_wait3A_143 : memref<1x1x256xi32, #tpu.memory_space<vmem_shared>> -> memref<256xi32, #tpu.memory_space<vmem_shared>>
      %dma_wait3A_145 = arith.constant 0 : i32
      %dma_wait3A_146 = tpu.memref_slice %arg18[%select_n3A, %select_n3A_28, %dma_wait3A_145] : memref<8x2x256xi32, #tpu.memory_space<vmem_shared>> -> memref<1x1x256xi32, #tpu.memory_space<vmem_shared>>
      %dma_wait3A_147 = tpu.memref_squeeze %dma_wait3A_146 : memref<1x1x256xi32, #tpu.memory_space<vmem_shared>> -> memref<256xi32, #tpu.memory_space<vmem_shared>>
      tpu.wait_dma2 semaphore(%run_scoped3A_137 : memref<!tpu.dma_semaphore, #tpu.memory_space<semaphore_mem>>) src(%arg6 : memref<256xi32, #tpu.memory_space<vmem>>) dst(%dma_wait3A_147 : memref<256xi32, #tpu.memory_space<vmem_shared>>)
      tpu.yield
    }) : () -> ()
    %barrier3A = arith.constant 0 : index
    tpu.barrier barrier_id(%barrier3A)
    %run_scoped3A = arith.constant 0 : i32
    "tpu.region"() ({
      %run_scoped3A_137 = tpu.sem_alloc : memref<!tpu.dma_semaphore, #tpu.memory_space<semaphore_mem>>
      %dma_start3A = arith.constant 0 : i32
      %dma_start3A_138 = tpu.memref_slice %arg18[%select_n3A, %run_scoped3A, %dma_start3A] : memref<8x2x256xi32, #tpu.memory_space<vmem_shared>> -> memref<1x1x256xi32, #tpu.memory_space<vmem_shared>>
      %dma_start3A_139 = tpu.memref_squeeze %dma_start3A_138 : memref<1x1x256xi32, #tpu.memory_space<vmem_shared>> -> memref<256xi32, #tpu.memory_space<vmem_shared>>
      %dma_start3A_140 = arith.constant 0 : i32
      %dma_start3A_141 = tpu.memref_slice %arg18[%select_n3A, %run_scoped3A, %dma_start3A_140] : memref<8x2x256xi32, #tpu.memory_space<vmem_shared>> -> memref<1x1x256xi32, #tpu.memory_space<vmem_shared>>
      %dma_start3A_142 = tpu.memref_squeeze %dma_start3A_141 : memref<1x1x256xi32, #tpu.memory_space<vmem_shared>> -> memref<256xi32, #tpu.memory_space<vmem_shared>>
      tpu.enqueue_dma source(%dma_start3A_142 : memref<256xi32, #tpu.memory_space<vmem_shared>>) target(%arg7 : memref<256xi32, #tpu.memory_space<vmem>>) target_semaphore(%run_scoped3A_137 : memref<!tpu.dma_semaphore, #tpu.memory_space<semaphore_mem>>)
      %dma_wait3A = arith.constant 0 : i32
      %dma_wait3A_143 = tpu.memref_slice %arg18[%select_n3A, %run_scoped3A, %dma_wait3A] : memref<8x2x256xi32, #tpu.memory_space<vmem_shared>> -> memref<1x1x256xi32, #tpu.memory_space<vmem_shared>>
      %dma_wait3A_144 = tpu.memref_squeeze %dma_wait3A_143 : memref<1x1x256xi32, #tpu.memory_space<vmem_shared>> -> memref<256xi32, #tpu.memory_space<vmem_shared>>
      %dma_wait3A_145 = arith.constant 0 : i32
      %dma_wait3A_146 = tpu.memref_slice %arg18[%select_n3A, %run_scoped3A, %dma_wait3A_145] : memref<8x2x256xi32, #tpu.memory_space<vmem_shared>> -> memref<1x1x256xi32, #tpu.memory_space<vmem_shared>>
      %dma_wait3A_147 = tpu.memref_squeeze %dma_wait3A_146 : memref<1x1x256xi32, #tpu.memory_space<vmem_shared>> -> memref<256xi32, #tpu.memory_space<vmem_shared>>
      tpu.wait_dma2 semaphore(%run_scoped3A_137 : memref<!tpu.dma_semaphore, #tpu.memory_space<semaphore_mem>>) src(%dma_wait3A_147 : memref<256xi32, #tpu.memory_space<vmem_shared>>) dst(%arg7 : memref<256xi32, #tpu.memory_space<vmem>>)
      tpu.yield
    }) : () -> ()
    %run_scoped3A_57 = arith.constant 1 : i32
    "tpu.region"() ({
      %run_scoped3A_137 = tpu.sem_alloc : memref<!tpu.dma_semaphore, #tpu.memory_space<semaphore_mem>>
      %dma_start3A = arith.constant 0 : i32
      %dma_start3A_138 = tpu.memref_slice %arg18[%select_n3A, %run_scoped3A_57, %dma_start3A] : memref<8x2x256xi32, #tpu.memory_space<vmem_shared>> -> memref<1x1x256xi32, #tpu.memory_space<vmem_shared>>
      %dma_start3A_139 = tpu.memref_squeeze %dma_start3A_138 : memref<1x1x256xi32, #tpu.memory_space<vmem_shared>> -> memref<256xi32, #tpu.memory_space<vmem_shared>>
      %dma_start3A_140 = arith.constant 0 : i32
      %dma_start3A_141 = tpu.memref_slice %arg18[%select_n3A, %run_scoped3A_57, %dma_start3A_140] : memref<8x2x256xi32, #tpu.memory_space<vmem_shared>> -> memref<1x1x256xi32, #tpu.memory_space<vmem_shared>>
      %dma_start3A_142 = tpu.memref_squeeze %dma_start3A_141 : memref<1x1x256xi32, #tpu.memory_space<vmem_shared>> -> memref<256xi32, #tpu.memory_space<vmem_shared>>
      tpu.enqueue_dma source(%dma_start3A_142 : memref<256xi32, #tpu.memory_space<vmem_shared>>) target(%arg8 : memref<256xi32, #tpu.memory_space<vmem>>) target_semaphore(%run_scoped3A_137 : memref<!tpu.dma_semaphore, #tpu.memory_space<semaphore_mem>>)
      %dma_wait3A = arith.constant 0 : i32
      %dma_wait3A_143 = tpu.memref_slice %arg18[%select_n3A, %run_scoped3A_57, %dma_wait3A] : memref<8x2x256xi32, #tpu.memory_space<vmem_shared>> -> memref<1x1x256xi32, #tpu.memory_space<vmem_shared>>
      %dma_wait3A_144 = tpu.memref_squeeze %dma_wait3A_143 : memref<1x1x256xi32, #tpu.memory_space<vmem_shared>> -> memref<256xi32, #tpu.memory_space<vmem_shared>>
      %dma_wait3A_145 = arith.constant 0 : i32
      %dma_wait3A_146 = tpu.memref_slice %arg18[%select_n3A, %run_scoped3A_57, %dma_wait3A_145] : memref<8x2x256xi32, #tpu.memory_space<vmem_shared>> -> memref<1x1x256xi32, #tpu.memory_space<vmem_shared>>
      %dma_wait3A_147 = tpu.memref_squeeze %dma_wait3A_146 : memref<1x1x256xi32, #tpu.memory_space<vmem_shared>> -> memref<256xi32, #tpu.memory_space<vmem_shared>>
      tpu.wait_dma2 semaphore(%run_scoped3A_137 : memref<!tpu.dma_semaphore, #tpu.memory_space<semaphore_mem>>) src(%dma_wait3A_147 : memref<256xi32, #tpu.memory_space<vmem_shared>>) dst(%arg8 : memref<256xi32, #tpu.memory_space<vmem>>)
      tpu.yield
    }) : () -> ()
    %scan3A_58 = arith.constant 4096 : i32
    %scan3A_59 = arith.constant 0 : i32
    %scan3A_60 = arith.constant 0 : i32
    %scan3A_61 = arith.constant 0 : i32
    %scan3A_62 = arith.constant false
    %scan3A_63 = arith.constant 0 : i32
    %scan3A_64 = arith.constant 16 : i32
    %scan3A_65 = arith.addi %scan3A_63, %scan3A_64 : i32
    %scan3A_66 = arith.constant 1 : i32
    %scan3A_67:4 = scf.for %scan3A_137 = %scan3A_63 to %scan3A_65 step %scan3A_66 iter_args(%scan3A_138 = %scan3A_59, %scan3A_139 = %scan3A_60, %scan3A_140 = %scan3A_61, %scan3A_141 = %scan3A_62) -> (i32, i32, i32, i1)  : i32 {
      %sub3A_142 = arith.constant 15 : i32
      %sub3A_143 = arith.subi %sub3A_142, %scan3A_137 : i32
      %mul3A_144 = arith.constant 16 : i32
      %mul3A_145 = arith.muli %sub3A_143, %mul3A_144 : i32
      %get3A = arith.index_cast %mul3A_145 : i32 to index
      %get3A_146 = tpu.vector_load %arg7[%get3A] {strides = array<i32>} : memref<256xi32, #tpu.memory_space<vmem>>, vector<16xi32>,
      %mul3A_147 = arith.constant 16 : i32
      %mul3A_148 = arith.muli %sub3A_143, %mul3A_147 : i32
      %get3A_149 = arith.index_cast %mul3A_148 : i32 to index
      %get3A_150 = tpu.vector_load %arg8[%get3A_149] {strides = array<i32>} : memref<256xi32, #tpu.memory_space<vmem>>, vector<16xi32>,
      %add3A_151 = arith.addi %get3A_146, %get3A_150 : vector<16xi32>
      %rev3A = arith.constant 15 : i32
      %rev3A_152 = vector.broadcast %rev3A : i32 to vector<16xi32>
      %rev3A_153 = tpu.iota {dimensions = array<i32: 0>} : vector<16xi32>
      %rev3A_154 = arith.subi %rev3A_152, %rev3A_153 : vector<16xi32>
      %rev3A_155 = tpu.dynamic_gather %add3A_151[%rev3A_154] in [0] : vector<16xi32>, vector<16xi32> -> vector<16xi32>
      %broadcast_in_dim3A_156 = arith.constant true
      %broadcast_in_dim3A_157 = vector.broadcast %broadcast_in_dim3A_156 : i1 to vector<16xi1>
      %masked_cumsum3A = tpu.scan <sum>, %rev3A_155 masked %broadcast_in_dim3A_157 : vector<16xi32>, vector<16xi1> -> vector<16xi32>
      %add3A_158 = vector.broadcast %scan3A_138 : i32 to vector<16xi32>
      %add3A_159 = arith.addi %masked_cumsum3A, %add3A_158 : vector<16xi32>
      %ge3A_160 = vector.broadcast %scan3A_58 : i32 to vector<16xi32>
      %ge3A_161 = arith.cmpi sge, %add3A_159, %ge3A_160 : vector<16xi32>
      %jit3A_162 = arith.constant 16 : i32
      %broadcast_in_dim3A_163 = vector.broadcast %jit3A_162 : i32 to vector<16xi32>
      %select_n3A_164 = arith.select %ge3A_161, %iota3A, %broadcast_in_dim3A_163 : vector<16xi1>, vector<16xi32>
      %reduce_min3A = arith.constant true
      %reduce_min3A_165 = vector.broadcast %reduce_min3A : i1 to vector<16xi1>
      %reduce_min3A_166 = arith.constant -2147483648 : i32
      %reduce_min3A_167 = vector.broadcast %reduce_min3A_166 : i32 to vector<16xi32>
      %reduce_min3A_168 = arith.xori %select_n3A_164, %reduce_min3A_167 : vector<16xi32>
      %reduce_min3A_169 = tpu.scan <min>, %reduce_min3A_168 masked %reduce_min3A_165 : vector<16xi32>, vector<16xi1> -> vector<16xi32>
      %reduce_min3A_170 = arith.xori %reduce_min3A_169, %reduce_min3A_167 : vector<16xi32>
      %reduce_min3A_171 = vector.extract %reduce_min3A_170[15] : i32 from vector<16xi32>
      %eq3A_172 = vector.broadcast %reduce_min3A_171 : i32 to vector<16xi32>
      %eq3A_173 = arith.cmpi eq, %iota3A, %eq3A_172 : vector<16xi32>
      %jit3A_174 = arith.constant 0 : i32
      %broadcast_in_dim3A_175 = vector.broadcast %jit3A_174 : i32 to vector<16xi32>
      %select_n3A_176 = arith.select %eq3A_173, %add3A_159, %broadcast_in_dim3A_175 : vector<16xi1>, vector<16xi32>
      %reduce_sum3A = arith.constant true
      %reduce_sum3A_177 = vector.broadcast %reduce_sum3A : i1 to vector<16xi1>
      %reduce_sum3A_178 = tpu.scan <sum>, %select_n3A_176 masked %reduce_sum3A_177 : vector<16xi32>, vector<16xi1> -> vector<16xi32>
      %reduce_sum3A_179 = vector.extract %reduce_sum3A_178[15] : i32 from vector<16xi32>
      %jit3A_180 = arith.constant 0 : i32
      %broadcast_in_dim3A_181 = vector.broadcast %jit3A_180 : i32 to vector<16xi32>
      %select_n3A_182 = arith.select %eq3A_173, %rev3A_155, %broadcast_in_dim3A_181 : vector<16xi1>, vector<16xi32>
      %reduce_sum3A_183 = arith.constant true
      %reduce_sum3A_184 = vector.broadcast %reduce_sum3A_183 : i1 to vector<16xi1>
      %reduce_sum3A_185 = tpu.scan <sum>, %select_n3A_182 masked %reduce_sum3A_184 : vector<16xi32>, vector<16xi1> -> vector<16xi32>
      %reduce_sum3A_186 = vector.extract %reduce_sum3A_185[15] : i32 from vector<16xi32>
      %reduce_sum3A_187 = arith.constant true
      %reduce_sum3A_188 = vector.broadcast %reduce_sum3A_187 : i1 to vector<16xi1>
      %reduce_sum3A_189 = tpu.scan <sum>, %add3A_151 masked %reduce_sum3A_188 : vector<16xi32>, vector<16xi1> -> vector<16xi32>
      %reduce_sum3A_190 = vector.extract %reduce_sum3A_189[15] : i32 from vector<16xi32>
      %not3A_191 = arith.constant true
      %not3A_192 = arith.xori %scan3A_141, %not3A_191 : i1
      %lt3A_193 = arith.constant 16 : i32
      %lt3A_194 = arith.cmpi slt, %reduce_min3A_171, %lt3A_193 : i32
      %and3A_195 = arith.andi %not3A_192, %lt3A_194 : i1
      %mul3A_196 = arith.constant 16 : i32
      %mul3A_197 = arith.muli %sub3A_143, %mul3A_196 : i32
      %add3A_198 = arith.constant 15 : i32
      %add3A_199 = arith.addi %mul3A_197, %add3A_198 : i32
      %sub3A_200 = arith.subi %add3A_199, %reduce_min3A_171 : i32
      %select_n3A_201 = arith.select %and3A_195, %sub3A_200, %scan3A_139 : i32
      %sub3A_202 = arith.subi %reduce_sum3A_179, %reduce_sum3A_186 : i32
      %select_n3A_203 = arith.select %and3A_195, %sub3A_202, %scan3A_140 : i32
      %or3A_204 = arith.ori %scan3A_141, %and3A_195 : i1
      %add3A_205 = arith.addi %scan3A_138, %reduce_sum3A_190 : i32
      scf.yield %add3A_205, %select_n3A_201, %select_n3A_203, %or3A_204 : i32, i32, i32, i1
    }
    %scan3A_68 = arith.constant 16 : i32
    %sub3A_69 = arith.constant 4096 : i32
    %sub3A_70 = arith.subi %sub3A_69, %scan3A_67#2 : i32
    %scan3A_71 = arith.constant 0 : i32
    %scan3A_72 = arith.constant 0 : i32
    %scan3A_73 = arith.constant 256 : i32
    %scan3A_74 = arith.addi %scan3A_72, %scan3A_73 : i32
    %scan3A_75 = arith.constant 1 : i32
    %scan3A_76 = scf.for %scan3A_137 = %scan3A_72 to %scan3A_74 step %scan3A_75 iter_args(%scan3A_138 = %scan3A_71) -> (i32)  : i32 {
      %broadcast_in_dim3A_139 = arith.constant 0 : i32
      %broadcast_in_dim3A_140 = vector.broadcast %broadcast_in_dim3A_139 : i32 to vector<16xi32>
      %mul3A_141 = arith.constant 16 : i32
      %mul3A_142 = arith.muli %scan3A_137, %mul3A_141 : i32
      %swap3A = arith.index_cast %mul3A_142 : i32 to index
      %swap3A_143 = tpu.vector_load %arg5[%swap3A] {strides = array<i32>} : memref<4096xi32, #tpu.memory_space<vmem>>, vector<16xi32>,
      tpu.vector_store %arg5[%swap3A], %broadcast_in_dim3A_140 {strides = array<i32>} : memref<4096xi32, #tpu.memory_space<vmem>>, vector<16xi32>,
      %scan3A_144 = arith.constant 0 : i32
      scf.yield %scan3A_144 : i32
    }
    %scan3A_77 = arith.constant 256 : i32
    %scan3A_78 = arith.constant 0 : i32
    %scan3A_79 = arith.constant 0 : i32
    %scan3A_80 = arith.constant 2048 : i32
    %scan3A_81 = arith.addi %scan3A_79, %scan3A_80 : i32
    %scan3A_82 = arith.constant 8 : i32
    %scan3A_83 = scf.for %scan3A_137 = %scan3A_79 to %scan3A_81 step %scan3A_82 iter_args(%scan3A_138 = %scan3A_78) -> (i32)  : i32 {
      %mul3A_139 = arith.constant 16 : i32
      %mul3A_140 = arith.muli %scan3A_137, %mul3A_139 : i32
      %get3A = arith.index_cast %mul3A_140 : i32 to index
      %get3A_141 = tpu.vector_load %arg4[%get3A] {strides = array<i32>} : memref<32768xi32, #tpu.memory_space<vmem>>, vector<16xi32>,
      %shift_right_arithmetic3A = arith.constant 24 : i32
      %shift_right_arithmetic3A_142 = vector.broadcast %shift_right_arithmetic3A : i32 to vector<16xi32>
      %shift_right_arithmetic3A_143 = arith.shrsi %get3A_141, %shift_right_arithmetic3A_142 : vector<16xi32>
      %and3A_144 = arith.constant 255 : i32
      %and3A_145 = vector.broadcast %and3A_144 : i32 to vector<16xi32>
      %and3A_146 = arith.andi %shift_right_arithmetic3A_143, %and3A_145 : vector<16xi32>
      %eq3A_147 = vector.broadcast %scan3A_67#1 : i32 to vector<16xi32>
      %eq3A_148 = arith.cmpi eq, %and3A_146, %eq3A_147 : vector<16xi32>
      %shift_right_arithmetic3A_149 = arith.constant 16 : i32
      %shift_right_arithmetic3A_150 = vector.broadcast %shift_right_arithmetic3A_149 : i32 to vector<16xi32>
      %shift_right_arithmetic3A_151 = arith.shrsi %get3A_141, %shift_right_arithmetic3A_150 : vector<16xi32>
      %and3A_152 = arith.constant 255 : i32
      %and3A_153 = vector.broadcast %and3A_152 : i32 to vector<16xi32>
      %and3A_154 = arith.andi %shift_right_arithmetic3A_151, %and3A_153 : vector<16xi32>
      %add3A_155 = arith.addi %and3A_154, %mul3A_34 : vector<16xi32>
      tpu.vector_store_idx %arg5[%add3A_155], %broadcast_in_dim3A_31 masked %eq3A_148 {add = true} : memref<4096xi32, #tpu.memory_space<vmem>>[vector<16xi32>], vector<16xi32>, vector<16xi1>
      %scan3A_156 = arith.constant 0 : i32
      %scan3A_157 = arith.constant 1 : i32
      %scan3A_158 = arith.addi %scan3A_137, %scan3A_157 : i32
      %mul3A_159 = arith.constant 16 : i32
      %mul3A_160 = arith.muli %scan3A_158, %mul3A_159 : i32
      %get3A_161 = arith.index_cast %mul3A_160 : i32 to index
      %get3A_162 = tpu.vector_load %arg4[%get3A_161] {strides = array<i32>} : memref<32768xi32, #tpu.memory_space<vmem>>, vector<16xi32>,
      %shift_right_arithmetic3A_163 = arith.constant 24 : i32
      %shift_right_arithmetic3A_164 = vector.broadcast %shift_right_arithmetic3A_163 : i32 to vector<16xi32>
      %shift_right_arithmetic3A_165 = arith.shrsi %get3A_162, %shift_right_arithmetic3A_164 : vector<16xi32>
      %and3A_166 = arith.constant 255 : i32
      %and3A_167 = vector.broadcast %and3A_166 : i32 to vector<16xi32>
      %and3A_168 = arith.andi %shift_right_arithmetic3A_165, %and3A_167 : vector<16xi32>
      %eq3A_169 = vector.broadcast %scan3A_67#1 : i32 to vector<16xi32>
      %eq3A_170 = arith.cmpi eq, %and3A_168, %eq3A_169 : vector<16xi32>
      %shift_right_arithmetic3A_171 = arith.constant 16 : i32
      %shift_right_arithmetic3A_172 = vector.broadcast %shift_right_arithmetic3A_171 : i32 to vector<16xi32>
      %shift_right_arithmetic3A_173 = arith.shrsi %get3A_162, %shift_right_arithmetic3A_172 : vector<16xi32>
      %and3A_174 = arith.constant 255 : i32
      %and3A_175 = vector.broadcast %and3A_174 : i32 to vector<16xi32>
      %and3A_176 = arith.andi %shift_right_arithmetic3A_173, %and3A_175 : vector<16xi32>
      %add3A_177 = arith.addi %and3A_176, %mul3A_34 : vector<16xi32>
      tpu.vector_store_idx %arg5[%add3A_177], %broadcast_in_dim3A_31 masked %eq3A_170 {add = true} : memref<4096xi32, #tpu.memory_space<vmem>>[vector<16xi32>], vector<16xi32>, vector<16xi1>
      %scan3A_178 = arith.constant 0 : i32
      %scan3A_179 = arith.constant 2 : i32
      %scan3A_180 = arith.addi %scan3A_137, %scan3A_179 : i32
      %mul3A_181 = arith.constant 16 : i32
      %mul3A_182 = arith.muli %scan3A_180, %mul3A_181 : i32
      %get3A_183 = arith.index_cast %mul3A_182 : i32 to index
      %get3A_184 = tpu.vector_load %arg4[%get3A_183] {strides = array<i32>} : memref<32768xi32, #tpu.memory_space<vmem>>, vector<16xi32>,
      %shift_right_arithmetic3A_185 = arith.constant 24 : i32
      %shift_right_arithmetic3A_186 = vector.broadcast %shift_right_arithmetic3A_185 : i32 to vector<16xi32>
      %shift_right_arithmetic3A_187 = arith.shrsi %get3A_184, %shift_right_arithmetic3A_186 : vector<16xi32>
      %and3A_188 = arith.constant 255 : i32
      %and3A_189 = vector.broadcast %and3A_188 : i32 to vector<16xi32>
      %and3A_190 = arith.andi %shift_right_arithmetic3A_187, %and3A_189 : vector<16xi32>
      %eq3A_191 = vector.broadcast %scan3A_67#1 : i32 to vector<16xi32>
      %eq3A_192 = arith.cmpi eq, %and3A_190, %eq3A_191 : vector<16xi32>
      %shift_right_arithmetic3A_193 = arith.constant 16 : i32
      %shift_right_arithmetic3A_194 = vector.broadcast %shift_right_arithmetic3A_193 : i32 to vector<16xi32>
      %shift_right_arithmetic3A_195 = arith.shrsi %get3A_184, %shift_right_arithmetic3A_194 : vector<16xi32>
      %and3A_196 = arith.constant 255 : i32
      %and3A_197 = vector.broadcast %and3A_196 : i32 to vector<16xi32>
      %and3A_198 = arith.andi %shift_right_arithmetic3A_195, %and3A_197 : vector<16xi32>
      %add3A_199 = arith.addi %and3A_198, %mul3A_34 : vector<16xi32>
      tpu.vector_store_idx %arg5[%add3A_199], %broadcast_in_dim3A_31 masked %eq3A_192 {add = true} : memref<4096xi32, #tpu.memory_space<vmem>>[vector<16xi32>], vector<16xi32>, vector<16xi1>
      %scan3A_200 = arith.constant 0 : i32
      %scan3A_201 = arith.constant 3 : i32
      %scan3A_202 = arith.addi %scan3A_137, %scan3A_201 : i32
      %mul3A_203 = arith.constant 16 : i32
      %mul3A_204 = arith.muli %scan3A_202, %mul3A_203 : i32
      %get3A_205 = arith.index_cast %mul3A_204 : i32 to index
      %get3A_206 = tpu.vector_load %arg4[%get3A_205] {strides = array<i32>} : memref<32768xi32, #tpu.memory_space<vmem>>, vector<16xi32>,
      %shift_right_arithmetic3A_207 = arith.constant 24 : i32
      %shift_right_arithmetic3A_208 = vector.broadcast %shift_right_arithmetic3A_207 : i32 to vector<16xi32>
      %shift_right_arithmetic3A_209 = arith.shrsi %get3A_206, %shift_right_arithmetic3A_208 : vector<16xi32>
      %and3A_210 = arith.constant 255 : i32
      %and3A_211 = vector.broadcast %and3A_210 : i32 to vector<16xi32>
      %and3A_212 = arith.andi %shift_right_arithmetic3A_209, %and3A_211 : vector<16xi32>
      %eq3A_213 = vector.broadcast %scan3A_67#1 : i32 to vector<16xi32>
      %eq3A_214 = arith.cmpi eq, %and3A_212, %eq3A_213 : vector<16xi32>
      %shift_right_arithmetic3A_215 = arith.constant 16 : i32
      %shift_right_arithmetic3A_216 = vector.broadcast %shift_right_arithmetic3A_215 : i32 to vector<16xi32>
      %shift_right_arithmetic3A_217 = arith.shrsi %get3A_206, %shift_right_arithmetic3A_216 : vector<16xi32>
      %and3A_218 = arith.constant 255 : i32
      %and3A_219 = vector.broadcast %and3A_218 : i32 to vector<16xi32>
      %and3A_220 = arith.andi %shift_right_arithmetic3A_217, %and3A_219 : vector<16xi32>
      %add3A_221 = arith.addi %and3A_220, %mul3A_34 : vector<16xi32>
      tpu.vector_store_idx %arg5[%add3A_221], %broadcast_in_dim3A_31 masked %eq3A_214 {add = true} : memref<4096xi32, #tpu.memory_space<vmem>>[vector<16xi32>], vector<16xi32>, vector<16xi1>
      %scan3A_222 = arith.constant 0 : i32
      %scan3A_223 = arith.constant 4 : i32
      %scan3A_224 = arith.addi %scan3A_137, %scan3A_223 : i32
      %mul3A_225 = arith.constant 16 : i32
      %mul3A_226 = arith.muli %scan3A_224, %mul3A_225 : i32
      %get3A_227 = arith.index_cast %mul3A_226 : i32 to index
      %get3A_228 = tpu.vector_load %arg4[%get3A_227] {strides = array<i32>} : memref<32768xi32, #tpu.memory_space<vmem>>, vector<16xi32>,
      %shift_right_arithmetic3A_229 = arith.constant 24 : i32
      %shift_right_arithmetic3A_230 = vector.broadcast %shift_right_arithmetic3A_229 : i32 to vector<16xi32>
      %shift_right_arithmetic3A_231 = arith.shrsi %get3A_228, %shift_right_arithmetic3A_230 : vector<16xi32>
      %and3A_232 = arith.constant 255 : i32
      %and3A_233 = vector.broadcast %and3A_232 : i32 to vector<16xi32>
      %and3A_234 = arith.andi %shift_right_arithmetic3A_231, %and3A_233 : vector<16xi32>
      %eq3A_235 = vector.broadcast %scan3A_67#1 : i32 to vector<16xi32>
      %eq3A_236 = arith.cmpi eq, %and3A_234, %eq3A_235 : vector<16xi32>
      %shift_right_arithmetic3A_237 = arith.constant 16 : i32
      %shift_right_arithmetic3A_238 = vector.broadcast %shift_right_arithmetic3A_237 : i32 to vector<16xi32>
      %shift_right_arithmetic3A_239 = arith.shrsi %get3A_228, %shift_right_arithmetic3A_238 : vector<16xi32>
      %and3A_240 = arith.constant 255 : i32
      %and3A_241 = vector.broadcast %and3A_240 : i32 to vector<16xi32>
      %and3A_242 = arith.andi %shift_right_arithmetic3A_239, %and3A_241 : vector<16xi32>
      %add3A_243 = arith.addi %and3A_242, %mul3A_34 : vector<16xi32>
      tpu.vector_store_idx %arg5[%add3A_243], %broadcast_in_dim3A_31 masked %eq3A_236 {add = true} : memref<4096xi32, #tpu.memory_space<vmem>>[vector<16xi32>], vector<16xi32>, vector<16xi1>
      %scan3A_244 = arith.constant 0 : i32
      %scan3A_245 = arith.constant 5 : i32
      %scan3A_246 = arith.addi %scan3A_137, %scan3A_245 : i32
      %mul3A_247 = arith.constant 16 : i32
      %mul3A_248 = arith.muli %scan3A_246, %mul3A_247 : i32
      %get3A_249 = arith.index_cast %mul3A_248 : i32 to index
      %get3A_250 = tpu.vector_load %arg4[%get3A_249] {strides = array<i32>} : memref<32768xi32, #tpu.memory_space<vmem>>, vector<16xi32>,
      %shift_right_arithmetic3A_251 = arith.constant 24 : i32
      %shift_right_arithmetic3A_252 = vector.broadcast %shift_right_arithmetic3A_251 : i32 to vector<16xi32>
      %shift_right_arithmetic3A_253 = arith.shrsi %get3A_250, %shift_right_arithmetic3A_252 : vector<16xi32>
      %and3A_254 = arith.constant 255 : i32
      %and3A_255 = vector.broadcast %and3A_254 : i32 to vector<16xi32>
      %and3A_256 = arith.andi %shift_right_arithmetic3A_253, %and3A_255 : vector<16xi32>
      %eq3A_257 = vector.broadcast %scan3A_67#1 : i32 to vector<16xi32>
      %eq3A_258 = arith.cmpi eq, %and3A_256, %eq3A_257 : vector<16xi32>
      %shift_right_arithmetic3A_259 = arith.constant 16 : i32
      %shift_right_arithmetic3A_260 = vector.broadcast %shift_right_arithmetic3A_259 : i32 to vector<16xi32>
      %shift_right_arithmetic3A_261 = arith.shrsi %get3A_250, %shift_right_arithmetic3A_260 : vector<16xi32>
      %and3A_262 = arith.constant 255 : i32
      %and3A_263 = vector.broadcast %and3A_262 : i32 to vector<16xi32>
      %and3A_264 = arith.andi %shift_right_arithmetic3A_261, %and3A_263 : vector<16xi32>
      %add3A_265 = arith.addi %and3A_264, %mul3A_34 : vector<16xi32>
      tpu.vector_store_idx %arg5[%add3A_265], %broadcast_in_dim3A_31 masked %eq3A_258 {add = true} : memref<4096xi32, #tpu.memory_space<vmem>>[vector<16xi32>], vector<16xi32>, vector<16xi1>
      %scan3A_266 = arith.constant 0 : i32
      %scan3A_267 = arith.constant 6 : i32
      %scan3A_268 = arith.addi %scan3A_137, %scan3A_267 : i32
      %mul3A_269 = arith.constant 16 : i32
      %mul3A_270 = arith.muli %scan3A_268, %mul3A_269 : i32
      %get3A_271 = arith.index_cast %mul3A_270 : i32 to index
      %get3A_272 = tpu.vector_load %arg4[%get3A_271] {strides = array<i32>} : memref<32768xi32, #tpu.memory_space<vmem>>, vector<16xi32>,
      %shift_right_arithmetic3A_273 = arith.constant 24 : i32
      %shift_right_arithmetic3A_274 = vector.broadcast %shift_right_arithmetic3A_273 : i32 to vector<16xi32>
      %shift_right_arithmetic3A_275 = arith.shrsi %get3A_272, %shift_right_arithmetic3A_274 : vector<16xi32>
      %and3A_276 = arith.constant 255 : i32
      %and3A_277 = vector.broadcast %and3A_276 : i32 to vector<16xi32>
      %and3A_278 = arith.andi %shift_right_arithmetic3A_275, %and3A_277 : vector<16xi32>
      %eq3A_279 = vector.broadcast %scan3A_67#1 : i32 to vector<16xi32>
      %eq3A_280 = arith.cmpi eq, %and3A_278, %eq3A_279 : vector<16xi32>
      %shift_right_arithmetic3A_281 = arith.constant 16 : i32
      %shift_right_arithmetic3A_282 = vector.broadcast %shift_right_arithmetic3A_281 : i32 to vector<16xi32>
      %shift_right_arithmetic3A_283 = arith.shrsi %get3A_272, %shift_right_arithmetic3A_282 : vector<16xi32>
      %and3A_284 = arith.constant 255 : i32
      %and3A_285 = vector.broadcast %and3A_284 : i32 to vector<16xi32>
      %and3A_286 = arith.andi %shift_right_arithmetic3A_283, %and3A_285 : vector<16xi32>
      %add3A_287 = arith.addi %and3A_286, %mul3A_34 : vector<16xi32>
      tpu.vector_store_idx %arg5[%add3A_287], %broadcast_in_dim3A_31 masked %eq3A_280 {add = true} : memref<4096xi32, #tpu.memory_space<vmem>>[vector<16xi32>], vector<16xi32>, vector<16xi1>
      %scan3A_288 = arith.constant 0 : i32
      %scan3A_289 = arith.constant 7 : i32
      %scan3A_290 = arith.addi %scan3A_137, %scan3A_289 : i32
      %mul3A_291 = arith.constant 16 : i32
      %mul3A_292 = arith.muli %scan3A_290, %mul3A_291 : i32
      %get3A_293 = arith.index_cast %mul3A_292 : i32 to index
      %get3A_294 = tpu.vector_load %arg4[%get3A_293] {strides = array<i32>} : memref<32768xi32, #tpu.memory_space<vmem>>, vector<16xi32>,
      %shift_right_arithmetic3A_295 = arith.constant 24 : i32
      %shift_right_arithmetic3A_296 = vector.broadcast %shift_right_arithmetic3A_295 : i32 to vector<16xi32>
      %shift_right_arithmetic3A_297 = arith.shrsi %get3A_294, %shift_right_arithmetic3A_296 : vector<16xi32>
      %and3A_298 = arith.constant 255 : i32
      %and3A_299 = vector.broadcast %and3A_298 : i32 to vector<16xi32>
      %and3A_300 = arith.andi %shift_right_arithmetic3A_297, %and3A_299 : vector<16xi32>
      %eq3A_301 = vector.broadcast %scan3A_67#1 : i32 to vector<16xi32>
      %eq3A_302 = arith.cmpi eq, %and3A_300, %eq3A_301 : vector<16xi32>
      %shift_right_arithmetic3A_303 = arith.constant 16 : i32
      %shift_right_arithmetic3A_304 = vector.broadcast %shift_right_arithmetic3A_303 : i32 to vector<16xi32>
      %shift_right_arithmetic3A_305 = arith.shrsi %get3A_294, %shift_right_arithmetic3A_304 : vector<16xi32>
      %and3A_306 = arith.constant 255 : i32
      %and3A_307 = vector.broadcast %and3A_306 : i32 to vector<16xi32>
      %and3A_308 = arith.andi %shift_right_arithmetic3A_305, %and3A_307 : vector<16xi32>
      %add3A_309 = arith.addi %and3A_308, %mul3A_34 : vector<16xi32>
      tpu.vector_store_idx %arg5[%add3A_309], %broadcast_in_dim3A_31 masked %eq3A_302 {add = true} : memref<4096xi32, #tpu.memory_space<vmem>>[vector<16xi32>], vector<16xi32>, vector<16xi1>
      %scan3A_310 = arith.constant 0 : i32
      scf.yield %scan3A_310 : i32
    }
    %scan3A_84 = arith.constant 2048 : i32
    %scan3A_85 = arith.constant 0 : i32
    %scan3A_86 = arith.constant 0 : i32
    %scan3A_87 = arith.constant 16 : i32
    %scan3A_88 = arith.addi %scan3A_86, %scan3A_87 : i32
    %scan3A_89 = arith.constant 1 : i32
    %scan3A_90 = scf.for %scan3A_137 = %scan3A_86 to %scan3A_88 step %scan3A_89 iter_args(%scan3A_138 = %scan3A_85) -> (i32)  : i32 {
      %mul3A_139 = arith.constant 16 : i32
      %mul3A_140 = arith.muli %scan3A_137, %mul3A_139 : i32
      %get3A = arith.index_cast %mul3A_140 : i32 to index
      %get3A_141 = tpu.vector_load %arg5[%get3A] {strides = array<i32>} : memref<4096xi32, #tpu.memory_space<vmem>>, vector<16xi32>,
      %mul3A_142 = arith.constant 16 : i32
      %mul3A_143 = arith.muli %scan3A_137, %mul3A_142 : i32
      %add3A_144 = arith.constant 256 : i32
      %add3A_145 = arith.addi %add3A_144, %mul3A_143 : i32
      %get3A_146 = arith.index_cast %add3A_145 : i32 to index
      %get3A_147 = tpu.vector_load %arg5[%get3A_146] {strides = array<i32>} : memref<4096xi32, #tpu.memory_space<vmem>>, vector<16xi32>,
      %add3A_148 = arith.addi %get3A_141, %get3A_147 : vector<16xi32>
      %mul3A_149 = arith.constant 16 : i32
      %mul3A_150 = arith.muli %scan3A_137, %mul3A_149 : i32
      %add3A_151 = arith.constant 512 : i32
      %add3A_152 = arith.addi %add3A_151, %mul3A_150 : i32
      %get3A_153 = arith.index_cast %add3A_152 : i32 to index
      %get3A_154 = tpu.vector_load %arg5[%get3A_153] {strides = array<i32>} : memref<4096xi32, #tpu.memory_space<vmem>>, vector<16xi32>,
      %add3A_155 = arith.addi %add3A_148, %get3A_154 : vector<16xi32>
      %mul3A_156 = arith.constant 16 : i32
      %mul3A_157 = arith.muli %scan3A_137, %mul3A_156 : i32
      %add3A_158 = arith.constant 768 : i32
      %add3A_159 = arith.addi %add3A_158, %mul3A_157 : i32
      %get3A_160 = arith.index_cast %add3A_159 : i32 to index
      %get3A_161 = tpu.vector_load %arg5[%get3A_160] {strides = array<i32>} : memref<4096xi32, #tpu.memory_space<vmem>>, vector<16xi32>,
      %add3A_162 = arith.addi %add3A_155, %get3A_161 : vector<16xi32>
      %mul3A_163 = arith.constant 16 : i32
      %mul3A_164 = arith.muli %scan3A_137, %mul3A_163 : i32
      %add3A_165 = arith.constant 1024 : i32
      %add3A_166 = arith.addi %add3A_165, %mul3A_164 : i32
      %get3A_167 = arith.index_cast %add3A_166 : i32 to index
      %get3A_168 = tpu.vector_load %arg5[%get3A_167] {strides = array<i32>} : memref<4096xi32, #tpu.memory_space<vmem>>, vector<16xi32>,
      %add3A_169 = arith.addi %add3A_162, %get3A_168 : vector<16xi32>
      %mul3A_170 = arith.constant 16 : i32
      %mul3A_171 = arith.muli %scan3A_137, %mul3A_170 : i32
      %add3A_172 = arith.constant 1280 : i32
      %add3A_173 = arith.addi %add3A_172, %mul3A_171 : i32
      %get3A_174 = arith.index_cast %add3A_173 : i32 to index
      %get3A_175 = tpu.vector_load %arg5[%get3A_174] {strides = array<i32>} : memref<4096xi32, #tpu.memory_space<vmem>>, vector<16xi32>,
      %add3A_176 = arith.addi %add3A_169, %get3A_175 : vector<16xi32>
      %mul3A_177 = arith.constant 16 : i32
      %mul3A_178 = arith.muli %scan3A_137, %mul3A_177 : i32
      %add3A_179 = arith.constant 1536 : i32
      %add3A_180 = arith.addi %add3A_179, %mul3A_178 : i32
      %get3A_181 = arith.index_cast %add3A_180 : i32 to index
      %get3A_182 = tpu.vector_load %arg5[%get3A_181] {strides = array<i32>} : memref<4096xi32, #tpu.memory_space<vmem>>, vector<16xi32>,
      %add3A_183 = arith.addi %add3A_176, %get3A_182 : vector<16xi32>
      %mul3A_184 = arith.constant 16 : i32
      %mul3A_185 = arith.muli %scan3A_137, %mul3A_184 : i32
      %add3A_186 = arith.constant 1792 : i32
      %add3A_187 = arith.addi %add3A_186, %mul3A_185 : i32
      %get3A_188 = arith.index_cast %add3A_187 : i32 to index
      %get3A_189 = tpu.vector_load %arg5[%get3A_188] {strides = array<i32>} : memref<4096xi32, #tpu.memory_space<vmem>>, vector<16xi32>,
      %add3A_190 = arith.addi %add3A_183, %get3A_189 : vector<16xi32>
      %mul3A_191 = arith.constant 16 : i32
      %mul3A_192 = arith.muli %scan3A_137, %mul3A_191 : i32
      %add3A_193 = arith.constant 2048 : i32
      %add3A_194 = arith.addi %add3A_193, %mul3A_192 : i32
      %get3A_195 = arith.index_cast %add3A_194 : i32 to index
      %get3A_196 = tpu.vector_load %arg5[%get3A_195] {strides = array<i32>} : memref<4096xi32, #tpu.memory_space<vmem>>, vector<16xi32>,
      %add3A_197 = arith.addi %add3A_190, %get3A_196 : vector<16xi32>
      %mul3A_198 = arith.constant 16 : i32
      %mul3A_199 = arith.muli %scan3A_137, %mul3A_198 : i32
      %add3A_200 = arith.constant 2304 : i32
      %add3A_201 = arith.addi %add3A_200, %mul3A_199 : i32
      %get3A_202 = arith.index_cast %add3A_201 : i32 to index
      %get3A_203 = tpu.vector_load %arg5[%get3A_202] {strides = array<i32>} : memref<4096xi32, #tpu.memory_space<vmem>>, vector<16xi32>,
      %add3A_204 = arith.addi %add3A_197, %get3A_203 : vector<16xi32>
      %mul3A_205 = arith.constant 16 : i32
      %mul3A_206 = arith.muli %scan3A_137, %mul3A_205 : i32
      %add3A_207 = arith.constant 2560 : i32
      %add3A_208 = arith.addi %add3A_207, %mul3A_206 : i32
      %get3A_209 = arith.index_cast %add3A_208 : i32 to index
      %get3A_210 = tpu.vector_load %arg5[%get3A_209] {strides = array<i32>} : memref<4096xi32, #tpu.memory_space<vmem>>, vector<16xi32>,
      %add3A_211 = arith.addi %add3A_204, %get3A_210 : vector<16xi32>
      %mul3A_212 = arith.constant 16 : i32
      %mul3A_213 = arith.muli %scan3A_137, %mul3A_212 : i32
      %add3A_214 = arith.constant 2816 : i32
      %add3A_215 = arith.addi %add3A_214, %mul3A_213 : i32
      %get3A_216 = arith.index_cast %add3A_215 : i32 to index
      %get3A_217 = tpu.vector_load %arg5[%get3A_216] {strides = array<i32>} : memref<4096xi32, #tpu.memory_space<vmem>>, vector<16xi32>,
      %add3A_218 = arith.addi %add3A_211, %get3A_217 : vector<16xi32>
      %mul3A_219 = arith.constant 16 : i32
      %mul3A_220 = arith.muli %scan3A_137, %mul3A_219 : i32
      %add3A_221 = arith.constant 3072 : i32
      %add3A_222 = arith.addi %add3A_221, %mul3A_220 : i32
      %get3A_223 = arith.index_cast %add3A_222 : i32 to index
      %get3A_224 = tpu.vector_load %arg5[%get3A_223] {strides = array<i32>} : memref<4096xi32, #tpu.memory_space<vmem>>, vector<16xi32>,
      %add3A_225 = arith.addi %add3A_218, %get3A_224 : vector<16xi32>
      %mul3A_226 = arith.constant 16 : i32
      %mul3A_227 = arith.muli %scan3A_137, %mul3A_226 : i32
      %add3A_228 = arith.constant 3328 : i32
      %add3A_229 = arith.addi %add3A_228, %mul3A_227 : i32
      %get3A_230 = arith.index_cast %add3A_229 : i32 to index
      %get3A_231 = tpu.vector_load %arg5[%get3A_230] {strides = array<i32>} : memref<4096xi32, #tpu.memory_space<vmem>>, vector<16xi32>,
      %add3A_232 = arith.addi %add3A_225, %get3A_231 : vector<16xi32>
      %mul3A_233 = arith.constant 16 : i32
      %mul3A_234 = arith.muli %scan3A_137, %mul3A_233 : i32
      %add3A_235 = arith.constant 3584 : i32
      %add3A_236 = arith.addi %add3A_235, %mul3A_234 : i32
      %get3A_237 = arith.index_cast %add3A_236 : i32 to index
      %get3A_238 = tpu.vector_load %arg5[%get3A_237] {strides = array<i32>} : memref<4096xi32, #tpu.memory_space<vmem>>, vector<16xi32>,
      %add3A_239 = arith.addi %add3A_232, %get3A_238 : vector<16xi32>
      %mul3A_240 = arith.constant 16 : i32
      %mul3A_241 = arith.muli %scan3A_137, %mul3A_240 : i32
      %add3A_242 = arith.constant 3840 : i32
      %add3A_243 = arith.addi %add3A_242, %mul3A_241 : i32
      %get3A_244 = arith.index_cast %add3A_243 : i32 to index
      %get3A_245 = tpu.vector_load %arg5[%get3A_244] {strides = array<i32>} : memref<4096xi32, #tpu.memory_space<vmem>>, vector<16xi32>,
      %add3A_246 = arith.addi %add3A_239, %get3A_245 : vector<16xi32>
      %mul3A_247 = arith.constant 16 : i32
      %mul3A_248 = arith.muli %scan3A_137, %mul3A_247 : i32
      %swap3A = arith.index_cast %mul3A_248 : i32 to index
      %swap3A_249 = tpu.vector_load %arg6[%swap3A] {strides = array<i32>} : memref<256xi32, #tpu.memory_space<vmem>>, vector<16xi32>,
      tpu.vector_store %arg6[%swap3A], %add3A_246 {strides = array<i32>} : memref<256xi32, #tpu.memory_space<vmem>>, vector<16xi32>,
      %scan3A_250 = arith.constant 0 : i32
      scf.yield %scan3A_250 : i32
    }
    %scan3A_91 = arith.constant 16 : i32
    "tpu.region"() ({
      %run_scoped3A_137 = tpu.sem_alloc : memref<!tpu.dma_semaphore, #tpu.memory_space<semaphore_mem>>
      %dma_start3A = arith.constant 0 : i32
      %dma_start3A_138 = tpu.memref_slice %arg18[%select_n3A, %select_n3A_28, %dma_start3A] : memref<8x2x256xi32, #tpu.memory_space<vmem_shared>> -> memref<1x1x256xi32, #tpu.memory_space<vmem_shared>>
      %dma_start3A_139 = tpu.memref_squeeze %dma_start3A_138 : memref<1x1x256xi32, #tpu.memory_space<vmem_shared>> -> memref<256xi32, #tpu.memory_space<vmem_shared>>
      %dma_start3A_140 = arith.constant 0 : i32
      %dma_start3A_141 = tpu.memref_slice %arg18[%select_n3A, %select_n3A_28, %dma_start3A_140] : memref<8x2x256xi32, #tpu.memory_space<vmem_shared>> -> memref<1x1x256xi32, #tpu.memory_space<vmem_shared>>
      %dma_start3A_142 = tpu.memref_squeeze %dma_start3A_141 : memref<1x1x256xi32, #tpu.memory_space<vmem_shared>> -> memref<256xi32, #tpu.memory_space<vmem_shared>>
      tpu.enqueue_dma source(%arg6 : memref<256xi32, #tpu.memory_space<vmem>>) target(%dma_start3A_142 : memref<256xi32, #tpu.memory_space<vmem_shared>>) target_semaphore(%run_scoped3A_137 : memref<!tpu.dma_semaphore, #tpu.memory_space<semaphore_mem>>)
      %dma_wait3A = arith.constant 0 : i32
      %dma_wait3A_143 = tpu.memref_slice %arg18[%select_n3A, %select_n3A_28, %dma_wait3A] : memref<8x2x256xi32, #tpu.memory_space<vmem_shared>> -> memref<1x1x256xi32, #tpu.memory_space<vmem_shared>>
      %dma_wait3A_144 = tpu.memref_squeeze %dma_wait3A_143 : memref<1x1x256xi32, #tpu.memory_space<vmem_shared>> -> memref<256xi32, #tpu.memory_space<vmem_shared>>
      %dma_wait3A_145 = arith.constant 0 : i32
      %dma_wait3A_146 = tpu.memref_slice %arg18[%select_n3A, %select_n3A_28, %dma_wait3A_145] : memref<8x2x256xi32, #tpu.memory_space<vmem_shared>> -> memref<1x1x256xi32, #tpu.memory_space<vmem_shared>>
      %dma_wait3A_147 = tpu.memref_squeeze %dma_wait3A_146 : memref<1x1x256xi32, #tpu.memory_space<vmem_shared>> -> memref<256xi32, #tpu.memory_space<vmem_shared>>
      tpu.wait_dma2 semaphore(%run_scoped3A_137 : memref<!tpu.dma_semaphore, #tpu.memory_space<semaphore_mem>>) src(%arg6 : memref<256xi32, #tpu.memory_space<vmem>>) dst(%dma_wait3A_147 : memref<256xi32, #tpu.memory_space<vmem_shared>>)
      tpu.yield
    }) : () -> ()
    %barrier3A_92 = arith.constant 0 : index
    tpu.barrier barrier_id(%barrier3A_92)
    %run_scoped3A_93 = arith.constant 0 : i32
    "tpu.region"() ({
      %run_scoped3A_137 = tpu.sem_alloc : memref<!tpu.dma_semaphore, #tpu.memory_space<semaphore_mem>>
      %dma_start3A = arith.constant 0 : i32
      %dma_start3A_138 = tpu.memref_slice %arg18[%select_n3A, %run_scoped3A_93, %dma_start3A] : memref<8x2x256xi32, #tpu.memory_space<vmem_shared>> -> memref<1x1x256xi32, #tpu.memory_space<vmem_shared>>
      %dma_start3A_139 = tpu.memref_squeeze %dma_start3A_138 : memref<1x1x256xi32, #tpu.memory_space<vmem_shared>> -> memref<256xi32, #tpu.memory_space<vmem_shared>>
      %dma_start3A_140 = arith.constant 0 : i32
      %dma_start3A_141 = tpu.memref_slice %arg18[%select_n3A, %run_scoped3A_93, %dma_start3A_140] : memref<8x2x256xi32, #tpu.memory_space<vmem_shared>> -> memref<1x1x256xi32, #tpu.memory_space<vmem_shared>>
      %dma_start3A_142 = tpu.memref_squeeze %dma_start3A_141 : memref<1x1x256xi32, #tpu.memory_space<vmem_shared>> -> memref<256xi32, #tpu.memory_space<vmem_shared>>
      tpu.enqueue_dma source(%dma_start3A_142 : memref<256xi32, #tpu.memory_space<vmem_shared>>) target(%arg7 : memref<256xi32, #tpu.memory_space<vmem>>) target_semaphore(%run_scoped3A_137 : memref<!tpu.dma_semaphore, #tpu.memory_space<semaphore_mem>>)
      %dma_wait3A = arith.constant 0 : i32
      %dma_wait3A_143 = tpu.memref_slice %arg18[%select_n3A, %run_scoped3A_93, %dma_wait3A] : memref<8x2x256xi32, #tpu.memory_space<vmem_shared>> -> memref<1x1x256xi32, #tpu.memory_space<vmem_shared>>
      %dma_wait3A_144 = tpu.memref_squeeze %dma_wait3A_143 : memref<1x1x256xi32, #tpu.memory_space<vmem_shared>> -> memref<256xi32, #tpu.memory_space<vmem_shared>>
      %dma_wait3A_145 = arith.constant 0 : i32
      %dma_wait3A_146 = tpu.memref_slice %arg18[%select_n3A, %run_scoped3A_93, %dma_wait3A_145] : memref<8x2x256xi32, #tpu.memory_space<vmem_shared>> -> memref<1x1x256xi32, #tpu.memory_space<vmem_shared>>
      %dma_wait3A_147 = tpu.memref_squeeze %dma_wait3A_146 : memref<1x1x256xi32, #tpu.memory_space<vmem_shared>> -> memref<256xi32, #tpu.memory_space<vmem_shared>>
      tpu.wait_dma2 semaphore(%run_scoped3A_137 : memref<!tpu.dma_semaphore, #tpu.memory_space<semaphore_mem>>) src(%dma_wait3A_147 : memref<256xi32, #tpu.memory_space<vmem_shared>>) dst(%arg7 : memref<256xi32, #tpu.memory_space<vmem>>)
      tpu.yield
    }) : () -> ()
    %run_scoped3A_94 = arith.constant 1 : i32
    "tpu.region"() ({
      %run_scoped3A_137 = tpu.sem_alloc : memref<!tpu.dma_semaphore, #tpu.memory_space<semaphore_mem>>
      %dma_start3A = arith.constant 0 : i32
      %dma_start3A_138 = tpu.memref_slice %arg18[%select_n3A, %run_scoped3A_94, %dma_start3A] : memref<8x2x256xi32, #tpu.memory_space<vmem_shared>> -> memref<1x1x256xi32, #tpu.memory_space<vmem_shared>>
      %dma_start3A_139 = tpu.memref_squeeze %dma_start3A_138 : memref<1x1x256xi32, #tpu.memory_space<vmem_shared>> -> memref<256xi32, #tpu.memory_space<vmem_shared>>
      %dma_start3A_140 = arith.constant 0 : i32
      %dma_start3A_141 = tpu.memref_slice %arg18[%select_n3A, %run_scoped3A_94, %dma_start3A_140] : memref<8x2x256xi32, #tpu.memory_space<vmem_shared>> -> memref<1x1x256xi32, #tpu.memory_space<vmem_shared>>
      %dma_start3A_142 = tpu.memref_squeeze %dma_start3A_141 : memref<1x1x256xi32, #tpu.memory_space<vmem_shared>> -> memref<256xi32, #tpu.memory_space<vmem_shared>>
      tpu.enqueue_dma source(%dma_start3A_142 : memref<256xi32, #tpu.memory_space<vmem_shared>>) target(%arg8 : memref<256xi32, #tpu.memory_space<vmem>>) target_semaphore(%run_scoped3A_137 : memref<!tpu.dma_semaphore, #tpu.memory_space<semaphore_mem>>)
      %dma_wait3A = arith.constant 0 : i32
      %dma_wait3A_143 = tpu.memref_slice %arg18[%select_n3A, %run_scoped3A_94, %dma_wait3A] : memref<8x2x256xi32, #tpu.memory_space<vmem_shared>> -> memref<1x1x256xi32, #tpu.memory_space<vmem_shared>>
      %dma_wait3A_144 = tpu.memref_squeeze %dma_wait3A_143 : memref<1x1x256xi32, #tpu.memory_space<vmem_shared>> -> memref<256xi32, #tpu.memory_space<vmem_shared>>
      %dma_wait3A_145 = arith.constant 0 : i32
      %dma_wait3A_146 = tpu.memref_slice %arg18[%select_n3A, %run_scoped3A_94, %dma_wait3A_145] : memref<8x2x256xi32, #tpu.memory_space<vmem_shared>> -> memref<1x1x256xi32, #tpu.memory_space<vmem_shared>>
      %dma_wait3A_147 = tpu.memref_squeeze %dma_wait3A_146 : memref<1x1x256xi32, #tpu.memory_space<vmem_shared>> -> memref<256xi32, #tpu.memory_space<vmem_shared>>
      tpu.wait_dma2 semaphore(%run_scoped3A_137 : memref<!tpu.dma_semaphore, #tpu.memory_space<semaphore_mem>>) src(%dma_wait3A_147 : memref<256xi32, #tpu.memory_space<vmem_shared>>) dst(%arg8 : memref<256xi32, #tpu.memory_space<vmem>>)
      tpu.yield
    }) : () -> ()
    %scan3A_95 = arith.constant 0 : i32
    %scan3A_96 = arith.constant 0 : i32
    %scan3A_97 = arith.constant 0 : i32
    %scan3A_98 = arith.constant false
    %scan3A_99 = arith.constant 0 : i32
    %scan3A_100 = arith.constant 16 : i32
    %scan3A_101 = arith.addi %scan3A_99, %scan3A_100 : i32
    %scan3A_102 = arith.constant 1 : i32
    %scan3A_103:4 = scf.for %scan3A_137 = %scan3A_99 to %scan3A_101 step %scan3A_102 iter_args(%scan3A_138 = %scan3A_95, %scan3A_139 = %scan3A_96, %scan3A_140 = %scan3A_97, %scan3A_141 = %scan3A_98) -> (i32, i32, i32, i1)  : i32 {
      %sub3A_142 = arith.constant 15 : i32
      %sub3A_143 = arith.subi %sub3A_142, %scan3A_137 : i32
      %mul3A_144 = arith.constant 16 : i32
      %mul3A_145 = arith.muli %sub3A_143, %mul3A_144 : i32
      %get3A = arith.index_cast %mul3A_145 : i32 to index
      %get3A_146 = tpu.vector_load %arg7[%get3A] {strides = array<i32>} : memref<256xi32, #tpu.memory_space<vmem>>, vector<16xi32>,
      %mul3A_147 = arith.constant 16 : i32
      %mul3A_148 = arith.muli %sub3A_143, %mul3A_147 : i32
      %get3A_149 = arith.index_cast %mul3A_148 : i32 to index
      %get3A_150 = tpu.vector_load %arg8[%get3A_149] {strides = array<i32>} : memref<256xi32, #tpu.memory_space<vmem>>, vector<16xi32>,
      %add3A_151 = arith.addi %get3A_146, %get3A_150 : vector<16xi32>
      %rev3A = arith.constant 15 : i32
      %rev3A_152 = vector.broadcast %rev3A : i32 to vector<16xi32>
      %rev3A_153 = tpu.iota {dimensions = array<i32: 0>} : vector<16xi32>
      %rev3A_154 = arith.subi %rev3A_152, %rev3A_153 : vector<16xi32>
      %rev3A_155 = tpu.dynamic_gather %add3A_151[%rev3A_154] in [0] : vector<16xi32>, vector<16xi32> -> vector<16xi32>
      %broadcast_in_dim3A_156 = arith.constant true
      %broadcast_in_dim3A_157 = vector.broadcast %broadcast_in_dim3A_156 : i1 to vector<16xi1>
      %masked_cumsum3A = tpu.scan <sum>, %rev3A_155 masked %broadcast_in_dim3A_157 : vector<16xi32>, vector<16xi1> -> vector<16xi32>
      %add3A_158 = vector.broadcast %scan3A_138 : i32 to vector<16xi32>
      %add3A_159 = arith.addi %masked_cumsum3A, %add3A_158 : vector<16xi32>
      %ge3A_160 = vector.broadcast %sub3A_70 : i32 to vector<16xi32>
      %ge3A_161 = arith.cmpi sge, %add3A_159, %ge3A_160 : vector<16xi32>
      %jit3A_162 = arith.constant 16 : i32
      %broadcast_in_dim3A_163 = vector.broadcast %jit3A_162 : i32 to vector<16xi32>
      %select_n3A_164 = arith.select %ge3A_161, %iota3A, %broadcast_in_dim3A_163 : vector<16xi1>, vector<16xi32>
      %reduce_min3A = arith.constant true
      %reduce_min3A_165 = vector.broadcast %reduce_min3A : i1 to vector<16xi1>
      %reduce_min3A_166 = arith.constant -2147483648 : i32
      %reduce_min3A_167 = vector.broadcast %reduce_min3A_166 : i32 to vector<16xi32>
      %reduce_min3A_168 = arith.xori %select_n3A_164, %reduce_min3A_167 : vector<16xi32>
      %reduce_min3A_169 = tpu.scan <min>, %reduce_min3A_168 masked %reduce_min3A_165 : vector<16xi32>, vector<16xi1> -> vector<16xi32>
      %reduce_min3A_170 = arith.xori %reduce_min3A_169, %reduce_min3A_167 : vector<16xi32>
      %reduce_min3A_171 = vector.extract %reduce_min3A_170[15] : i32 from vector<16xi32>
      %eq3A_172 = vector.broadcast %reduce_min3A_171 : i32 to vector<16xi32>
      %eq3A_173 = arith.cmpi eq, %iota3A, %eq3A_172 : vector<16xi32>
      %jit3A_174 = arith.constant 0 : i32
      %broadcast_in_dim3A_175 = vector.broadcast %jit3A_174 : i32 to vector<16xi32>
      %select_n3A_176 = arith.select %eq3A_173, %add3A_159, %broadcast_in_dim3A_175 : vector<16xi1>, vector<16xi32>
      %reduce_sum3A = arith.constant true
      %reduce_sum3A_177 = vector.broadcast %reduce_sum3A : i1 to vector<16xi1>
      %reduce_sum3A_178 = tpu.scan <sum>, %select_n3A_176 masked %reduce_sum3A_177 : vector<16xi32>, vector<16xi1> -> vector<16xi32>
      %reduce_sum3A_179 = vector.extract %reduce_sum3A_178[15] : i32 from vector<16xi32>
      %jit3A_180 = arith.constant 0 : i32
      %broadcast_in_dim3A_181 = vector.broadcast %jit3A_180 : i32 to vector<16xi32>
      %select_n3A_182 = arith.select %eq3A_173, %rev3A_155, %broadcast_in_dim3A_181 : vector<16xi1>, vector<16xi32>
      %reduce_sum3A_183 = arith.constant true
      %reduce_sum3A_184 = vector.broadcast %reduce_sum3A_183 : i1 to vector<16xi1>
      %reduce_sum3A_185 = tpu.scan <sum>, %select_n3A_182 masked %reduce_sum3A_184 : vector<16xi32>, vector<16xi1> -> vector<16xi32>
      %reduce_sum3A_186 = vector.extract %reduce_sum3A_185[15] : i32 from vector<16xi32>
      %reduce_sum3A_187 = arith.constant true
      %reduce_sum3A_188 = vector.broadcast %reduce_sum3A_187 : i1 to vector<16xi1>
      %reduce_sum3A_189 = tpu.scan <sum>, %add3A_151 masked %reduce_sum3A_188 : vector<16xi32>, vector<16xi1> -> vector<16xi32>
      %reduce_sum3A_190 = vector.extract %reduce_sum3A_189[15] : i32 from vector<16xi32>
      %not3A_191 = arith.constant true
      %not3A_192 = arith.xori %scan3A_141, %not3A_191 : i1
      %lt3A_193 = arith.constant 16 : i32
      %lt3A_194 = arith.cmpi slt, %reduce_min3A_171, %lt3A_193 : i32
      %and3A_195 = arith.andi %not3A_192, %lt3A_194 : i1
      %mul3A_196 = arith.constant 16 : i32
      %mul3A_197 = arith.muli %sub3A_143, %mul3A_196 : i32
      %add3A_198 = arith.constant 15 : i32
      %add3A_199 = arith.addi %mul3A_197, %add3A_198 : i32
      %sub3A_200 = arith.subi %add3A_199, %reduce_min3A_171 : i32
      %select_n3A_201 = arith.select %and3A_195, %sub3A_200, %scan3A_139 : i32
      %sub3A_202 = arith.subi %reduce_sum3A_179, %reduce_sum3A_186 : i32
      %select_n3A_203 = arith.select %and3A_195, %sub3A_202, %scan3A_140 : i32
      %or3A_204 = arith.ori %scan3A_141, %and3A_195 : i1
      %add3A_205 = arith.addi %scan3A_138, %reduce_sum3A_190 : i32
      scf.yield %add3A_205, %select_n3A_201, %select_n3A_203, %or3A_204 : i32, i32, i32, i1
    }
    %scan3A_104 = arith.constant 16 : i32
    %shift_left3A = arith.constant 24 : i32
    %shift_left3A_105 = arith.shli %scan3A_67#1, %shift_left3A : i32
    %shift_left3A_106 = arith.constant 16 : i32
    %shift_left3A_107 = arith.shli %scan3A_103#1, %shift_left3A_106 : i32
    %or3A = arith.ori %shift_left3A_105, %shift_left3A_107 : i32
    %ge3A = arith.constant 1056964608 : i32
    %ge3A_108 = arith.cmpi sge, %or3A, %ge3A : i32
    %jit3A_109 = arith.constant 1056964608 : i32
    %jit3A_110 = arith.constant 0 : i32
    %select_n3A_111 = arith.select %ge3A_108, %jit3A_109, %jit3A_110 : i32
    %not3A = arith.constant -1 : i32
    %not3A_112 = arith.xori %select_n3A_111, %not3A : i32
    %scan3A_113 = arith.constant 0 : i32
    %scan3A_114 = arith.constant 0 : i32
    %scan3A_115 = arith.constant 384 : i32
    %scan3A_116 = arith.addi %scan3A_114, %scan3A_115 : i32
    %scan3A_117 = arith.constant 8 : i32
    %scan3A_118 = scf.for %scan3A_137 = %scan3A_114 to %scan3A_116 step %scan3A_117 iter_args(%scan3A_138 = %scan3A_113) -> (i32)  : i32 {
      %broadcast_in_dim3A_139 = vector.broadcast %not3A_112 : i32 to vector<16xi32>
      %mul3A_140 = arith.constant 16 : i32
      %mul3A_141 = arith.muli %scan3A_137, %mul3A_140 : i32
      %swap3A = arith.index_cast %mul3A_141 : i32 to index
      %swap3A_142 = tpu.vector_load %arg9[%swap3A] {strides = array<i32>} : memref<6144xi32, #tpu.memory_space<vmem>>, vector<16xi32>,
      tpu.vector_store %arg9[%swap3A], %broadcast_in_dim3A_139 {strides = array<i32>} : memref<6144xi32, #tpu.memory_space<vmem>>, vector<16xi32>,
      %broadcast_in_dim3A_143 = arith.constant 2147483647 : i32
      %broadcast_in_dim3A_144 = vector.broadcast %broadcast_in_dim3A_143 : i32 to vector<16xi32>
      %mul3A_145 = arith.constant 16 : i32
      %mul3A_146 = arith.muli %scan3A_137, %mul3A_145 : i32
      %swap3A_147 = arith.index_cast %mul3A_146 : i32 to index
      %swap3A_148 = tpu.vector_load %arg10[%swap3A_147] {strides = array<i32>} : memref<6144xi32, #tpu.memory_space<vmem>>, vector<16xi32>,
      tpu.vector_store %arg10[%swap3A_147], %broadcast_in_dim3A_144 {strides = array<i32>} : memref<6144xi32, #tpu.memory_space<vmem>>, vector<16xi32>,
      %scan3A_149 = arith.constant 0 : i32
      %scan3A_150 = arith.constant 1 : i32
      %scan3A_151 = arith.addi %scan3A_137, %scan3A_150 : i32
      %broadcast_in_dim3A_152 = vector.broadcast %not3A_112 : i32 to vector<16xi32>
      %mul3A_153 = arith.constant 16 : i32
      %mul3A_154 = arith.muli %scan3A_151, %mul3A_153 : i32
      %swap3A_155 = arith.index_cast %mul3A_154 : i32 to index
      %swap3A_156 = tpu.vector_load %arg9[%swap3A_155] {strides = array<i32>} : memref<6144xi32, #tpu.memory_space<vmem>>, vector<16xi32>,
      tpu.vector_store %arg9[%swap3A_155], %broadcast_in_dim3A_152 {strides = array<i32>} : memref<6144xi32, #tpu.memory_space<vmem>>, vector<16xi32>,
      %broadcast_in_dim3A_157 = arith.constant 2147483647 : i32
      %broadcast_in_dim3A_158 = vector.broadcast %broadcast_in_dim3A_157 : i32 to vector<16xi32>
      %mul3A_159 = arith.constant 16 : i32
      %mul3A_160 = arith.muli %scan3A_151, %mul3A_159 : i32
      %swap3A_161 = arith.index_cast %mul3A_160 : i32 to index
      %swap3A_162 = tpu.vector_load %arg10[%swap3A_161] {strides = array<i32>} : memref<6144xi32, #tpu.memory_space<vmem>>, vector<16xi32>,
      tpu.vector_store %arg10[%swap3A_161], %broadcast_in_dim3A_158 {strides = array<i32>} : memref<6144xi32, #tpu.memory_space<vmem>>, vector<16xi32>,
      %scan3A_163 = arith.constant 0 : i32
      %scan3A_164 = arith.constant 2 : i32
      %scan3A_165 = arith.addi %scan3A_137, %scan3A_164 : i32
      %broadcast_in_dim3A_166 = vector.broadcast %not3A_112 : i32 to vector<16xi32>
      %mul3A_167 = arith.constant 16 : i32
      %mul3A_168 = arith.muli %scan3A_165, %mul3A_167 : i32
      %swap3A_169 = arith.index_cast %mul3A_168 : i32 to index
      %swap3A_170 = tpu.vector_load %arg9[%swap3A_169] {strides = array<i32>} : memref<6144xi32, #tpu.memory_space<vmem>>, vector<16xi32>,
      tpu.vector_store %arg9[%swap3A_169], %broadcast_in_dim3A_166 {strides = array<i32>} : memref<6144xi32, #tpu.memory_space<vmem>>, vector<16xi32>,
      %broadcast_in_dim3A_171 = arith.constant 2147483647 : i32
      %broadcast_in_dim3A_172 = vector.broadcast %broadcast_in_dim3A_171 : i32 to vector<16xi32>
      %mul3A_173 = arith.constant 16 : i32
      %mul3A_174 = arith.muli %scan3A_165, %mul3A_173 : i32
      %swap3A_175 = arith.index_cast %mul3A_174 : i32 to index
      %swap3A_176 = tpu.vector_load %arg10[%swap3A_175] {strides = array<i32>} : memref<6144xi32, #tpu.memory_space<vmem>>, vector<16xi32>,
      tpu.vector_store %arg10[%swap3A_175], %broadcast_in_dim3A_172 {strides = array<i32>} : memref<6144xi32, #tpu.memory_space<vmem>>, vector<16xi32>,
      %scan3A_177 = arith.constant 0 : i32
      %scan3A_178 = arith.constant 3 : i32
      %scan3A_179 = arith.addi %scan3A_137, %scan3A_178 : i32
      %broadcast_in_dim3A_180 = vector.broadcast %not3A_112 : i32 to vector<16xi32>
      %mul3A_181 = arith.constant 16 : i32
      %mul3A_182 = arith.muli %scan3A_179, %mul3A_181 : i32
      %swap3A_183 = arith.index_cast %mul3A_182 : i32 to index
      %swap3A_184 = tpu.vector_load %arg9[%swap3A_183] {strides = array<i32>} : memref<6144xi32, #tpu.memory_space<vmem>>, vector<16xi32>,
      tpu.vector_store %arg9[%swap3A_183], %broadcast_in_dim3A_180 {strides = array<i32>} : memref<6144xi32, #tpu.memory_space<vmem>>, vector<16xi32>,
      %broadcast_in_dim3A_185 = arith.constant 2147483647 : i32
      %broadcast_in_dim3A_186 = vector.broadcast %broadcast_in_dim3A_185 : i32 to vector<16xi32>
      %mul3A_187 = arith.constant 16 : i32
      %mul3A_188 = arith.muli %scan3A_179, %mul3A_187 : i32
      %swap3A_189 = arith.index_cast %mul3A_188 : i32 to index
      %swap3A_190 = tpu.vector_load %arg10[%swap3A_189] {strides = array<i32>} : memref<6144xi32, #tpu.memory_space<vmem>>, vector<16xi32>,
      tpu.vector_store %arg10[%swap3A_189], %broadcast_in_dim3A_186 {strides = array<i32>} : memref<6144xi32, #tpu.memory_space<vmem>>, vector<16xi32>,
      %scan3A_191 = arith.constant 0 : i32
      %scan3A_192 = arith.constant 4 : i32
      %scan3A_193 = arith.addi %scan3A_137, %scan3A_192 : i32
      %broadcast_in_dim3A_194 = vector.broadcast %not3A_112 : i32 to vector<16xi32>
      %mul3A_195 = arith.constant 16 : i32
      %mul3A_196 = arith.muli %scan3A_193, %mul3A_195 : i32
      %swap3A_197 = arith.index_cast %mul3A_196 : i32 to index
      %swap3A_198 = tpu.vector_load %arg9[%swap3A_197] {strides = array<i32>} : memref<6144xi32, #tpu.memory_space<vmem>>, vector<16xi32>,
      tpu.vector_store %arg9[%swap3A_197], %broadcast_in_dim3A_194 {strides = array<i32>} : memref<6144xi32, #tpu.memory_space<vmem>>, vector<16xi32>,
      %broadcast_in_dim3A_199 = arith.constant 2147483647 : i32
      %broadcast_in_dim3A_200 = vector.broadcast %broadcast_in_dim3A_199 : i32 to vector<16xi32>
      %mul3A_201 = arith.constant 16 : i32
      %mul3A_202 = arith.muli %scan3A_193, %mul3A_201 : i32
      %swap3A_203 = arith.index_cast %mul3A_202 : i32 to index
      %swap3A_204 = tpu.vector_load %arg10[%swap3A_203] {strides = array<i32>} : memref<6144xi32, #tpu.memory_space<vmem>>, vector<16xi32>,
      tpu.vector_store %arg10[%swap3A_203], %broadcast_in_dim3A_200 {strides = array<i32>} : memref<6144xi32, #tpu.memory_space<vmem>>, vector<16xi32>,
      %scan3A_205 = arith.constant 0 : i32
      %scan3A_206 = arith.constant 5 : i32
      %scan3A_207 = arith.addi %scan3A_137, %scan3A_206 : i32
      %broadcast_in_dim3A_208 = vector.broadcast %not3A_112 : i32 to vector<16xi32>
      %mul3A_209 = arith.constant 16 : i32
      %mul3A_210 = arith.muli %scan3A_207, %mul3A_209 : i32
      %swap3A_211 = arith.index_cast %mul3A_210 : i32 to index
      %swap3A_212 = tpu.vector_load %arg9[%swap3A_211] {strides = array<i32>} : memref<6144xi32, #tpu.memory_space<vmem>>, vector<16xi32>,
      tpu.vector_store %arg9[%swap3A_211], %broadcast_in_dim3A_208 {strides = array<i32>} : memref<6144xi32, #tpu.memory_space<vmem>>, vector<16xi32>,
      %broadcast_in_dim3A_213 = arith.constant 2147483647 : i32
      %broadcast_in_dim3A_214 = vector.broadcast %broadcast_in_dim3A_213 : i32 to vector<16xi32>
      %mul3A_215 = arith.constant 16 : i32
      %mul3A_216 = arith.muli %scan3A_207, %mul3A_215 : i32
      %swap3A_217 = arith.index_cast %mul3A_216 : i32 to index
      %swap3A_218 = tpu.vector_load %arg10[%swap3A_217] {strides = array<i32>} : memref<6144xi32, #tpu.memory_space<vmem>>, vector<16xi32>,
      tpu.vector_store %arg10[%swap3A_217], %broadcast_in_dim3A_214 {strides = array<i32>} : memref<6144xi32, #tpu.memory_space<vmem>>, vector<16xi32>,
      %scan3A_219 = arith.constant 0 : i32
      %scan3A_220 = arith.constant 6 : i32
      %scan3A_221 = arith.addi %scan3A_137, %scan3A_220 : i32
      %broadcast_in_dim3A_222 = vector.broadcast %not3A_112 : i32 to vector<16xi32>
      %mul3A_223 = arith.constant 16 : i32
      %mul3A_224 = arith.muli %scan3A_221, %mul3A_223 : i32
      %swap3A_225 = arith.index_cast %mul3A_224 : i32 to index
      %swap3A_226 = tpu.vector_load %arg9[%swap3A_225] {strides = array<i32>} : memref<6144xi32, #tpu.memory_space<vmem>>, vector<16xi32>,
      tpu.vector_store %arg9[%swap3A_225], %broadcast_in_dim3A_222 {strides = array<i32>} : memref<6144xi32, #tpu.memory_space<vmem>>, vector<16xi32>,
      %broadcast_in_dim3A_227 = arith.constant 2147483647 : i32
      %broadcast_in_dim3A_228 = vector.broadcast %broadcast_in_dim3A_227 : i32 to vector<16xi32>
      %mul3A_229 = arith.constant 16 : i32
      %mul3A_230 = arith.muli %scan3A_221, %mul3A_229 : i32
      %swap3A_231 = arith.index_cast %mul3A_230 : i32 to index
      %swap3A_232 = tpu.vector_load %arg10[%swap3A_231] {strides = array<i32>} : memref<6144xi32, #tpu.memory_space<vmem>>, vector<16xi32>,
      tpu.vector_store %arg10[%swap3A_231], %broadcast_in_dim3A_228 {strides = array<i32>} : memref<6144xi32, #tpu.memory_space<vmem>>, vector<16xi32>,
      %scan3A_233 = arith.constant 0 : i32
      %scan3A_234 = arith.constant 7 : i32
      %scan3A_235 = arith.addi %scan3A_137, %scan3A_234 : i32
      %broadcast_in_dim3A_236 = vector.broadcast %not3A_112 : i32 to vector<16xi32>
      %mul3A_237 = arith.constant 16 : i32
      %mul3A_238 = arith.muli %scan3A_235, %mul3A_237 : i32
      %swap3A_239 = arith.index_cast %mul3A_238 : i32 to index
      %swap3A_240 = tpu.vector_load %arg9[%swap3A_239] {strides = array<i32>} : memref<6144xi32, #tpu.memory_space<vmem>>, vector<16xi32>,
      tpu.vector_store %arg9[%swap3A_239], %broadcast_in_dim3A_236 {strides = array<i32>} : memref<6144xi32, #tpu.memory_space<vmem>>, vector<16xi32>,
      %broadcast_in_dim3A_241 = arith.constant 2147483647 : i32
      %broadcast_in_dim3A_242 = vector.broadcast %broadcast_in_dim3A_241 : i32 to vector<16xi32>
      %mul3A_243 = arith.constant 16 : i32
      %mul3A_244 = arith.muli %scan3A_235, %mul3A_243 : i32
      %swap3A_245 = arith.index_cast %mul3A_244 : i32 to index
      %swap3A_246 = tpu.vector_load %arg10[%swap3A_245] {strides = array<i32>} : memref<6144xi32, #tpu.memory_space<vmem>>, vector<16xi32>,
      tpu.vector_store %arg10[%swap3A_245], %broadcast_in_dim3A_242 {strides = array<i32>} : memref<6144xi32, #tpu.memory_space<vmem>>, vector<16xi32>,
      %scan3A_247 = arith.constant 0 : i32
      scf.yield %scan3A_247 : i32
    }
    %scan3A_119 = arith.constant 384 : i32
    %broadcast_in_dim3A_120 = arith.constant 0 : i32
    %broadcast_in_dim3A_121 = vector.broadcast %broadcast_in_dim3A_120 : i32 to vector<16xi32>
    %scan3A_122 = arith.constant 0 : i32
    %scan3A_123 = arith.constant 2048 : i32
    %scan3A_124 = arith.addi %scan3A_122, %scan3A_123 : i32
    %scan3A_125 = arith.constant 4 : i32
    %scan3A_126 = scf.for %scan3A_137 = %scan3A_122 to %scan3A_124 step %scan3A_125 iter_args(%scan3A_138 = %broadcast_in_dim3A_121) -> (vector<16xi32>)  : i32 {
      %mul3A_139 = arith.constant 16 : i32
      %mul3A_140 = arith.muli %scan3A_137, %mul3A_139 : i32
      %get3A = arith.index_cast %mul3A_140 : i32 to index
      %get3A_141 = tpu.vector_load %arg4[%get3A] {strides = array<i32>} : memref<32768xi32, #tpu.memory_space<vmem>>, vector<16xi32>,
      %ge3A_142 = vector.broadcast %or3A : i32 to vector<16xi32>
      %ge3A_143 = arith.cmpi sge, %get3A_141, %ge3A_142 : vector<16xi32>
      %convert_element_type3A_144 = arith.extui %ge3A_143 : vector<16xi1> to vector<16xi32>
      %broadcast_in_dim3A_145 = arith.constant true
      %broadcast_in_dim3A_146 = vector.broadcast %broadcast_in_dim3A_145 : i1 to vector<16xi1>
      %masked_cumsum3A = tpu.scan <sum>, %convert_element_type3A_144 masked %broadcast_in_dim3A_146 : vector<16xi32>, vector<16xi1> -> vector<16xi32>
      %add3A_147 = arith.addi %scan3A_138, %masked_cumsum3A : vector<16xi32>
      %sub3A_148 = arith.constant 1 : i32
      %sub3A_149 = vector.broadcast %sub3A_148 : i32 to vector<16xi32>
      %sub3A_150 = arith.subi %add3A_147, %sub3A_149 : vector<16xi32>
      %min3A = arith.constant 6143 : i32
      %min3A_151 = vector.broadcast %min3A : i32 to vector<16xi32>
      %min3A_152 = arith.minsi %sub3A_150, %min3A_151 : vector<16xi32>
      %mul3A_153 = arith.constant 32768 : i32
      %mul3A_154 = arith.muli %select_n3A_28, %mul3A_153 : i32
      %mul3A_155 = arith.constant 16 : i32
      %mul3A_156 = arith.muli %scan3A_137, %mul3A_155 : i32
      %add3A_157 = arith.addi %mul3A_154, %mul3A_156 : i32
      %add3A_158 = vector.broadcast %add3A_157 : i32 to vector<16xi32>
      %add3A_159 = arith.addi %add3A_158, %iota3A : vector<16xi32>
      %not3A_160 = arith.constant dense<-1> : vector<16xi32>
      %not3A_161 = arith.xori %get3A_141, %not3A_160 : vector<16xi32>
      tpu.vector_store_idx %arg9[%min3A_152], %not3A_161 masked %ge3A_143 : memref<6144xi32, #tpu.memory_space<vmem>>[vector<16xi32>], vector<16xi32>, vector<16xi1>
      tpu.vector_store_idx %arg10[%min3A_152], %add3A_159 masked %ge3A_143 : memref<6144xi32, #tpu.memory_space<vmem>>[vector<16xi32>], vector<16xi32>, vector<16xi1>
      %all_reduce_population_count3A = tpu.all_reduce %ge3A_143 {dim = 0 : i64, kind = #tpu.reduction_kind<sum>} : vector<16xi1> -> vector<16xi32>
      %add3A_162 = arith.addi %scan3A_138, %all_reduce_population_count3A : vector<16xi32>
      %scan3A_163 = arith.constant 1 : i32
      %scan3A_164 = arith.addi %scan3A_137, %scan3A_163 : i32
      %mul3A_165 = arith.constant 16 : i32
      %mul3A_166 = arith.muli %scan3A_164, %mul3A_165 : i32
      %get3A_167 = arith.index_cast %mul3A_166 : i32 to index
      %get3A_168 = tpu.vector_load %arg4[%get3A_167] {strides = array<i32>} : memref<32768xi32, #tpu.memory_space<vmem>>, vector<16xi32>,
      %ge3A_169 = vector.broadcast %or3A : i32 to vector<16xi32>
      %ge3A_170 = arith.cmpi sge, %get3A_168, %ge3A_169 : vector<16xi32>
      %convert_element_type3A_171 = arith.extui %ge3A_170 : vector<16xi1> to vector<16xi32>
      %broadcast_in_dim3A_172 = arith.constant true
      %broadcast_in_dim3A_173 = vector.broadcast %broadcast_in_dim3A_172 : i1 to vector<16xi1>
      %masked_cumsum3A_174 = tpu.scan <sum>, %convert_element_type3A_171 masked %broadcast_in_dim3A_173 : vector<16xi32>, vector<16xi1> -> vector<16xi32>
      %add3A_175 = arith.addi %add3A_162, %masked_cumsum3A_174 : vector<16xi32>
      %sub3A_176 = arith.constant 1 : i32
      %sub3A_177 = vector.broadcast %sub3A_176 : i32 to vector<16xi32>
      %sub3A_178 = arith.subi %add3A_175, %sub3A_177 : vector<16xi32>
      %min3A_179 = arith.constant 6143 : i32
      %min3A_180 = vector.broadcast %min3A_179 : i32 to vector<16xi32>
      %min3A_181 = arith.minsi %sub3A_178, %min3A_180 : vector<16xi32>
      %mul3A_182 = arith.constant 32768 : i32
      %mul3A_183 = arith.muli %select_n3A_28, %mul3A_182 : i32
      %mul3A_184 = arith.constant 16 : i32
      %mul3A_185 = arith.muli %scan3A_164, %mul3A_184 : i32
      %add3A_186 = arith.addi %mul3A_183, %mul3A_185 : i32
      %add3A_187 = vector.broadcast %add3A_186 : i32 to vector<16xi32>
      %add3A_188 = arith.addi %add3A_187, %iota3A : vector<16xi32>
      %not3A_189 = arith.constant dense<-1> : vector<16xi32>
      %not3A_190 = arith.xori %get3A_168, %not3A_189 : vector<16xi32>
      tpu.vector_store_idx %arg9[%min3A_181], %not3A_190 masked %ge3A_170 : memref<6144xi32, #tpu.memory_space<vmem>>[vector<16xi32>], vector<16xi32>, vector<16xi1>
      tpu.vector_store_idx %arg10[%min3A_181], %add3A_188 masked %ge3A_170 : memref<6144xi32, #tpu.memory_space<vmem>>[vector<16xi32>], vector<16xi32>, vector<16xi1>
      %all_reduce_population_count3A_191 = tpu.all_reduce %ge3A_170 {dim = 0 : i64, kind = #tpu.reduction_kind<sum>} : vector<16xi1> -> vector<16xi32>
      %add3A_192 = arith.addi %add3A_162, %all_reduce_population_count3A_191 : vector<16xi32>
      %scan3A_193 = arith.constant 2 : i32
      %scan3A_194 = arith.addi %scan3A_137, %scan3A_193 : i32
      %mul3A_195 = arith.constant 16 : i32
      %mul3A_196 = arith.muli %scan3A_194, %mul3A_195 : i32
      %get3A_197 = arith.index_cast %mul3A_196 : i32 to index
      %get3A_198 = tpu.vector_load %arg4[%get3A_197] {strides = array<i32>} : memref<32768xi32, #tpu.memory_space<vmem>>, vector<16xi32>,
      %ge3A_199 = vector.broadcast %or3A : i32 to vector<16xi32>
      %ge3A_200 = arith.cmpi sge, %get3A_198, %ge3A_199 : vector<16xi32>
      %convert_element_type3A_201 = arith.extui %ge3A_200 : vector<16xi1> to vector<16xi32>
      %broadcast_in_dim3A_202 = arith.constant true
      %broadcast_in_dim3A_203 = vector.broadcast %broadcast_in_dim3A_202 : i1 to vector<16xi1>
      %masked_cumsum3A_204 = tpu.scan <sum>, %convert_element_type3A_201 masked %broadcast_in_dim3A_203 : vector<16xi32>, vector<16xi1> -> vector<16xi32>
      %add3A_205 = arith.addi %add3A_192, %masked_cumsum3A_204 : vector<16xi32>
      %sub3A_206 = arith.constant 1 : i32
      %sub3A_207 = vector.broadcast %sub3A_206 : i32 to vector<16xi32>
      %sub3A_208 = arith.subi %add3A_205, %sub3A_207 : vector<16xi32>
      %min3A_209 = arith.constant 6143 : i32
      %min3A_210 = vector.broadcast %min3A_209 : i32 to vector<16xi32>
      %min3A_211 = arith.minsi %sub3A_208, %min3A_210 : vector<16xi32>
      %mul3A_212 = arith.constant 32768 : i32
      %mul3A_213 = arith.muli %select_n3A_28, %mul3A_212 : i32
      %mul3A_214 = arith.constant 16 : i32
      %mul3A_215 = arith.muli %scan3A_194, %mul3A_214 : i32
      %add3A_216 = arith.addi %mul3A_213, %mul3A_215 : i32
      %add3A_217 = vector.broadcast %add3A_216 : i32 to vector<16xi32>
      %add3A_218 = arith.addi %add3A_217, %iota3A : vector<16xi32>
      %not3A_219 = arith.constant dense<-1> : vector<16xi32>
      %not3A_220 = arith.xori %get3A_198, %not3A_219 : vector<16xi32>
      tpu.vector_store_idx %arg9[%min3A_211], %not3A_220 masked %ge3A_200 : memref<6144xi32, #tpu.memory_space<vmem>>[vector<16xi32>], vector<16xi32>, vector<16xi1>
      tpu.vector_store_idx %arg10[%min3A_211], %add3A_218 masked %ge3A_200 : memref<6144xi32, #tpu.memory_space<vmem>>[vector<16xi32>], vector<16xi32>, vector<16xi1>
      %all_reduce_population_count3A_221 = tpu.all_reduce %ge3A_200 {dim = 0 : i64, kind = #tpu.reduction_kind<sum>} : vector<16xi1> -> vector<16xi32>
      %add3A_222 = arith.addi %add3A_192, %all_reduce_population_count3A_221 : vector<16xi32>
      %scan3A_223 = arith.constant 3 : i32
      %scan3A_224 = arith.addi %scan3A_137, %scan3A_223 : i32
      %mul3A_225 = arith.constant 16 : i32
      %mul3A_226 = arith.muli %scan3A_224, %mul3A_225 : i32
      %get3A_227 = arith.index_cast %mul3A_226 : i32 to index
      %get3A_228 = tpu.vector_load %arg4[%get3A_227] {strides = array<i32>} : memref<32768xi32, #tpu.memory_space<vmem>>, vector<16xi32>,
      %ge3A_229 = vector.broadcast %or3A : i32 to vector<16xi32>
      %ge3A_230 = arith.cmpi sge, %get3A_228, %ge3A_229 : vector<16xi32>
      %convert_element_type3A_231 = arith.extui %ge3A_230 : vector<16xi1> to vector<16xi32>
      %broadcast_in_dim3A_232 = arith.constant true
      %broadcast_in_dim3A_233 = vector.broadcast %broadcast_in_dim3A_232 : i1 to vector<16xi1>
      %masked_cumsum3A_234 = tpu.scan <sum>, %convert_element_type3A_231 masked %broadcast_in_dim3A_233 : vector<16xi32>, vector<16xi1> -> vector<16xi32>
      %add3A_235 = arith.addi %add3A_222, %masked_cumsum3A_234 : vector<16xi32>
      %sub3A_236 = arith.constant 1 : i32
      %sub3A_237 = vector.broadcast %sub3A_236 : i32 to vector<16xi32>
      %sub3A_238 = arith.subi %add3A_235, %sub3A_237 : vector<16xi32>
      %min3A_239 = arith.constant 6143 : i32
      %min3A_240 = vector.broadcast %min3A_239 : i32 to vector<16xi32>
      %min3A_241 = arith.minsi %sub3A_238, %min3A_240 : vector<16xi32>
      %mul3A_242 = arith.constant 32768 : i32
      %mul3A_243 = arith.muli %select_n3A_28, %mul3A_242 : i32
      %mul3A_244 = arith.constant 16 : i32
      %mul3A_245 = arith.muli %scan3A_224, %mul3A_244 : i32
      %add3A_246 = arith.addi %mul3A_243, %mul3A_245 : i32
      %add3A_247 = vector.broadcast %add3A_246 : i32 to vector<16xi32>
      %add3A_248 = arith.addi %add3A_247, %iota3A : vector<16xi32>
      %not3A_249 = arith.constant dense<-1> : vector<16xi32>
      %not3A_250 = arith.xori %get3A_228, %not3A_249 : vector<16xi32>
      tpu.vector_store_idx %arg9[%min3A_241], %not3A_250 masked %ge3A_230 : memref<6144xi32, #tpu.memory_space<vmem>>[vector<16xi32>], vector<16xi32>, vector<16xi1>
      tpu.vector_store_idx %arg10[%min3A_241], %add3A_248 masked %ge3A_230 : memref<6144xi32, #tpu.memory_space<vmem>>[vector<16xi32>], vector<16xi32>, vector<16xi1>
      %all_reduce_population_count3A_251 = tpu.all_reduce %ge3A_230 {dim = 0 : i64, kind = #tpu.reduction_kind<sum>} : vector<16xi1> -> vector<16xi32>
      %add3A_252 = arith.addi %add3A_222, %all_reduce_population_count3A_251 : vector<16xi32>
      scf.yield %add3A_252 : vector<16xi32>
    }
    %scan3A_127 = arith.constant 2048 : i32
    %eq3A_128 = arith.constant 1 : i32
    %eq3A_129 = arith.cmpi eq, %select_n3A_28, %eq3A_128 : i32
    %convert_element_type3A = arith.extui %eq3A_129 : i1 to i32
    %cond3A = arith.constant 0 : i32
    %cond3A_130 = arith.cmpi ne, %convert_element_type3A, %cond3A : i32
    scf.if %cond3A_130 {
      "tpu.region"() ({
        %run_scoped3A_139 = tpu.sem_alloc : memref<!tpu.dma_semaphore, #tpu.memory_space<semaphore_mem>>
        %dma_start3A = arith.constant 0 : i32
        %dma_start3A_140 = tpu.memref_slice %arg19[%select_n3A, %dma_start3A] : memref<8x6144xi32, #tpu.memory_space<vmem_shared>> -> memref<1x6144xi32, #tpu.memory_space<vmem_shared>>
        %dma_start3A_141 = tpu.memref_squeeze %dma_start3A_140 : memref<1x6144xi32, #tpu.memory_space<vmem_shared>> -> memref<6144xi32, #tpu.memory_space<vmem_shared>>
        %dma_start3A_142 = arith.constant 0 : i32
        %dma_start3A_143 = tpu.memref_slice %arg19[%select_n3A, %dma_start3A_142] : memref<8x6144xi32, #tpu.memory_space<vmem_shared>> -> memref<1x6144xi32, #tpu.memory_space<vmem_shared>>
        %dma_start3A_144 = tpu.memref_squeeze %dma_start3A_143 : memref<1x6144xi32, #tpu.memory_space<vmem_shared>> -> memref<6144xi32, #tpu.memory_space<vmem_shared>>
        tpu.enqueue_dma source(%arg9 : memref<6144xi32, #tpu.memory_space<vmem>>) target(%dma_start3A_144 : memref<6144xi32, #tpu.memory_space<vmem_shared>>) target_semaphore(%run_scoped3A_139 : memref<!tpu.dma_semaphore, #tpu.memory_space<semaphore_mem>>)
        %dma_wait3A = arith.constant 0 : i32
        %dma_wait3A_145 = tpu.memref_slice %arg19[%select_n3A, %dma_wait3A] : memref<8x6144xi32, #tpu.memory_space<vmem_shared>> -> memref<1x6144xi32, #tpu.memory_space<vmem_shared>>
        %dma_wait3A_146 = tpu.memref_squeeze %dma_wait3A_145 : memref<1x6144xi32, #tpu.memory_space<vmem_shared>> -> memref<6144xi32, #tpu.memory_space<vmem_shared>>
        %dma_wait3A_147 = arith.constant 0 : i32
        %dma_wait3A_148 = tpu.memref_slice %arg19[%select_n3A, %dma_wait3A_147] : memref<8x6144xi32, #tpu.memory_space<vmem_shared>> -> memref<1x6144xi32, #tpu.memory_space<vmem_shared>>
        %dma_wait3A_149 = tpu.memref_squeeze %dma_wait3A_148 : memref<1x6144xi32, #tpu.memory_space<vmem_shared>> -> memref<6144xi32, #tpu.memory_space<vmem_shared>>
        tpu.wait_dma2 semaphore(%run_scoped3A_139 : memref<!tpu.dma_semaphore, #tpu.memory_space<semaphore_mem>>) src(%arg9 : memref<6144xi32, #tpu.memory_space<vmem>>) dst(%dma_wait3A_149 : memref<6144xi32, #tpu.memory_space<vmem_shared>>)
        tpu.yield
      }) : () -> ()
      "tpu.region"() ({
        %run_scoped3A_139 = tpu.sem_alloc : memref<!tpu.dma_semaphore, #tpu.memory_space<semaphore_mem>>
        %dma_start3A = arith.constant 0 : i32
        %dma_start3A_140 = tpu.memref_slice %arg20[%select_n3A, %dma_start3A] : memref<8x6144xi32, #tpu.memory_space<vmem_shared>> -> memref<1x6144xi32, #tpu.memory_space<vmem_shared>>
        %dma_start3A_141 = tpu.memref_squeeze %dma_start3A_140 : memref<1x6144xi32, #tpu.memory_space<vmem_shared>> -> memref<6144xi32, #tpu.memory_space<vmem_shared>>
        %dma_start3A_142 = arith.constant 0 : i32
        %dma_start3A_143 = tpu.memref_slice %arg20[%select_n3A, %dma_start3A_142] : memref<8x6144xi32, #tpu.memory_space<vmem_shared>> -> memref<1x6144xi32, #tpu.memory_space<vmem_shared>>
        %dma_start3A_144 = tpu.memref_squeeze %dma_start3A_143 : memref<1x6144xi32, #tpu.memory_space<vmem_shared>> -> memref<6144xi32, #tpu.memory_space<vmem_shared>>
        tpu.enqueue_dma source(%arg10 : memref<6144xi32, #tpu.memory_space<vmem>>) target(%dma_start3A_144 : memref<6144xi32, #tpu.memory_space<vmem_shared>>) target_semaphore(%run_scoped3A_139 : memref<!tpu.dma_semaphore, #tpu.memory_space<semaphore_mem>>)
        %dma_wait3A = arith.constant 0 : i32
        %dma_wait3A_145 = tpu.memref_slice %arg20[%select_n3A, %dma_wait3A] : memref<8x6144xi32, #tpu.memory_space<vmem_shared>> -> memref<1x6144xi32, #tpu.memory_space<vmem_shared>>
        %dma_wait3A_146 = tpu.memref_squeeze %dma_wait3A_145 : memref<1x6144xi32, #tpu.memory_space<vmem_shared>> -> memref<6144xi32, #tpu.memory_space<vmem_shared>>
        %dma_wait3A_147 = arith.constant 0 : i32
        %dma_wait3A_148 = tpu.memref_slice %arg20[%select_n3A, %dma_wait3A_147] : memref<8x6144xi32, #tpu.memory_space<vmem_shared>> -> memref<1x6144xi32, #tpu.memory_space<vmem_shared>>
        %dma_wait3A_149 = tpu.memref_squeeze %dma_wait3A_148 : memref<1x6144xi32, #tpu.memory_space<vmem_shared>> -> memref<6144xi32, #tpu.memory_space<vmem_shared>>
        tpu.wait_dma2 semaphore(%run_scoped3A_139 : memref<!tpu.dma_semaphore, #tpu.memory_space<semaphore_mem>>) src(%arg10 : memref<6144xi32, #tpu.memory_space<vmem>>) dst(%dma_wait3A_149 : memref<6144xi32, #tpu.memory_space<vmem_shared>>)
        tpu.yield
      }) : () -> ()
      %swap3A = arith.constant 0 : index
      %swap3A_137 = tpu.vector_load %arg16[%swap3A] {strides = array<i32>} : memref<16xi32, #tpu.memory_space<vmem>>, vector<16xi32>,
      tpu.vector_store %arg16[%swap3A], %scan3A_126 {strides = array<i32>} : memref<16xi32, #tpu.memory_space<vmem>>, vector<16xi32>,
      %run_scoped3A_138 = arith.constant 1 : i32
      "tpu.region"() ({
        %run_scoped3A_139 = tpu.sem_alloc : memref<!tpu.dma_semaphore, #tpu.memory_space<semaphore_mem>>
        %dma_start3A = arith.constant 0 : i32
        %dma_start3A_140 = tpu.memref_slice %arg18[%select_n3A, %run_scoped3A_138, %dma_start3A] : memref<8x2x256xi32, #tpu.memory_space<vmem_shared>> -> memref<1x1x16xi32, #tpu.memory_space<vmem_shared>>
        %dma_start3A_141 = tpu.memref_squeeze %dma_start3A_140 : memref<1x1x16xi32, #tpu.memory_space<vmem_shared>> -> memref<16xi32, #tpu.memory_space<vmem_shared>>
        %dma_start3A_142 = arith.constant 0 : i32
        %dma_start3A_143 = tpu.memref_slice %arg18[%select_n3A, %run_scoped3A_138, %dma_start3A_142] : memref<8x2x256xi32, #tpu.memory_space<vmem_shared>> -> memref<1x1x16xi32, #tpu.memory_space<vmem_shared>>
        %dma_start3A_144 = tpu.memref_squeeze %dma_start3A_143 : memref<1x1x16xi32, #tpu.memory_space<vmem_shared>> -> memref<16xi32, #tpu.memory_space<vmem_shared>>
        tpu.enqueue_dma source(%arg16 : memref<16xi32, #tpu.memory_space<vmem>>) target(%dma_start3A_144 : memref<16xi32, #tpu.memory_space<vmem_shared>>) target_semaphore(%run_scoped3A_139 : memref<!tpu.dma_semaphore, #tpu.memory_space<semaphore_mem>>)
        %dma_wait3A = arith.constant 0 : i32
        %dma_wait3A_145 = tpu.memref_slice %arg18[%select_n3A, %run_scoped3A_138, %dma_wait3A] : memref<8x2x256xi32, #tpu.memory_space<vmem_shared>> -> memref<1x1x16xi32, #tpu.memory_space<vmem_shared>>
        %dma_wait3A_146 = tpu.memref_squeeze %dma_wait3A_145 : memref<1x1x16xi32, #tpu.memory_space<vmem_shared>> -> memref<16xi32, #tpu.memory_space<vmem_shared>>
        %dma_wait3A_147 = arith.constant 0 : i32
        %dma_wait3A_148 = tpu.memref_slice %arg18[%select_n3A, %run_scoped3A_138, %dma_wait3A_147] : memref<8x2x256xi32, #tpu.memory_space<vmem_shared>> -> memref<1x1x16xi32, #tpu.memory_space<vmem_shared>>
        %dma_wait3A_149 = tpu.memref_squeeze %dma_wait3A_148 : memref<1x1x16xi32, #tpu.memory_space<vmem_shared>> -> memref<16xi32, #tpu.memory_space<vmem_shared>>
        tpu.wait_dma2 semaphore(%run_scoped3A_139 : memref<!tpu.dma_semaphore, #tpu.memory_space<semaphore_mem>>) src(%arg16 : memref<16xi32, #tpu.memory_space<vmem>>) dst(%dma_wait3A_149 : memref<16xi32, #tpu.memory_space<vmem_shared>>)
        tpu.yield
      }) : () -> ()
    } else {
    }
    %barrier3A_131 = arith.constant 0 : index
    tpu.barrier barrier_id(%barrier3A_131)
    %eq3A_132 = arith.constant 0 : i32
    %eq3A_133 = arith.cmpi eq, %select_n3A_28, %eq3A_132 : i32
    %convert_element_type3A_134 = arith.extui %eq3A_133 : i1 to i32
    %cond3A_135 = arith.constant 0 : i32
    %cond3A_136 = arith.cmpi ne, %convert_element_type3A_134, %cond3A_135 : i32
    scf.if %cond3A_136 {
      "tpu.region"() ({
        %run_scoped3A_284 = tpu.sem_alloc : memref<!tpu.dma_semaphore, #tpu.memory_space<semaphore_mem>>
        %dma_start3A = arith.constant 0 : i32
        %dma_start3A_285 = tpu.memref_slice %arg19[%select_n3A, %dma_start3A] : memref<8x6144xi32, #tpu.memory_space<vmem_shared>> -> memref<1x6144xi32, #tpu.memory_space<vmem_shared>>
        %dma_start3A_286 = tpu.memref_squeeze %dma_start3A_285 : memref<1x6144xi32, #tpu.memory_space<vmem_shared>> -> memref<6144xi32, #tpu.memory_space<vmem_shared>>
        %dma_start3A_287 = arith.constant 0 : i32
        %dma_start3A_288 = tpu.memref_slice %arg19[%select_n3A, %dma_start3A_287] : memref<8x6144xi32, #tpu.memory_space<vmem_shared>> -> memref<1x6144xi32, #tpu.memory_space<vmem_shared>>
        %dma_start3A_289 = tpu.memref_squeeze %dma_start3A_288 : memref<1x6144xi32, #tpu.memory_space<vmem_shared>> -> memref<6144xi32, #tpu.memory_space<vmem_shared>>
        tpu.enqueue_dma source(%dma_start3A_289 : memref<6144xi32, #tpu.memory_space<vmem_shared>>) target(%arg13 : memref<6144xi32, #tpu.memory_space<vmem>>) target_semaphore(%run_scoped3A_284 : memref<!tpu.dma_semaphore, #tpu.memory_space<semaphore_mem>>)
        %dma_wait3A = arith.constant 0 : i32
        %dma_wait3A_290 = tpu.memref_slice %arg19[%select_n3A, %dma_wait3A] : memref<8x6144xi32, #tpu.memory_space<vmem_shared>> -> memref<1x6144xi32, #tpu.memory_space<vmem_shared>>
        %dma_wait3A_291 = tpu.memref_squeeze %dma_wait3A_290 : memref<1x6144xi32, #tpu.memory_space<vmem_shared>> -> memref<6144xi32, #tpu.memory_space<vmem_shared>>
        %dma_wait3A_292 = arith.constant 0 : i32
        %dma_wait3A_293 = tpu.memref_slice %arg19[%select_n3A, %dma_wait3A_292] : memref<8x6144xi32, #tpu.memory_space<vmem_shared>> -> memref<1x6144xi32, #tpu.memory_space<vmem_shared>>
        %dma_wait3A_294 = tpu.memref_squeeze %dma_wait3A_293 : memref<1x6144xi32, #tpu.memory_space<vmem_shared>> -> memref<6144xi32, #tpu.memory_space<vmem_shared>>
        tpu.wait_dma2 semaphore(%run_scoped3A_284 : memref<!tpu.dma_semaphore, #tpu.memory_space<semaphore_mem>>) src(%dma_wait3A_294 : memref<6144xi32, #tpu.memory_space<vmem_shared>>) dst(%arg13 : memref<6144xi32, #tpu.memory_space<vmem>>)
        tpu.yield
      }) : () -> ()
      "tpu.region"() ({
        %run_scoped3A_284 = tpu.sem_alloc : memref<!tpu.dma_semaphore, #tpu.memory_space<semaphore_mem>>
        %dma_start3A = arith.constant 0 : i32
        %dma_start3A_285 = tpu.memref_slice %arg20[%select_n3A, %dma_start3A] : memref<8x6144xi32, #tpu.memory_space<vmem_shared>> -> memref<1x6144xi32, #tpu.memory_space<vmem_shared>>
        %dma_start3A_286 = tpu.memref_squeeze %dma_start3A_285 : memref<1x6144xi32, #tpu.memory_space<vmem_shared>> -> memref<6144xi32, #tpu.memory_space<vmem_shared>>
        %dma_start3A_287 = arith.constant 0 : i32
        %dma_start3A_288 = tpu.memref_slice %arg20[%select_n3A, %dma_start3A_287] : memref<8x6144xi32, #tpu.memory_space<vmem_shared>> -> memref<1x6144xi32, #tpu.memory_space<vmem_shared>>
        %dma_start3A_289 = tpu.memref_squeeze %dma_start3A_288 : memref<1x6144xi32, #tpu.memory_space<vmem_shared>> -> memref<6144xi32, #tpu.memory_space<vmem_shared>>
        tpu.enqueue_dma source(%dma_start3A_289 : memref<6144xi32, #tpu.memory_space<vmem_shared>>) target(%arg14 : memref<6144xi32, #tpu.memory_space<vmem>>) target_semaphore(%run_scoped3A_284 : memref<!tpu.dma_semaphore, #tpu.memory_space<semaphore_mem>>)
        %dma_wait3A = arith.constant 0 : i32
        %dma_wait3A_290 = tpu.memref_slice %arg20[%select_n3A, %dma_wait3A] : memref<8x6144xi32, #tpu.memory_space<vmem_shared>> -> memref<1x6144xi32, #tpu.memory_space<vmem_shared>>
        %dma_wait3A_291 = tpu.memref_squeeze %dma_wait3A_290 : memref<1x6144xi32, #tpu.memory_space<vmem_shared>> -> memref<6144xi32, #tpu.memory_space<vmem_shared>>
        %dma_wait3A_292 = arith.constant 0 : i32
        %dma_wait3A_293 = tpu.memref_slice %arg20[%select_n3A, %dma_wait3A_292] : memref<8x6144xi32, #tpu.memory_space<vmem_shared>> -> memref<1x6144xi32, #tpu.memory_space<vmem_shared>>
        %dma_wait3A_294 = tpu.memref_squeeze %dma_wait3A_293 : memref<1x6144xi32, #tpu.memory_space<vmem_shared>> -> memref<6144xi32, #tpu.memory_space<vmem_shared>>
        tpu.wait_dma2 semaphore(%run_scoped3A_284 : memref<!tpu.dma_semaphore, #tpu.memory_space<semaphore_mem>>) src(%dma_wait3A_294 : memref<6144xi32, #tpu.memory_space<vmem_shared>>) dst(%arg14 : memref<6144xi32, #tpu.memory_space<vmem>>)
        tpu.yield
      }) : () -> ()
      %run_scoped3A_137 = arith.constant 1 : i32
      "tpu.region"() ({
        %run_scoped3A_284 = tpu.sem_alloc : memref<!tpu.dma_semaphore, #tpu.memory_space<semaphore_mem>>
        %dma_start3A = arith.constant 0 : i32
        %dma_start3A_285 = tpu.memref_slice %arg18[%select_n3A, %run_scoped3A_137, %dma_start3A] : memref<8x2x256xi32, #tpu.memory_space<vmem_shared>> -> memref<1x1x16xi32, #tpu.memory_space<vmem_shared>>
        %dma_start3A_286 = tpu.memref_squeeze %dma_start3A_285 : memref<1x1x16xi32, #tpu.memory_space<vmem_shared>> -> memref<16xi32, #tpu.memory_space<vmem_shared>>
        %dma_start3A_287 = arith.constant 0 : i32
        %dma_start3A_288 = tpu.memref_slice %arg18[%select_n3A, %run_scoped3A_137, %dma_start3A_287] : memref<8x2x256xi32, #tpu.memory_space<vmem_shared>> -> memref<1x1x16xi32, #tpu.memory_space<vmem_shared>>
        %dma_start3A_289 = tpu.memref_squeeze %dma_start3A_288 : memref<1x1x16xi32, #tpu.memory_space<vmem_shared>> -> memref<16xi32, #tpu.memory_space<vmem_shared>>
        tpu.enqueue_dma source(%dma_start3A_289 : memref<16xi32, #tpu.memory_space<vmem_shared>>) target(%arg16 : memref<16xi32, #tpu.memory_space<vmem>>) target_semaphore(%run_scoped3A_284 : memref<!tpu.dma_semaphore, #tpu.memory_space<semaphore_mem>>)
        %dma_wait3A = arith.constant 0 : i32
        %dma_wait3A_290 = tpu.memref_slice %arg18[%select_n3A, %run_scoped3A_137, %dma_wait3A] : memref<8x2x256xi32, #tpu.memory_space<vmem_shared>> -> memref<1x1x16xi32, #tpu.memory_space<vmem_shared>>
        %dma_wait3A_291 = tpu.memref_squeeze %dma_wait3A_290 : memref<1x1x16xi32, #tpu.memory_space<vmem_shared>> -> memref<16xi32, #tpu.memory_space<vmem_shared>>
        %dma_wait3A_292 = arith.constant 0 : i32
        %dma_wait3A_293 = tpu.memref_slice %arg18[%select_n3A, %run_scoped3A_137, %dma_wait3A_292] : memref<8x2x256xi32, #tpu.memory_space<vmem_shared>> -> memref<1x1x16xi32, #tpu.memory_space<vmem_shared>>
        %dma_wait3A_294 = tpu.memref_squeeze %dma_wait3A_293 : memref<1x1x16xi32, #tpu.memory_space<vmem_shared>> -> memref<16xi32, #tpu.memory_space<vmem_shared>>
        tpu.wait_dma2 semaphore(%run_scoped3A_284 : memref<!tpu.dma_semaphore, #tpu.memory_space<semaphore_mem>>) src(%dma_wait3A_294 : memref<16xi32, #tpu.memory_space<vmem_shared>>) dst(%arg16 : memref<16xi32, #tpu.memory_space<vmem>>)
        tpu.yield
      }) : () -> ()
      %get3A = arith.constant 0 : index
      %get3A_138 = tpu.vector_load %arg16[%get3A] {strides = array<i32>} : memref<16xi32, #tpu.memory_space<vmem>>, vector<16xi32>,
      %reduce_max3A = arith.constant true
      %reduce_max3A_139 = vector.broadcast %reduce_max3A : i1 to vector<16xi1>
      %reduce_max3A_140 = arith.constant -2147483648 : i32
      %reduce_max3A_141 = vector.broadcast %reduce_max3A_140 : i32 to vector<16xi32>
      %reduce_max3A_142 = arith.xori %get3A_138, %reduce_max3A_141 : vector<16xi32>
      %reduce_max3A_143 = tpu.scan <max>, %reduce_max3A_142 masked %reduce_max3A_139 : vector<16xi32>, vector<16xi1> -> vector<16xi32>
      %reduce_max3A_144 = arith.xori %reduce_max3A_143, %reduce_max3A_141 : vector<16xi32>
      %reduce_max3A_145 = vector.extract %reduce_max3A_144[15] : i32 from vector<16xi32>
      %reduce_max3A_146 = arith.constant true
      %reduce_max3A_147 = vector.broadcast %reduce_max3A_146 : i1 to vector<16xi1>
      %reduce_max3A_148 = arith.constant -2147483648 : i32
      %reduce_max3A_149 = vector.broadcast %reduce_max3A_148 : i32 to vector<16xi32>
      %reduce_max3A_150 = arith.xori %scan3A_126, %reduce_max3A_149 : vector<16xi32>
      %reduce_max3A_151 = tpu.scan <max>, %reduce_max3A_150 masked %reduce_max3A_147 : vector<16xi32>, vector<16xi1> -> vector<16xi32>
      %reduce_max3A_152 = arith.xori %reduce_max3A_151, %reduce_max3A_149 : vector<16xi32>
      %reduce_max3A_153 = vector.extract %reduce_max3A_152[15] : i32 from vector<16xi32>
      %add3A_154 = arith.addi %reduce_max3A_153, %reduce_max3A_145 : i32
      %add3A_155 = arith.constant 15 : i32
      %add3A_156 = arith.addi %add3A_154, %add3A_155 : i32
      %shift_right_arithmetic3A = arith.constant 4 : i32
      %shift_right_arithmetic3A_157 = arith.shrsi %add3A_156, %shift_right_arithmetic3A : i32
      %min3A = arith.constant 384 : i32
      %min3A_158 = arith.minsi %shift_right_arithmetic3A_157, %min3A : i32
      %scan3A_159 = arith.constant 0 : i32
      %scan3A_160 = arith.constant 0 : i32
      %scan3A_161 = arith.constant 384 : i32
      %scan3A_162 = arith.addi %scan3A_160, %scan3A_161 : i32
      %scan3A_163 = arith.constant 4 : i32
      %scan3A_164 = scf.for %scan3A_284 = %scan3A_160 to %scan3A_162 step %scan3A_163 iter_args(%scan3A_285 = %scan3A_159) -> (i32)  : i32 {
        %mul3A_286 = arith.constant 16 : i32
        %mul3A_287 = arith.muli %scan3A_284, %mul3A_286 : i32
        %get3A_288 = arith.index_cast %mul3A_287 : i32 to index
        %get3A_289 = tpu.vector_load %arg13[%get3A_288] {strides = array<i32>} : memref<6144xi32, #tpu.memory_space<vmem>>, vector<16xi32>,
        %mul3A_290 = arith.constant 16 : i32
        %mul3A_291 = arith.muli %scan3A_284, %mul3A_290 : i32
        %get3A_292 = arith.index_cast %mul3A_291 : i32 to index
        %get3A_293 = tpu.vector_load %arg14[%get3A_292] {strides = array<i32>} : memref<6144xi32, #tpu.memory_space<vmem>>, vector<16xi32>,
        %mul3A_294 = arith.constant 16 : i32
        %mul3A_295 = arith.muli %scan3A_284, %mul3A_294 : i32
        %add3A_296 = vector.broadcast %mul3A_295 : i32 to vector<16xi32>
        %add3A_297 = arith.addi %scan3A_126, %add3A_296 : vector<16xi32>
        %add3A_298 = arith.addi %add3A_297, %iota3A : vector<16xi32>
        %min3A_299 = arith.constant 6143 : i32
        %min3A_300 = vector.broadcast %min3A_299 : i32 to vector<16xi32>
        %min3A_301 = arith.minsi %add3A_298, %min3A_300 : vector<16xi32>
        tpu.vector_store_idx %arg9[%min3A_301], %get3A_289 : memref<6144xi32, #tpu.memory_space<vmem>>[vector<16xi32>], vector<16xi32>,
        tpu.vector_store_idx %arg10[%min3A_301], %get3A_293 : memref<6144xi32, #tpu.memory_space<vmem>>[vector<16xi32>], vector<16xi32>,
        %scan3A_302 = arith.constant 0 : i32
        %scan3A_303 = arith.constant 1 : i32
        %scan3A_304 = arith.addi %scan3A_284, %scan3A_303 : i32
        %mul3A_305 = arith.constant 16 : i32
        %mul3A_306 = arith.muli %scan3A_304, %mul3A_305 : i32
        %get3A_307 = arith.index_cast %mul3A_306 : i32 to index
        %get3A_308 = tpu.vector_load %arg13[%get3A_307] {strides = array<i32>} : memref<6144xi32, #tpu.memory_space<vmem>>, vector<16xi32>,
        %mul3A_309 = arith.constant 16 : i32
        %mul3A_310 = arith.muli %scan3A_304, %mul3A_309 : i32
        %get3A_311 = arith.index_cast %mul3A_310 : i32 to index
        %get3A_312 = tpu.vector_load %arg14[%get3A_311] {strides = array<i32>} : memref<6144xi32, #tpu.memory_space<vmem>>, vector<16xi32>,
        %mul3A_313 = arith.constant 16 : i32
        %mul3A_314 = arith.muli %scan3A_304, %mul3A_313 : i32
        %add3A_315 = vector.broadcast %mul3A_314 : i32 to vector<16xi32>
        %add3A_316 = arith.addi %scan3A_126, %add3A_315 : vector<16xi32>
        %add3A_317 = arith.addi %add3A_316, %iota3A : vector<16xi32>
        %min3A_318 = arith.constant 6143 : i32
        %min3A_319 = vector.broadcast %min3A_318 : i32 to vector<16xi32>
        %min3A_320 = arith.minsi %add3A_317, %min3A_319 : vector<16xi32>
        tpu.vector_store_idx %arg9[%min3A_320], %get3A_308 : memref<6144xi32, #tpu.memory_space<vmem>>[vector<16xi32>], vector<16xi32>,
        tpu.vector_store_idx %arg10[%min3A_320], %get3A_312 : memref<6144xi32, #tpu.memory_space<vmem>>[vector<16xi32>], vector<16xi32>,
        %scan3A_321 = arith.constant 0 : i32
        %scan3A_322 = arith.constant 2 : i32
        %scan3A_323 = arith.addi %scan3A_284, %scan3A_322 : i32
        %mul3A_324 = arith.constant 16 : i32
        %mul3A_325 = arith.muli %scan3A_323, %mul3A_324 : i32
        %get3A_326 = arith.index_cast %mul3A_325 : i32 to index
        %get3A_327 = tpu.vector_load %arg13[%get3A_326] {strides = array<i32>} : memref<6144xi32, #tpu.memory_space<vmem>>, vector<16xi32>,
        %mul3A_328 = arith.constant 16 : i32
        %mul3A_329 = arith.muli %scan3A_323, %mul3A_328 : i32
        %get3A_330 = arith.index_cast %mul3A_329 : i32 to index
        %get3A_331 = tpu.vector_load %arg14[%get3A_330] {strides = array<i32>} : memref<6144xi32, #tpu.memory_space<vmem>>, vector<16xi32>,
        %mul3A_332 = arith.constant 16 : i32
        %mul3A_333 = arith.muli %scan3A_323, %mul3A_332 : i32
        %add3A_334 = vector.broadcast %mul3A_333 : i32 to vector<16xi32>
        %add3A_335 = arith.addi %scan3A_126, %add3A_334 : vector<16xi32>
        %add3A_336 = arith.addi %add3A_335, %iota3A : vector<16xi32>
        %min3A_337 = arith.constant 6143 : i32
        %min3A_338 = vector.broadcast %min3A_337 : i32 to vector<16xi32>
        %min3A_339 = arith.minsi %add3A_336, %min3A_338 : vector<16xi32>
        tpu.vector_store_idx %arg9[%min3A_339], %get3A_327 : memref<6144xi32, #tpu.memory_space<vmem>>[vector<16xi32>], vector<16xi32>,
        tpu.vector_store_idx %arg10[%min3A_339], %get3A_331 : memref<6144xi32, #tpu.memory_space<vmem>>[vector<16xi32>], vector<16xi32>,
        %scan3A_340 = arith.constant 0 : i32
        %scan3A_341 = arith.constant 3 : i32
        %scan3A_342 = arith.addi %scan3A_284, %scan3A_341 : i32
        %mul3A_343 = arith.constant 16 : i32
        %mul3A_344 = arith.muli %scan3A_342, %mul3A_343 : i32
        %get3A_345 = arith.index_cast %mul3A_344 : i32 to index
        %get3A_346 = tpu.vector_load %arg13[%get3A_345] {strides = array<i32>} : memref<6144xi32, #tpu.memory_space<vmem>>, vector<16xi32>,
        %mul3A_347 = arith.constant 16 : i32
        %mul3A_348 = arith.muli %scan3A_342, %mul3A_347 : i32
        %get3A_349 = arith.index_cast %mul3A_348 : i32 to index
        %get3A_350 = tpu.vector_load %arg14[%get3A_349] {strides = array<i32>} : memref<6144xi32, #tpu.memory_space<vmem>>, vector<16xi32>,
        %mul3A_351 = arith.constant 16 : i32
        %mul3A_352 = arith.muli %scan3A_342, %mul3A_351 : i32
        %add3A_353 = vector.broadcast %mul3A_352 : i32 to vector<16xi32>
        %add3A_354 = arith.addi %scan3A_126, %add3A_353 : vector<16xi32>
        %add3A_355 = arith.addi %add3A_354, %iota3A : vector<16xi32>
        %min3A_356 = arith.constant 6143 : i32
        %min3A_357 = vector.broadcast %min3A_356 : i32 to vector<16xi32>
        %min3A_358 = arith.minsi %add3A_355, %min3A_357 : vector<16xi32>
        tpu.vector_store_idx %arg9[%min3A_358], %get3A_346 : memref<6144xi32, #tpu.memory_space<vmem>>[vector<16xi32>], vector<16xi32>,
        tpu.vector_store_idx %arg10[%min3A_358], %get3A_350 : memref<6144xi32, #tpu.memory_space<vmem>>[vector<16xi32>], vector<16xi32>,
        %scan3A_359 = arith.constant 0 : i32
        scf.yield %scan3A_359 : i32
      }
      %scan3A_165 = arith.constant 384 : i32
      %scan3A_166 = arith.constant 0 : i32
      %scan3A_167 = arith.constant 0 : i32
      %scan3A_168 = arith.constant 256 : i32
      %scan3A_169 = arith.addi %scan3A_167, %scan3A_168 : i32
      %scan3A_170 = arith.constant 1 : i32
      %scan3A_171 = scf.for %scan3A_284 = %scan3A_167 to %scan3A_169 step %scan3A_170 iter_args(%scan3A_285 = %scan3A_166) -> (i32)  : i32 {
        %broadcast_in_dim3A_286 = arith.constant 0 : i32
        %broadcast_in_dim3A_287 = vector.broadcast %broadcast_in_dim3A_286 : i32 to vector<16xi32>
        %mul3A_288 = arith.constant 16 : i32
        %mul3A_289 = arith.muli %scan3A_284, %mul3A_288 : i32
        %swap3A = arith.index_cast %mul3A_289 : i32 to index
        %swap3A_290 = tpu.vector_load %arg5[%swap3A] {strides = array<i32>} : memref<4096xi32, #tpu.memory_space<vmem>>, vector<16xi32>,
        tpu.vector_store %arg5[%swap3A], %broadcast_in_dim3A_287 {strides = array<i32>} : memref<4096xi32, #tpu.memory_space<vmem>>, vector<16xi32>,
        %scan3A_291 = arith.constant 0 : i32
        scf.yield %scan3A_291 : i32
      }
      %scan3A_172 = arith.constant 256 : i32
      %while3A = arith.constant 0 : i32
      %while3A_173 = arith.constant 0 : i32
      %while3A_174 = arith.subi %min3A_158, %while3A : i32
      %while3A_175 = arith.addi %while3A, %while3A_174 : i32
      %while3A_176 = arith.constant 1 : i32
      %while3A_177 = arith.divsi %while3A_174, %while3A_176 : i32
      %while3A_178 = arith.muli %while3A_177, %while3A_176 : i32
      %while3A_179 = arith.addi %while3A, %while3A_178 : i32
      %while3A_180 = arith.constant 1 : i32
      %while3A_181 = scf.for %while3A_284 = %while3A to %while3A_179 step %while3A_180 iter_args(%while3A_285 = %while3A_173) -> (i32)  : i32 {
        %mul3A_286 = arith.constant 16 : i32
        %mul3A_287 = arith.muli %while3A_284, %mul3A_286 : i32
        %get3A_288 = arith.index_cast %mul3A_287 : i32 to index
        %get3A_289 = tpu.vector_load %arg9[%get3A_288] {strides = array<i32>} : memref<6144xi32, #tpu.memory_space<vmem>>, vector<16xi32>,
        %shift_right_arithmetic3A_290 = arith.constant 0 : i32
        %shift_right_arithmetic3A_291 = vector.broadcast %shift_right_arithmetic3A_290 : i32 to vector<16xi32>
        %shift_right_arithmetic3A_292 = arith.shrsi %get3A_289, %shift_right_arithmetic3A_291 : vector<16xi32>
        %and3A_293 = arith.constant 255 : i32
        %and3A_294 = vector.broadcast %and3A_293 : i32 to vector<16xi32>
        %and3A_295 = arith.andi %shift_right_arithmetic3A_292, %and3A_294 : vector<16xi32>
        %add3A_296 = arith.addi %and3A_295, %mul3A_34 : vector<16xi32>
        tpu.vector_store_idx %arg5[%add3A_296], %broadcast_in_dim3A_31 {add = true} : memref<4096xi32, #tpu.memory_space<vmem>>[vector<16xi32>], vector<16xi32>,
        %while3A_297 = arith.constant 0 : i32
        scf.yield %while3A_297 : i32
      }
      %while3A_182 = arith.constant 1 : i32
      %while3A_183 = scf.for %while3A_284 = %while3A_179 to %while3A_175 step %while3A_182 iter_args(%while3A_285 = %while3A_181) -> (i32)  : i32 {
        %mul3A_286 = arith.constant 16 : i32
        %mul3A_287 = arith.muli %while3A_284, %mul3A_286 : i32
        %get3A_288 = arith.index_cast %mul3A_287 : i32 to index
        %get3A_289 = tpu.vector_load %arg9[%get3A_288] {strides = array<i32>} : memref<6144xi32, #tpu.memory_space<vmem>>, vector<16xi32>,
        %shift_right_arithmetic3A_290 = arith.constant 0 : i32
        %shift_right_arithmetic3A_291 = vector.broadcast %shift_right_arithmetic3A_290 : i32 to vector<16xi32>
        %shift_right_arithmetic3A_292 = arith.shrsi %get3A_289, %shift_right_arithmetic3A_291 : vector<16xi32>
        %and3A_293 = arith.constant 255 : i32
        %and3A_294 = vector.broadcast %and3A_293 : i32 to vector<16xi32>
        %and3A_295 = arith.andi %shift_right_arithmetic3A_292, %and3A_294 : vector<16xi32>
        %add3A_296 = arith.addi %and3A_295, %mul3A_34 : vector<16xi32>
        tpu.vector_store_idx %arg5[%add3A_296], %broadcast_in_dim3A_31 {add = true} : memref<4096xi32, #tpu.memory_space<vmem>>[vector<16xi32>], vector<16xi32>,
        %while3A_297 = arith.constant 0 : i32
        scf.yield %while3A_297 : i32
      }
      %scan3A_184 = arith.constant 0 : i32
      %scan3A_185 = arith.constant 0 : i32
      %scan3A_186 = arith.constant 16 : i32
      %scan3A_187 = arith.addi %scan3A_185, %scan3A_186 : i32
      %scan3A_188 = arith.constant 1 : i32
      %scan3A_189 = scf.for %scan3A_284 = %scan3A_185 to %scan3A_187 step %scan3A_188 iter_args(%scan3A_285 = %scan3A_184) -> (i32)  : i32 {
        %mul3A_286 = arith.constant 16 : i32
        %mul3A_287 = arith.muli %scan3A_284, %mul3A_286 : i32
        %get3A_288 = arith.index_cast %mul3A_287 : i32 to index
        %get3A_289 = tpu.vector_load %arg5[%get3A_288] {strides = array<i32>} : memref<4096xi32, #tpu.memory_space<vmem>>, vector<16xi32>,
        %mul3A_290 = arith.constant 16 : i32
        %mul3A_291 = arith.muli %scan3A_284, %mul3A_290 : i32
        %add3A_292 = arith.constant 256 : i32
        %add3A_293 = arith.addi %add3A_292, %mul3A_291 : i32
        %get3A_294 = arith.index_cast %add3A_293 : i32 to index
        %get3A_295 = tpu.vector_load %arg5[%get3A_294] {strides = array<i32>} : memref<4096xi32, #tpu.memory_space<vmem>>, vector<16xi32>,
        %add3A_296 = arith.addi %get3A_289, %get3A_295 : vector<16xi32>
        %mul3A_297 = arith.constant 16 : i32
        %mul3A_298 = arith.muli %scan3A_284, %mul3A_297 : i32
        %add3A_299 = arith.constant 512 : i32
        %add3A_300 = arith.addi %add3A_299, %mul3A_298 : i32
        %get3A_301 = arith.index_cast %add3A_300 : i32 to index
        %get3A_302 = tpu.vector_load %arg5[%get3A_301] {strides = array<i32>} : memref<4096xi32, #tpu.memory_space<vmem>>, vector<16xi32>,
        %add3A_303 = arith.addi %add3A_296, %get3A_302 : vector<16xi32>
        %mul3A_304 = arith.constant 16 : i32
        %mul3A_305 = arith.muli %scan3A_284, %mul3A_304 : i32
        %add3A_306 = arith.constant 768 : i32
        %add3A_307 = arith.addi %add3A_306, %mul3A_305 : i32
        %get3A_308 = arith.index_cast %add3A_307 : i32 to index
        %get3A_309 = tpu.vector_load %arg5[%get3A_308] {strides = array<i32>} : memref<4096xi32, #tpu.memory_space<vmem>>, vector<16xi32>,
        %add3A_310 = arith.addi %add3A_303, %get3A_309 : vector<16xi32>
        %mul3A_311 = arith.constant 16 : i32
        %mul3A_312 = arith.muli %scan3A_284, %mul3A_311 : i32
        %add3A_313 = arith.constant 1024 : i32
        %add3A_314 = arith.addi %add3A_313, %mul3A_312 : i32
        %get3A_315 = arith.index_cast %add3A_314 : i32 to index
        %get3A_316 = tpu.vector_load %arg5[%get3A_315] {strides = array<i32>} : memref<4096xi32, #tpu.memory_space<vmem>>, vector<16xi32>,
        %add3A_317 = arith.addi %add3A_310, %get3A_316 : vector<16xi32>
        %mul3A_318 = arith.constant 16 : i32
        %mul3A_319 = arith.muli %scan3A_284, %mul3A_318 : i32
        %add3A_320 = arith.constant 1280 : i32
        %add3A_321 = arith.addi %add3A_320, %mul3A_319 : i32
        %get3A_322 = arith.index_cast %add3A_321 : i32 to index
        %get3A_323 = tpu.vector_load %arg5[%get3A_322] {strides = array<i32>} : memref<4096xi32, #tpu.memory_space<vmem>>, vector<16xi32>,
        %add3A_324 = arith.addi %add3A_317, %get3A_323 : vector<16xi32>
        %mul3A_325 = arith.constant 16 : i32
        %mul3A_326 = arith.muli %scan3A_284, %mul3A_325 : i32
        %add3A_327 = arith.constant 1536 : i32
        %add3A_328 = arith.addi %add3A_327, %mul3A_326 : i32
        %get3A_329 = arith.index_cast %add3A_328 : i32 to index
        %get3A_330 = tpu.vector_load %arg5[%get3A_329] {strides = array<i32>} : memref<4096xi32, #tpu.memory_space<vmem>>, vector<16xi32>,
        %add3A_331 = arith.addi %add3A_324, %get3A_330 : vector<16xi32>
        %mul3A_332 = arith.constant 16 : i32
        %mul3A_333 = arith.muli %scan3A_284, %mul3A_332 : i32
        %add3A_334 = arith.constant 1792 : i32
        %add3A_335 = arith.addi %add3A_334, %mul3A_333 : i32
        %get3A_336 = arith.index_cast %add3A_335 : i32 to index
        %get3A_337 = tpu.vector_load %arg5[%get3A_336] {strides = array<i32>} : memref<4096xi32, #tpu.memory_space<vmem>>, vector<16xi32>,
        %add3A_338 = arith.addi %add3A_331, %get3A_337 : vector<16xi32>
        %mul3A_339 = arith.constant 16 : i32
        %mul3A_340 = arith.muli %scan3A_284, %mul3A_339 : i32
        %add3A_341 = arith.constant 2048 : i32
        %add3A_342 = arith.addi %add3A_341, %mul3A_340 : i32
        %get3A_343 = arith.index_cast %add3A_342 : i32 to index
        %get3A_344 = tpu.vector_load %arg5[%get3A_343] {strides = array<i32>} : memref<4096xi32, #tpu.memory_space<vmem>>, vector<16xi32>,
        %add3A_345 = arith.addi %add3A_338, %get3A_344 : vector<16xi32>
        %mul3A_346 = arith.constant 16 : i32
        %mul3A_347 = arith.muli %scan3A_284, %mul3A_346 : i32
        %add3A_348 = arith.constant 2304 : i32
        %add3A_349 = arith.addi %add3A_348, %mul3A_347 : i32
        %get3A_350 = arith.index_cast %add3A_349 : i32 to index
        %get3A_351 = tpu.vector_load %arg5[%get3A_350] {strides = array<i32>} : memref<4096xi32, #tpu.memory_space<vmem>>, vector<16xi32>,
        %add3A_352 = arith.addi %add3A_345, %get3A_351 : vector<16xi32>
        %mul3A_353 = arith.constant 16 : i32
        %mul3A_354 = arith.muli %scan3A_284, %mul3A_353 : i32
        %add3A_355 = arith.constant 2560 : i32
        %add3A_356 = arith.addi %add3A_355, %mul3A_354 : i32
        %get3A_357 = arith.index_cast %add3A_356 : i32 to index
        %get3A_358 = tpu.vector_load %arg5[%get3A_357] {strides = array<i32>} : memref<4096xi32, #tpu.memory_space<vmem>>, vector<16xi32>,
        %add3A_359 = arith.addi %add3A_352, %get3A_358 : vector<16xi32>
        %mul3A_360 = arith.constant 16 : i32
        %mul3A_361 = arith.muli %scan3A_284, %mul3A_360 : i32
        %add3A_362 = arith.constant 2816 : i32
        %add3A_363 = arith.addi %add3A_362, %mul3A_361 : i32
        %get3A_364 = arith.index_cast %add3A_363 : i32 to index
        %get3A_365 = tpu.vector_load %arg5[%get3A_364] {strides = array<i32>} : memref<4096xi32, #tpu.memory_space<vmem>>, vector<16xi32>,
        %add3A_366 = arith.addi %add3A_359, %get3A_365 : vector<16xi32>
        %mul3A_367 = arith.constant 16 : i32
        %mul3A_368 = arith.muli %scan3A_284, %mul3A_367 : i32
        %add3A_369 = arith.constant 3072 : i32
        %add3A_370 = arith.addi %add3A_369, %mul3A_368 : i32
        %get3A_371 = arith.index_cast %add3A_370 : i32 to index
        %get3A_372 = tpu.vector_load %arg5[%get3A_371] {strides = array<i32>} : memref<4096xi32, #tpu.memory_space<vmem>>, vector<16xi32>,
        %add3A_373 = arith.addi %add3A_366, %get3A_372 : vector<16xi32>
        %mul3A_374 = arith.constant 16 : i32
        %mul3A_375 = arith.muli %scan3A_284, %mul3A_374 : i32
        %add3A_376 = arith.constant 3328 : i32
        %add3A_377 = arith.addi %add3A_376, %mul3A_375 : i32
        %get3A_378 = arith.index_cast %add3A_377 : i32 to index
        %get3A_379 = tpu.vector_load %arg5[%get3A_378] {strides = array<i32>} : memref<4096xi32, #tpu.memory_space<vmem>>, vector<16xi32>,
        %add3A_380 = arith.addi %add3A_373, %get3A_379 : vector<16xi32>
        %mul3A_381 = arith.constant 16 : i32
        %mul3A_382 = arith.muli %scan3A_284, %mul3A_381 : i32
        %add3A_383 = arith.constant 3584 : i32
        %add3A_384 = arith.addi %add3A_383, %mul3A_382 : i32
        %get3A_385 = arith.index_cast %add3A_384 : i32 to index
        %get3A_386 = tpu.vector_load %arg5[%get3A_385] {strides = array<i32>} : memref<4096xi32, #tpu.memory_space<vmem>>, vector<16xi32>,
        %add3A_387 = arith.addi %add3A_380, %get3A_386 : vector<16xi32>
        %mul3A_388 = arith.constant 16 : i32
        %mul3A_389 = arith.muli %scan3A_284, %mul3A_388 : i32
        %add3A_390 = arith.constant 3840 : i32
        %add3A_391 = arith.addi %add3A_390, %mul3A_389 : i32
        %get3A_392 = arith.index_cast %add3A_391 : i32 to index
        %get3A_393 = tpu.vector_load %arg5[%get3A_392] {strides = array<i32>} : memref<4096xi32, #tpu.memory_space<vmem>>, vector<16xi32>,
        %add3A_394 = arith.addi %add3A_387, %get3A_393 : vector<16xi32>
        %broadcast_in_dim3A_395 = arith.constant true
        %broadcast_in_dim3A_396 = vector.broadcast %broadcast_in_dim3A_395 : i1 to vector<16xi1>
        %masked_cumsum3A = tpu.scan <sum>, %add3A_394 masked %broadcast_in_dim3A_396 : vector<16xi32>, vector<16xi1> -> vector<16xi32>
        %sub3A_397 = arith.subi %masked_cumsum3A, %add3A_394 : vector<16xi32>
        %add3A_398 = vector.broadcast %scan3A_285 : i32 to vector<16xi32>
        %add3A_399 = arith.addi %sub3A_397, %add3A_398 : vector<16xi32>
        %mul3A_400 = arith.constant 16 : i32
        %mul3A_401 = arith.muli %scan3A_284, %mul3A_400 : i32
        %swap3A = arith.index_cast %mul3A_401 : i32 to index
        %swap3A_402 = tpu.vector_load %arg6[%swap3A] {strides = array<i32>} : memref<256xi32, #tpu.memory_space<vmem>>, vector<16xi32>,
        tpu.vector_store %arg6[%swap3A], %add3A_399 {strides = array<i32>} : memref<256xi32, #tpu.memory_space<vmem>>, vector<16xi32>,
        %reduce_sum3A = arith.constant true
        %reduce_sum3A_403 = vector.broadcast %reduce_sum3A : i1 to vector<16xi1>
        %reduce_sum3A_404 = tpu.scan <sum>, %add3A_394 masked %reduce_sum3A_403 : vector<16xi32>, vector<16xi1> -> vector<16xi32>
        %reduce_sum3A_405 = vector.extract %reduce_sum3A_404[15] : i32 from vector<16xi32>
        %add3A_406 = arith.addi %scan3A_285, %reduce_sum3A_405 : i32
        scf.yield %add3A_406 : i32
      }
      %scan3A_190 = arith.constant 16 : i32
      %while3A_191 = arith.constant 0 : i32
      %while3A_192 = arith.constant 0 : i32
      %while3A_193 = arith.subi %min3A_158, %while3A_191 : i32
      %while3A_194 = arith.addi %while3A_191, %while3A_193 : i32
      %while3A_195 = arith.constant 1 : i32
      %while3A_196 = arith.divsi %while3A_193, %while3A_195 : i32
      %while3A_197 = arith.muli %while3A_196, %while3A_195 : i32
      %while3A_198 = arith.addi %while3A_191, %while3A_197 : i32
      %while3A_199 = arith.constant 1 : i32
      %while3A_200 = scf.for %while3A_284 = %while3A_191 to %while3A_198 step %while3A_199 iter_args(%while3A_285 = %while3A_192) -> (i32)  : i32 {
        %mul3A_286 = arith.constant 16 : i32
        %mul3A_287 = arith.muli %while3A_284, %mul3A_286 : i32
        %get3A_288 = arith.index_cast %mul3A_287 : i32 to index
        %get3A_289 = tpu.vector_load %arg9[%get3A_288] {strides = array<i32>} : memref<6144xi32, #tpu.memory_space<vmem>>, vector<16xi32>,
        %mul3A_290 = arith.constant 16 : i32
        %mul3A_291 = arith.muli %while3A_284, %mul3A_290 : i32
        %get3A_292 = arith.index_cast %mul3A_291 : i32 to index
        %get3A_293 = tpu.vector_load %arg10[%get3A_292] {strides = array<i32>} : memref<6144xi32, #tpu.memory_space<vmem>>, vector<16xi32>,
        %shift_right_arithmetic3A_294 = arith.constant 0 : i32
        %shift_right_arithmetic3A_295 = vector.broadcast %shift_right_arithmetic3A_294 : i32 to vector<16xi32>
        %shift_right_arithmetic3A_296 = arith.shrsi %get3A_289, %shift_right_arithmetic3A_295 : vector<16xi32>
        %and3A_297 = arith.constant 255 : i32
        %and3A_298 = vector.broadcast %and3A_297 : i32 to vector<16xi32>
        %and3A_299 = arith.andi %shift_right_arithmetic3A_296, %and3A_298 : vector<16xi32>
        %mul3A_300 = arith.constant 16 : i32
        %mul3A_301 = vector.broadcast %mul3A_300 : i32 to vector<16xi32>
        %mul3A_302 = arith.muli %and3A_299, %mul3A_301 : vector<16xi32>
        %add3A_303 = arith.addi %mul3A_302, %iota3A : vector<16xi32>
        %masked_sort3A = arith.constant dense<true> : vector<16xi1>
        %masked_sort3A_304 = arith.constant -2147483648 : i32
        %masked_sort3A_305 = vector.broadcast %masked_sort3A_304 : i32 to vector<16xi32>
        %masked_sort3A_306 = arith.xori %add3A_303, %masked_sort3A_305 : vector<16xi32>
        %masked_sort3A_307, %masked_sort3A_308, %masked_sort3A_309 = tpu.sort %masked_sort3A_306, %iota3A masked %masked_sort3A : (vector<16xi32>, vector<16xi32>, vector<16xi1>) -> (vector<16xi1>, vector<16xi32>, vector<16xi32>)
        %masked_sort3A_310 = arith.xori %masked_sort3A_308, %masked_sort3A_305 : vector<16xi32>
        %shift_right_arithmetic3A_311 = arith.constant 4 : i32
        %shift_right_arithmetic3A_312 = vector.broadcast %shift_right_arithmetic3A_311 : i32 to vector<16xi32>
        %shift_right_arithmetic3A_313 = arith.shrsi %masked_sort3A_310, %shift_right_arithmetic3A_312 : vector<16xi32>
        %swap3A = arith.constant 0 : index
        %swap3A_314 = tpu.vector_load %arg15[%swap3A] {strides = array<i32>} : memref<16xi32, #tpu.memory_space<vmem>>, vector<16xi32>,
        tpu.vector_store %arg15[%swap3A], %shift_right_arithmetic3A_313 {strides = array<i32>} : memref<16xi32, #tpu.memory_space<vmem>>, vector<16xi32>,
        %sub3A_315 = arith.constant 1 : i32
        %sub3A_316 = vector.broadcast %sub3A_315 : i32 to vector<16xi32>
        %sub3A_317 = arith.subi %iota3A, %sub3A_316 : vector<16xi32>
        %max3A = arith.constant 0 : i32
        %max3A_318 = vector.broadcast %max3A : i32 to vector<16xi32>
        %max3A_319 = arith.maxsi %sub3A_317, %max3A_318 : vector<16xi32>
        %gather3A = tpu.vector_load_idx %arg15[%max3A_319] : memref<16xi32, #tpu.memory_space<vmem>>[vector<16xi32>], vector<16xi32>,
        %ne3A_320 = arith.cmpi ne, %shift_right_arithmetic3A_313, %gather3A : vector<16xi32>
        %eq3A_321 = arith.constant 0 : i32
        %eq3A_322 = vector.broadcast %eq3A_321 : i32 to vector<16xi32>
        %eq3A_323 = arith.cmpi eq, %iota3A, %eq3A_322 : vector<16xi32>
        %or3A_324 = arith.ori %ne3A_320, %eq3A_323 : vector<16xi1>
        %jit3A_325 = arith.constant 0 : i32
        %broadcast_in_dim3A_326 = vector.broadcast %jit3A_325 : i32 to vector<16xi32>
        %select_n3A_327 = arith.select %or3A_324, %iota3A, %broadcast_in_dim3A_326 : vector<16xi1>, vector<16xi32>
        %broadcast_in_dim3A_328 = arith.constant true
        %broadcast_in_dim3A_329 = vector.broadcast %broadcast_in_dim3A_328 : i1 to vector<16xi1>
        %masked_cummax3A = arith.constant -2147483648 : i32
        %masked_cummax3A_330 = vector.broadcast %masked_cummax3A : i32 to vector<16xi32>
        %masked_cummax3A_331 = arith.xori %select_n3A_327, %masked_cummax3A_330 : vector<16xi32>
        %masked_cummax3A_332 = tpu.scan <max>, %masked_cummax3A_331 masked %broadcast_in_dim3A_329 : vector<16xi32>, vector<16xi1> -> vector<16xi32>
        %masked_cummax3A_333 = arith.xori %masked_cummax3A_332, %masked_cummax3A_330 : vector<16xi32>
        %sub3A_334 = arith.subi %iota3A, %masked_cummax3A_333 : vector<16xi32>
        %gather3A_335 = tpu.vector_load_idx %arg6[%shift_right_arithmetic3A_313] : memref<256xi32, #tpu.memory_space<vmem>>[vector<16xi32>], vector<16xi32>,
        %add3A_336 = arith.addi %gather3A_335, %sub3A_334 : vector<16xi32>
        %add3A_337 = arith.constant 1 : i32
        %add3A_338 = vector.broadcast %add3A_337 : i32 to vector<16xi32>
        %add3A_339 = arith.addi %iota3A, %add3A_338 : vector<16xi32>
        %min3A_340 = arith.constant 15 : i32
        %min3A_341 = vector.broadcast %min3A_340 : i32 to vector<16xi32>
        %min3A_342 = arith.minsi %add3A_339, %min3A_341 : vector<16xi32>
        %gather3A_343 = tpu.vector_load_idx %arg15[%min3A_342] : memref<16xi32, #tpu.memory_space<vmem>>[vector<16xi32>], vector<16xi32>,
        %ne3A_344 = arith.cmpi ne, %shift_right_arithmetic3A_313, %gather3A_343 : vector<16xi32>
        %eq3A_345 = arith.constant 15 : i32
        %eq3A_346 = vector.broadcast %eq3A_345 : i32 to vector<16xi32>
        %eq3A_347 = arith.cmpi eq, %iota3A, %eq3A_346 : vector<16xi32>
        %or3A_348 = arith.ori %ne3A_344, %eq3A_347 : vector<16xi1>
        %add3A_349 = arith.constant 1 : i32
        %add3A_350 = vector.broadcast %add3A_349 : i32 to vector<16xi32>
        %add3A_351 = arith.addi %sub3A_334, %add3A_350 : vector<16xi32>
        tpu.vector_store_idx %arg6[%shift_right_arithmetic3A_313], %add3A_351 masked %or3A_348 {add = true} : memref<256xi32, #tpu.memory_space<vmem>>[vector<16xi32>], vector<16xi32>, vector<16xi1>
        %swap3A_352 = arith.constant 0 : index
        %swap3A_353 = tpu.vector_load %arg16[%swap3A_352] {strides = array<i32>} : memref<16xi32, #tpu.memory_space<vmem>>, vector<16xi32>,
        tpu.vector_store %arg16[%swap3A_352], %get3A_289 {strides = array<i32>} : memref<16xi32, #tpu.memory_space<vmem>>, vector<16xi32>,
        %gather3A_354 = tpu.vector_load_idx %arg16[%masked_sort3A_309] : memref<16xi32, #tpu.memory_space<vmem>>[vector<16xi32>], vector<16xi32>,
        %swap3A_355 = arith.constant 0 : index
        %swap3A_356 = tpu.vector_load %arg17[%swap3A_355] {strides = array<i32>} : memref<16xi32, #tpu.memory_space<vmem>>, vector<16xi32>,
        tpu.vector_store %arg17[%swap3A_355], %get3A_293 {strides = array<i32>} : memref<16xi32, #tpu.memory_space<vmem>>, vector<16xi32>,
        %gather3A_357 = tpu.vector_load_idx %arg17[%masked_sort3A_309] : memref<16xi32, #tpu.memory_space<vmem>>[vector<16xi32>], vector<16xi32>,
        tpu.vector_store_idx %arg11[%add3A_336], %gather3A_354 : memref<6144xi32, #tpu.memory_space<vmem>>[vector<16xi32>], vector<16xi32>,
        tpu.vector_store_idx %arg12[%add3A_336], %gather3A_357 : memref<6144xi32, #tpu.memory_space<vmem>>[vector<16xi32>], vector<16xi32>,
        %while3A_358 = arith.constant 0 : i32
        scf.yield %while3A_358 : i32
      }
      %while3A_201 = arith.constant 1 : i32
      %while3A_202 = scf.for %while3A_284 = %while3A_198 to %while3A_194 step %while3A_201 iter_args(%while3A_285 = %while3A_200) -> (i32)  : i32 {
        %mul3A_286 = arith.constant 16 : i32
        %mul3A_287 = arith.muli %while3A_284, %mul3A_286 : i32
        %get3A_288 = arith.index_cast %mul3A_287 : i32 to index
        %get3A_289 = tpu.vector_load %arg9[%get3A_288] {strides = array<i32>} : memref<6144xi32, #tpu.memory_space<vmem>>, vector<16xi32>,
        %mul3A_290 = arith.constant 16 : i32
        %mul3A_291 = arith.muli %while3A_284, %mul3A_290 : i32
        %get3A_292 = arith.index_cast %mul3A_291 : i32 to index
        %get3A_293 = tpu.vector_load %arg10[%get3A_292] {strides = array<i32>} : memref<6144xi32, #tpu.memory_space<vmem>>, vector<16xi32>,
        %shift_right_arithmetic3A_294 = arith.constant 0 : i32
        %shift_right_arithmetic3A_295 = vector.broadcast %shift_right_arithmetic3A_294 : i32 to vector<16xi32>
        %shift_right_arithmetic3A_296 = arith.shrsi %get3A_289, %shift_right_arithmetic3A_295 : vector<16xi32>
        %and3A_297 = arith.constant 255 : i32
        %and3A_298 = vector.broadcast %and3A_297 : i32 to vector<16xi32>
        %and3A_299 = arith.andi %shift_right_arithmetic3A_296, %and3A_298 : vector<16xi32>
        %mul3A_300 = arith.constant 16 : i32
        %mul3A_301 = vector.broadcast %mul3A_300 : i32 to vector<16xi32>
        %mul3A_302 = arith.muli %and3A_299, %mul3A_301 : vector<16xi32>
        %add3A_303 = arith.addi %mul3A_302, %iota3A : vector<16xi32>
        %masked_sort3A = arith.constant dense<true> : vector<16xi1>
        %masked_sort3A_304 = arith.constant -2147483648 : i32
        %masked_sort3A_305 = vector.broadcast %masked_sort3A_304 : i32 to vector<16xi32>
        %masked_sort3A_306 = arith.xori %add3A_303, %masked_sort3A_305 : vector<16xi32>
        %masked_sort3A_307, %masked_sort3A_308, %masked_sort3A_309 = tpu.sort %masked_sort3A_306, %iota3A masked %masked_sort3A : (vector<16xi32>, vector<16xi32>, vector<16xi1>) -> (vector<16xi1>, vector<16xi32>, vector<16xi32>)
        %masked_sort3A_310 = arith.xori %masked_sort3A_308, %masked_sort3A_305 : vector<16xi32>
        %shift_right_arithmetic3A_311 = arith.constant 4 : i32
        %shift_right_arithmetic3A_312 = vector.broadcast %shift_right_arithmetic3A_311 : i32 to vector<16xi32>
        %shift_right_arithmetic3A_313 = arith.shrsi %masked_sort3A_310, %shift_right_arithmetic3A_312 : vector<16xi32>
        %swap3A = arith.constant 0 : index
        %swap3A_314 = tpu.vector_load %arg15[%swap3A] {strides = array<i32>} : memref<16xi32, #tpu.memory_space<vmem>>, vector<16xi32>,
        tpu.vector_store %arg15[%swap3A], %shift_right_arithmetic3A_313 {strides = array<i32>} : memref<16xi32, #tpu.memory_space<vmem>>, vector<16xi32>,
        %sub3A_315 = arith.constant 1 : i32
        %sub3A_316 = vector.broadcast %sub3A_315 : i32 to vector<16xi32>
        %sub3A_317 = arith.subi %iota3A, %sub3A_316 : vector<16xi32>
        %max3A = arith.constant 0 : i32
        %max3A_318 = vector.broadcast %max3A : i32 to vector<16xi32>
        %max3A_319 = arith.maxsi %sub3A_317, %max3A_318 : vector<16xi32>
        %gather3A = tpu.vector_load_idx %arg15[%max3A_319] : memref<16xi32, #tpu.memory_space<vmem>>[vector<16xi32>], vector<16xi32>,
        %ne3A_320 = arith.cmpi ne, %shift_right_arithmetic3A_313, %gather3A : vector<16xi32>
        %eq3A_321 = arith.constant 0 : i32
        %eq3A_322 = vector.broadcast %eq3A_321 : i32 to vector<16xi32>
        %eq3A_323 = arith.cmpi eq, %iota3A, %eq3A_322 : vector<16xi32>
        %or3A_324 = arith.ori %ne3A_320, %eq3A_323 : vector<16xi1>
        %jit3A_325 = arith.constant 0 : i32
        %broadcast_in_dim3A_326 = vector.broadcast %jit3A_325 : i32 to vector<16xi32>
        %select_n3A_327 = arith.select %or3A_324, %iota3A, %broadcast_in_dim3A_326 : vector<16xi1>, vector<16xi32>
        %broadcast_in_dim3A_328 = arith.constant true
        %broadcast_in_dim3A_329 = vector.broadcast %broadcast_in_dim3A_328 : i1 to vector<16xi1>
        %masked_cummax3A = arith.constant -2147483648 : i32
        %masked_cummax3A_330 = vector.broadcast %masked_cummax3A : i32 to vector<16xi32>
        %masked_cummax3A_331 = arith.xori %select_n3A_327, %masked_cummax3A_330 : vector<16xi32>
        %masked_cummax3A_332 = tpu.scan <max>, %masked_cummax3A_331 masked %broadcast_in_dim3A_329 : vector<16xi32>, vector<16xi1> -> vector<16xi32>
        %masked_cummax3A_333 = arith.xori %masked_cummax3A_332, %masked_cummax3A_330 : vector<16xi32>
        %sub3A_334 = arith.subi %iota3A, %masked_cummax3A_333 : vector<16xi32>
        %gather3A_335 = tpu.vector_load_idx %arg6[%shift_right_arithmetic3A_313] : memref<256xi32, #tpu.memory_space<vmem>>[vector<16xi32>], vector<16xi32>,
        %add3A_336 = arith.addi %gather3A_335, %sub3A_334 : vector<16xi32>
        %add3A_337 = arith.constant 1 : i32
        %add3A_338 = vector.broadcast %add3A_337 : i32 to vector<16xi32>
        %add3A_339 = arith.addi %iota3A, %add3A_338 : vector<16xi32>
        %min3A_340 = arith.constant 15 : i32
        %min3A_341 = vector.broadcast %min3A_340 : i32 to vector<16xi32>
        %min3A_342 = arith.minsi %add3A_339, %min3A_341 : vector<16xi32>
        %gather3A_343 = tpu.vector_load_idx %arg15[%min3A_342] : memref<16xi32, #tpu.memory_space<vmem>>[vector<16xi32>], vector<16xi32>,
        %ne3A_344 = arith.cmpi ne, %shift_right_arithmetic3A_313, %gather3A_343 : vector<16xi32>
        %eq3A_345 = arith.constant 15 : i32
        %eq3A_346 = vector.broadcast %eq3A_345 : i32 to vector<16xi32>
        %eq3A_347 = arith.cmpi eq, %iota3A, %eq3A_346 : vector<16xi32>
        %or3A_348 = arith.ori %ne3A_344, %eq3A_347 : vector<16xi1>
        %add3A_349 = arith.constant 1 : i32
        %add3A_350 = vector.broadcast %add3A_349 : i32 to vector<16xi32>
        %add3A_351 = arith.addi %sub3A_334, %add3A_350 : vector<16xi32>
        tpu.vector_store_idx %arg6[%shift_right_arithmetic3A_313], %add3A_351 masked %or3A_348 {add = true} : memref<256xi32, #tpu.memory_space<vmem>>[vector<16xi32>], vector<16xi32>, vector<16xi1>
        %swap3A_352 = arith.constant 0 : index
        %swap3A_353 = tpu.vector_load %arg16[%swap3A_352] {strides = array<i32>} : memref<16xi32, #tpu.memory_space<vmem>>, vector<16xi32>,
        tpu.vector_store %arg16[%swap3A_352], %get3A_289 {strides = array<i32>} : memref<16xi32, #tpu.memory_space<vmem>>, vector<16xi32>,
        %gather3A_354 = tpu.vector_load_idx %arg16[%masked_sort3A_309] : memref<16xi32, #tpu.memory_space<vmem>>[vector<16xi32>], vector<16xi32>,
        %swap3A_355 = arith.constant 0 : index
        %swap3A_356 = tpu.vector_load %arg17[%swap3A_355] {strides = array<i32>} : memref<16xi32, #tpu.memory_space<vmem>>, vector<16xi32>,
        tpu.vector_store %arg17[%swap3A_355], %get3A_293 {strides = array<i32>} : memref<16xi32, #tpu.memory_space<vmem>>, vector<16xi32>,
        %gather3A_357 = tpu.vector_load_idx %arg17[%masked_sort3A_309] : memref<16xi32, #tpu.memory_space<vmem>>[vector<16xi32>], vector<16xi32>,
        tpu.vector_store_idx %arg11[%add3A_336], %gather3A_354 : memref<6144xi32, #tpu.memory_space<vmem>>[vector<16xi32>], vector<16xi32>,
        tpu.vector_store_idx %arg12[%add3A_336], %gather3A_357 : memref<6144xi32, #tpu.memory_space<vmem>>[vector<16xi32>], vector<16xi32>,
        %while3A_358 = arith.constant 0 : i32
        scf.yield %while3A_358 : i32
      }
      %scan3A_203 = arith.constant 0 : i32
      %scan3A_204 = arith.constant 0 : i32
      %scan3A_205 = arith.constant 256 : i32
      %scan3A_206 = arith.addi %scan3A_204, %scan3A_205 : i32
      %scan3A_207 = arith.constant 1 : i32
      %scan3A_208 = scf.for %scan3A_284 = %scan3A_204 to %scan3A_206 step %scan3A_207 iter_args(%scan3A_285 = %scan3A_203) -> (i32)  : i32 {
        %broadcast_in_dim3A_286 = arith.constant 0 : i32
        %broadcast_in_dim3A_287 = vector.broadcast %broadcast_in_dim3A_286 : i32 to vector<16xi32>
        %mul3A_288 = arith.constant 16 : i32
        %mul3A_289 = arith.muli %scan3A_284, %mul3A_288 : i32
        %swap3A = arith.index_cast %mul3A_289 : i32 to index
        %swap3A_290 = tpu.vector_load %arg5[%swap3A] {strides = array<i32>} : memref<4096xi32, #tpu.memory_space<vmem>>, vector<16xi32>,
        tpu.vector_store %arg5[%swap3A], %broadcast_in_dim3A_287 {strides = array<i32>} : memref<4096xi32, #tpu.memory_space<vmem>>, vector<16xi32>,
        %scan3A_291 = arith.constant 0 : i32
        scf.yield %scan3A_291 : i32
      }
      %scan3A_209 = arith.constant 256 : i32
      %while3A_210 = arith.constant 0 : i32
      %while3A_211 = arith.constant 0 : i32
      %while3A_212 = arith.subi %min3A_158, %while3A_210 : i32
      %while3A_213 = arith.addi %while3A_210, %while3A_212 : i32
      %while3A_214 = arith.constant 1 : i32
      %while3A_215 = arith.divsi %while3A_212, %while3A_214 : i32
      %while3A_216 = arith.muli %while3A_215, %while3A_214 : i32
      %while3A_217 = arith.addi %while3A_210, %while3A_216 : i32
      %while3A_218 = arith.constant 1 : i32
      %while3A_219 = scf.for %while3A_284 = %while3A_210 to %while3A_217 step %while3A_218 iter_args(%while3A_285 = %while3A_211) -> (i32)  : i32 {
        %mul3A_286 = arith.constant 16 : i32
        %mul3A_287 = arith.muli %while3A_284, %mul3A_286 : i32
        %get3A_288 = arith.index_cast %mul3A_287 : i32 to index
        %get3A_289 = tpu.vector_load %arg11[%get3A_288] {strides = array<i32>} : memref<6144xi32, #tpu.memory_space<vmem>>, vector<16xi32>,
        %shift_right_arithmetic3A_290 = arith.constant 8 : i32
        %shift_right_arithmetic3A_291 = vector.broadcast %shift_right_arithmetic3A_290 : i32 to vector<16xi32>
        %shift_right_arithmetic3A_292 = arith.shrsi %get3A_289, %shift_right_arithmetic3A_291 : vector<16xi32>
        %and3A_293 = arith.constant 255 : i32
        %and3A_294 = vector.broadcast %and3A_293 : i32 to vector<16xi32>
        %and3A_295 = arith.andi %shift_right_arithmetic3A_292, %and3A_294 : vector<16xi32>
        %add3A_296 = arith.addi %and3A_295, %mul3A_34 : vector<16xi32>
        tpu.vector_store_idx %arg5[%add3A_296], %broadcast_in_dim3A_31 {add = true} : memref<4096xi32, #tpu.memory_space<vmem>>[vector<16xi32>], vector<16xi32>,
        %while3A_297 = arith.constant 0 : i32
        scf.yield %while3A_297 : i32
      }
      %while3A_220 = arith.constant 1 : i32
      %while3A_221 = scf.for %while3A_284 = %while3A_217 to %while3A_213 step %while3A_220 iter_args(%while3A_285 = %while3A_219) -> (i32)  : i32 {
        %mul3A_286 = arith.constant 16 : i32
        %mul3A_287 = arith.muli %while3A_284, %mul3A_286 : i32
        %get3A_288 = arith.index_cast %mul3A_287 : i32 to index
        %get3A_289 = tpu.vector_load %arg11[%get3A_288] {strides = array<i32>} : memref<6144xi32, #tpu.memory_space<vmem>>, vector<16xi32>,
        %shift_right_arithmetic3A_290 = arith.constant 8 : i32
        %shift_right_arithmetic3A_291 = vector.broadcast %shift_right_arithmetic3A_290 : i32 to vector<16xi32>
        %shift_right_arithmetic3A_292 = arith.shrsi %get3A_289, %shift_right_arithmetic3A_291 : vector<16xi32>
        %and3A_293 = arith.constant 255 : i32
        %and3A_294 = vector.broadcast %and3A_293 : i32 to vector<16xi32>
        %and3A_295 = arith.andi %shift_right_arithmetic3A_292, %and3A_294 : vector<16xi32>
        %add3A_296 = arith.addi %and3A_295, %mul3A_34 : vector<16xi32>
        tpu.vector_store_idx %arg5[%add3A_296], %broadcast_in_dim3A_31 {add = true} : memref<4096xi32, #tpu.memory_space<vmem>>[vector<16xi32>], vector<16xi32>,
        %while3A_297 = arith.constant 0 : i32
        scf.yield %while3A_297 : i32
      }
      %scan3A_222 = arith.constant 0 : i32
      %scan3A_223 = arith.constant 0 : i32
      %scan3A_224 = arith.constant 16 : i32
      %scan3A_225 = arith.addi %scan3A_223, %scan3A_224 : i32
      %scan3A_226 = arith.constant 1 : i32
      %scan3A_227 = scf.for %scan3A_284 = %scan3A_223 to %scan3A_225 step %scan3A_226 iter_args(%scan3A_285 = %scan3A_222) -> (i32)  : i32 {
        %mul3A_286 = arith.constant 16 : i32
        %mul3A_287 = arith.muli %scan3A_284, %mul3A_286 : i32
        %get3A_288 = arith.index_cast %mul3A_287 : i32 to index
        %get3A_289 = tpu.vector_load %arg5[%get3A_288] {strides = array<i32>} : memref<4096xi32, #tpu.memory_space<vmem>>, vector<16xi32>,
        %mul3A_290 = arith.constant 16 : i32
        %mul3A_291 = arith.muli %scan3A_284, %mul3A_290 : i32
        %add3A_292 = arith.constant 256 : i32
        %add3A_293 = arith.addi %add3A_292, %mul3A_291 : i32
        %get3A_294 = arith.index_cast %add3A_293 : i32 to index
        %get3A_295 = tpu.vector_load %arg5[%get3A_294] {strides = array<i32>} : memref<4096xi32, #tpu.memory_space<vmem>>, vector<16xi32>,
        %add3A_296 = arith.addi %get3A_289, %get3A_295 : vector<16xi32>
        %mul3A_297 = arith.constant 16 : i32
        %mul3A_298 = arith.muli %scan3A_284, %mul3A_297 : i32
        %add3A_299 = arith.constant 512 : i32
        %add3A_300 = arith.addi %add3A_299, %mul3A_298 : i32
        %get3A_301 = arith.index_cast %add3A_300 : i32 to index
        %get3A_302 = tpu.vector_load %arg5[%get3A_301] {strides = array<i32>} : memref<4096xi32, #tpu.memory_space<vmem>>, vector<16xi32>,
        %add3A_303 = arith.addi %add3A_296, %get3A_302 : vector<16xi32>
        %mul3A_304 = arith.constant 16 : i32
        %mul3A_305 = arith.muli %scan3A_284, %mul3A_304 : i32
        %add3A_306 = arith.constant 768 : i32
        %add3A_307 = arith.addi %add3A_306, %mul3A_305 : i32
        %get3A_308 = arith.index_cast %add3A_307 : i32 to index
        %get3A_309 = tpu.vector_load %arg5[%get3A_308] {strides = array<i32>} : memref<4096xi32, #tpu.memory_space<vmem>>, vector<16xi32>,
        %add3A_310 = arith.addi %add3A_303, %get3A_309 : vector<16xi32>
        %mul3A_311 = arith.constant 16 : i32
        %mul3A_312 = arith.muli %scan3A_284, %mul3A_311 : i32
        %add3A_313 = arith.constant 1024 : i32
        %add3A_314 = arith.addi %add3A_313, %mul3A_312 : i32
        %get3A_315 = arith.index_cast %add3A_314 : i32 to index
        %get3A_316 = tpu.vector_load %arg5[%get3A_315] {strides = array<i32>} : memref<4096xi32, #tpu.memory_space<vmem>>, vector<16xi32>,
        %add3A_317 = arith.addi %add3A_310, %get3A_316 : vector<16xi32>
        %mul3A_318 = arith.constant 16 : i32
        %mul3A_319 = arith.muli %scan3A_284, %mul3A_318 : i32
        %add3A_320 = arith.constant 1280 : i32
        %add3A_321 = arith.addi %add3A_320, %mul3A_319 : i32
        %get3A_322 = arith.index_cast %add3A_321 : i32 to index
        %get3A_323 = tpu.vector_load %arg5[%get3A_322] {strides = array<i32>} : memref<4096xi32, #tpu.memory_space<vmem>>, vector<16xi32>,
        %add3A_324 = arith.addi %add3A_317, %get3A_323 : vector<16xi32>
        %mul3A_325 = arith.constant 16 : i32
        %mul3A_326 = arith.muli %scan3A_284, %mul3A_325 : i32
        %add3A_327 = arith.constant 1536 : i32
        %add3A_328 = arith.addi %add3A_327, %mul3A_326 : i32
        %get3A_329 = arith.index_cast %add3A_328 : i32 to index
        %get3A_330 = tpu.vector_load %arg5[%get3A_329] {strides = array<i32>} : memref<4096xi32, #tpu.memory_space<vmem>>, vector<16xi32>,
        %add3A_331 = arith.addi %add3A_324, %get3A_330 : vector<16xi32>
        %mul3A_332 = arith.constant 16 : i32
        %mul3A_333 = arith.muli %scan3A_284, %mul3A_332 : i32
        %add3A_334 = arith.constant 1792 : i32
        %add3A_335 = arith.addi %add3A_334, %mul3A_333 : i32
        %get3A_336 = arith.index_cast %add3A_335 : i32 to index
        %get3A_337 = tpu.vector_load %arg5[%get3A_336] {strides = array<i32>} : memref<4096xi32, #tpu.memory_space<vmem>>, vector<16xi32>,
        %add3A_338 = arith.addi %add3A_331, %get3A_337 : vector<16xi32>
        %mul3A_339 = arith.constant 16 : i32
        %mul3A_340 = arith.muli %scan3A_284, %mul3A_339 : i32
        %add3A_341 = arith.constant 2048 : i32
        %add3A_342 = arith.addi %add3A_341, %mul3A_340 : i32
        %get3A_343 = arith.index_cast %add3A_342 : i32 to index
        %get3A_344 = tpu.vector_load %arg5[%get3A_343] {strides = array<i32>} : memref<4096xi32, #tpu.memory_space<vmem>>, vector<16xi32>,
        %add3A_345 = arith.addi %add3A_338, %get3A_344 : vector<16xi32>
        %mul3A_346 = arith.constant 16 : i32
        %mul3A_347 = arith.muli %scan3A_284, %mul3A_346 : i32
        %add3A_348 = arith.constant 2304 : i32
        %add3A_349 = arith.addi %add3A_348, %mul3A_347 : i32
        %get3A_350 = arith.index_cast %add3A_349 : i32 to index
        %get3A_351 = tpu.vector_load %arg5[%get3A_350] {strides = array<i32>} : memref<4096xi32, #tpu.memory_space<vmem>>, vector<16xi32>,
        %add3A_352 = arith.addi %add3A_345, %get3A_351 : vector<16xi32>
        %mul3A_353 = arith.constant 16 : i32
        %mul3A_354 = arith.muli %scan3A_284, %mul3A_353 : i32
        %add3A_355 = arith.constant 2560 : i32
        %add3A_356 = arith.addi %add3A_355, %mul3A_354 : i32
        %get3A_357 = arith.index_cast %add3A_356 : i32 to index
        %get3A_358 = tpu.vector_load %arg5[%get3A_357] {strides = array<i32>} : memref<4096xi32, #tpu.memory_space<vmem>>, vector<16xi32>,
        %add3A_359 = arith.addi %add3A_352, %get3A_358 : vector<16xi32>
        %mul3A_360 = arith.constant 16 : i32
        %mul3A_361 = arith.muli %scan3A_284, %mul3A_360 : i32
        %add3A_362 = arith.constant 2816 : i32
        %add3A_363 = arith.addi %add3A_362, %mul3A_361 : i32
        %get3A_364 = arith.index_cast %add3A_363 : i32 to index
        %get3A_365 = tpu.vector_load %arg5[%get3A_364] {strides = array<i32>} : memref<4096xi32, #tpu.memory_space<vmem>>, vector<16xi32>,
        %add3A_366 = arith.addi %add3A_359, %get3A_365 : vector<16xi32>
        %mul3A_367 = arith.constant 16 : i32
        %mul3A_368 = arith.muli %scan3A_284, %mul3A_367 : i32
        %add3A_369 = arith.constant 3072 : i32
        %add3A_370 = arith.addi %add3A_369, %mul3A_368 : i32
        %get3A_371 = arith.index_cast %add3A_370 : i32 to index
        %get3A_372 = tpu.vector_load %arg5[%get3A_371] {strides = array<i32>} : memref<4096xi32, #tpu.memory_space<vmem>>, vector<16xi32>,
        %add3A_373 = arith.addi %add3A_366, %get3A_372 : vector<16xi32>
        %mul3A_374 = arith.constant 16 : i32
        %mul3A_375 = arith.muli %scan3A_284, %mul3A_374 : i32
        %add3A_376 = arith.constant 3328 : i32
        %add3A_377 = arith.addi %add3A_376, %mul3A_375 : i32
        %get3A_378 = arith.index_cast %add3A_377 : i32 to index
        %get3A_379 = tpu.vector_load %arg5[%get3A_378] {strides = array<i32>} : memref<4096xi32, #tpu.memory_space<vmem>>, vector<16xi32>,
        %add3A_380 = arith.addi %add3A_373, %get3A_379 : vector<16xi32>
        %mul3A_381 = arith.constant 16 : i32
        %mul3A_382 = arith.muli %scan3A_284, %mul3A_381 : i32
        %add3A_383 = arith.constant 3584 : i32
        %add3A_384 = arith.addi %add3A_383, %mul3A_382 : i32
        %get3A_385 = arith.index_cast %add3A_384 : i32 to index
        %get3A_386 = tpu.vector_load %arg5[%get3A_385] {strides = array<i32>} : memref<4096xi32, #tpu.memory_space<vmem>>, vector<16xi32>,
        %add3A_387 = arith.addi %add3A_380, %get3A_386 : vector<16xi32>
        %mul3A_388 = arith.constant 16 : i32
        %mul3A_389 = arith.muli %scan3A_284, %mul3A_388 : i32
        %add3A_390 = arith.constant 3840 : i32
        %add3A_391 = arith.addi %add3A_390, %mul3A_389 : i32
        %get3A_392 = arith.index_cast %add3A_391 : i32 to index
        %get3A_393 = tpu.vector_load %arg5[%get3A_392] {strides = array<i32>} : memref<4096xi32, #tpu.memory_space<vmem>>, vector<16xi32>,
        %add3A_394 = arith.addi %add3A_387, %get3A_393 : vector<16xi32>
        %broadcast_in_dim3A_395 = arith.constant true
        %broadcast_in_dim3A_396 = vector.broadcast %broadcast_in_dim3A_395 : i1 to vector<16xi1>
        %masked_cumsum3A = tpu.scan <sum>, %add3A_394 masked %broadcast_in_dim3A_396 : vector<16xi32>, vector<16xi1> -> vector<16xi32>
        %sub3A_397 = arith.subi %masked_cumsum3A, %add3A_394 : vector<16xi32>
        %add3A_398 = vector.broadcast %scan3A_285 : i32 to vector<16xi32>
        %add3A_399 = arith.addi %sub3A_397, %add3A_398 : vector<16xi32>
        %mul3A_400 = arith.constant 16 : i32
        %mul3A_401 = arith.muli %scan3A_284, %mul3A_400 : i32
        %swap3A = arith.index_cast %mul3A_401 : i32 to index
        %swap3A_402 = tpu.vector_load %arg6[%swap3A] {strides = array<i32>} : memref<256xi32, #tpu.memory_space<vmem>>, vector<16xi32>,
        tpu.vector_store %arg6[%swap3A], %add3A_399 {strides = array<i32>} : memref<256xi32, #tpu.memory_space<vmem>>, vector<16xi32>,
        %reduce_sum3A = arith.constant true
        %reduce_sum3A_403 = vector.broadcast %reduce_sum3A : i1 to vector<16xi1>
        %reduce_sum3A_404 = tpu.scan <sum>, %add3A_394 masked %reduce_sum3A_403 : vector<16xi32>, vector<16xi1> -> vector<16xi32>
        %reduce_sum3A_405 = vector.extract %reduce_sum3A_404[15] : i32 from vector<16xi32>
        %add3A_406 = arith.addi %scan3A_285, %reduce_sum3A_405 : i32
        scf.yield %add3A_406 : i32
      }
      %scan3A_228 = arith.constant 16 : i32
      %while3A_229 = arith.constant 0 : i32
      %while3A_230 = arith.constant 0 : i32
      %while3A_231 = arith.subi %min3A_158, %while3A_229 : i32
      %while3A_232 = arith.addi %while3A_229, %while3A_231 : i32
      %while3A_233 = arith.constant 1 : i32
      %while3A_234 = arith.divsi %while3A_231, %while3A_233 : i32
      %while3A_235 = arith.muli %while3A_234, %while3A_233 : i32
      %while3A_236 = arith.addi %while3A_229, %while3A_235 : i32
      %while3A_237 = arith.constant 1 : i32
      %while3A_238 = scf.for %while3A_284 = %while3A_229 to %while3A_236 step %while3A_237 iter_args(%while3A_285 = %while3A_230) -> (i32)  : i32 {
        %mul3A_286 = arith.constant 16 : i32
        %mul3A_287 = arith.muli %while3A_284, %mul3A_286 : i32
        %get3A_288 = arith.index_cast %mul3A_287 : i32 to index
        %get3A_289 = tpu.vector_load %arg11[%get3A_288] {strides = array<i32>} : memref<6144xi32, #tpu.memory_space<vmem>>, vector<16xi32>,
        %mul3A_290 = arith.constant 16 : i32
        %mul3A_291 = arith.muli %while3A_284, %mul3A_290 : i32
        %get3A_292 = arith.index_cast %mul3A_291 : i32 to index
        %get3A_293 = tpu.vector_load %arg12[%get3A_292] {strides = array<i32>} : memref<6144xi32, #tpu.memory_space<vmem>>, vector<16xi32>,
        %shift_right_arithmetic3A_294 = arith.constant 8 : i32
        %shift_right_arithmetic3A_295 = vector.broadcast %shift_right_arithmetic3A_294 : i32 to vector<16xi32>
        %shift_right_arithmetic3A_296 = arith.shrsi %get3A_289, %shift_right_arithmetic3A_295 : vector<16xi32>
        %and3A_297 = arith.constant 255 : i32
        %and3A_298 = vector.broadcast %and3A_297 : i32 to vector<16xi32>
        %and3A_299 = arith.andi %shift_right_arithmetic3A_296, %and3A_298 : vector<16xi32>
        %mul3A_300 = arith.constant 16 : i32
        %mul3A_301 = vector.broadcast %mul3A_300 : i32 to vector<16xi32>
        %mul3A_302 = arith.muli %and3A_299, %mul3A_301 : vector<16xi32>
        %add3A_303 = arith.addi %mul3A_302, %iota3A : vector<16xi32>
        %masked_sort3A = arith.constant dense<true> : vector<16xi1>
        %masked_sort3A_304 = arith.constant -2147483648 : i32
        %masked_sort3A_305 = vector.broadcast %masked_sort3A_304 : i32 to vector<16xi32>
        %masked_sort3A_306 = arith.xori %add3A_303, %masked_sort3A_305 : vector<16xi32>
        %masked_sort3A_307, %masked_sort3A_308, %masked_sort3A_309 = tpu.sort %masked_sort3A_306, %iota3A masked %masked_sort3A : (vector<16xi32>, vector<16xi32>, vector<16xi1>) -> (vector<16xi1>, vector<16xi32>, vector<16xi32>)
        %masked_sort3A_310 = arith.xori %masked_sort3A_308, %masked_sort3A_305 : vector<16xi32>
        %shift_right_arithmetic3A_311 = arith.constant 4 : i32
        %shift_right_arithmetic3A_312 = vector.broadcast %shift_right_arithmetic3A_311 : i32 to vector<16xi32>
        %shift_right_arithmetic3A_313 = arith.shrsi %masked_sort3A_310, %shift_right_arithmetic3A_312 : vector<16xi32>
        %swap3A = arith.constant 0 : index
        %swap3A_314 = tpu.vector_load %arg15[%swap3A] {strides = array<i32>} : memref<16xi32, #tpu.memory_space<vmem>>, vector<16xi32>,
        tpu.vector_store %arg15[%swap3A], %shift_right_arithmetic3A_313 {strides = array<i32>} : memref<16xi32, #tpu.memory_space<vmem>>, vector<16xi32>,
        %sub3A_315 = arith.constant 1 : i32
        %sub3A_316 = vector.broadcast %sub3A_315 : i32 to vector<16xi32>
        %sub3A_317 = arith.subi %iota3A, %sub3A_316 : vector<16xi32>
        %max3A = arith.constant 0 : i32
        %max3A_318 = vector.broadcast %max3A : i32 to vector<16xi32>
        %max3A_319 = arith.maxsi %sub3A_317, %max3A_318 : vector<16xi32>
        %gather3A = tpu.vector_load_idx %arg15[%max3A_319] : memref<16xi32, #tpu.memory_space<vmem>>[vector<16xi32>], vector<16xi32>,
        %ne3A_320 = arith.cmpi ne, %shift_right_arithmetic3A_313, %gather3A : vector<16xi32>
        %eq3A_321 = arith.constant 0 : i32
        %eq3A_322 = vector.broadcast %eq3A_321 : i32 to vector<16xi32>
        %eq3A_323 = arith.cmpi eq, %iota3A, %eq3A_322 : vector<16xi32>
        %or3A_324 = arith.ori %ne3A_320, %eq3A_323 : vector<16xi1>
        %jit3A_325 = arith.constant 0 : i32
        %broadcast_in_dim3A_326 = vector.broadcast %jit3A_325 : i32 to vector<16xi32>
        %select_n3A_327 = arith.select %or3A_324, %iota3A, %broadcast_in_dim3A_326 : vector<16xi1>, vector<16xi32>
        %broadcast_in_dim3A_328 = arith.constant true
        %broadcast_in_dim3A_329 = vector.broadcast %broadcast_in_dim3A_328 : i1 to vector<16xi1>
        %masked_cummax3A = arith.constant -2147483648 : i32
        %masked_cummax3A_330 = vector.broadcast %masked_cummax3A : i32 to vector<16xi32>
        %masked_cummax3A_331 = arith.xori %select_n3A_327, %masked_cummax3A_330 : vector<16xi32>
        %masked_cummax3A_332 = tpu.scan <max>, %masked_cummax3A_331 masked %broadcast_in_dim3A_329 : vector<16xi32>, vector<16xi1> -> vector<16xi32>
        %masked_cummax3A_333 = arith.xori %masked_cummax3A_332, %masked_cummax3A_330 : vector<16xi32>
        %sub3A_334 = arith.subi %iota3A, %masked_cummax3A_333 : vector<16xi32>
        %gather3A_335 = tpu.vector_load_idx %arg6[%shift_right_arithmetic3A_313] : memref<256xi32, #tpu.memory_space<vmem>>[vector<16xi32>], vector<16xi32>,
        %add3A_336 = arith.addi %gather3A_335, %sub3A_334 : vector<16xi32>
        %add3A_337 = arith.constant 1 : i32
        %add3A_338 = vector.broadcast %add3A_337 : i32 to vector<16xi32>
        %add3A_339 = arith.addi %iota3A, %add3A_338 : vector<16xi32>
        %min3A_340 = arith.constant 15 : i32
        %min3A_341 = vector.broadcast %min3A_340 : i32 to vector<16xi32>
        %min3A_342 = arith.minsi %add3A_339, %min3A_341 : vector<16xi32>
        %gather3A_343 = tpu.vector_load_idx %arg15[%min3A_342] : memref<16xi32, #tpu.memory_space<vmem>>[vector<16xi32>], vector<16xi32>,
        %ne3A_344 = arith.cmpi ne, %shift_right_arithmetic3A_313, %gather3A_343 : vector<16xi32>
        %eq3A_345 = arith.constant 15 : i32
        %eq3A_346 = vector.broadcast %eq3A_345 : i32 to vector<16xi32>
        %eq3A_347 = arith.cmpi eq, %iota3A, %eq3A_346 : vector<16xi32>
        %or3A_348 = arith.ori %ne3A_344, %eq3A_347 : vector<16xi1>
        %add3A_349 = arith.constant 1 : i32
        %add3A_350 = vector.broadcast %add3A_349 : i32 to vector<16xi32>
        %add3A_351 = arith.addi %sub3A_334, %add3A_350 : vector<16xi32>
        tpu.vector_store_idx %arg6[%shift_right_arithmetic3A_313], %add3A_351 masked %or3A_348 {add = true} : memref<256xi32, #tpu.memory_space<vmem>>[vector<16xi32>], vector<16xi32>, vector<16xi1>
        %swap3A_352 = arith.constant 0 : index
        %swap3A_353 = tpu.vector_load %arg16[%swap3A_352] {strides = array<i32>} : memref<16xi32, #tpu.memory_space<vmem>>, vector<16xi32>,
        tpu.vector_store %arg16[%swap3A_352], %get3A_289 {strides = array<i32>} : memref<16xi32, #tpu.memory_space<vmem>>, vector<16xi32>,
        %gather3A_354 = tpu.vector_load_idx %arg16[%masked_sort3A_309] : memref<16xi32, #tpu.memory_space<vmem>>[vector<16xi32>], vector<16xi32>,
        %swap3A_355 = arith.constant 0 : index
        %swap3A_356 = tpu.vector_load %arg17[%swap3A_355] {strides = array<i32>} : memref<16xi32, #tpu.memory_space<vmem>>, vector<16xi32>,
        tpu.vector_store %arg17[%swap3A_355], %get3A_293 {strides = array<i32>} : memref<16xi32, #tpu.memory_space<vmem>>, vector<16xi32>,
        %gather3A_357 = tpu.vector_load_idx %arg17[%masked_sort3A_309] : memref<16xi32, #tpu.memory_space<vmem>>[vector<16xi32>], vector<16xi32>,
        tpu.vector_store_idx %arg9[%add3A_336], %gather3A_354 : memref<6144xi32, #tpu.memory_space<vmem>>[vector<16xi32>], vector<16xi32>,
        tpu.vector_store_idx %arg10[%add3A_336], %gather3A_357 : memref<6144xi32, #tpu.memory_space<vmem>>[vector<16xi32>], vector<16xi32>,
        %while3A_358 = arith.constant 0 : i32
        scf.yield %while3A_358 : i32
      }
      %while3A_239 = arith.constant 1 : i32
      %while3A_240 = scf.for %while3A_284 = %while3A_236 to %while3A_232 step %while3A_239 iter_args(%while3A_285 = %while3A_238) -> (i32)  : i32 {
        %mul3A_286 = arith.constant 16 : i32
        %mul3A_287 = arith.muli %while3A_284, %mul3A_286 : i32
        %get3A_288 = arith.index_cast %mul3A_287 : i32 to index
        %get3A_289 = tpu.vector_load %arg11[%get3A_288] {strides = array<i32>} : memref<6144xi32, #tpu.memory_space<vmem>>, vector<16xi32>,
        %mul3A_290 = arith.constant 16 : i32
        %mul3A_291 = arith.muli %while3A_284, %mul3A_290 : i32
        %get3A_292 = arith.index_cast %mul3A_291 : i32 to index
        %get3A_293 = tpu.vector_load %arg12[%get3A_292] {strides = array<i32>} : memref<6144xi32, #tpu.memory_space<vmem>>, vector<16xi32>,
        %shift_right_arithmetic3A_294 = arith.constant 8 : i32
        %shift_right_arithmetic3A_295 = vector.broadcast %shift_right_arithmetic3A_294 : i32 to vector<16xi32>
        %shift_right_arithmetic3A_296 = arith.shrsi %get3A_289, %shift_right_arithmetic3A_295 : vector<16xi32>
        %and3A_297 = arith.constant 255 : i32
        %and3A_298 = vector.broadcast %and3A_297 : i32 to vector<16xi32>
        %and3A_299 = arith.andi %shift_right_arithmetic3A_296, %and3A_298 : vector<16xi32>
        %mul3A_300 = arith.constant 16 : i32
        %mul3A_301 = vector.broadcast %mul3A_300 : i32 to vector<16xi32>
        %mul3A_302 = arith.muli %and3A_299, %mul3A_301 : vector<16xi32>
        %add3A_303 = arith.addi %mul3A_302, %iota3A : vector<16xi32>
        %masked_sort3A = arith.constant dense<true> : vector<16xi1>
        %masked_sort3A_304 = arith.constant -2147483648 : i32
        %masked_sort3A_305 = vector.broadcast %masked_sort3A_304 : i32 to vector<16xi32>
        %masked_sort3A_306 = arith.xori %add3A_303, %masked_sort3A_305 : vector<16xi32>
        %masked_sort3A_307, %masked_sort3A_308, %masked_sort3A_309 = tpu.sort %masked_sort3A_306, %iota3A masked %masked_sort3A : (vector<16xi32>, vector<16xi32>, vector<16xi1>) -> (vector<16xi1>, vector<16xi32>, vector<16xi32>)
        %masked_sort3A_310 = arith.xori %masked_sort3A_308, %masked_sort3A_305 : vector<16xi32>
        %shift_right_arithmetic3A_311 = arith.constant 4 : i32
        %shift_right_arithmetic3A_312 = vector.broadcast %shift_right_arithmetic3A_311 : i32 to vector<16xi32>
        %shift_right_arithmetic3A_313 = arith.shrsi %masked_sort3A_310, %shift_right_arithmetic3A_312 : vector<16xi32>
        %swap3A = arith.constant 0 : index
        %swap3A_314 = tpu.vector_load %arg15[%swap3A] {strides = array<i32>} : memref<16xi32, #tpu.memory_space<vmem>>, vector<16xi32>,
        tpu.vector_store %arg15[%swap3A], %shift_right_arithmetic3A_313 {strides = array<i32>} : memref<16xi32, #tpu.memory_space<vmem>>, vector<16xi32>,
        %sub3A_315 = arith.constant 1 : i32
        %sub3A_316 = vector.broadcast %sub3A_315 : i32 to vector<16xi32>
        %sub3A_317 = arith.subi %iota3A, %sub3A_316 : vector<16xi32>
        %max3A = arith.constant 0 : i32
        %max3A_318 = vector.broadcast %max3A : i32 to vector<16xi32>
        %max3A_319 = arith.maxsi %sub3A_317, %max3A_318 : vector<16xi32>
        %gather3A = tpu.vector_load_idx %arg15[%max3A_319] : memref<16xi32, #tpu.memory_space<vmem>>[vector<16xi32>], vector<16xi32>,
        %ne3A_320 = arith.cmpi ne, %shift_right_arithmetic3A_313, %gather3A : vector<16xi32>
        %eq3A_321 = arith.constant 0 : i32
        %eq3A_322 = vector.broadcast %eq3A_321 : i32 to vector<16xi32>
        %eq3A_323 = arith.cmpi eq, %iota3A, %eq3A_322 : vector<16xi32>
        %or3A_324 = arith.ori %ne3A_320, %eq3A_323 : vector<16xi1>
        %jit3A_325 = arith.constant 0 : i32
        %broadcast_in_dim3A_326 = vector.broadcast %jit3A_325 : i32 to vector<16xi32>
        %select_n3A_327 = arith.select %or3A_324, %iota3A, %broadcast_in_dim3A_326 : vector<16xi1>, vector<16xi32>
        %broadcast_in_dim3A_328 = arith.constant true
        %broadcast_in_dim3A_329 = vector.broadcast %broadcast_in_dim3A_328 : i1 to vector<16xi1>
        %masked_cummax3A = arith.constant -2147483648 : i32
        %masked_cummax3A_330 = vector.broadcast %masked_cummax3A : i32 to vector<16xi32>
        %masked_cummax3A_331 = arith.xori %select_n3A_327, %masked_cummax3A_330 : vector<16xi32>
        %masked_cummax3A_332 = tpu.scan <max>, %masked_cummax3A_331 masked %broadcast_in_dim3A_329 : vector<16xi32>, vector<16xi1> -> vector<16xi32>
        %masked_cummax3A_333 = arith.xori %masked_cummax3A_332, %masked_cummax3A_330 : vector<16xi32>
        %sub3A_334 = arith.subi %iota3A, %masked_cummax3A_333 : vector<16xi32>
        %gather3A_335 = tpu.vector_load_idx %arg6[%shift_right_arithmetic3A_313] : memref<256xi32, #tpu.memory_space<vmem>>[vector<16xi32>], vector<16xi32>,
        %add3A_336 = arith.addi %gather3A_335, %sub3A_334 : vector<16xi32>
        %add3A_337 = arith.constant 1 : i32
        %add3A_338 = vector.broadcast %add3A_337 : i32 to vector<16xi32>
        %add3A_339 = arith.addi %iota3A, %add3A_338 : vector<16xi32>
        %min3A_340 = arith.constant 15 : i32
        %min3A_341 = vector.broadcast %min3A_340 : i32 to vector<16xi32>
        %min3A_342 = arith.minsi %add3A_339, %min3A_341 : vector<16xi32>
        %gather3A_343 = tpu.vector_load_idx %arg15[%min3A_342] : memref<16xi32, #tpu.memory_space<vmem>>[vector<16xi32>], vector<16xi32>,
        %ne3A_344 = arith.cmpi ne, %shift_right_arithmetic3A_313, %gather3A_343 : vector<16xi32>
        %eq3A_345 = arith.constant 15 : i32
        %eq3A_346 = vector.broadcast %eq3A_345 : i32 to vector<16xi32>
        %eq3A_347 = arith.cmpi eq, %iota3A, %eq3A_346 : vector<16xi32>
        %or3A_348 = arith.ori %ne3A_344, %eq3A_347 : vector<16xi1>
        %add3A_349 = arith.constant 1 : i32
        %add3A_350 = vector.broadcast %add3A_349 : i32 to vector<16xi32>
        %add3A_351 = arith.addi %sub3A_334, %add3A_350 : vector<16xi32>
        tpu.vector_store_idx %arg6[%shift_right_arithmetic3A_313], %add3A_351 masked %or3A_348 {add = true} : memref<256xi32, #tpu.memory_space<vmem>>[vector<16xi32>], vector<16xi32>, vector<16xi1>
        %swap3A_352 = arith.constant 0 : index
        %swap3A_353 = tpu.vector_load %arg16[%swap3A_352] {strides = array<i32>} : memref<16xi32, #tpu.memory_space<vmem>>, vector<16xi32>,
        tpu.vector_store %arg16[%swap3A_352], %get3A_289 {strides = array<i32>} : memref<16xi32, #tpu.memory_space<vmem>>, vector<16xi32>,
        %gather3A_354 = tpu.vector_load_idx %arg16[%masked_sort3A_309] : memref<16xi32, #tpu.memory_space<vmem>>[vector<16xi32>], vector<16xi32>,
        %swap3A_355 = arith.constant 0 : index
        %swap3A_356 = tpu.vector_load %arg17[%swap3A_355] {strides = array<i32>} : memref<16xi32, #tpu.memory_space<vmem>>, vector<16xi32>,
        tpu.vector_store %arg17[%swap3A_355], %get3A_293 {strides = array<i32>} : memref<16xi32, #tpu.memory_space<vmem>>, vector<16xi32>,
        %gather3A_357 = tpu.vector_load_idx %arg17[%masked_sort3A_309] : memref<16xi32, #tpu.memory_space<vmem>>[vector<16xi32>], vector<16xi32>,
        tpu.vector_store_idx %arg9[%add3A_336], %gather3A_354 : memref<6144xi32, #tpu.memory_space<vmem>>[vector<16xi32>], vector<16xi32>,
        tpu.vector_store_idx %arg10[%add3A_336], %gather3A_357 : memref<6144xi32, #tpu.memory_space<vmem>>[vector<16xi32>], vector<16xi32>,
        %while3A_358 = arith.constant 0 : i32
        scf.yield %while3A_358 : i32
      }
      %scan3A_241 = arith.constant 0 : i32
      %scan3A_242 = arith.constant 0 : i32
      %scan3A_243 = arith.constant 256 : i32
      %scan3A_244 = arith.addi %scan3A_242, %scan3A_243 : i32
      %scan3A_245 = arith.constant 1 : i32
      %scan3A_246 = scf.for %scan3A_284 = %scan3A_242 to %scan3A_244 step %scan3A_245 iter_args(%scan3A_285 = %scan3A_241) -> (i32)  : i32 {
        %broadcast_in_dim3A_286 = arith.constant 0 : i32
        %broadcast_in_dim3A_287 = vector.broadcast %broadcast_in_dim3A_286 : i32 to vector<16xi32>
        %mul3A_288 = arith.constant 16 : i32
        %mul3A_289 = arith.muli %scan3A_284, %mul3A_288 : i32
        %swap3A = arith.index_cast %mul3A_289 : i32 to index
        %swap3A_290 = tpu.vector_load %arg5[%swap3A] {strides = array<i32>} : memref<4096xi32, #tpu.memory_space<vmem>>, vector<16xi32>,
        tpu.vector_store %arg5[%swap3A], %broadcast_in_dim3A_287 {strides = array<i32>} : memref<4096xi32, #tpu.memory_space<vmem>>, vector<16xi32>,
        %scan3A_291 = arith.constant 0 : i32
        scf.yield %scan3A_291 : i32
      }
      %scan3A_247 = arith.constant 256 : i32
      %while3A_248 = arith.constant 0 : i32
      %while3A_249 = arith.constant 0 : i32
      %while3A_250 = arith.subi %min3A_158, %while3A_248 : i32
      %while3A_251 = arith.addi %while3A_248, %while3A_250 : i32
      %while3A_252 = arith.constant 1 : i32
      %while3A_253 = arith.divsi %while3A_250, %while3A_252 : i32
      %while3A_254 = arith.muli %while3A_253, %while3A_252 : i32
      %while3A_255 = arith.addi %while3A_248, %while3A_254 : i32
      %while3A_256 = arith.constant 1 : i32
      %while3A_257 = scf.for %while3A_284 = %while3A_248 to %while3A_255 step %while3A_256 iter_args(%while3A_285 = %while3A_249) -> (i32)  : i32 {
        %mul3A_286 = arith.constant 16 : i32
        %mul3A_287 = arith.muli %while3A_284, %mul3A_286 : i32
        %get3A_288 = arith.index_cast %mul3A_287 : i32 to index
        %get3A_289 = tpu.vector_load %arg9[%get3A_288] {strides = array<i32>} : memref<6144xi32, #tpu.memory_space<vmem>>, vector<16xi32>,
        %shift_right_arithmetic3A_290 = arith.constant 16 : i32
        %shift_right_arithmetic3A_291 = vector.broadcast %shift_right_arithmetic3A_290 : i32 to vector<16xi32>
        %shift_right_arithmetic3A_292 = arith.shrsi %get3A_289, %shift_right_arithmetic3A_291 : vector<16xi32>
        %and3A_293 = arith.constant 255 : i32
        %and3A_294 = vector.broadcast %and3A_293 : i32 to vector<16xi32>
        %and3A_295 = arith.andi %shift_right_arithmetic3A_292, %and3A_294 : vector<16xi32>
        %add3A_296 = arith.addi %and3A_295, %mul3A_34 : vector<16xi32>
        tpu.vector_store_idx %arg5[%add3A_296], %broadcast_in_dim3A_31 {add = true} : memref<4096xi32, #tpu.memory_space<vmem>>[vector<16xi32>], vector<16xi32>,
        %while3A_297 = arith.constant 0 : i32
        scf.yield %while3A_297 : i32
      }
      %while3A_258 = arith.constant 1 : i32
      %while3A_259 = scf.for %while3A_284 = %while3A_255 to %while3A_251 step %while3A_258 iter_args(%while3A_285 = %while3A_257) -> (i32)  : i32 {
        %mul3A_286 = arith.constant 16 : i32
        %mul3A_287 = arith.muli %while3A_284, %mul3A_286 : i32
        %get3A_288 = arith.index_cast %mul3A_287 : i32 to index
        %get3A_289 = tpu.vector_load %arg9[%get3A_288] {strides = array<i32>} : memref<6144xi32, #tpu.memory_space<vmem>>, vector<16xi32>,
        %shift_right_arithmetic3A_290 = arith.constant 16 : i32
        %shift_right_arithmetic3A_291 = vector.broadcast %shift_right_arithmetic3A_290 : i32 to vector<16xi32>
        %shift_right_arithmetic3A_292 = arith.shrsi %get3A_289, %shift_right_arithmetic3A_291 : vector<16xi32>
        %and3A_293 = arith.constant 255 : i32
        %and3A_294 = vector.broadcast %and3A_293 : i32 to vector<16xi32>
        %and3A_295 = arith.andi %shift_right_arithmetic3A_292, %and3A_294 : vector<16xi32>
        %add3A_296 = arith.addi %and3A_295, %mul3A_34 : vector<16xi32>
        tpu.vector_store_idx %arg5[%add3A_296], %broadcast_in_dim3A_31 {add = true} : memref<4096xi32, #tpu.memory_space<vmem>>[vector<16xi32>], vector<16xi32>,
        %while3A_297 = arith.constant 0 : i32
        scf.yield %while3A_297 : i32
      }
      %scan3A_260 = arith.constant 0 : i32
      %scan3A_261 = arith.constant 0 : i32
      %scan3A_262 = arith.constant 16 : i32
      %scan3A_263 = arith.addi %scan3A_261, %scan3A_262 : i32
      %scan3A_264 = arith.constant 1 : i32
      %scan3A_265 = scf.for %scan3A_284 = %scan3A_261 to %scan3A_263 step %scan3A_264 iter_args(%scan3A_285 = %scan3A_260) -> (i32)  : i32 {
        %mul3A_286 = arith.constant 16 : i32
        %mul3A_287 = arith.muli %scan3A_284, %mul3A_286 : i32
        %get3A_288 = arith.index_cast %mul3A_287 : i32 to index
        %get3A_289 = tpu.vector_load %arg5[%get3A_288] {strides = array<i32>} : memref<4096xi32, #tpu.memory_space<vmem>>, vector<16xi32>,
        %mul3A_290 = arith.constant 16 : i32
        %mul3A_291 = arith.muli %scan3A_284, %mul3A_290 : i32
        %add3A_292 = arith.constant 256 : i32
        %add3A_293 = arith.addi %add3A_292, %mul3A_291 : i32
        %get3A_294 = arith.index_cast %add3A_293 : i32 to index
        %get3A_295 = tpu.vector_load %arg5[%get3A_294] {strides = array<i32>} : memref<4096xi32, #tpu.memory_space<vmem>>, vector<16xi32>,
        %add3A_296 = arith.addi %get3A_289, %get3A_295 : vector<16xi32>
        %mul3A_297 = arith.constant 16 : i32
        %mul3A_298 = arith.muli %scan3A_284, %mul3A_297 : i32
        %add3A_299 = arith.constant 512 : i32
        %add3A_300 = arith.addi %add3A_299, %mul3A_298 : i32
        %get3A_301 = arith.index_cast %add3A_300 : i32 to index
        %get3A_302 = tpu.vector_load %arg5[%get3A_301] {strides = array<i32>} : memref<4096xi32, #tpu.memory_space<vmem>>, vector<16xi32>,
        %add3A_303 = arith.addi %add3A_296, %get3A_302 : vector<16xi32>
        %mul3A_304 = arith.constant 16 : i32
        %mul3A_305 = arith.muli %scan3A_284, %mul3A_304 : i32
        %add3A_306 = arith.constant 768 : i32
        %add3A_307 = arith.addi %add3A_306, %mul3A_305 : i32
        %get3A_308 = arith.index_cast %add3A_307 : i32 to index
        %get3A_309 = tpu.vector_load %arg5[%get3A_308] {strides = array<i32>} : memref<4096xi32, #tpu.memory_space<vmem>>, vector<16xi32>,
        %add3A_310 = arith.addi %add3A_303, %get3A_309 : vector<16xi32>
        %mul3A_311 = arith.constant 16 : i32
        %mul3A_312 = arith.muli %scan3A_284, %mul3A_311 : i32
        %add3A_313 = arith.constant 1024 : i32
        %add3A_314 = arith.addi %add3A_313, %mul3A_312 : i32
        %get3A_315 = arith.index_cast %add3A_314 : i32 to index
        %get3A_316 = tpu.vector_load %arg5[%get3A_315] {strides = array<i32>} : memref<4096xi32, #tpu.memory_space<vmem>>, vector<16xi32>,
        %add3A_317 = arith.addi %add3A_310, %get3A_316 : vector<16xi32>
        %mul3A_318 = arith.constant 16 : i32
        %mul3A_319 = arith.muli %scan3A_284, %mul3A_318 : i32
        %add3A_320 = arith.constant 1280 : i32
        %add3A_321 = arith.addi %add3A_320, %mul3A_319 : i32
        %get3A_322 = arith.index_cast %add3A_321 : i32 to index
        %get3A_323 = tpu.vector_load %arg5[%get3A_322] {strides = array<i32>} : memref<4096xi32, #tpu.memory_space<vmem>>, vector<16xi32>,
        %add3A_324 = arith.addi %add3A_317, %get3A_323 : vector<16xi32>
        %mul3A_325 = arith.constant 16 : i32
        %mul3A_326 = arith.muli %scan3A_284, %mul3A_325 : i32
        %add3A_327 = arith.constant 1536 : i32
        %add3A_328 = arith.addi %add3A_327, %mul3A_326 : i32
        %get3A_329 = arith.index_cast %add3A_328 : i32 to index
        %get3A_330 = tpu.vector_load %arg5[%get3A_329] {strides = array<i32>} : memref<4096xi32, #tpu.memory_space<vmem>>, vector<16xi32>,
        %add3A_331 = arith.addi %add3A_324, %get3A_330 : vector<16xi32>
        %mul3A_332 = arith.constant 16 : i32
        %mul3A_333 = arith.muli %scan3A_284, %mul3A_332 : i32
        %add3A_334 = arith.constant 1792 : i32
        %add3A_335 = arith.addi %add3A_334, %mul3A_333 : i32
        %get3A_336 = arith.index_cast %add3A_335 : i32 to index
        %get3A_337 = tpu.vector_load %arg5[%get3A_336] {strides = array<i32>} : memref<4096xi32, #tpu.memory_space<vmem>>, vector<16xi32>,
        %add3A_338 = arith.addi %add3A_331, %get3A_337 : vector<16xi32>
        %mul3A_339 = arith.constant 16 : i32
        %mul3A_340 = arith.muli %scan3A_284, %mul3A_339 : i32
        %add3A_341 = arith.constant 2048 : i32
        %add3A_342 = arith.addi %add3A_341, %mul3A_340 : i32
        %get3A_343 = arith.index_cast %add3A_342 : i32 to index
        %get3A_344 = tpu.vector_load %arg5[%get3A_343] {strides = array<i32>} : memref<4096xi32, #tpu.memory_space<vmem>>, vector<16xi32>,
        %add3A_345 = arith.addi %add3A_338, %get3A_344 : vector<16xi32>
        %mul3A_346 = arith.constant 16 : i32
        %mul3A_347 = arith.muli %scan3A_284, %mul3A_346 : i32
        %add3A_348 = arith.constant 2304 : i32
        %add3A_349 = arith.addi %add3A_348, %mul3A_347 : i32
        %get3A_350 = arith.index_cast %add3A_349 : i32 to index
        %get3A_351 = tpu.vector_load %arg5[%get3A_350] {strides = array<i32>} : memref<4096xi32, #tpu.memory_space<vmem>>, vector<16xi32>,
        %add3A_352 = arith.addi %add3A_345, %get3A_351 : vector<16xi32>
        %mul3A_353 = arith.constant 16 : i32
        %mul3A_354 = arith.muli %scan3A_284, %mul3A_353 : i32
        %add3A_355 = arith.constant 2560 : i32
        %add3A_356 = arith.addi %add3A_355, %mul3A_354 : i32
        %get3A_357 = arith.index_cast %add3A_356 : i32 to index
        %get3A_358 = tpu.vector_load %arg5[%get3A_357] {strides = array<i32>} : memref<4096xi32, #tpu.memory_space<vmem>>, vector<16xi32>,
        %add3A_359 = arith.addi %add3A_352, %get3A_358 : vector<16xi32>
        %mul3A_360 = arith.constant 16 : i32
        %mul3A_361 = arith.muli %scan3A_284, %mul3A_360 : i32
        %add3A_362 = arith.constant 2816 : i32
        %add3A_363 = arith.addi %add3A_362, %mul3A_361 : i32
        %get3A_364 = arith.index_cast %add3A_363 : i32 to index
        %get3A_365 = tpu.vector_load %arg5[%get3A_364] {strides = array<i32>} : memref<4096xi32, #tpu.memory_space<vmem>>, vector<16xi32>,
        %add3A_366 = arith.addi %add3A_359, %get3A_365 : vector<16xi32>
        %mul3A_367 = arith.constant 16 : i32
        %mul3A_368 = arith.muli %scan3A_284, %mul3A_367 : i32
        %add3A_369 = arith.constant 3072 : i32
        %add3A_370 = arith.addi %add3A_369, %mul3A_368 : i32
        %get3A_371 = arith.index_cast %add3A_370 : i32 to index
        %get3A_372 = tpu.vector_load %arg5[%get3A_371] {strides = array<i32>} : memref<4096xi32, #tpu.memory_space<vmem>>, vector<16xi32>,
        %add3A_373 = arith.addi %add3A_366, %get3A_372 : vector<16xi32>
        %mul3A_374 = arith.constant 16 : i32
        %mul3A_375 = arith.muli %scan3A_284, %mul3A_374 : i32
        %add3A_376 = arith.constant 3328 : i32
        %add3A_377 = arith.addi %add3A_376, %mul3A_375 : i32
        %get3A_378 = arith.index_cast %add3A_377 : i32 to index
        %get3A_379 = tpu.vector_load %arg5[%get3A_378] {strides = array<i32>} : memref<4096xi32, #tpu.memory_space<vmem>>, vector<16xi32>,
        %add3A_380 = arith.addi %add3A_373, %get3A_379 : vector<16xi32>
        %mul3A_381 = arith.constant 16 : i32
        %mul3A_382 = arith.muli %scan3A_284, %mul3A_381 : i32
        %add3A_383 = arith.constant 3584 : i32
        %add3A_384 = arith.addi %add3A_383, %mul3A_382 : i32
        %get3A_385 = arith.index_cast %add3A_384 : i32 to index
        %get3A_386 = tpu.vector_load %arg5[%get3A_385] {strides = array<i32>} : memref<4096xi32, #tpu.memory_space<vmem>>, vector<16xi32>,
        %add3A_387 = arith.addi %add3A_380, %get3A_386 : vector<16xi32>
        %mul3A_388 = arith.constant 16 : i32
        %mul3A_389 = arith.muli %scan3A_284, %mul3A_388 : i32
        %add3A_390 = arith.constant 3840 : i32
        %add3A_391 = arith.addi %add3A_390, %mul3A_389 : i32
        %get3A_392 = arith.index_cast %add3A_391 : i32 to index
        %get3A_393 = tpu.vector_load %arg5[%get3A_392] {strides = array<i32>} : memref<4096xi32, #tpu.memory_space<vmem>>, vector<16xi32>,
        %add3A_394 = arith.addi %add3A_387, %get3A_393 : vector<16xi32>
        %broadcast_in_dim3A_395 = arith.constant true
        %broadcast_in_dim3A_396 = vector.broadcast %broadcast_in_dim3A_395 : i1 to vector<16xi1>
        %masked_cumsum3A = tpu.scan <sum>, %add3A_394 masked %broadcast_in_dim3A_396 : vector<16xi32>, vector<16xi1> -> vector<16xi32>
        %sub3A_397 = arith.subi %masked_cumsum3A, %add3A_394 : vector<16xi32>
        %add3A_398 = vector.broadcast %scan3A_285 : i32 to vector<16xi32>
        %add3A_399 = arith.addi %sub3A_397, %add3A_398 : vector<16xi32>
        %mul3A_400 = arith.constant 16 : i32
        %mul3A_401 = arith.muli %scan3A_284, %mul3A_400 : i32
        %swap3A = arith.index_cast %mul3A_401 : i32 to index
        %swap3A_402 = tpu.vector_load %arg6[%swap3A] {strides = array<i32>} : memref<256xi32, #tpu.memory_space<vmem>>, vector<16xi32>,
        tpu.vector_store %arg6[%swap3A], %add3A_399 {strides = array<i32>} : memref<256xi32, #tpu.memory_space<vmem>>, vector<16xi32>,
        %reduce_sum3A = arith.constant true
        %reduce_sum3A_403 = vector.broadcast %reduce_sum3A : i1 to vector<16xi1>
        %reduce_sum3A_404 = tpu.scan <sum>, %add3A_394 masked %reduce_sum3A_403 : vector<16xi32>, vector<16xi1> -> vector<16xi32>
        %reduce_sum3A_405 = vector.extract %reduce_sum3A_404[15] : i32 from vector<16xi32>
        %add3A_406 = arith.addi %scan3A_285, %reduce_sum3A_405 : i32
        scf.yield %add3A_406 : i32
      }
      %scan3A_266 = arith.constant 16 : i32
      %while3A_267 = arith.constant 0 : i32
      %while3A_268 = arith.constant 0 : i32
      %while3A_269 = arith.subi %min3A_158, %while3A_267 : i32
      %while3A_270 = arith.addi %while3A_267, %while3A_269 : i32
      %while3A_271 = arith.constant 1 : i32
      %while3A_272 = arith.divsi %while3A_269, %while3A_271 : i32
      %while3A_273 = arith.muli %while3A_272, %while3A_271 : i32
      %while3A_274 = arith.addi %while3A_267, %while3A_273 : i32
      %while3A_275 = arith.constant 1 : i32
      %while3A_276 = scf.for %while3A_284 = %while3A_267 to %while3A_274 step %while3A_275 iter_args(%while3A_285 = %while3A_268) -> (i32)  : i32 {
        %mul3A_286 = arith.constant 16 : i32
        %mul3A_287 = arith.muli %while3A_284, %mul3A_286 : i32
        %get3A_288 = arith.index_cast %mul3A_287 : i32 to index
        %get3A_289 = tpu.vector_load %arg9[%get3A_288] {strides = array<i32>} : memref<6144xi32, #tpu.memory_space<vmem>>, vector<16xi32>,
        %mul3A_290 = arith.constant 16 : i32
        %mul3A_291 = arith.muli %while3A_284, %mul3A_290 : i32
        %get3A_292 = arith.index_cast %mul3A_291 : i32 to index
        %get3A_293 = tpu.vector_load %arg10[%get3A_292] {strides = array<i32>} : memref<6144xi32, #tpu.memory_space<vmem>>, vector<16xi32>,
        %shift_right_arithmetic3A_294 = arith.constant 16 : i32
        %shift_right_arithmetic3A_295 = vector.broadcast %shift_right_arithmetic3A_294 : i32 to vector<16xi32>
        %shift_right_arithmetic3A_296 = arith.shrsi %get3A_289, %shift_right_arithmetic3A_295 : vector<16xi32>
        %and3A_297 = arith.constant 255 : i32
        %and3A_298 = vector.broadcast %and3A_297 : i32 to vector<16xi32>
        %and3A_299 = arith.andi %shift_right_arithmetic3A_296, %and3A_298 : vector<16xi32>
        %mul3A_300 = arith.constant 16 : i32
        %mul3A_301 = vector.broadcast %mul3A_300 : i32 to vector<16xi32>
        %mul3A_302 = arith.muli %and3A_299, %mul3A_301 : vector<16xi32>
        %add3A_303 = arith.addi %mul3A_302, %iota3A : vector<16xi32>
        %masked_sort3A = arith.constant dense<true> : vector<16xi1>
        %masked_sort3A_304 = arith.constant -2147483648 : i32
        %masked_sort3A_305 = vector.broadcast %masked_sort3A_304 : i32 to vector<16xi32>
        %masked_sort3A_306 = arith.xori %add3A_303, %masked_sort3A_305 : vector<16xi32>
        %masked_sort3A_307, %masked_sort3A_308, %masked_sort3A_309 = tpu.sort %masked_sort3A_306, %iota3A masked %masked_sort3A : (vector<16xi32>, vector<16xi32>, vector<16xi1>) -> (vector<16xi1>, vector<16xi32>, vector<16xi32>)
        %masked_sort3A_310 = arith.xori %masked_sort3A_308, %masked_sort3A_305 : vector<16xi32>
        %shift_right_arithmetic3A_311 = arith.constant 4 : i32
        %shift_right_arithmetic3A_312 = vector.broadcast %shift_right_arithmetic3A_311 : i32 to vector<16xi32>
        %shift_right_arithmetic3A_313 = arith.shrsi %masked_sort3A_310, %shift_right_arithmetic3A_312 : vector<16xi32>
        %swap3A = arith.constant 0 : index
        %swap3A_314 = tpu.vector_load %arg15[%swap3A] {strides = array<i32>} : memref<16xi32, #tpu.memory_space<vmem>>, vector<16xi32>,
        tpu.vector_store %arg15[%swap3A], %shift_right_arithmetic3A_313 {strides = array<i32>} : memref<16xi32, #tpu.memory_space<vmem>>, vector<16xi32>,
        %sub3A_315 = arith.constant 1 : i32
        %sub3A_316 = vector.broadcast %sub3A_315 : i32 to vector<16xi32>
        %sub3A_317 = arith.subi %iota3A, %sub3A_316 : vector<16xi32>
        %max3A = arith.constant 0 : i32
        %max3A_318 = vector.broadcast %max3A : i32 to vector<16xi32>
        %max3A_319 = arith.maxsi %sub3A_317, %max3A_318 : vector<16xi32>
        %gather3A = tpu.vector_load_idx %arg15[%max3A_319] : memref<16xi32, #tpu.memory_space<vmem>>[vector<16xi32>], vector<16xi32>,
        %ne3A_320 = arith.cmpi ne, %shift_right_arithmetic3A_313, %gather3A : vector<16xi32>
        %eq3A_321 = arith.constant 0 : i32
        %eq3A_322 = vector.broadcast %eq3A_321 : i32 to vector<16xi32>
        %eq3A_323 = arith.cmpi eq, %iota3A, %eq3A_322 : vector<16xi32>
        %or3A_324 = arith.ori %ne3A_320, %eq3A_323 : vector<16xi1>
        %jit3A_325 = arith.constant 0 : i32
        %broadcast_in_dim3A_326 = vector.broadcast %jit3A_325 : i32 to vector<16xi32>
        %select_n3A_327 = arith.select %or3A_324, %iota3A, %broadcast_in_dim3A_326 : vector<16xi1>, vector<16xi32>
        %broadcast_in_dim3A_328 = arith.constant true
        %broadcast_in_dim3A_329 = vector.broadcast %broadcast_in_dim3A_328 : i1 to vector<16xi1>
        %masked_cummax3A = arith.constant -2147483648 : i32
        %masked_cummax3A_330 = vector.broadcast %masked_cummax3A : i32 to vector<16xi32>
        %masked_cummax3A_331 = arith.xori %select_n3A_327, %masked_cummax3A_330 : vector<16xi32>
        %masked_cummax3A_332 = tpu.scan <max>, %masked_cummax3A_331 masked %broadcast_in_dim3A_329 : vector<16xi32>, vector<16xi1> -> vector<16xi32>
        %masked_cummax3A_333 = arith.xori %masked_cummax3A_332, %masked_cummax3A_330 : vector<16xi32>
        %sub3A_334 = arith.subi %iota3A, %masked_cummax3A_333 : vector<16xi32>
        %gather3A_335 = tpu.vector_load_idx %arg6[%shift_right_arithmetic3A_313] : memref<256xi32, #tpu.memory_space<vmem>>[vector<16xi32>], vector<16xi32>,
        %add3A_336 = arith.addi %gather3A_335, %sub3A_334 : vector<16xi32>
        %add3A_337 = arith.constant 1 : i32
        %add3A_338 = vector.broadcast %add3A_337 : i32 to vector<16xi32>
        %add3A_339 = arith.addi %iota3A, %add3A_338 : vector<16xi32>
        %min3A_340 = arith.constant 15 : i32
        %min3A_341 = vector.broadcast %min3A_340 : i32 to vector<16xi32>
        %min3A_342 = arith.minsi %add3A_339, %min3A_341 : vector<16xi32>
        %gather3A_343 = tpu.vector_load_idx %arg15[%min3A_342] : memref<16xi32, #tpu.memory_space<vmem>>[vector<16xi32>], vector<16xi32>,
        %ne3A_344 = arith.cmpi ne, %shift_right_arithmetic3A_313, %gather3A_343 : vector<16xi32>
        %eq3A_345 = arith.constant 15 : i32
        %eq3A_346 = vector.broadcast %eq3A_345 : i32 to vector<16xi32>
        %eq3A_347 = arith.cmpi eq, %iota3A, %eq3A_346 : vector<16xi32>
        %or3A_348 = arith.ori %ne3A_344, %eq3A_347 : vector<16xi1>
        %add3A_349 = arith.constant 1 : i32
        %add3A_350 = vector.broadcast %add3A_349 : i32 to vector<16xi32>
        %add3A_351 = arith.addi %sub3A_334, %add3A_350 : vector<16xi32>
        tpu.vector_store_idx %arg6[%shift_right_arithmetic3A_313], %add3A_351 masked %or3A_348 {add = true} : memref<256xi32, #tpu.memory_space<vmem>>[vector<16xi32>], vector<16xi32>, vector<16xi1>
        %swap3A_352 = arith.constant 0 : index
        %swap3A_353 = tpu.vector_load %arg16[%swap3A_352] {strides = array<i32>} : memref<16xi32, #tpu.memory_space<vmem>>, vector<16xi32>,
        tpu.vector_store %arg16[%swap3A_352], %get3A_289 {strides = array<i32>} : memref<16xi32, #tpu.memory_space<vmem>>, vector<16xi32>,
        %gather3A_354 = tpu.vector_load_idx %arg16[%masked_sort3A_309] : memref<16xi32, #tpu.memory_space<vmem>>[vector<16xi32>], vector<16xi32>,
        %swap3A_355 = arith.constant 0 : index
        %swap3A_356 = tpu.vector_load %arg17[%swap3A_355] {strides = array<i32>} : memref<16xi32, #tpu.memory_space<vmem>>, vector<16xi32>,
        tpu.vector_store %arg17[%swap3A_355], %get3A_293 {strides = array<i32>} : memref<16xi32, #tpu.memory_space<vmem>>, vector<16xi32>,
        %gather3A_357 = tpu.vector_load_idx %arg17[%masked_sort3A_309] : memref<16xi32, #tpu.memory_space<vmem>>[vector<16xi32>], vector<16xi32>,
        tpu.vector_store_idx %arg11[%add3A_336], %gather3A_354 : memref<6144xi32, #tpu.memory_space<vmem>>[vector<16xi32>], vector<16xi32>,
        tpu.vector_store_idx %arg12[%add3A_336], %gather3A_357 : memref<6144xi32, #tpu.memory_space<vmem>>[vector<16xi32>], vector<16xi32>,
        %while3A_358 = arith.constant 0 : i32
        scf.yield %while3A_358 : i32
      }
      %while3A_277 = arith.constant 1 : i32
      %while3A_278 = scf.for %while3A_284 = %while3A_274 to %while3A_270 step %while3A_277 iter_args(%while3A_285 = %while3A_276) -> (i32)  : i32 {
        %mul3A_286 = arith.constant 16 : i32
        %mul3A_287 = arith.muli %while3A_284, %mul3A_286 : i32
        %get3A_288 = arith.index_cast %mul3A_287 : i32 to index
        %get3A_289 = tpu.vector_load %arg9[%get3A_288] {strides = array<i32>} : memref<6144xi32, #tpu.memory_space<vmem>>, vector<16xi32>,
        %mul3A_290 = arith.constant 16 : i32
        %mul3A_291 = arith.muli %while3A_284, %mul3A_290 : i32
        %get3A_292 = arith.index_cast %mul3A_291 : i32 to index
        %get3A_293 = tpu.vector_load %arg10[%get3A_292] {strides = array<i32>} : memref<6144xi32, #tpu.memory_space<vmem>>, vector<16xi32>,
        %shift_right_arithmetic3A_294 = arith.constant 16 : i32
        %shift_right_arithmetic3A_295 = vector.broadcast %shift_right_arithmetic3A_294 : i32 to vector<16xi32>
        %shift_right_arithmetic3A_296 = arith.shrsi %get3A_289, %shift_right_arithmetic3A_295 : vector<16xi32>
        %and3A_297 = arith.constant 255 : i32
        %and3A_298 = vector.broadcast %and3A_297 : i32 to vector<16xi32>
        %and3A_299 = arith.andi %shift_right_arithmetic3A_296, %and3A_298 : vector<16xi32>
        %mul3A_300 = arith.constant 16 : i32
        %mul3A_301 = vector.broadcast %mul3A_300 : i32 to vector<16xi32>
        %mul3A_302 = arith.muli %and3A_299, %mul3A_301 : vector<16xi32>
        %add3A_303 = arith.addi %mul3A_302, %iota3A : vector<16xi32>
        %masked_sort3A = arith.constant dense<true> : vector<16xi1>
        %masked_sort3A_304 = arith.constant -2147483648 : i32
        %masked_sort3A_305 = vector.broadcast %masked_sort3A_304 : i32 to vector<16xi32>
        %masked_sort3A_306 = arith.xori %add3A_303, %masked_sort3A_305 : vector<16xi32>
        %masked_sort3A_307, %masked_sort3A_308, %masked_sort3A_309 = tpu.sort %masked_sort3A_306, %iota3A masked %masked_sort3A : (vector<16xi32>, vector<16xi32>, vector<16xi1>) -> (vector<16xi1>, vector<16xi32>, vector<16xi32>)
        %masked_sort3A_310 = arith.xori %masked_sort3A_308, %masked_sort3A_305 : vector<16xi32>
        %shift_right_arithmetic3A_311 = arith.constant 4 : i32
        %shift_right_arithmetic3A_312 = vector.broadcast %shift_right_arithmetic3A_311 : i32 to vector<16xi32>
        %shift_right_arithmetic3A_313 = arith.shrsi %masked_sort3A_310, %shift_right_arithmetic3A_312 : vector<16xi32>
        %swap3A = arith.constant 0 : index
        %swap3A_314 = tpu.vector_load %arg15[%swap3A] {strides = array<i32>} : memref<16xi32, #tpu.memory_space<vmem>>, vector<16xi32>,
        tpu.vector_store %arg15[%swap3A], %shift_right_arithmetic3A_313 {strides = array<i32>} : memref<16xi32, #tpu.memory_space<vmem>>, vector<16xi32>,
        %sub3A_315 = arith.constant 1 : i32
        %sub3A_316 = vector.broadcast %sub3A_315 : i32 to vector<16xi32>
        %sub3A_317 = arith.subi %iota3A, %sub3A_316 : vector<16xi32>
        %max3A = arith.constant 0 : i32
        %max3A_318 = vector.broadcast %max3A : i32 to vector<16xi32>
        %max3A_319 = arith.maxsi %sub3A_317, %max3A_318 : vector<16xi32>
        %gather3A = tpu.vector_load_idx %arg15[%max3A_319] : memref<16xi32, #tpu.memory_space<vmem>>[vector<16xi32>], vector<16xi32>,
        %ne3A_320 = arith.cmpi ne, %shift_right_arithmetic3A_313, %gather3A : vector<16xi32>
        %eq3A_321 = arith.constant 0 : i32
        %eq3A_322 = vector.broadcast %eq3A_321 : i32 to vector<16xi32>
        %eq3A_323 = arith.cmpi eq, %iota3A, %eq3A_322 : vector<16xi32>
        %or3A_324 = arith.ori %ne3A_320, %eq3A_323 : vector<16xi1>
        %jit3A_325 = arith.constant 0 : i32
        %broadcast_in_dim3A_326 = vector.broadcast %jit3A_325 : i32 to vector<16xi32>
        %select_n3A_327 = arith.select %or3A_324, %iota3A, %broadcast_in_dim3A_326 : vector<16xi1>, vector<16xi32>
        %broadcast_in_dim3A_328 = arith.constant true
        %broadcast_in_dim3A_329 = vector.broadcast %broadcast_in_dim3A_328 : i1 to vector<16xi1>
        %masked_cummax3A = arith.constant -2147483648 : i32
        %masked_cummax3A_330 = vector.broadcast %masked_cummax3A : i32 to vector<16xi32>
        %masked_cummax3A_331 = arith.xori %select_n3A_327, %masked_cummax3A_330 : vector<16xi32>
        %masked_cummax3A_332 = tpu.scan <max>, %masked_cummax3A_331 masked %broadcast_in_dim3A_329 : vector<16xi32>, vector<16xi1> -> vector<16xi32>
        %masked_cummax3A_333 = arith.xori %masked_cummax3A_332, %masked_cummax3A_330 : vector<16xi32>
        %sub3A_334 = arith.subi %iota3A, %masked_cummax3A_333 : vector<16xi32>
        %gather3A_335 = tpu.vector_load_idx %arg6[%shift_right_arithmetic3A_313] : memref<256xi32, #tpu.memory_space<vmem>>[vector<16xi32>], vector<16xi32>,
        %add3A_336 = arith.addi %gather3A_335, %sub3A_334 : vector<16xi32>
        %add3A_337 = arith.constant 1 : i32
        %add3A_338 = vector.broadcast %add3A_337 : i32 to vector<16xi32>
        %add3A_339 = arith.addi %iota3A, %add3A_338 : vector<16xi32>
        %min3A_340 = arith.constant 15 : i32
        %min3A_341 = vector.broadcast %min3A_340 : i32 to vector<16xi32>
        %min3A_342 = arith.minsi %add3A_339, %min3A_341 : vector<16xi32>
        %gather3A_343 = tpu.vector_load_idx %arg15[%min3A_342] : memref<16xi32, #tpu.memory_space<vmem>>[vector<16xi32>], vector<16xi32>,
        %ne3A_344 = arith.cmpi ne, %shift_right_arithmetic3A_313, %gather3A_343 : vector<16xi32>
        %eq3A_345 = arith.constant 15 : i32
        %eq3A_346 = vector.broadcast %eq3A_345 : i32 to vector<16xi32>
        %eq3A_347 = arith.cmpi eq, %iota3A, %eq3A_346 : vector<16xi32>
        %or3A_348 = arith.ori %ne3A_344, %eq3A_347 : vector<16xi1>
        %add3A_349 = arith.constant 1 : i32
        %add3A_350 = vector.broadcast %add3A_349 : i32 to vector<16xi32>
        %add3A_351 = arith.addi %sub3A_334, %add3A_350 : vector<16xi32>
        tpu.vector_store_idx %arg6[%shift_right_arithmetic3A_313], %add3A_351 masked %or3A_348 {add = true} : memref<256xi32, #tpu.memory_space<vmem>>[vector<16xi32>], vector<16xi32>, vector<16xi1>
        %swap3A_352 = arith.constant 0 : index
        %swap3A_353 = tpu.vector_load %arg16[%swap3A_352] {strides = array<i32>} : memref<16xi32, #tpu.memory_space<vmem>>, vector<16xi32>,
        tpu.vector_store %arg16[%swap3A_352], %get3A_289 {strides = array<i32>} : memref<16xi32, #tpu.memory_space<vmem>>, vector<16xi32>,
        %gather3A_354 = tpu.vector_load_idx %arg16[%masked_sort3A_309] : memref<16xi32, #tpu.memory_space<vmem>>[vector<16xi32>], vector<16xi32>,
        %swap3A_355 = arith.constant 0 : index
        %swap3A_356 = tpu.vector_load %arg17[%swap3A_355] {strides = array<i32>} : memref<16xi32, #tpu.memory_space<vmem>>, vector<16xi32>,
        tpu.vector_store %arg17[%swap3A_355], %get3A_293 {strides = array<i32>} : memref<16xi32, #tpu.memory_space<vmem>>, vector<16xi32>,
        %gather3A_357 = tpu.vector_load_idx %arg17[%masked_sort3A_309] : memref<16xi32, #tpu.memory_space<vmem>>[vector<16xi32>], vector<16xi32>,
        tpu.vector_store_idx %arg11[%add3A_336], %gather3A_354 : memref<6144xi32, #tpu.memory_space<vmem>>[vector<16xi32>], vector<16xi32>,
        tpu.vector_store_idx %arg12[%add3A_336], %gather3A_357 : memref<6144xi32, #tpu.memory_space<vmem>>[vector<16xi32>], vector<16xi32>,
        %while3A_358 = arith.constant 0 : i32
        scf.yield %while3A_358 : i32
      }
      %lt3A_279 = arith.constant 1056964608 : i32
      %lt3A_280 = arith.cmpi slt, %or3A, %lt3A_279 : i32
      %convert_element_type3A_281 = arith.extui %lt3A_280 : i1 to i32
      %cond3A_282 = arith.constant 0 : i32
      %cond3A_283 = arith.cmpi ne, %convert_element_type3A_281, %cond3A_282 : i32
      scf.if %cond3A_283 {
        %scan3A_284 = arith.constant 0 : i32
        %scan3A_285 = arith.constant 0 : i32
        %scan3A_286 = arith.constant 256 : i32
        %scan3A_287 = arith.addi %scan3A_285, %scan3A_286 : i32
        %scan3A_288 = arith.constant 1 : i32
        %scan3A_289 = scf.for %scan3A_329 = %scan3A_285 to %scan3A_287 step %scan3A_288 iter_args(%scan3A_330 = %scan3A_284) -> (i32)  : i32 {
          %broadcast_in_dim3A_331 = arith.constant 0 : i32
          %broadcast_in_dim3A_332 = vector.broadcast %broadcast_in_dim3A_331 : i32 to vector<16xi32>
          %mul3A_333 = arith.constant 16 : i32
          %mul3A_334 = arith.muli %scan3A_329, %mul3A_333 : i32
          %swap3A = arith.index_cast %mul3A_334 : i32 to index
          %swap3A_335 = tpu.vector_load %arg5[%swap3A] {strides = array<i32>} : memref<4096xi32, #tpu.memory_space<vmem>>, vector<16xi32>,
          tpu.vector_store %arg5[%swap3A], %broadcast_in_dim3A_332 {strides = array<i32>} : memref<4096xi32, #tpu.memory_space<vmem>>, vector<16xi32>,
          %scan3A_336 = arith.constant 0 : i32
          scf.yield %scan3A_336 : i32
        }
        %scan3A_290 = arith.constant 256 : i32
        %while3A_291 = arith.constant 0 : i32
        %while3A_292 = arith.constant 0 : i32
        %while3A_293 = arith.subi %min3A_158, %while3A_291 : i32
        %while3A_294 = arith.addi %while3A_291, %while3A_293 : i32
        %while3A_295 = arith.constant 1 : i32
        %while3A_296 = arith.divsi %while3A_293, %while3A_295 : i32
        %while3A_297 = arith.muli %while3A_296, %while3A_295 : i32
        %while3A_298 = arith.addi %while3A_291, %while3A_297 : i32
        %while3A_299 = arith.constant 1 : i32
        %while3A_300 = scf.for %while3A_329 = %while3A_291 to %while3A_298 step %while3A_299 iter_args(%while3A_330 = %while3A_292) -> (i32)  : i32 {
          %mul3A_331 = arith.constant 16 : i32
          %mul3A_332 = arith.muli %while3A_329, %mul3A_331 : i32
          %get3A_333 = arith.index_cast %mul3A_332 : i32 to index
          %get3A_334 = tpu.vector_load %arg11[%get3A_333] {strides = array<i32>} : memref<6144xi32, #tpu.memory_space<vmem>>, vector<16xi32>,
          %shift_right_arithmetic3A_335 = arith.constant 24 : i32
          %shift_right_arithmetic3A_336 = vector.broadcast %shift_right_arithmetic3A_335 : i32 to vector<16xi32>
          %shift_right_arithmetic3A_337 = arith.shrsi %get3A_334, %shift_right_arithmetic3A_336 : vector<16xi32>
          %and3A_338 = arith.constant 255 : i32
          %and3A_339 = vector.broadcast %and3A_338 : i32 to vector<16xi32>
          %and3A_340 = arith.andi %shift_right_arithmetic3A_337, %and3A_339 : vector<16xi32>
          %add3A_341 = arith.addi %and3A_340, %mul3A_34 : vector<16xi32>
          tpu.vector_store_idx %arg5[%add3A_341], %broadcast_in_dim3A_31 {add = true} : memref<4096xi32, #tpu.memory_space<vmem>>[vector<16xi32>], vector<16xi32>,
          %while3A_342 = arith.constant 0 : i32
          scf.yield %while3A_342 : i32
        }
        %while3A_301 = arith.constant 1 : i32
        %while3A_302 = scf.for %while3A_329 = %while3A_298 to %while3A_294 step %while3A_301 iter_args(%while3A_330 = %while3A_300) -> (i32)  : i32 {
          %mul3A_331 = arith.constant 16 : i32
          %mul3A_332 = arith.muli %while3A_329, %mul3A_331 : i32
          %get3A_333 = arith.index_cast %mul3A_332 : i32 to index
          %get3A_334 = tpu.vector_load %arg11[%get3A_333] {strides = array<i32>} : memref<6144xi32, #tpu.memory_space<vmem>>, vector<16xi32>,
          %shift_right_arithmetic3A_335 = arith.constant 24 : i32
          %shift_right_arithmetic3A_336 = vector.broadcast %shift_right_arithmetic3A_335 : i32 to vector<16xi32>
          %shift_right_arithmetic3A_337 = arith.shrsi %get3A_334, %shift_right_arithmetic3A_336 : vector<16xi32>
          %and3A_338 = arith.constant 255 : i32
          %and3A_339 = vector.broadcast %and3A_338 : i32 to vector<16xi32>
          %and3A_340 = arith.andi %shift_right_arithmetic3A_337, %and3A_339 : vector<16xi32>
          %add3A_341 = arith.addi %and3A_340, %mul3A_34 : vector<16xi32>
          tpu.vector_store_idx %arg5[%add3A_341], %broadcast_in_dim3A_31 {add = true} : memref<4096xi32, #tpu.memory_space<vmem>>[vector<16xi32>], vector<16xi32>,
          %while3A_342 = arith.constant 0 : i32
          scf.yield %while3A_342 : i32
        }
        %scan3A_303 = arith.constant 0 : i32
        %scan3A_304 = arith.constant 0 : i32
        %scan3A_305 = arith.constant 16 : i32
        %scan3A_306 = arith.addi %scan3A_304, %scan3A_305 : i32
        %scan3A_307 = arith.constant 1 : i32
        %scan3A_308 = scf.for %scan3A_329 = %scan3A_304 to %scan3A_306 step %scan3A_307 iter_args(%scan3A_330 = %scan3A_303) -> (i32)  : i32 {
          %mul3A_331 = arith.constant 16 : i32
          %mul3A_332 = arith.muli %scan3A_329, %mul3A_331 : i32
          %get3A_333 = arith.index_cast %mul3A_332 : i32 to index
          %get3A_334 = tpu.vector_load %arg5[%get3A_333] {strides = array<i32>} : memref<4096xi32, #tpu.memory_space<vmem>>, vector<16xi32>,
          %mul3A_335 = arith.constant 16 : i32
          %mul3A_336 = arith.muli %scan3A_329, %mul3A_335 : i32
          %add3A_337 = arith.constant 256 : i32
          %add3A_338 = arith.addi %add3A_337, %mul3A_336 : i32
          %get3A_339 = arith.index_cast %add3A_338 : i32 to index
          %get3A_340 = tpu.vector_load %arg5[%get3A_339] {strides = array<i32>} : memref<4096xi32, #tpu.memory_space<vmem>>, vector<16xi32>,
          %add3A_341 = arith.addi %get3A_334, %get3A_340 : vector<16xi32>
          %mul3A_342 = arith.constant 16 : i32
          %mul3A_343 = arith.muli %scan3A_329, %mul3A_342 : i32
          %add3A_344 = arith.constant 512 : i32
          %add3A_345 = arith.addi %add3A_344, %mul3A_343 : i32
          %get3A_346 = arith.index_cast %add3A_345 : i32 to index
          %get3A_347 = tpu.vector_load %arg5[%get3A_346] {strides = array<i32>} : memref<4096xi32, #tpu.memory_space<vmem>>, vector<16xi32>,
          %add3A_348 = arith.addi %add3A_341, %get3A_347 : vector<16xi32>
          %mul3A_349 = arith.constant 16 : i32
          %mul3A_350 = arith.muli %scan3A_329, %mul3A_349 : i32
          %add3A_351 = arith.constant 768 : i32
          %add3A_352 = arith.addi %add3A_351, %mul3A_350 : i32
          %get3A_353 = arith.index_cast %add3A_352 : i32 to index
          %get3A_354 = tpu.vector_load %arg5[%get3A_353] {strides = array<i32>} : memref<4096xi32, #tpu.memory_space<vmem>>, vector<16xi32>,
          %add3A_355 = arith.addi %add3A_348, %get3A_354 : vector<16xi32>
          %mul3A_356 = arith.constant 16 : i32
          %mul3A_357 = arith.muli %scan3A_329, %mul3A_356 : i32
          %add3A_358 = arith.constant 1024 : i32
          %add3A_359 = arith.addi %add3A_358, %mul3A_357 : i32
          %get3A_360 = arith.index_cast %add3A_359 : i32 to index
          %get3A_361 = tpu.vector_load %arg5[%get3A_360] {strides = array<i32>} : memref<4096xi32, #tpu.memory_space<vmem>>, vector<16xi32>,
          %add3A_362 = arith.addi %add3A_355, %get3A_361 : vector<16xi32>
          %mul3A_363 = arith.constant 16 : i32
          %mul3A_364 = arith.muli %scan3A_329, %mul3A_363 : i32
          %add3A_365 = arith.constant 1280 : i32
          %add3A_366 = arith.addi %add3A_365, %mul3A_364 : i32
          %get3A_367 = arith.index_cast %add3A_366 : i32 to index
          %get3A_368 = tpu.vector_load %arg5[%get3A_367] {strides = array<i32>} : memref<4096xi32, #tpu.memory_space<vmem>>, vector<16xi32>,
          %add3A_369 = arith.addi %add3A_362, %get3A_368 : vector<16xi32>
          %mul3A_370 = arith.constant 16 : i32
          %mul3A_371 = arith.muli %scan3A_329, %mul3A_370 : i32
          %add3A_372 = arith.constant 1536 : i32
          %add3A_373 = arith.addi %add3A_372, %mul3A_371 : i32
          %get3A_374 = arith.index_cast %add3A_373 : i32 to index
          %get3A_375 = tpu.vector_load %arg5[%get3A_374] {strides = array<i32>} : memref<4096xi32, #tpu.memory_space<vmem>>, vector<16xi32>,
          %add3A_376 = arith.addi %add3A_369, %get3A_375 : vector<16xi32>
          %mul3A_377 = arith.constant 16 : i32
          %mul3A_378 = arith.muli %scan3A_329, %mul3A_377 : i32
          %add3A_379 = arith.constant 1792 : i32
          %add3A_380 = arith.addi %add3A_379, %mul3A_378 : i32
          %get3A_381 = arith.index_cast %add3A_380 : i32 to index
          %get3A_382 = tpu.vector_load %arg5[%get3A_381] {strides = array<i32>} : memref<4096xi32, #tpu.memory_space<vmem>>, vector<16xi32>,
          %add3A_383 = arith.addi %add3A_376, %get3A_382 : vector<16xi32>
          %mul3A_384 = arith.constant 16 : i32
          %mul3A_385 = arith.muli %scan3A_329, %mul3A_384 : i32
          %add3A_386 = arith.constant 2048 : i32
          %add3A_387 = arith.addi %add3A_386, %mul3A_385 : i32
          %get3A_388 = arith.index_cast %add3A_387 : i32 to index
          %get3A_389 = tpu.vector_load %arg5[%get3A_388] {strides = array<i32>} : memref<4096xi32, #tpu.memory_space<vmem>>, vector<16xi32>,
          %add3A_390 = arith.addi %add3A_383, %get3A_389 : vector<16xi32>
          %mul3A_391 = arith.constant 16 : i32
          %mul3A_392 = arith.muli %scan3A_329, %mul3A_391 : i32
          %add3A_393 = arith.constant 2304 : i32
          %add3A_394 = arith.addi %add3A_393, %mul3A_392 : i32
          %get3A_395 = arith.index_cast %add3A_394 : i32 to index
          %get3A_396 = tpu.vector_load %arg5[%get3A_395] {strides = array<i32>} : memref<4096xi32, #tpu.memory_space<vmem>>, vector<16xi32>,
          %add3A_397 = arith.addi %add3A_390, %get3A_396 : vector<16xi32>
          %mul3A_398 = arith.constant 16 : i32
          %mul3A_399 = arith.muli %scan3A_329, %mul3A_398 : i32
          %add3A_400 = arith.constant 2560 : i32
          %add3A_401 = arith.addi %add3A_400, %mul3A_399 : i32
          %get3A_402 = arith.index_cast %add3A_401 : i32 to index
          %get3A_403 = tpu.vector_load %arg5[%get3A_402] {strides = array<i32>} : memref<4096xi32, #tpu.memory_space<vmem>>, vector<16xi32>,
          %add3A_404 = arith.addi %add3A_397, %get3A_403 : vector<16xi32>
          %mul3A_405 = arith.constant 16 : i32
          %mul3A_406 = arith.muli %scan3A_329, %mul3A_405 : i32
          %add3A_407 = arith.constant 2816 : i32
          %add3A_408 = arith.addi %add3A_407, %mul3A_406 : i32
          %get3A_409 = arith.index_cast %add3A_408 : i32 to index
          %get3A_410 = tpu.vector_load %arg5[%get3A_409] {strides = array<i32>} : memref<4096xi32, #tpu.memory_space<vmem>>, vector<16xi32>,
          %add3A_411 = arith.addi %add3A_404, %get3A_410 : vector<16xi32>
          %mul3A_412 = arith.constant 16 : i32
          %mul3A_413 = arith.muli %scan3A_329, %mul3A_412 : i32
          %add3A_414 = arith.constant 3072 : i32
          %add3A_415 = arith.addi %add3A_414, %mul3A_413 : i32
          %get3A_416 = arith.index_cast %add3A_415 : i32 to index
          %get3A_417 = tpu.vector_load %arg5[%get3A_416] {strides = array<i32>} : memref<4096xi32, #tpu.memory_space<vmem>>, vector<16xi32>,
          %add3A_418 = arith.addi %add3A_411, %get3A_417 : vector<16xi32>
          %mul3A_419 = arith.constant 16 : i32
          %mul3A_420 = arith.muli %scan3A_329, %mul3A_419 : i32
          %add3A_421 = arith.constant 3328 : i32
          %add3A_422 = arith.addi %add3A_421, %mul3A_420 : i32
          %get3A_423 = arith.index_cast %add3A_422 : i32 to index
          %get3A_424 = tpu.vector_load %arg5[%get3A_423] {strides = array<i32>} : memref<4096xi32, #tpu.memory_space<vmem>>, vector<16xi32>,
          %add3A_425 = arith.addi %add3A_418, %get3A_424 : vector<16xi32>
          %mul3A_426 = arith.constant 16 : i32
          %mul3A_427 = arith.muli %scan3A_329, %mul3A_426 : i32
          %add3A_428 = arith.constant 3584 : i32
          %add3A_429 = arith.addi %add3A_428, %mul3A_427 : i32
          %get3A_430 = arith.index_cast %add3A_429 : i32 to index
          %get3A_431 = tpu.vector_load %arg5[%get3A_430] {strides = array<i32>} : memref<4096xi32, #tpu.memory_space<vmem>>, vector<16xi32>,
          %add3A_432 = arith.addi %add3A_425, %get3A_431 : vector<16xi32>
          %mul3A_433 = arith.constant 16 : i32
          %mul3A_434 = arith.muli %scan3A_329, %mul3A_433 : i32
          %add3A_435 = arith.constant 3840 : i32
          %add3A_436 = arith.addi %add3A_435, %mul3A_434 : i32
          %get3A_437 = arith.index_cast %add3A_436 : i32 to index
          %get3A_438 = tpu.vector_load %arg5[%get3A_437] {strides = array<i32>} : memref<4096xi32, #tpu.memory_space<vmem>>, vector<16xi32>,
          %add3A_439 = arith.addi %add3A_432, %get3A_438 : vector<16xi32>
          %broadcast_in_dim3A_440 = arith.constant true
          %broadcast_in_dim3A_441 = vector.broadcast %broadcast_in_dim3A_440 : i1 to vector<16xi1>
          %masked_cumsum3A = tpu.scan <sum>, %add3A_439 masked %broadcast_in_dim3A_441 : vector<16xi32>, vector<16xi1> -> vector<16xi32>
          %sub3A_442 = arith.subi %masked_cumsum3A, %add3A_439 : vector<16xi32>
          %add3A_443 = vector.broadcast %scan3A_330 : i32 to vector<16xi32>
          %add3A_444 = arith.addi %sub3A_442, %add3A_443 : vector<16xi32>
          %mul3A_445 = arith.constant 16 : i32
          %mul3A_446 = arith.muli %scan3A_329, %mul3A_445 : i32
          %swap3A = arith.index_cast %mul3A_446 : i32 to index
          %swap3A_447 = tpu.vector_load %arg6[%swap3A] {strides = array<i32>} : memref<256xi32, #tpu.memory_space<vmem>>, vector<16xi32>,
          tpu.vector_store %arg6[%swap3A], %add3A_444 {strides = array<i32>} : memref<256xi32, #tpu.memory_space<vmem>>, vector<16xi32>,
          %reduce_sum3A = arith.constant true
          %reduce_sum3A_448 = vector.broadcast %reduce_sum3A : i1 to vector<16xi1>
          %reduce_sum3A_449 = tpu.scan <sum>, %add3A_439 masked %reduce_sum3A_448 : vector<16xi32>, vector<16xi1> -> vector<16xi32>
          %reduce_sum3A_450 = vector.extract %reduce_sum3A_449[15] : i32 from vector<16xi32>
          %add3A_451 = arith.addi %scan3A_330, %reduce_sum3A_450 : i32
          scf.yield %add3A_451 : i32
        }
        %scan3A_309 = arith.constant 16 : i32
        %while3A_310 = arith.constant 0 : i32
        %while3A_311 = arith.constant 0 : i32
        %while3A_312 = arith.subi %min3A_158, %while3A_310 : i32
        %while3A_313 = arith.addi %while3A_310, %while3A_312 : i32
        %while3A_314 = arith.constant 1 : i32
        %while3A_315 = arith.divsi %while3A_312, %while3A_314 : i32
        %while3A_316 = arith.muli %while3A_315, %while3A_314 : i32
        %while3A_317 = arith.addi %while3A_310, %while3A_316 : i32
        %while3A_318 = arith.constant 1 : i32
        %while3A_319 = scf.for %while3A_329 = %while3A_310 to %while3A_317 step %while3A_318 iter_args(%while3A_330 = %while3A_311) -> (i32)  : i32 {
          %mul3A_331 = arith.constant 16 : i32
          %mul3A_332 = arith.muli %while3A_329, %mul3A_331 : i32
          %get3A_333 = arith.index_cast %mul3A_332 : i32 to index
          %get3A_334 = tpu.vector_load %arg11[%get3A_333] {strides = array<i32>} : memref<6144xi32, #tpu.memory_space<vmem>>, vector<16xi32>,
          %mul3A_335 = arith.constant 16 : i32
          %mul3A_336 = arith.muli %while3A_329, %mul3A_335 : i32
          %get3A_337 = arith.index_cast %mul3A_336 : i32 to index
          %get3A_338 = tpu.vector_load %arg12[%get3A_337] {strides = array<i32>} : memref<6144xi32, #tpu.memory_space<vmem>>, vector<16xi32>,
          %shift_right_arithmetic3A_339 = arith.constant 24 : i32
          %shift_right_arithmetic3A_340 = vector.broadcast %shift_right_arithmetic3A_339 : i32 to vector<16xi32>
          %shift_right_arithmetic3A_341 = arith.shrsi %get3A_334, %shift_right_arithmetic3A_340 : vector<16xi32>
          %and3A_342 = arith.constant 255 : i32
          %and3A_343 = vector.broadcast %and3A_342 : i32 to vector<16xi32>
          %and3A_344 = arith.andi %shift_right_arithmetic3A_341, %and3A_343 : vector<16xi32>
          %mul3A_345 = arith.constant 16 : i32
          %mul3A_346 = vector.broadcast %mul3A_345 : i32 to vector<16xi32>
          %mul3A_347 = arith.muli %and3A_344, %mul3A_346 : vector<16xi32>
          %add3A_348 = arith.addi %mul3A_347, %iota3A : vector<16xi32>
          %masked_sort3A = arith.constant dense<true> : vector<16xi1>
          %masked_sort3A_349 = arith.constant -2147483648 : i32
          %masked_sort3A_350 = vector.broadcast %masked_sort3A_349 : i32 to vector<16xi32>
          %masked_sort3A_351 = arith.xori %add3A_348, %masked_sort3A_350 : vector<16xi32>
          %masked_sort3A_352, %masked_sort3A_353, %masked_sort3A_354 = tpu.sort %masked_sort3A_351, %iota3A masked %masked_sort3A : (vector<16xi32>, vector<16xi32>, vector<16xi1>) -> (vector<16xi1>, vector<16xi32>, vector<16xi32>)
          %masked_sort3A_355 = arith.xori %masked_sort3A_353, %masked_sort3A_350 : vector<16xi32>
          %shift_right_arithmetic3A_356 = arith.constant 4 : i32
          %shift_right_arithmetic3A_357 = vector.broadcast %shift_right_arithmetic3A_356 : i32 to vector<16xi32>
          %shift_right_arithmetic3A_358 = arith.shrsi %masked_sort3A_355, %shift_right_arithmetic3A_357 : vector<16xi32>
          %swap3A = arith.constant 0 : index
          %swap3A_359 = tpu.vector_load %arg15[%swap3A] {strides = array<i32>} : memref<16xi32, #tpu.memory_space<vmem>>, vector<16xi32>,
          tpu.vector_store %arg15[%swap3A], %shift_right_arithmetic3A_358 {strides = array<i32>} : memref<16xi32, #tpu.memory_space<vmem>>, vector<16xi32>,
          %sub3A_360 = arith.constant 1 : i32
          %sub3A_361 = vector.broadcast %sub3A_360 : i32 to vector<16xi32>
          %sub3A_362 = arith.subi %iota3A, %sub3A_361 : vector<16xi32>
          %max3A = arith.constant 0 : i32
          %max3A_363 = vector.broadcast %max3A : i32 to vector<16xi32>
          %max3A_364 = arith.maxsi %sub3A_362, %max3A_363 : vector<16xi32>
          %gather3A = tpu.vector_load_idx %arg15[%max3A_364] : memref<16xi32, #tpu.memory_space<vmem>>[vector<16xi32>], vector<16xi32>,
          %ne3A_365 = arith.cmpi ne, %shift_right_arithmetic3A_358, %gather3A : vector<16xi32>
          %eq3A_366 = arith.constant 0 : i32
          %eq3A_367 = vector.broadcast %eq3A_366 : i32 to vector<16xi32>
          %eq3A_368 = arith.cmpi eq, %iota3A, %eq3A_367 : vector<16xi32>
          %or3A_369 = arith.ori %ne3A_365, %eq3A_368 : vector<16xi1>
          %jit3A_370 = arith.constant 0 : i32
          %broadcast_in_dim3A_371 = vector.broadcast %jit3A_370 : i32 to vector<16xi32>
          %select_n3A_372 = arith.select %or3A_369, %iota3A, %broadcast_in_dim3A_371 : vector<16xi1>, vector<16xi32>
          %broadcast_in_dim3A_373 = arith.constant true
          %broadcast_in_dim3A_374 = vector.broadcast %broadcast_in_dim3A_373 : i1 to vector<16xi1>
          %masked_cummax3A = arith.constant -2147483648 : i32
          %masked_cummax3A_375 = vector.broadcast %masked_cummax3A : i32 to vector<16xi32>
          %masked_cummax3A_376 = arith.xori %select_n3A_372, %masked_cummax3A_375 : vector<16xi32>
          %masked_cummax3A_377 = tpu.scan <max>, %masked_cummax3A_376 masked %broadcast_in_dim3A_374 : vector<16xi32>, vector<16xi1> -> vector<16xi32>
          %masked_cummax3A_378 = arith.xori %masked_cummax3A_377, %masked_cummax3A_375 : vector<16xi32>
          %sub3A_379 = arith.subi %iota3A, %masked_cummax3A_378 : vector<16xi32>
          %gather3A_380 = tpu.vector_load_idx %arg6[%shift_right_arithmetic3A_358] : memref<256xi32, #tpu.memory_space<vmem>>[vector<16xi32>], vector<16xi32>,
          %add3A_381 = arith.addi %gather3A_380, %sub3A_379 : vector<16xi32>
          %add3A_382 = arith.constant 1 : i32
          %add3A_383 = vector.broadcast %add3A_382 : i32 to vector<16xi32>
          %add3A_384 = arith.addi %iota3A, %add3A_383 : vector<16xi32>
          %min3A_385 = arith.constant 15 : i32
          %min3A_386 = vector.broadcast %min3A_385 : i32 to vector<16xi32>
          %min3A_387 = arith.minsi %add3A_384, %min3A_386 : vector<16xi32>
          %gather3A_388 = tpu.vector_load_idx %arg15[%min3A_387] : memref<16xi32, #tpu.memory_space<vmem>>[vector<16xi32>], vector<16xi32>,
          %ne3A_389 = arith.cmpi ne, %shift_right_arithmetic3A_358, %gather3A_388 : vector<16xi32>
          %eq3A_390 = arith.constant 15 : i32
          %eq3A_391 = vector.broadcast %eq3A_390 : i32 to vector<16xi32>
          %eq3A_392 = arith.cmpi eq, %iota3A, %eq3A_391 : vector<16xi32>
          %or3A_393 = arith.ori %ne3A_389, %eq3A_392 : vector<16xi1>
          %add3A_394 = arith.constant 1 : i32
          %add3A_395 = vector.broadcast %add3A_394 : i32 to vector<16xi32>
          %add3A_396 = arith.addi %sub3A_379, %add3A_395 : vector<16xi32>
          tpu.vector_store_idx %arg6[%shift_right_arithmetic3A_358], %add3A_396 masked %or3A_393 {add = true} : memref<256xi32, #tpu.memory_space<vmem>>[vector<16xi32>], vector<16xi32>, vector<16xi1>
          %swap3A_397 = arith.constant 0 : index
          %swap3A_398 = tpu.vector_load %arg16[%swap3A_397] {strides = array<i32>} : memref<16xi32, #tpu.memory_space<vmem>>, vector<16xi32>,
          tpu.vector_store %arg16[%swap3A_397], %get3A_334 {strides = array<i32>} : memref<16xi32, #tpu.memory_space<vmem>>, vector<16xi32>,
          %gather3A_399 = tpu.vector_load_idx %arg16[%masked_sort3A_354] : memref<16xi32, #tpu.memory_space<vmem>>[vector<16xi32>], vector<16xi32>,
          %swap3A_400 = arith.constant 0 : index
          %swap3A_401 = tpu.vector_load %arg17[%swap3A_400] {strides = array<i32>} : memref<16xi32, #tpu.memory_space<vmem>>, vector<16xi32>,
          tpu.vector_store %arg17[%swap3A_400], %get3A_338 {strides = array<i32>} : memref<16xi32, #tpu.memory_space<vmem>>, vector<16xi32>,
          %gather3A_402 = tpu.vector_load_idx %arg17[%masked_sort3A_354] : memref<16xi32, #tpu.memory_space<vmem>>[vector<16xi32>], vector<16xi32>,
          tpu.vector_store_idx %arg9[%add3A_381], %gather3A_399 : memref<6144xi32, #tpu.memory_space<vmem>>[vector<16xi32>], vector<16xi32>,
          tpu.vector_store_idx %arg10[%add3A_381], %gather3A_402 : memref<6144xi32, #tpu.memory_space<vmem>>[vector<16xi32>], vector<16xi32>,
          %while3A_403 = arith.constant 0 : i32
          scf.yield %while3A_403 : i32
        }
        %while3A_320 = arith.constant 1 : i32
        %while3A_321 = scf.for %while3A_329 = %while3A_317 to %while3A_313 step %while3A_320 iter_args(%while3A_330 = %while3A_319) -> (i32)  : i32 {
          %mul3A_331 = arith.constant 16 : i32
          %mul3A_332 = arith.muli %while3A_329, %mul3A_331 : i32
          %get3A_333 = arith.index_cast %mul3A_332 : i32 to index
          %get3A_334 = tpu.vector_load %arg11[%get3A_333] {strides = array<i32>} : memref<6144xi32, #tpu.memory_space<vmem>>, vector<16xi32>,
          %mul3A_335 = arith.constant 16 : i32
          %mul3A_336 = arith.muli %while3A_329, %mul3A_335 : i32
          %get3A_337 = arith.index_cast %mul3A_336 : i32 to index
          %get3A_338 = tpu.vector_load %arg12[%get3A_337] {strides = array<i32>} : memref<6144xi32, #tpu.memory_space<vmem>>, vector<16xi32>,
          %shift_right_arithmetic3A_339 = arith.constant 24 : i32
          %shift_right_arithmetic3A_340 = vector.broadcast %shift_right_arithmetic3A_339 : i32 to vector<16xi32>
          %shift_right_arithmetic3A_341 = arith.shrsi %get3A_334, %shift_right_arithmetic3A_340 : vector<16xi32>
          %and3A_342 = arith.constant 255 : i32
          %and3A_343 = vector.broadcast %and3A_342 : i32 to vector<16xi32>
          %and3A_344 = arith.andi %shift_right_arithmetic3A_341, %and3A_343 : vector<16xi32>
          %mul3A_345 = arith.constant 16 : i32
          %mul3A_346 = vector.broadcast %mul3A_345 : i32 to vector<16xi32>
          %mul3A_347 = arith.muli %and3A_344, %mul3A_346 : vector<16xi32>
          %add3A_348 = arith.addi %mul3A_347, %iota3A : vector<16xi32>
          %masked_sort3A = arith.constant dense<true> : vector<16xi1>
          %masked_sort3A_349 = arith.constant -2147483648 : i32
          %masked_sort3A_350 = vector.broadcast %masked_sort3A_349 : i32 to vector<16xi32>
          %masked_sort3A_351 = arith.xori %add3A_348, %masked_sort3A_350 : vector<16xi32>
          %masked_sort3A_352, %masked_sort3A_353, %masked_sort3A_354 = tpu.sort %masked_sort3A_351, %iota3A masked %masked_sort3A : (vector<16xi32>, vector<16xi32>, vector<16xi1>) -> (vector<16xi1>, vector<16xi32>, vector<16xi32>)
          %masked_sort3A_355 = arith.xori %masked_sort3A_353, %masked_sort3A_350 : vector<16xi32>
          %shift_right_arithmetic3A_356 = arith.constant 4 : i32
          %shift_right_arithmetic3A_357 = vector.broadcast %shift_right_arithmetic3A_356 : i32 to vector<16xi32>
          %shift_right_arithmetic3A_358 = arith.shrsi %masked_sort3A_355, %shift_right_arithmetic3A_357 : vector<16xi32>
          %swap3A = arith.constant 0 : index
          %swap3A_359 = tpu.vector_load %arg15[%swap3A] {strides = array<i32>} : memref<16xi32, #tpu.memory_space<vmem>>, vector<16xi32>,
          tpu.vector_store %arg15[%swap3A], %shift_right_arithmetic3A_358 {strides = array<i32>} : memref<16xi32, #tpu.memory_space<vmem>>, vector<16xi32>,
          %sub3A_360 = arith.constant 1 : i32
          %sub3A_361 = vector.broadcast %sub3A_360 : i32 to vector<16xi32>
          %sub3A_362 = arith.subi %iota3A, %sub3A_361 : vector<16xi32>
          %max3A = arith.constant 0 : i32
          %max3A_363 = vector.broadcast %max3A : i32 to vector<16xi32>
          %max3A_364 = arith.maxsi %sub3A_362, %max3A_363 : vector<16xi32>
          %gather3A = tpu.vector_load_idx %arg15[%max3A_364] : memref<16xi32, #tpu.memory_space<vmem>>[vector<16xi32>], vector<16xi32>,
          %ne3A_365 = arith.cmpi ne, %shift_right_arithmetic3A_358, %gather3A : vector<16xi32>
          %eq3A_366 = arith.constant 0 : i32
          %eq3A_367 = vector.broadcast %eq3A_366 : i32 to vector<16xi32>
          %eq3A_368 = arith.cmpi eq, %iota3A, %eq3A_367 : vector<16xi32>
          %or3A_369 = arith.ori %ne3A_365, %eq3A_368 : vector<16xi1>
          %jit3A_370 = arith.constant 0 : i32
          %broadcast_in_dim3A_371 = vector.broadcast %jit3A_370 : i32 to vector<16xi32>
          %select_n3A_372 = arith.select %or3A_369, %iota3A, %broadcast_in_dim3A_371 : vector<16xi1>, vector<16xi32>
          %broadcast_in_dim3A_373 = arith.constant true
          %broadcast_in_dim3A_374 = vector.broadcast %broadcast_in_dim3A_373 : i1 to vector<16xi1>
          %masked_cummax3A = arith.constant -2147483648 : i32
          %masked_cummax3A_375 = vector.broadcast %masked_cummax3A : i32 to vector<16xi32>
          %masked_cummax3A_376 = arith.xori %select_n3A_372, %masked_cummax3A_375 : vector<16xi32>
          %masked_cummax3A_377 = tpu.scan <max>, %masked_cummax3A_376 masked %broadcast_in_dim3A_374 : vector<16xi32>, vector<16xi1> -> vector<16xi32>
          %masked_cummax3A_378 = arith.xori %masked_cummax3A_377, %masked_cummax3A_375 : vector<16xi32>
          %sub3A_379 = arith.subi %iota3A, %masked_cummax3A_378 : vector<16xi32>
          %gather3A_380 = tpu.vector_load_idx %arg6[%shift_right_arithmetic3A_358] : memref<256xi32, #tpu.memory_space<vmem>>[vector<16xi32>], vector<16xi32>,
          %add3A_381 = arith.addi %gather3A_380, %sub3A_379 : vector<16xi32>
          %add3A_382 = arith.constant 1 : i32
          %add3A_383 = vector.broadcast %add3A_382 : i32 to vector<16xi32>
          %add3A_384 = arith.addi %iota3A, %add3A_383 : vector<16xi32>
          %min3A_385 = arith.constant 15 : i32
          %min3A_386 = vector.broadcast %min3A_385 : i32 to vector<16xi32>
          %min3A_387 = arith.minsi %add3A_384, %min3A_386 : vector<16xi32>
          %gather3A_388 = tpu.vector_load_idx %arg15[%min3A_387] : memref<16xi32, #tpu.memory_space<vmem>>[vector<16xi32>], vector<16xi32>,
          %ne3A_389 = arith.cmpi ne, %shift_right_arithmetic3A_358, %gather3A_388 : vector<16xi32>
          %eq3A_390 = arith.constant 15 : i32
          %eq3A_391 = vector.broadcast %eq3A_390 : i32 to vector<16xi32>
          %eq3A_392 = arith.cmpi eq, %iota3A, %eq3A_391 : vector<16xi32>
          %or3A_393 = arith.ori %ne3A_389, %eq3A_392 : vector<16xi1>
          %add3A_394 = arith.constant 1 : i32
          %add3A_395 = vector.broadcast %add3A_394 : i32 to vector<16xi32>
          %add3A_396 = arith.addi %sub3A_379, %add3A_395 : vector<16xi32>
          tpu.vector_store_idx %arg6[%shift_right_arithmetic3A_358], %add3A_396 masked %or3A_393 {add = true} : memref<256xi32, #tpu.memory_space<vmem>>[vector<16xi32>], vector<16xi32>, vector<16xi1>
          %swap3A_397 = arith.constant 0 : index
          %swap3A_398 = tpu.vector_load %arg16[%swap3A_397] {strides = array<i32>} : memref<16xi32, #tpu.memory_space<vmem>>, vector<16xi32>,
          tpu.vector_store %arg16[%swap3A_397], %get3A_334 {strides = array<i32>} : memref<16xi32, #tpu.memory_space<vmem>>, vector<16xi32>,
          %gather3A_399 = tpu.vector_load_idx %arg16[%masked_sort3A_354] : memref<16xi32, #tpu.memory_space<vmem>>[vector<16xi32>], vector<16xi32>,
          %swap3A_400 = arith.constant 0 : index
          %swap3A_401 = tpu.vector_load %arg17[%swap3A_400] {strides = array<i32>} : memref<16xi32, #tpu.memory_space<vmem>>, vector<16xi32>,
          tpu.vector_store %arg17[%swap3A_400], %get3A_338 {strides = array<i32>} : memref<16xi32, #tpu.memory_space<vmem>>, vector<16xi32>,
          %gather3A_402 = tpu.vector_load_idx %arg17[%masked_sort3A_354] : memref<16xi32, #tpu.memory_space<vmem>>[vector<16xi32>], vector<16xi32>,
          tpu.vector_store_idx %arg9[%add3A_381], %gather3A_399 : memref<6144xi32, #tpu.memory_space<vmem>>[vector<16xi32>], vector<16xi32>,
          tpu.vector_store_idx %arg10[%add3A_381], %gather3A_402 : memref<6144xi32, #tpu.memory_space<vmem>>[vector<16xi32>], vector<16xi32>,
          %while3A_403 = arith.constant 0 : i32
          scf.yield %while3A_403 : i32
        }
        %scan3A_322 = arith.constant 0 : i32
        %scan3A_323 = arith.constant 0 : i32
        %scan3A_324 = arith.constant 256 : i32
        %scan3A_325 = arith.addi %scan3A_323, %scan3A_324 : i32
        %scan3A_326 = arith.constant 1 : i32
        %scan3A_327 = scf.for %scan3A_329 = %scan3A_323 to %scan3A_325 step %scan3A_326 iter_args(%scan3A_330 = %scan3A_322) -> (i32)  : i32 {
          %mul3A_331 = arith.constant 16 : i32
          %mul3A_332 = arith.muli %scan3A_329, %mul3A_331 : i32
          %get3A_333 = arith.index_cast %mul3A_332 : i32 to index
          %get3A_334 = tpu.vector_load %arg10[%get3A_333] {strides = array<i32>} : memref<6144xi32, #tpu.memory_space<vmem>>, vector<16xi32>,
          %mul3A_335 = arith.constant 16 : i32
          %mul3A_336 = arith.muli %scan3A_329, %mul3A_335 : i32
          %swap3A = arith.index_cast %mul3A_336 : i32 to index
          %swap3A_337 = tpu.vector_load %arg12[%swap3A] {strides = array<i32>} : memref<6144xi32, #tpu.memory_space<vmem>>, vector<16xi32>,
          tpu.vector_store %arg12[%swap3A], %get3A_334 {strides = array<i32>} : memref<6144xi32, #tpu.memory_space<vmem>>, vector<16xi32>,
          %scan3A_338 = arith.constant 0 : i32
          scf.yield %scan3A_338 : i32
        }
        %scan3A_328 = arith.constant 256 : i32
      } else {
      }
      "tpu.region"() ({
        %run_scoped3A_284 = tpu.sem_alloc : memref<!tpu.dma_semaphore, #tpu.memory_space<semaphore_mem>>
        %dma_start3A = arith.constant 0 : i32
        %dma_start3A_285 = tpu.memref_slice %arg12[%dma_start3A] : memref<6144xi32, #tpu.memory_space<vmem>> -> memref<4096xi32, #tpu.memory_space<vmem>>
        %dma_start3A_286 = arith.constant 0 : i32
        %dma_start3A_287 = tpu.memref_slice %arg3[%add3A_30, %dma_start3A_286] : memref<16x4096xi32, #tpu.memory_space<hbm>> -> memref<1x4096xi32, #tpu.memory_space<hbm>>
        %dma_start3A_288 = tpu.memref_squeeze %dma_start3A_287 : memref<1x4096xi32, #tpu.memory_space<hbm>> -> memref<4096xi32, #tpu.memory_space<hbm>>
        %dma_start3A_289 = arith.constant 0 : i32
        %dma_start3A_290 = tpu.memref_slice %arg3[%add3A_30, %dma_start3A_289] : memref<16x4096xi32, #tpu.memory_space<hbm>> -> memref<1x4096xi32, #tpu.memory_space<hbm>>
        %dma_start3A_291 = tpu.memref_squeeze %dma_start3A_290 : memref<1x4096xi32, #tpu.memory_space<hbm>> -> memref<4096xi32, #tpu.memory_space<hbm>>
        %dma_start3A_292 = arith.constant 0 : i32
        %dma_start3A_293 = tpu.memref_slice %arg12[%dma_start3A_292] : memref<6144xi32, #tpu.memory_space<vmem>> -> memref<4096xi32, #tpu.memory_space<vmem>>
        tpu.enqueue_dma source(%dma_start3A_293 : memref<4096xi32, #tpu.memory_space<vmem>>) target(%dma_start3A_291 : memref<4096xi32, #tpu.memory_space<hbm>>) target_semaphore(%run_scoped3A_284 : memref<!tpu.dma_semaphore, #tpu.memory_space<semaphore_mem>>)
        %dma_wait3A = arith.constant 0 : i32
        %dma_wait3A_294 = tpu.memref_slice %arg12[%dma_wait3A] : memref<6144xi32, #tpu.memory_space<vmem>> -> memref<4096xi32, #tpu.memory_space<vmem>>
        %dma_wait3A_295 = arith.constant 0 : i32
        %dma_wait3A_296 = tpu.memref_slice %arg3[%add3A_30, %dma_wait3A_295] : memref<16x4096xi32, #tpu.memory_space<hbm>> -> memref<1x4096xi32, #tpu.memory_space<hbm>>
        %dma_wait3A_297 = tpu.memref_squeeze %dma_wait3A_296 : memref<1x4096xi32, #tpu.memory_space<hbm>> -> memref<4096xi32, #tpu.memory_space<hbm>>
        %dma_wait3A_298 = arith.constant 0 : i32
        %dma_wait3A_299 = tpu.memref_slice %arg3[%add3A_30, %dma_wait3A_298] : memref<16x4096xi32, #tpu.memory_space<hbm>> -> memref<1x4096xi32, #tpu.memory_space<hbm>>
        %dma_wait3A_300 = tpu.memref_squeeze %dma_wait3A_299 : memref<1x4096xi32, #tpu.memory_space<hbm>> -> memref<4096xi32, #tpu.memory_space<hbm>>
        %dma_wait3A_301 = arith.constant 0 : i32
        %dma_wait3A_302 = tpu.memref_slice %arg12[%dma_wait3A_301] : memref<6144xi32, #tpu.memory_space<vmem>> -> memref<4096xi32, #tpu.memory_space<vmem>>
        tpu.wait_dma2 semaphore(%run_scoped3A_284 : memref<!tpu.dma_semaphore, #tpu.memory_space<semaphore_mem>>) src(%dma_wait3A_302 : memref<4096xi32, #tpu.memory_space<vmem>>) dst(%dma_wait3A_300 : memref<4096xi32, #tpu.memory_space<hbm>>)
        tpu.yield
      }) : () -> ()
    } else {
    }
    return
  }
}

module attributes {stable_mosaic.version = 14 : i64} {
  func.func @_scores_body(%arg0: memref<16x65536xf32, #tpu.memory_space<vmem>>, %arg1: memref<16x65536xf32, #tpu.memory_space<vmem>>, %arg2: memref<16x65536xf32, #tpu.memory_space<vmem>>, %arg3: memref<16x65536xi32, #tpu.memory_space<vmem>>) attributes {dimension_semantics = [], scalar_prefetch = 0 : i64, scratch_operands = 0 : i64, tpu.core_type = #tpu.core_type<tc>} {
    %get3A = arith.constant 0 : index
    %get3A_0 = arith.constant 0 : index
    %get3A_1 = vector.load %arg0[%get3A, %get3A_0] : memref<16x65536xf32, #tpu.memory_space<vmem>>, vector<16x65536xf32>
    %get3A_2 = arith.constant 0 : index
    %get3A_3 = arith.constant 0 : index
    %get3A_4 = vector.load %arg1[%get3A_2, %get3A_3] : memref<16x65536xf32, #tpu.memory_space<vmem>>, vector<16x65536xf32>
    %max3A = arith.maximumf %get3A_1, %get3A_4 : vector<16x65536xf32>
    %get3A_5 = arith.constant 0 : index
    %get3A_6 = arith.constant 0 : index
    %get3A_7 = vector.load %arg2[%get3A_5, %get3A_6] : memref<16x65536xf32, #tpu.memory_space<vmem>>, vector<16x65536xf32>
    %max3A_8 = arith.maximumf %max3A, %get3A_7 : vector<16x65536xf32>
    %logistic3A = arith.negf %max3A_8 : vector<16x65536xf32>
    %logistic3A_9 = math.exp %logistic3A : vector<16x65536xf32>
    %logistic3A_10 = arith.constant 1.000000e+00 : f32
    %logistic3A_11 = vector.broadcast %logistic3A_10 : f32 to vector<16x65536xf32>
    %logistic3A_12 = arith.addf %logistic3A_11, %logistic3A_9 : vector<16x65536xf32>
    %logistic3A_13 = arith.divf %logistic3A_11, %logistic3A_12 : vector<16x65536xf32>
    %bitcast_convert_type3A = tpu.bitcast %logistic3A_13 : vector<16x65536xf32> -> vector<16x65536xi32>
    %swap3A = arith.constant 0 : index
    %swap3A_14 = arith.constant 0 : index
    %swap3A_15 = vector.load %arg3[%swap3A, %swap3A_14] : memref<16x65536xi32, #tpu.memory_space<vmem>>, vector<16x65536xi32>
    tpu.vector_store %arg3[%swap3A, %swap3A_14], %bitcast_convert_type3A {strides = array<i32>} : memref<16x65536xi32, #tpu.memory_space<vmem>>, vector<16x65536xi32>,
    return
  }
}

</mosaic_0001>

<sc_bundles>
// kernel: kernel.4.cloned.1.call-start
scs
__scs_entry_jumppad:
0x0: {  	(pc) =	sbr.rel $0x88, $3  }
0x1: {  	(tag) =	ssettag $0x0;
	lr =	simm.s32 $0x1  }
0x2: {  	[smem:$0x3FA0] =	sst lr;
	_ =	strace $0xD0000000  }
0x3: {  	_ = 	snop  }
0x4: {  	_ = 	snop  }
0x5: {  	_ = 	snop  }
0x6: {  	_ = 	snop  }
0x7: {  	_ = 	snop  }
__scs_overlays_trampoline_lowered:
0x8: {  	[smem:$0x3FAF] =	sst s0  }
0x9: {  	[smem:$0x3FB0] =	sst s1  }
0xa: {  	[smem:$0x3FB1] =	sst s2  }
0xb: {  	[smem:$0x3FB2] =	sst s3  }
0xc: {  	[smem:$0x3FB3] =	sst s4  }
0xd: {  	[smem:$0x3FB4] =	sst s5  }
0xe: {  	[smem:$0x3FB5] =	sst s6  }
0xf: {  	[smem:$0x3FB6] =	sst s7  }
0x10: {  	[smem:$0x3FB7] =	sst s8  }
0x11: {  	[smem:$0x3FB8] =	sst s9;
	s0 =	simm.s32 @!p0 $0x0  }
0x12: {  	s1 =	sld [smem:$0x3F9E];
	s0 =	simm.s32 @p0 $0x1  }
0x13: {  	[smem:$0x3FB9] =	sst s0;
	s0 =	simm.s32 @!p1 $0x0  }
0x14: {  	s2 =	sld [smem:$0x3F9D];
	s0 =	simm.s32 @p1 $0x1  }
0x15: {  	[smem:$0x3FBA] =	sst s0;
	s0 =	simm.s32 @!p2 $0x0  }
0x16: {  	s3 =	sld [smem:$0x3FDB];
	s0 =	simm.s32 @p2 $0x1  }
0x17: {  	s4 =	simm.s32 $0x1BF5;
	[smem:$0x3FBC] =	sst s0  }
0x18: {  	s0 =	sld [smem:$0x3F9F];
	_ =	swait.ge [sflag:s4], $0x0  }
0x19: {  	s7 =	sld [smem:$0x3FA0]  }
0x1a: {  	s8 =	sadd.s32 $0xFFFFE003, lr  }
0x1b: {  	s9 =	sadd.s32 $0xFFFFFEF7, lr;
	s5 =	simm.s32 $0xFFFFFFFF;
	p2 =	slt.u32 s8, $0xFFFFF086  }
0x1c: {  	p1 =	slt.u32 s9, $0xF7A;
	s5 =	simm.s32 @!p2 $0x0  }
0x1d: {  	s5 =	simm.s32 @p1 $0x1;
	p0 =	seq.s32 s7, s2  }
0x1e: {  	s7 =	smul.u32 @!p0 $0xF7A, s2;
	p2 =	seq.s32 @!p0 s5, $0x0  }
0x1f: {  	s9 =	smul.u32 $0xF7A, s1;
	s8 =	simm.s32 @!p0 $0x1BF5;
	p2 =	por !p2, p0  }
0x20: {  	[sflag:s8] =	ssyncset.s32 @!p0 $0xFFFFF086;
	s6 =	sadd.s32 @!p0 s3, s7;
	s7 =	simm.s32 @!p0 $0x108  }
0x21: {  	s3 =	sadd.s32 s3, s9;
	s6 =	sadd.s32 @!p0 $0x88, s6;
	s7 =	simm.s32 @p2 $0x1082  }
0x22: {  	[simem:s7], [sflag:s8] =	dma.local @!p0 [hbm:s6], $0xF7A  }
0x23: {  	s9 =	sor.u32 $0xD0000000, s2;
	s6 =	simm.s32 $0x108;
	_ =	swait.ge @!p0 [sflag:s8], $0x0  }
0x24: {  	s3 =	sadd.s32 $0x88, s3;
	s6 =	simm.s32 @!p1 $0x1082;
	[sflag:s4] =	ssyncset.s32 $0xFFFFF086  }
0x25: {  	[simem:s6], [sflag:s4] =	dma.local [hbm:s3], $0xF7A  }
0x26: {  	[smem:$0x3FA0] =	sst s1;
	(tag) =	ssettag s2;
	_ =	strace s9  }
0x27: {  	s1 =	sld [smem:$0x3FB0]  }
0x28: {  	s2 =	sld [smem:$0x3FB1]  }
0x29: {  	s4 =	sld [smem:$0x3FB3]  }
0x2a: {  	p0 =	seq.s32 s5, $0x0;
	s5 =	sld [smem:$0x3FB4]  }
0x2b: {  	s6 =	sld [smem:$0x3FB5]  }
0x2c: {  	s7 =	sld [smem:$0x3FB6]  }
0x2d: {  	s3 =	simm.s32 $0x108;
	s8 =	sld [smem:$0x3FB7]  }
0x2e: {  	s3 =	simm.s32 @!p0 $0x1082;
	s9 =	sld [smem:$0x3FB8]  }
0x2f: {  	lr =	sadd.s32 s0, s3;
	s0 =	sld [smem:$0x3FAF]  }
0x30: {  	s3 =	sld [smem:$0x3FB2]  }
0x31: {  	[smem:$0x3FBB] =	sst s10  }
0x32: {  	s10 =	sld [smem:$0x3FB9];
	_ =	sdelay $0x3  }
0x33: {  	p0 =	seq.s32 s10, $0x1;
	s10 =	sld [smem:$0x3FBB];
	_ =	sdelay $0x3  }
0x34: {  	[smem:$0x3FBB] =	sst s10  }
0x35: {  	s10 =	sld [smem:$0x3FBA];
	_ =	sdelay $0x3  }
0x36: {  	p1 =	seq.s32 s10, $0x1;
	s10 =	sld [smem:$0x3FBB];
	_ =	sdelay $0x3  }
0x37: {  	[smem:$0x3FBB] =	sst s10  }
0x38: {  	s10 =	sld [smem:$0x3FBC]  }
0x39: {  	_ = 	snop;
	(pc) =	sbr.ind lr, $3  }
0x3a: {  	_ = 	snop  }
0x3b: {  	_ = 	snop  }
0x3c: {  	p2 =	seq.s32 s10, $0x1;
	s10 =	sld [smem:$0x3FBB]  }
0x3d: {  	_ =	shalt  }
0x3e: {  	_ =	shalt  }
0x3f: {  	_ =	shalt  }
0x40: {  	_ =	shalt  }
0x41: {  	_ =	shalt  }
0x42: {  	_ =	shalt  }
0x43: {  	_ =	shalt  }
0x44: {  	_ =	shalt  }
0x45: {  	_ =	shalt  }
0x46: {  	_ =	shalt  }
0x47: {  	_ =	shalt  }
0x48: {  	_ =	shalt  }
0x49: {  	_ =	shalt  }
0x4a: {  	_ =	shalt  }
0x4b: {  	_ =	shalt  }
0x4c: {  	_ =	shalt  }
0x4d: {  	_ =	shalt  }
0x4e: {  	_ =	shalt  }
0x4f: {  	_ =	shalt  }
0x50: {  	_ =	shalt  }
0x51: {  	_ =	shalt  }
0x52: {  	_ =	shalt  }
0x53: {  	_ =	shalt  }
0x54: {  	_ =	shalt  }
0x55: {  	_ =	shalt  }
0x56: {  	_ =	shalt  }
0x57: {  	_ =	shalt  }
0x58: {  	_ =	shalt  }
0x59: {  	_ =	shalt  }
0x5a: {  	_ =	shalt  }
0x5b: {  	_ =	shalt  }
0x5c: {  	_ =	shalt  }
0x5d: {  	_ =	shalt  }
0x5e: {  	_ =	shalt  }
0x5f: {  	_ =	shalt  }
0x60: {  	_ =	shalt  }
0x61: {  	_ =	shalt  }
0x62: {  	_ =	shalt  }
0x63: {  	_ =	shalt  }
0x64: {  	_ =	shalt  }
0x65: {  	_ =	shalt  }
0x66: {  	_ =	shalt  }
0x67: {  	_ =	shalt  }
0x68: {  	_ =	shalt  }
0x69: {  	_ =	shalt  }
0x6a: {  	_ =	shalt  }
0x6b: {  	_ =	shalt  }
0x6c: {  	_ =	shalt  }
0x6d: {  	_ =	shalt  }
0x6e: {  	_ =	shalt  }
0x6f: {  	_ =	shalt  }
0x70: {  	_ =	shalt  }
0x71: {  	_ =	shalt  }
0x72: {  	_ =	shalt  }
0x73: {  	_ =	shalt  }
0x74: {  	_ =	shalt  }
0x75: {  	_ =	shalt  }
0x76: {  	_ =	shalt  }
0x77: {  	_ =	shalt  }
0x78: {  	_ =	shalt  }
0x79: {  	_ =	shalt  }
0x7a: {  	_ =	shalt  }
0x7b: {  	_ =	shalt  }
0x7c: {  	_ =	shalt  }
0x7d: {  	_ =	shalt  }
0x7e: {  	_ =	shalt  }
0x7f: {  	_ =	shalt  }
0x80: {  	_ =	shalt  }
0x81: {  	_ =	shalt  }
0x82: {  	_ =	shalt  }
0x83: {  	_ =	shalt  }
0x84: {  	_ =	shalt  }
0x85: {  	_ =	shalt  }
0x86: {  	_ =	shalt  }
0x87: {  	_ =	shalt  }
.Lfunc_end0:
.L_simem_size_0:
called_computation_lowered:
.L_overlay_start_0:
0x88: {  	s2 =	sld [smem:$0x3FD9]  }
0x89: {  	s3 =	sld [smem:$0x3FFE];
	_ =	sdelay $0x1  }
0x8a: {  	s1 =	srdreg.scid  }
0x8b: {  	s0 =	sand.u32 $0x1, s1  }
0x8c: {  	s16 =	sshll.u32 s0, $0xA;
	s2 =	sadd.s32 s3, s2  }
0x8d: {  	s2 =	sadd.s32 s2, s16  }
0x8e: {  	[smem:$0x3FC7] =	sst s2  }
0x8f: {  	_ = 	snop  }
0x90: {  	(tm) =	ssettm $0x1  }
0x91: {  	s17 =	sld [smem:$0x3FFB];
	_ =	sdelay $0x3  }
0x92: {  	_ =	strace s17  }
0x93: {  	s2 =	sld [smem:$0x3FFC];
	_ =	sdelay $0x3  }
0x94: {  	_ =	strace s2  }
0x95: {  	s2 =	sld [smem:$0x3FFD];
	_ =	sdelay $0x3  }
0x96: {  	_ =	strace s2  }
0x97: {  	_ =	strace $0x8FFFFFFF  }
0x98: {  	s18 =	sld [smem:$0x3FDB];
	_ =	sdelay $0x1  }
0x99: {  	s19 =	simm.s32 $_scs_section_size  }
0x9a: {  	s4 =	simm.s32 $_size__tile_overlayer_lowered;
	s5 =	simm.s32 $_tile_overlayer_lowered  }
0x9b: {  	s22 =	simm.s32 $0x1BFF;
	s21 =	sshll.u32 s5, $0x1;
	s2 =	sadd.s32 s19, s18  }
0x9c: {  	s6 =	simm.s32 $0x0;
	s20 =	sshll.u32 s4, $0x1;
	s4 =	sadd.s32 s21, s2  }
0x9d: {  	[timem:s6], [sflag:s22] =	dma.local [hbm:s4], s20  }
0x9e: {  	_ =	swait.ge [sflag:s22], s20  }
0x9f: {  	s3 =	ssub.s32 $0x0, s20;
	[sflag:s22] =	ssyncset.done $0x0  }
0xa0: {  	[sflag:s22] =	ssyncadd.s32 s3;
	_ =	sdelay $0x1  }
0xa1: {  	s23 =	simm.s32 $0x1B8B  }
0xa2: {  	_ =	swait.ge [sflag:s23], $0x1  }
0xa3: {  	[sflag:s23] =	ssyncset.done $0x0  }
0xa4: {  	s25 =	simm.s32 $0x1B8E;
	s24 =	sld [smem:$0x3FFE];
	[sflag:s23] =	ssyncadd.s32 $0xFFFFFFFF  }
0xa5: {  	s26 =	simm.s32 $execute0_lowered;
	[smem:$0x3FD2] =	sst s25  }
0xa6: {  	s4 =	sshll.u32 s26, $0x1;
	_ =	strace $0x80000046;
	[dreg:$0x1] =	wrdreg $0xFFFFFFFF  }
0xa7: {  	s28 =	simm.s32 $_size_execute0_lowered;
	s2 =	sadd.s32 s2, s4;
	[dreg:$0x0] =	wrdreg $0x0  }
0xa8: {  	s4 =	sshll.u32 s28, $0x1;
	[dreg:$0x2] =	wrdreg s2  }
0xa9: {  	[dreg:$0x3] =	wrdreg s4  }
0xaa: {  	[dreg:$0x4] =	wrdreg $0xC0  }
0xab: {  	_ =	task [dreg:s6], $0x5FFFF  }
0xac: {  	[dreg:$0x1] =	wrdreg $0xFFFFFFFF  }
0xad: {  	[dreg:$0x0] =	wrdreg $0x60  }
0xae: {  	[dreg:$0x2] =	wrdreg s24  }
0xaf: {  	[dreg:$0x3] =	wrdreg $0x123300  }
0xb0: {  	[dreg:$0x4] =	wrdreg $0x124300  }
0xb1: {  	[dreg:$0x5] =	wrdreg $0x130300  }
0xb2: {  	[dreg:$0x6] =	wrdreg $0x9  }
0xb3: {  	_ =	task.clear_ibuf [dreg:s6], $0x7FFFF;
	_ =	strace $0x90000046  }
0xb4: {  	s29 =	simm.s32 $0x9;
	_ =	strace $0x80000048  }
0xb5: {  	_ =	swait.ge [sflag:s29], $0x1  }
0xb6: {  	[sflag:s29] =	ssyncadd.s32 $0xFFFFFFFF  }
0xb7: {  	_ =	strace $0x90000048  }
0xb8: {  	_ =	sfence  }
0xb9: {  	s30 =	sld [smem:$0x0];
	_ =	sdelay $0x2  }
0xba: {  	s31 =	sshll.u32 s1, $0xD;
	s1 =	sshrl.u32 s1, $0x2  }
0xbb: {  	s3 =	sand.u32 $0x4000, s31;
	s1 =	sadd.s32 s1, s30  }
0xbc: {  	s0 =	sor.u32 s3, s0;
	s1 =	sshll.u32 s1, $0x11  }
0xbd: {  	s0 =	sor.u32 s1, s0  }
0xbe: {  	s0 =	sadd.s32 $0x8F2B, s0  }
0xbf: {  	[sflag:s0] =	ssyncadd.remote.s32 $0x1  }
0xc0: {  	_ =	sfence.sel $0xFFFF  }
0xc1: {  	[dreg:$0x0] =	wrdreg $0xFFFFFFFF;
	(pc) =	sbr.abs _section_cstart, $3  }
0xc2: {  	[dreg:$0x1] =	wrdreg $0xFFFFFFFF  }
0xc3: {  	_ =	task.clear_ibuf [dreg:s6], $0x2FFFF;
	_ =	strace $0x9FFFFFFF  }
0xc4: {  	(tm) =	ssettm $0x7FFFFFFF  }
0xc5: {  	_ =	shalt  }
tec
execute0_lowered:
.L_overlay_start_1:
0x0: {  	(tag) =	ssettag $0x1  }
0x1: {  	s0 =	rddreg [dreg:$0x0]  }
0x2: {  	s1 =	rddreg [dreg:$0x1]  }
0x3: {  	s2 =	srdreg.scid;
	s3 =	rddreg [dreg:$0x2]  }
0x4: {  	s7 =	stileid.u32;
	s4 =	rddreg [dreg:$0x3]  }
0x5: {  	s10 =	simm.s32 $0x0;
	s13 =	simm.s32 $0x8000;
	s14 =	simm.s32 $0x9000  }
0x6: {  	s30 =	simm.s32 $0x9100;
	s31 =	simm.s32 $0x9200;
	s17 =	simm.s32 $0x9300  }
0x7: {  	s18 =	simm.s32 $0xAB00;
	s2 =	sand.u32 $0x1, s2;
	s5 =	sshrl.u32 s7, $0x1  }
0x8: {  	s7 =	sand.u32 $0x1, s7;
	[smem:$0x7FF] =	sst s10;
	s6 =	sshll.u32 s2, $0x3  }
0x9: {  	s8 =	sshll.u32 s7, $0xF;
	_ =	strace $0x80000047;
	s2 =	ssub.s32 $0x2, s2  }
0xa: {  	s22 =	sshll.u32 s5, $0x9;
	s23 =	sshll.u32 s7, $0x8;
	p0 =	seq.s32 s7, $0x0  }
0xb: {  	s6 =	sor.u32 s5, s6;
	s21 =	sshrl.u32 s2, $0x1;
	s16 =	sadd.s32 s22, s1  }
0xc: {  	s5 =	smul.u32 $0x1800, s5;
	s29 =	sor.u32 $0x30, s8;
	s22 =	simm.s32 $0x12300  }
0xd: {  	s1 =	simm.s32 $0x0;
	s9 =	sshll.u32 s6, $0x10;
	s6 =	sshll.u32 s6, $0x9  }
0xe: {  	v0 =	vimm.s32 $0x0;
	s2 =	ssub.s32 s2, s21;
	s19 =	sadd.s32 s23, s16;
	[dreg:$0xd] =	wrdreg s29  }
0xf: {  	v1 =	vlaneseq.u32;
	v2 =	vimm.s32 $0xFFEDCBA9;
	v3 =	vimm.s32 $0x87654321;
	s20 =	sadd.s32 $0x100, s16;
	s21 =	simm.s32 $0x12310;
	[dreg:$0x5] =	wrdreg s16  }
0x10: {  	v4 =	vimm.s32 $0xEDCBA987;
	v5 =	vunpack.c.l.s4.s8 v2;
	v3 =	vunpack.c.l.s4.s8 v3;
	s23 =	simm.s32 $0x12320;
	s9 =	sor.u32 s8, s9;
	[dreg:$0x7] =	wrdreg s19  }
0x11: {  	v6 =	vimm.s32 $0x65432100;
	vm0 =	vcmask $0x3F3C;
	v4 =	vunpack.c.l.s4.s8 v4;
	s25 =	sadd.s32 s5, s3;
	s26 =	sadd.s32 s5, s4;
	[dreg:$0x8] =	wrdreg s20  }
.Ltmp0:
0x12: {  	v6 =	vunpack.c.l.s4.s8 v6;
	v5 =	vunpack.c.0.s8.s32 v5;
	v7 =	vunpack.c.0.s8.s32 v3;
	s9 =	sshrl.u32 s9, $0x3;
	[dreg:$0x9] =	wrdreg s25;
	(pc) =	sbr.rel .LBB2_1-.Ltmp0, $4  }
0x13: {  	v2 =	vmul.u32 $0x100, v1;
	v8 =	vmul.u32 $0xFFFFFFFF, v1;
	v9 =	vunpack.c.0.s8.s32 v4;
	s28 =	smax.u32 s2, $0x1;
	[dreg:$0xa] =	wrdreg s26;
	s9 =	sadd.s32 s9, s0  }
0x14: {  	v3 =	vimm.s32 $0x1;
	v10 =	vunpack.c.0.s8.s32 v6;
	v11 =	vcombine.low v7, v5;
	[dreg:$0xc] =	wrdreg s28;
	s0 =	sadd.s32 s6, s0;
	s24 =	sadd.s32 $0x600, s9  }
0x15: {  	v4 =	vimm.s32 $0x7FFFFFFF;
	v6 =	vor.u32 $0x80000000, v1;
	v7 =	vand.u32 $0xF, v9;
	s26 =	simm.s32 $0x1;
	s0 =	sadd.s32 $0x20600, s0;
	[dreg:$0x6] =	wrdreg s24  }
0x16: {  	v5 =	vadd.s32 $0xF, v8;
	v7 =	vcombine.low v10, v7;
	s25 =	simm.s32 $0xDB00;
	v8 =	vand.u32 $0xF, v11;
	[dreg:$0xb] =	wrdreg s0;
	s24 =	simm.s32 $0xC300  }
.LBB2_22:
0x17: {  	s0 =	rddreg [dreg:$0x9]  }
0x18: {  	[spmem:s0] =	stream.linear.scatter [tilespmem:s17], [sflag:$0x1], $0x1800, $0x38;
	[tilespmem:$0x13C30] =	vst v63  }
0x19: {  	_ =	swait.ge [sflag:s26], $0x1800  }
0x1a: {  	[sflag:s26] =	ssyncset.done $0x0  }
0x1b: {  	s29 =	rddreg [dreg:$0xa];
	[sflag:s26] =	ssyncadd.s32 $0xFFFFE800  }
0x1c: {  	[spmem:s29] =	stream.linear.scatter [tilespmem:s18], [sflag:$0x1], $0x1800, $0x38;
	[tilespmem:$0x13C30] =	vst v63  }
0x1d: {  	_ =	swait.ge [sflag:s26], $0x1800  }
0x1e: {  	[sflag:s26] =	ssyncset.done $0x0  }
0x1f: {  	[sflag:s26] =	ssyncadd.s32 $0xFFFFE800  }
0x20: {  	[tilespmem:$0x12310] =	vst v9  }
0x21: {  	[spmem:s20] =	stream.linear.scatter [tilespmem:s21], [sflag:$0x1], $0x10, $0x38;
	[tilespmem:$0x13C30] =	vst v63  }
0x22: {  	_ =	swait.ge [sflag:s26], $0x10  }
0x23: {  	[sflag:s26] =	ssyncset.done $0x0  }
0x24: {  	[sflag:s26] =	ssyncadd.s32 $0xFFFFFFF0  }
0x25: {  	[bflag:$0x0] =	sbarrier.arrive $0xFFFF  }
0x26: {  	s1 =	rddreg [dreg:$0xe]  }
.LBB2_23:
0x27: {  	s1 =	sadd.s32 $0x1, s1;
	s0 =	rddreg [dreg:$0xc]  }
0x28: {  	p1 =	sne.s32 s1, s0  }
.Ltmp1:
0x29: {  	_ = 	snop;
	(pc) =	sbr.rel @!p1 .LBB2_24-.Ltmp1, $1  }
0x2a: {  	_ =	sdelay $0x3  }
.LBB2_1:
0x2b: {  	[dreg:$0xe] =	wrdreg s1  }
0x2c: {  	s0 =	simm.s32 $0x0;
	s29 =	rddreg [dreg:$0x6]  }
0x2d: {  	[tilespmem:s0], [sflag:$0x1] =	stream.linear.gather [hbm4b:s29+s0], $0x8000, $0x38;
	[tilespmem:$0x13C30] =	vst v63  }
0x2e: {  	_ =	swait.ge [sflag:s26], $0x8000  }
0x2f: {  	[sflag:s26] =	ssyncset.done $0x0  }
0x30: {  	s0 =	simm.s32 $0x0;
	[sflag:s26] =	ssyncadd.s32 $0xFFFF8000  }
.LBB2_2:
0x31: {  	p1 =	sne.s32 s0, $0x3FC0  }
.Ltmp2:
0x32: {  	_ = 	snop;
	(pc) =	sbr.rel @p1 .LBB2_2-.Ltmp2, $3  }
0x33: {  	_ =	sdelay $0x1  }
0x34: {  	s1 =	sshra.s32 s0, $0x2  }
0x35: {  	s0 =	sadd.s32 $0x40, s0;
	[tilespmem:s1+$0x8000] =	vst v0  }
0x36: {  	s0 =	simm.s32 $0xFFFFFFF8;
	s1 =	simm.s32 $0x40  }
.LBB2_4:
0x37: {  	v9 =	vld [tilespmem:s1+$0xFFFFFFC0];
	_ =	sdelay $0x4  }
0x38: {  	v9 =	vshrl.u32 v9, $0x18  }
0x39: {  	v10 =	vand.u32 $0xF8, v9  }
0x3a: {  	v9 =	vand.u32 $0x7, v9;
	v10 =	vor.u32 v2, v10  }
0x3b: {  	v9 =	vor.u32 v9, v10;
	_ =	sdelay $0x4  }
0x3c: {  	[tilespmem:v9+s13+$0x0] =	vst.idx.add.s32.msk $0xffff, v3  }
0x3d: {  	v9 =	vld [tilespmem:s1+$0xFFFFFFD0];
	_ =	sdelay $0x4  }
0x3e: {  	v9 =	vshrl.u32 v9, $0x18  }
0x3f: {  	v10 =	vand.u32 $0xF8, v9  }
0x40: {  	v9 =	vand.u32 $0x7, v9;
	v10 =	vor.u32 v2, v10  }
0x41: {  	v9 =	vor.u32 v9, v10;
	_ =	sdelay $0x4  }
0x42: {  	[tilespmem:v9+s13+$0x0] =	vst.idx.add.s32.msk $0xffff, v3  }
0x43: {  	v9 =	vld [tilespmem:s1+$0xFFFFFFE0];
	_ =	sdelay $0x4  }
0x44: {  	v9 =	vshrl.u32 v9, $0x18  }
0x45: {  	v10 =	vand.u32 $0xF8, v9  }
0x46: {  	v9 =	vand.u32 $0x7, v9;
	v10 =	vor.u32 v2, v10  }
0x47: {  	v9 =	vor.u32 v9, v10;
	_ =	sdelay $0x4  }
0x48: {  	[tilespmem:v9+s13+$0x0] =	vst.idx.add.s32.msk $0xffff, v3  }
0x49: {  	v9 =	vld [tilespmem:s1+$0xFFFFFFF0];
	_ =	sdelay $0x4  }
0x4a: {  	v9 =	vshrl.u32 v9, $0x18  }
0x4b: {  	v10 =	vand.u32 $0xF8, v9  }
0x4c: {  	v9 =	vand.u32 $0x7, v9;
	v10 =	vor.u32 v2, v10  }
0x4d: {  	v9 =	vor.u32 v9, v10;
	_ =	sdelay $0x4  }
0x4e: {  	[tilespmem:v9+s13+$0x0] =	vst.idx.add.s32.msk $0xffff, v3  }
0x4f: {  	v9 =	vld [tilespmem:s1+$0x0];
	_ =	sdelay $0x4  }
0x50: {  	v9 =	vshrl.u32 v9, $0x18  }
0x51: {  	v10 =	vand.u32 $0xF8, v9  }
0x52: {  	v9 =	vand.u32 $0x7, v9;
	v10 =	vor.u32 v2, v10  }
0x53: {  	v9 =	vor.u32 v9, v10;
	_ =	sdelay $0x4  }
0x54: {  	[tilespmem:v9+s13+$0x0] =	vst.idx.add.s32.msk $0xffff, v3  }
0x55: {  	v9 =	vld [tilespmem:s1+$0x10];
	_ =	sdelay $0x4  }
0x56: {  	v9 =	vshrl.u32 v9, $0x18  }
0x57: {  	v10 =	vand.u32 $0xF8, v9  }
0x58: {  	v9 =	vand.u32 $0x7, v9;
	v10 =	vor.u32 v2, v10  }
0x59: {  	v9 =	vor.u32 v9, v10;
	_ =	sdelay $0x4  }
0x5a: {  	[tilespmem:v9+s13+$0x0] =	vst.idx.add.s32.msk $0xffff, v3  }
0x5b: {  	v9 =	vld [tilespmem:s1+$0x20];
	_ =	sdelay $0x4  }
0x5c: {  	v9 =	vshrl.u32 v9, $0x18  }
0x5d: {  	v10 =	vand.u32 $0xF8, v9  }
0x5e: {  	v9 =	vand.u32 $0x7, v9;
	v10 =	vor.u32 v2, v10  }
0x5f: {  	v9 =	vor.u32 v9, v10;
	_ =	sdelay $0x4  }
0x60: {  	[tilespmem:v9+s13+$0x0] =	vst.idx.add.s32.msk $0xffff, v3  }
0x61: {  	v9 =	vld [tilespmem:s1+$0x30];
	_ =	sdelay $0x4  }
0x62: {  	v9 =	vshrl.u32 v9, $0x18  }
0x63: {  	v10 =	vand.u32 $0xF8, v9  }
0x64: {  	s0 =	sadd.s32 $0x8, s0;
	v9 =	vand.u32 $0x7, v9;
	v10 =	vor.u32 v2, v10  }
0x65: {  	p1 =	slt.u32 s0, $0x7F8;
	v9 =	vor.u32 v9, v10  }
.Ltmp3:
0x66: {  	_ = 	snop;
	(pc) =	sbr.rel @p1 .LBB2_4-.Ltmp3, $2  }
0x67: {  	_ =	sdelay $0x2  }
0x68: {  	s1 =	sadd.s32 $0x80, s1;
	[tilespmem:v9+s13+$0x0] =	vst.idx.add.s32.msk $0xffff, v3  }
0x69: {  	s0 =	simm.s32 $0x0  }
0x6a: {  	v9 =	vld [tilespmem:s0+$0x8000]  }
0x6b: {  	v10 =	vld [tilespmem:s0+$0x8100]  }
0x6c: {  	v11 =	vld [tilespmem:s0+$0x8200]  }
0x6d: {  	v12 =	vld [tilespmem:s0+$0x8300]  }
0x6e: {  	v13 =	vld [tilespmem:s0+$0x8400]  }
0x6f: {  	v14 =	vld [tilespmem:s0+$0x8500]  }
0x70: {  	v9 =	vadd.s32 v9, v10;
	v10 =	vld [tilespmem:s0+$0x8600]  }
0x71: {  	v9 =	vadd.s32 v11, v9;
	v11 =	vld [tilespmem:s0+$0x8700]  }
0x72: {  	v9 =	vadd.s32 v12, v9;
	v12 =	vld [tilespmem:s0+$0x8800]  }
0x73: {  	v9 =	vadd.s32 v13, v9;
	v13 =	vld [tilespmem:s0+$0x8900]  }
0x74: {  	v9 =	vadd.s32 v14, v9;
	v14 =	vld [tilespmem:s0+$0x8A00]  }
0x75: {  	v15 =	vld [tilespmem:s0+$0x8B00];
	v9 =	vadd.s32 v10, v9  }
0x76: {  	v10 =	vld [tilespmem:s0+$0x8C00];
	v9 =	vadd.s32 v11, v9  }
0x77: {  	v11 =	vld [tilespmem:s0+$0x8D00];
	v9 =	vadd.s32 v12, v9  }
0x78: {  	v12 =	vld [tilespmem:s0+$0x8E00];
	v9 =	vadd.s32 v13, v9  }
0x79: {  	s1 =	simm.s32 $0x10;
	v13 =	vld [tilespmem:s0+$0x8F00];
	v14 =	vadd.s32 v14, v9  }
0x7a: {  	s2 =	simm.s32 $0x80;
	v9 =	vld [tilespmem:s1+$0x8000];
	v14 =	vadd.s32 v15, v14  }
.LBB2_6:
0x7b: {  	p1 =	sne.s32 s2, $0x3C0;
	v15 =	vld [tilespmem:s1+$0x8100];
	v10 =	vadd.s32 v10, v14  }
0x7c: {  	v14 =	vld [tilespmem:s1+$0x8200];
	v10 =	vadd.s32 v11, v10  }
0x7d: {  	v11 =	vld [tilespmem:s1+$0x8300];
	v10 =	vadd.s32 v12, v10  }
0x7e: {  	v12 =	vld [tilespmem:s1+$0x8400];
	v10 =	vadd.s32 v13, v10  }
0x7f: {  	v13 =	vld [tilespmem:s1+$0x8500];
	[tilespmem:s0+$0x9000] =	vst v10;
	s0 =	smov.u32 s1  }
0x80: {  	v9 =	vadd.s32 v9, v15;
	v10 =	vld [tilespmem:s0+$0x8600]  }
0x81: {  	v9 =	vadd.s32 v14, v9;
	v14 =	vld [tilespmem:s0+$0x8700]  }
0x82: {  	v9 =	vadd.s32 v11, v9;
	v11 =	vld [tilespmem:s0+$0x8800]  }
0x83: {  	v9 =	vadd.s32 v12, v9;
	v12 =	vld [tilespmem:s0+$0x8900]  }
0x84: {  	v9 =	vadd.s32 v13, v9;
	v13 =	vld [tilespmem:s0+$0x8A00]  }
0x85: {  	v9 =	vadd.s32 v10, v9;
	v15 =	vld [tilespmem:s0+$0x8B00]  }
.Ltmp4:
0x86: {  	v9 =	vadd.s32 v14, v9;
	v10 =	vld [tilespmem:s0+$0x8C00];
	(pc) =	sbr.rel @p1 .LBB2_6-.Ltmp4, $4  }
0x87: {  	v9 =	vadd.s32 v11, v9;
	v11 =	vld [tilespmem:s0+$0x8D00]  }
0x88: {  	v9 =	vadd.s32 v12, v9;
	v12 =	vld [tilespmem:s0+$0x8E00]  }
0x89: {  	s1 =	sshra.s32 s2, $0x2;
	v14 =	vadd.s32 v13, v9;
	v13 =	vld [tilespmem:s0+$0x8F00]  }
0x8a: {  	s2 =	sadd.s32 $0x40, s2;
	v9 =	vld [tilespmem:s1+$0x8000];
	v14 =	vadd.s32 v15, v14  }
0x8b: {  	v15 =	vld [tilespmem:s1+$0x8100];
	v10 =	vadd.s32 v10, v14  }
0x8c: {  	v14 =	vld [tilespmem:s1+$0x8200];
	v10 =	vadd.s32 v11, v10  }
0x8d: {  	v11 =	vld [tilespmem:s1+$0x8300];
	v10 =	vadd.s32 v12, v10  }
0x8e: {  	v12 =	vld [tilespmem:s1+$0x8400];
	v10 =	vadd.s32 v13, v10  }
0x8f: {  	v13 =	vld [tilespmem:s1+$0x8500];
	[tilespmem:s0+$0x9000] =	vst v10  }
0x90: {  	v9 =	vadd.s32 v9, v15;
	v10 =	vld [tilespmem:s1+$0x8600]  }
0x91: {  	v9 =	vadd.s32 v14, v9;
	v14 =	vld [tilespmem:s1+$0x8700]  }
0x92: {  	v9 =	vadd.s32 v11, v9;
	v11 =	vld [tilespmem:s1+$0x8800]  }
0x93: {  	v9 =	vadd.s32 v12, v9;
	v12 =	vld [tilespmem:s1+$0x8900]  }
0x94: {  	v9 =	vadd.s32 v13, v9;
	v13 =	vld [tilespmem:s1+$0x8A00]  }
0x95: {  	v9 =	vadd.s32 v10, v9;
	v10 =	vld [tilespmem:s1+$0x8B00]  }
0x96: {  	v9 =	vadd.s32 v14, v9;
	v14 =	vld [tilespmem:s1+$0x8C00]  }
0x97: {  	v9 =	vadd.s32 v11, v9;
	v11 =	vld [tilespmem:s1+$0x8D00]  }
0x98: {  	v9 =	vadd.s32 v12, v9;
	v12 =	vld [tilespmem:s1+$0x8E00]  }
0x99: {  	v9 =	vadd.s32 v13, v9;
	v13 =	vld [tilespmem:s1+$0x8F00]  }
0x9a: {  	v9 =	vadd.s32 v10, v9  }
0x9b: {  	v9 =	vadd.s32 v14, v9  }
0x9c: {  	v9 =	vadd.s32 v11, v9  }
0x9d: {  	v9 =	vadd.s32 v12, v9  }
0x9e: {  	v9 =	vadd.s32 v13, v9  }
0x9f: {  	[tilespmem:s1+$0x9000] =	vst v9  }
0xa0: {  	[spmem:s19] =	stream.linear.scatter [tilespmem:s14], [sflag:$0x1], $0x100, $0x38;
	[tilespmem:$0x13C30] =	vst v63  }
0xa1: {  	_ =	swait.ge [sflag:s26], $0x100  }
0xa2: {  	[sflag:s26] =	ssyncset.done $0x0  }
0xa3: {  	[sflag:s26] =	ssyncadd.s32 $0xFFFFFF00  }
0xa4: {  	[bflag:$0x0] =	sbarrier.arrive $0xFFFF  }
0xa5: {  	[tilespmem:s30], [sflag:$0x1] =	stream.linear.gather [spmem:s16], $0x100, $0x38;
	[tilespmem:$0x13C30] =	vst v63  }
0xa6: {  	_ =	swait.ge [sflag:s26], $0x100  }
0xa7: {  	[sflag:s26] =	ssyncset.done $0x0  }
0xa8: {  	[sflag:s26] =	ssyncadd.s32 $0xFFFFFF00  }
0xa9: {  	[tilespmem:s31], [sflag:$0x1] =	stream.linear.gather [spmem:s20], $0x100, $0x38;
	[tilespmem:$0x13C30] =	vst v63  }
0xaa: {  	_ =	swait.ge [sflag:s26], $0x100  }
0xab: {  	[sflag:s26] =	ssyncset.done $0x0  }
0xac: {  	s5 =	simm.s32 $0x91F0;
	[sflag:s26] =	ssyncadd.s32 $0xFFFFFF00  }
0xad: {  	s6 =	simm.s32 $0x92F0;
	v9 =	vld [tilespmem:s5+$0x0]  }
0xae: {  	v10 =	vld [tilespmem:s6+$0x0];
	_ =	sdelay $0x4  }
0xaf: {  	v9 =	vadd.s32 v9, v10  }
0xb0: {  	s8 =	simm.s32 $0x92E0;
	(xrf0) =	vadd.scan.msk.s32 $0xffff, v9  }
0xb1: {  	s7 =	simm.s32 $0x91E0;
	v11 =	vld [tilespmem:s8+$0x0]  }
0xb2: {  	v10 =	vld [tilespmem:s7+$0x0];
	v12 =	vperm.xlane v9, v5;
	_ =	sdelay $0x1  }
0xb3: {  	(xrf0) =	vadd.scan.msk.s32 $0xffff, v12;
	_ =	sdelay $0x1  }
0xb4: {  	v9, _, _ =	vpop (xrf0)  }
0xb5: {  	v10 =	vadd.s32 v10, v11;
	(v2sf) =	vpush v9, $0xF  }
0xb6: {  	(xrf0) =	vadd.scan.msk.s32 $0xffff, v10  }
0xb7: {  	s9 =	simm.s32 $0x91D0  }
0xb8: {  	s28 =	simm.s32 $0x0;
	s10 =	simm.s32 $0x92D0;
	v11 =	vld [tilespmem:s9+$0x0];
	v9, _, _ =	vpop (xrf0)  }
0xb9: {  	v14 =	vperm.xlane v10, v5;
	v10 =	vld [tilespmem:s10+$0x0];
	v13 =	vadd.s32 s28, v9  }
0xba: {  	vm1 =	vgt.s32 v13, $0xFFF  }
0xbb: {  	(xrf0) =	vadd.scan.msk.s32 $0xffff, v14;
	v15 =	vnsel vm1, $0x80000010, v6  }
0xbc: {  	v9, _, _ =	vpop (xrf0);
	(xrf0) =	vmin.scan.msk.u32 $0xffff, v15  }
0xbd: {  	(v2sf) =	vpush v9, $0xF  }
0xbe: {  	v9 =	vadd.s32 v11, v10  }
0xbf: {  	(xrf0) =	vadd.scan.msk.s32 $0xffff, v9;
	_ =	sdelay $0x1  }
0xc0: {  	v10, _, _ =	vpop (xrf0)  }
0xc1: {  	v11, _, _ =	vpop (xrf0)  }
0xc2: {  	(v2sf) =	vpush v11, $0xF  }
0xc3: {  	s11 =	spop (v2sf)  }
0xc4: {  	v16 =	vperm.xlane v9, v5;
	v9, _, _ =	vpop (xrf0);
	s0 =	sadd.s32 $0x0, s11  }
0xc5: {  	s12 =	simm.s32 $0x91C0;
	(v2sf) =	vpush v9, $0xF;
	v15 =	vadd.s32 s0, v10  }
0xc6: {  	s15 =	simm.s32 $0x92C0;
	(xrf0) =	vadd.scan.msk.s32 $0xffff, v16;
	v11 =	vld [tilespmem:s12+$0x0];
	vm1 =	vgt.s32 v15, $0xFFF  }
0xc7: {  	v9 =	vld [tilespmem:s15+$0x0];
	v10 =	vnsel vm1, $0x80000010, v6  }
0xc8: {  	(xrf0) =	vmin.scan.msk.u32 $0xffff, v10;
	_ =	sdelay $0x2  }
0xc9: {  	s16 =	spop (v2sf)  }
0xca: {  	s20 =	simm.s32 $0x92B0;
	v9 =	vadd.s32 v11, v9;
	v11, _, _ =	vpop (xrf0);
	s0 =	sadd.s32 s0, s16  }
0xcb: {  	s19 =	simm.s32 $0x91B0;
	v18 =	vld [tilespmem:s20+$0x0];
	v10 =	vperm.xlane v9, v5;
	v17 =	vadd.s32 s0, v11  }
0xcc: {  	(xrf0) =	vadd.scan.msk.s32 $0xffff, v9;
	v9 =	vld [tilespmem:s19+$0x0];
	vm1 =	vgt.s32 v17, $0xFFF;
	v11, _, _ =	vpop (xrf0)  }
0xcd: {  	(xrf0) =	vadd.scan.msk.s32 $0xffff, v10;
	v19 =	vnsel vm1, $0x80000010, v6;
	(v2sf) =	vpush v11, $0xF  }
0xce: {  	(xrf0) =	vmin.scan.msk.u32 $0xffff, v19  }
0xcf: {  	s26 =	spop (v2sf)  }
0xd0: {  	s4 =	sxor.u32 $0x80000000, s26  }
0xd1: {  	v9 =	vadd.s32 v9, v18;
	v18 =	vmov s4  }
0xd2: {  	v11, _, _ =	vpop (xrf0);
	s2 =	spop (v2sf)  }
0xd3: {  	(xrf0) =	vadd.scan.msk.s32 $0xffff, v9;
	(v2sf) =	vpush v11, $0xF;
	v11, _, _ =	vpop (xrf0);
	s2 =	sadd.s32 s0, s2;
	vm1 =	veq.s32 v18, v1  }
0xd4: {  	v19 =	vnsel vm1, $0x0, v13;
	v13 =	vadd.s32 s2, v11;
	v18, _, _ =	vpop (xrf0)  }
0xd5: {  	v11 =	vnsel vm1, $0x0, v12;
	(xrf0) =	vadd.scan.msk.s32 $0xffff, v19;
	vm1 =	vgt.s32 v13, $0xFFF;
	(v2sf) =	vpush v18, $0xF  }
0xd6: {  	v9 =	vperm.xlane v9, v5;
	(xrf0) =	vadd.scan.msk.s32 $0xffff, v11;
	v11 =	vnsel vm1, $0x80000010, v6;
	_ =	sdelay $0x1  }
0xd7: {  	s6 =	simm.s32 $0x91A0;
	(xrf0) =	vadd.scan.msk.s32 $0xffff, v9  }
0xd8: {  	s7 =	simm.s32 $0x92A0;
	v12 =	vld [tilespmem:s6+$0x0];
	(xrf0) =	vmin.scan.msk.u32 $0xffff, v11;
	v11, _, _ =	vpop (xrf0)  }
0xd9: {  	(v2sf) =	vpush v11, $0xF;
	v11 =	vld [tilespmem:s7+$0x0];
	_ =	sdelay $0x1  }
0xda: {  	s3 =	spop (v2sf)  }
0xdb: {  	v18, _, _ =	vpop (xrf0);
	s0 =	sxor.u32 $0x80000000, s3  }
0xdc: {  	(v2sf) =	vpush v18, $0xF;
	v18, _, _ =	vpop (xrf0);
	v20 =	vmov s0  }
0xdd: {  	s5 =	simm.s32 $0x9190;
	v19, _, _ =	vpop (xrf0);
	v11 =	vadd.s32 v12, v11;
	vm1 =	veq.s32 v20, v1  }
0xde: {  	s8 =	simm.s32 $0x9290;
	(v2sf) =	vpush v18, $0xF;
	v18, _, _ =	vpop (xrf0);
	v12 =	vld [tilespmem:s5+$0x0];
	(xrf0) =	vadd.scan.msk.s32 $0xffff, v11;
	v15 =	vnsel vm1, $0x0, v15  }
0xdf: {  	(v2sf) =	vpush v18, $0xF;
	v18 =	vld [tilespmem:s8+$0x0];
	v14 =	vnsel vm1, $0x0, v14;
	(xrf0) =	vadd.scan.msk.s32 $0xffff, v15  }
0xe0: {  	(xrf0) =	vadd.scan.msk.s32 $0xffff, v14  }
0xe1: {  	s6 =	spop (v2sf)  }
0xe2: {  	s9 =	sadd.s32 s2, s6;
	s11 =	spop (v2sf)  }
0xe3: {  	v11 =	vperm.xlane v11, v5;
	v15 =	vadd.s32 s9, v19;
	s19 =	sxor.u32 $0x80000000, s11  }
0xe4: {  	v12 =	vadd.s32 v12, v18;
	vm1 =	vgt.s32 v15, $0xFFF;
	v63, _, _ =	vpop (xrf0);
	v19 =	vmov s19  }
0xe5: {  	(xrf0) =	vadd.scan.msk.s32 $0xffff, v11;
	v14 =	vnsel vm1, $0x80000010, v6;
	(v2sf) =	vpush v63, $0xF;
	vm1 =	veq.s32 v19, v1;
	v18, _, _ =	vpop (xrf0)  }
0xe6: {  	(xrf0) =	vmin.scan.msk.u32 $0xffff, v14;
	v14 =	vnsel vm1, $0x0, v17;
	v17, _, _ =	vpop (xrf0);
	(v2sf) =	vpush v18, $0xF  }
0xe7: {  	(v2sf) =	vpush v17, $0xF  }
0xe8: {  	(xrf0) =	vadd.scan.msk.s32 $0xffff, v12;
	_ =	sdelay $0x1  }
0xe9: {  	v16 =	vnsel vm1, $0x0, v16  }
0xea: {  	s10 =	simm.s32 $0x9280  }
0xeb: {  	p1 =	por $0x0, $0x0;
	v21 =	vld [tilespmem:s10+$0x0];
	s7 =	simm.s32 $0x9180;
	s8 =	spop (v2sf);
	(xrf0) =	vadd.scan.msk.s32 $0xffff, v14;
	v14, _, _ =	vpop (xrf0)  }
0xec: {  	s29 =	simm.s32 $0x0;
	p3 =	por !p1, !p1;
	v19 =	vld [tilespmem:s7+$0x0];
	s8 =	sadd.s32 s9, s8;
	(xrf0) =	vadd.scan.msk.s32 $0xffff, v16;
	v16, _, _ =	vpop (xrf0)  }
0xed: {  	s1 =	simm.s32 $0x8000009F;
	s30 =	simm.s32 $0x8000008F;
	p2 =	slt.s32 s4, $0x10;
	v12 =	vperm.xlane v12, v5;
	v14 =	vadd.s32 s8, v14;
	(v2sf) =	vpush v16, $0xF;
	v18, _, _ =	vpop (xrf0)  }
0xee: {  	s31 =	simm.s32 $0x800000AF;
	p3 =	por !p2, !p3;
	s12 =	spop (v2sf);
	vm1 =	vgt.s32 v14, $0xFFF;
	(v2sf) =	vpush v18, $0xF  }
0xef: {  	s20 =	simm.s32 $0x800000BF;
	s16 =	ssub.s32 $0x800000FF, s26;
	p3 =	por !p3, !p3;
	(xrf0) =	vadd.scan.msk.s32 $0xffff, v12;
	v17 =	vnsel vm1, $0x80000010, v6  }
0xf0: {  	s2 =	ssub.s32 $0x800000EF, s3;
	s9 =	ssub.s32 $0x800000DF, s11;
	s15 =	spop (v2sf);
	(xrf0) =	vmin.scan.msk.u32 $0xffff, v17  }
0xf1: {  	s11 =	simm.s32 $0x8000007F;
	s3 =	ssub.s32 s12, s15;
	v16 =	vadd.s32 v19, v21;
	s26 =	spop (v2sf)  }
0xf2: {  	s29 =	smov.u32 @p3 s3;
	s15 =	sxor.u32 $0x80000000, s26;
	s4 =	ssub.s32 $0x800000CF, s26;
	(xrf0) =	vadd.scan.msk.s32 $0xffff, v16;
	v17, _, _ =	vpop (xrf0)  }
.LBB2_8:
0xf3: {  	p4 =	seq.s32 s11, $0x8000000F  }
0xf4: {  	v20 =	vmov s15;
	(v2sf) =	vpush v17, $0xF;
	v17, _, _ =	vpop (xrf0);
	s28 =	smov.u32 @p3 s16;
	s3 =	smov.u32 s20;
	s7 =	sadd.s32 $0xFFFFFFF0, s7  }
0xf5: {  	s20 =	smov.u32 s31;
	s10 =	sadd.s32 $0xFFFFFFF0, s10;
	v19, _, _ =	vpop (xrf0);
	s5 =	spop (v2sf);
	vm1 =	veq.s32 v20, v1;
	(v2sf) =	vpush v17, $0xF  }
0xf6: {  	v16 =	vperm.xlane v16, v5;
	s31 =	smov.u32 s1;
	s1 =	smov.u32 s30;
	v17 =	vld [tilespmem:s7+$0x0];
	s8 =	sadd.s32 s8, s5;
	v18, _, _ =	vpop (xrf0);
	v20 =	vnsel vm1, $0x0, v13;
	v13 =	vmov v15  }
0xf7: {  	s30 =	smov.u32 s11;
	s16 =	smov.u32 s2;
	p1 =	por p1, p2;
	v21 =	vld [tilespmem:s10+$0x0];
	v19 =	vadd.s32 s8, v19;
	(v2sf) =	vpush v18, $0xF;
	v18 =	vnsel vm1, $0x0, v10;
	(xrf0) =	vadd.scan.msk.s32 $0xffff, v20;
	v10 =	vmovc v9  }
0xf8: {  	s2 =	smov.u32 s9;
	s9 =	smov.u32 s4;
	p2 =	slt.s32 s0, $0x10;
	v9 =	vmovc v11;
	v11 =	vmov v12;
	v12 =	vmov v16;
	vm1 =	vgt.s32 v19, $0xFFF;
	(xrf0) =	vadd.scan.msk.s32 $0xffff, v18  }
.Ltmp5:
0xf9: {  	p3 =	por !p1, !p1;
	(xrf0) =	vadd.scan.msk.s32 $0xffff, v12;
	v15, _, _ =	vpop (xrf0);
	v16 =	vnsel vm1, $0x80000010, v6;
	s4 =	spop (v2sf);
	(pc) =	sbr.rel @!p4 .LBB2_8-.Ltmp5, $4  }
0xfa: {  	s0 =	smov.u32 s19;
	p3 =	por !p2, !p3;
	(v2sf) =	vpush v15, $0xF;
	(xrf0) =	vmin.scan.msk.u32 $0xffff, v16;
	s5 =	spop (v2sf);
	v15 =	vmov v14;
	v14 =	vmov v19  }
0xfb: {  	s19 =	smov.u32 s15;
	p3 =	por !p3, !p3;
	s4 =	ssub.s32 s4, s5  }
0xfc: {  	v16 =	vadd.s32 v17, v21;
	s5 =	spop (v2sf);
	s29 =	smov.u32 @p3 s4  }
0xfd: {  	s11 =	sadd.s32 $0xFFFFFFF0, s11;
	(xrf0) =	vadd.scan.msk.s32 $0xffff, v16;
	s15 =	sxor.u32 $0x80000000, s5;
	s4 =	ssub.s32 s3, s5;
	v17, _, _ =	vpop (xrf0)  }
0xfe: {  	_ = 	snop  }
0xff: {  	v18 =	vmov s15  }
0x100: {  	vm1 =	veq.s32 v18, v1  }
0x101: {  	v13 =	vnsel vm1, $0x0, v13;
	v10 =	vnsel vm1, $0x0, v10  }
0x102: {  	v16 =	vperm.xlane v16, v5;
	(xrf0) =	vadd.scan.msk.s32 $0xffff, v13  }
0x103: {  	(xrf0) =	vadd.scan.msk.s32 $0xffff, v10  }
0x104: {  	s3 =	spop (v2sf);
	v10, _, _ =	vpop (xrf0);
	(xrf0) =	vadd.scan.msk.s32 $0xffff, v16  }
0x105: {  	s5 =	spop (v2sf);
	v61, _, _ =	vpop (xrf0)  }
0x106: {  	s26 =	spop (v2sf);
	v62, _, _ =	vpop (xrf0)  }
0x107: {  	s3 =	sadd.s32 s8, s3;
	v19, _, _ =	vpop (xrf0);
	s8 =	spop (v2sf)  }
0x108: {  	v13 =	vadd.s32 s3, v61;
	s6 =	sxor.u32 $0x80000000, s8;
	v20, _, _ =	vpop (xrf0)  }
0x109: {  	vm1 =	vgt.s32 v13, $0xFFF;
	v21 =	vmov s6;
	v22, _, _ =	vpop (xrf0);
	s7 =	spop (v2sf)  }
0x10a: {  	v23 =	vnsel vm1, $0x80000010, v6;
	vm1 =	veq.s32 v21, v1;
	v63, _, _ =	vpop (xrf0);
	s3 =	sadd.s32 s3, s7  }
0x10b: {  	(xrf0) =	vmin.scan.msk.u32 $0xffff, v23;
	v15 =	vnsel vm1, $0x0, v15;
	v21 =	vadd.s32 s3, v63  }
0x10c: {  	(v2sf) =	vpush v17, $0xF;
	v9 =	vnsel vm1, $0x0, v9;
	(xrf0) =	vadd.scan.msk.s32 $0xffff, v15;
	vm1 =	vgt.s32 v21, $0xFFF  }
0x10d: {  	(v2sf) =	vpush v10, $0xF;
	(xrf0) =	vadd.scan.msk.s32 $0xffff, v9;
	v9 =	vnsel vm1, $0x80000010, v6  }
0x10e: {  	(v2sf) =	vpush v62, $0xF;
	(xrf0) =	vmin.scan.msk.u32 $0xffff, v9  }
0x10f: {  	(v2sf) =	vpush v19, $0xF  }
0x110: {  	(v2sf) =	vpush v20, $0xF  }
0x111: {  	(v2sf) =	vpush v22, $0xF;
	v9, _, _ =	vpop (xrf0)  }
0x112: {  	(v2sf) =	vpush v9, $0xF;
	v9, _, _ =	vpop (xrf0)  }
0x113: {  	(v2sf) =	vpush v9, $0xF;
	v9, _, _ =	vpop (xrf0)  }
0x114: {  	(v2sf) =	vpush v9, $0xF;
	v9, _, _ =	vpop (xrf0)  }
0x115: {  	(v2sf) =	vpush v9, $0xF;
	_ =	sdelay $0x5  }
0x116: {  	s10 =	spop (v2sf)  }
0x117: {  	[dreg:$0x15] =	wrdreg s10;
	s10 =	spop (v2sf)  }
0x118: {  	s7 =	spop (v2sf)  }
0x119: {  	s11 =	spop (v2sf)  }
0x11a: {  	[dreg:$0x11] =	wrdreg s26;
	s26 =	sxor.u32 $0x80000000, s7;
	s3 =	spop (v2sf)  }
0x11b: {  	v9 =	vmov s26;
	s11 =	spop (v2sf)  }
0x11c: {  	vm1 =	veq.s32 v9, v1;
	[dreg:$0x14] =	wrdreg s3;
	s3 =	spop (v2sf)  }
0x11d: {  	[dreg:$0xf] =	wrdreg s6;
	v9 =	vnsel vm1, $0x0, v14;
	s6 =	sxor.u32 $0x80000000, s3;
	s12 =	spop (v2sf)  }
0x11e: {  	v10 =	vnsel vm1, $0x0, v11;
	(xrf0) =	vadd.scan.msk.s32 $0xffff, v9;
	[dreg:$0x12] =	wrdreg s12;
	v9 =	vmov s6;
	s12 =	spop (v2sf)  }
0x11f: {  	(xrf0) =	vadd.scan.msk.s32 $0xffff, v10;
	[dreg:$0x13] =	wrdreg s12;
	vm1 =	veq.s32 v9, v1;
	s12 =	spop (v2sf)  }
0x120: {  	[dreg:$0x10] =	wrdreg s5;
	v9 =	vnsel vm1, $0x0, v13;
	s5 =	sxor.u32 $0x80000000, s12  }
0x121: {  	v10 =	vnsel vm1, $0x0, v12;
	(xrf0) =	vadd.scan.msk.s32 $0xffff, v9;
	v9 =	vmov s5  }
0x122: {  	(xrf0) =	vadd.scan.msk.s32 $0xffff, v10;
	vm1 =	veq.s32 v9, v1  }
0x123: {  	p1 =	por p1, p2;
	p6 =	slt.s32 s0, $0x10;
	s28 =	smov.u32 @p3 s16;
	v10 =	vnsel vm1, $0x0, v21  }
0x124: {  	p2 =	slt.s32 s19, $0x10;
	p4 =	por !p1, !p1;
	p1 =	por p1, p6;
	v11 =	vnsel vm1, $0x0, v16;
	v9, _, _ =	vpop (xrf0);
	(xrf0) =	vadd.scan.msk.s32 $0xffff, v10  }
0x125: {  	p5 =	por !p6, !p4;
	p6 =	por !p1, !p1;
	s0 =	rddreg [dreg:$0x10];
	(v2sf) =	vpush v9, $0xF;
	v9, _, _ =	vpop (xrf0);
	(xrf0) =	vadd.scan.msk.s32 $0xffff, v11  }
0x126: {  	p1 =	por p1, p2;
	p3 =	por !p5, !p5;
	s16 =	rddreg [dreg:$0x11]  }
0x127: {  	p5 =	por !p2, !p6;
	p6 =	slt.s32 s15, $0x10;
	s0 =	ssub.s32 s0, s16;
	(v2sf) =	vpush v9, $0xF;
	v9, _, _ =	vpop (xrf0)  }
0x128: {  	s28 =	smov.u32 @p3 s2;
	s29 =	smov.u32 @p3 s0;
	s0 =	ssub.s32 s20, s8;
	(v2sf) =	vpush v9, $0xF;
	v9, _, _ =	vpop (xrf0)  }
0x129: {  	p3 =	por !p5, !p5;
	p5 =	por !p1, !p1;
	p1 =	por p1, p6;
	(v2sf) =	vpush v9, $0xF  }
0x12a: {  	p4 =	por !p6, !p5;
	s20 =	rddreg [dreg:$0xf];
	p5 =	por !p1, !p1;
	v9, _, _ =	vpop (xrf0)  }
0x12b: {  	s28 =	smov.u32 @p3 s9;
	p6 =	slt.s32 s20, $0x10;
	p4 =	por !p4, !p4;
	(v2sf) =	vpush v9, $0xF;
	v9, _, _ =	vpop (xrf0)  }
0x12c: {  	p5 =	por !p6, !p5;
	p1 =	por p1, p6;
	s16 =	rddreg [dreg:$0x15];
	(v2sf) =	vpush v9, $0xF  }
0x12d: {  	s28 =	smov.u32 @p4 s4;
	p2 =	por !p1, !p1;
	s2 =	ssub.s32 s16, s10  }
0x12e: {  	s29 =	smov.u32 @p3 s2;
	p3 =	por !p5, !p5;
	p6 =	slt.s32 s26, $0x10  }
0x12f: {  	s28 =	smov.u32 @p3 s0;
	p2 =	por !p6, !p2;
	s19 =	rddreg [dreg:$0x14]  }
0x130: {  	p1 =	por p1, p6;
	p2 =	por !p2, !p2;
	s2 =	ssub.s32 s19, s11  }
0x131: {  	s29 =	smov.u32 @p4 s2;
	p5 =	slt.s32 s6, $0x10;
	s9 =	rddreg [dreg:$0x12]  }
0x132: {  	p4 =	por !p1, !p1;
	p1 =	por p1, p5;
	s10 =	rddreg [dreg:$0x13]  }
0x133: {  	s1 =	ssub.s32 s1, s3;
	p1 =	por !p1, !p1;
	s2 =	ssub.s32 s9, s10  }
0x134: {  	s29 =	smov.u32 @p3 s2;
	s2 =	ssub.s32 s31, s7;
	p6 =	slt.s32 s5, $0x10  }
0x135: {  	s31 =	simm.s32 $0x9200;
	s28 =	smov.u32 @p2 s2;
	s11 =	spop (v2sf)  }
0x136: {  	s2 =	ssub.s32 s30, s12;
	p1 =	por !p6, !p1;
	s15 =	spop (v2sf)  }
0x137: {  	s30 =	simm.s32 $0x9100;
	s0 =	ssub.s32 s11, s15;
	s16 =	spop (v2sf)  }
0x138: {  	p1 =	por !p1, !p1;
	s29 =	smov.u32 @p2 s0;
	s19 =	spop (v2sf)  }
0x139: {  	p2 =	por !p5, !p4;
	s0 =	ssub.s32 s16, s19;
	s16 =	rddreg [dreg:$0x5]  }
0x13a: {  	p2 =	por !p2, !p2;
	s19 =	rddreg [dreg:$0x7];
	s20 =	spop (v2sf)  }
0x13b: {  	s29 =	smov.u32 @p2 s0;
	s28 =	smov.u32 @p2 s1;
	s26 =	spop (v2sf)  }
0x13c: {  	s1 =	simm.s32 $0x0;
	s28 =	smov.u32 @p1 s2;
	s0 =	ssub.s32 s20, s26  }
0x13d: {  	s20 =	rddreg [dreg:$0x8];
	s29 =	smov.u32 @p1 s0;
	s0 =	simm.s32 $0x40  }
.LBB2_10:
0x13e: {  	p1 =	seq.s32 s0, $0x3FC0;
	[tilespmem:s1+$0x8000] =	vst v0;
	s1 =	smov.u32 s0;
	s0 =	sadd.s32 $0x40, s0  }
.Ltmp6:
0x13f: {  	(pc) =	sbr.rel @!p1 .LBB2_10-.Ltmp6, $2  }
0x140: {  	_ =	sdelay $0x2  }
0x141: {  	s1 =	sshra.s32 s1, $0x2  }
0x142: {  	[tilespmem:s1+$0x8000] =	vst v0;
	s26 =	simm.s32 $0x1;
	v9 =	vmov s28;
	s0 =	simm.s32 $0xFFFFFFF8;
	s1 =	simm.s32 $0x40  }
.LBB2_12:
0x143: {  	v10 =	vld [tilespmem:s1+$0xFFFFFFC0];
	_ =	sdelay $0x4  }
0x144: {  	v11 =	vshrl.u32 v10, $0x18;
	v10 =	vshrl.u32 v10, $0x10  }
0x145: {  	vm1 =	veq.s32 v11, v9;
	v10 =	vand.u32 $0xFF, v10  }
0x146: {  	v10 =	vor.u32 v2, v10;
	_ =	sdelay $0x4  }
0x147: {  	[tilespmem:v10+s13+$0x0] =	vst.idx.add.s32.msk vm1, v3  }
0x148: {  	v10 =	vld [tilespmem:s1+$0xFFFFFFD0];
	_ =	sdelay $0x4  }
0x149: {  	v11 =	vshrl.u32 v10, $0x18;
	v10 =	vshrl.u32 v10, $0x10  }
0x14a: {  	vm1 =	veq.s32 v11, v9;
	v10 =	vand.u32 $0xFF, v10  }
0x14b: {  	v10 =	vor.u32 v2, v10;
	_ =	sdelay $0x4  }
0x14c: {  	[tilespmem:v10+s13+$0x0] =	vst.idx.add.s32.msk vm1, v3  }
0x14d: {  	v10 =	vld [tilespmem:s1+$0xFFFFFFE0];
	_ =	sdelay $0x4  }
0x14e: {  	v11 =	vshrl.u32 v10, $0x18;
	v10 =	vshrl.u32 v10, $0x10  }
0x14f: {  	vm1 =	veq.s32 v11, v9;
	v10 =	vand.u32 $0xFF, v10  }
0x150: {  	v10 =	vor.u32 v2, v10;
	_ =	sdelay $0x4  }
0x151: {  	[tilespmem:v10+s13+$0x0] =	vst.idx.add.s32.msk vm1, v3  }
0x152: {  	v10 =	vld [tilespmem:s1+$0xFFFFFFF0];
	_ =	sdelay $0x4  }
0x153: {  	v11 =	vshrl.u32 v10, $0x18;
	v10 =	vshrl.u32 v10, $0x10  }
0x154: {  	vm1 =	veq.s32 v11, v9;
	v10 =	vand.u32 $0xFF, v10  }
0x155: {  	v10 =	vor.u32 v2, v10;
	_ =	sdelay $0x4  }
0x156: {  	[tilespmem:v10+s13+$0x0] =	vst.idx.add.s32.msk vm1, v3  }
0x157: {  	v10 =	vld [tilespmem:s1+$0x0];
	_ =	sdelay $0x4  }
0x158: {  	v11 =	vshrl.u32 v10, $0x18;
	v10 =	vshrl.u32 v10, $0x10  }
0x159: {  	vm1 =	veq.s32 v11, v9;
	v10 =	vand.u32 $0xFF, v10  }
0x15a: {  	v10 =	vor.u32 v2, v10;
	_ =	sdelay $0x4  }
0x15b: {  	[tilespmem:v10+s13+$0x0] =	vst.idx.add.s32.msk vm1, v3  }
0x15c: {  	v10 =	vld [tilespmem:s1+$0x10];
	_ =	sdelay $0x4  }
0x15d: {  	v11 =	vshrl.u32 v10, $0x18;
	v10 =	vshrl.u32 v10, $0x10  }
0x15e: {  	vm1 =	veq.s32 v11, v9;
	v10 =	vand.u32 $0xFF, v10  }
0x15f: {  	v10 =	vor.u32 v2, v10;
	_ =	sdelay $0x4  }
0x160: {  	[tilespmem:v10+s13+$0x0] =	vst.idx.add.s32.msk vm1, v3  }
0x161: {  	v10 =	vld [tilespmem:s1+$0x20];
	_ =	sdelay $0x4  }
0x162: {  	v11 =	vshrl.u32 v10, $0x18;
	v10 =	vshrl.u32 v10, $0x10  }
0x163: {  	vm1 =	veq.s32 v11, v9;
	v10 =	vand.u32 $0xFF, v10  }
0x164: {  	v10 =	vor.u32 v2, v10;
	_ =	sdelay $0x4  }
0x165: {  	[tilespmem:v10+s13+$0x0] =	vst.idx.add.s32.msk vm1, v3  }
0x166: {  	v10 =	vld [tilespmem:s1+$0x30];
	_ =	sdelay $0x4  }
0x167: {  	v11 =	vshrl.u32 v10, $0x18;
	v10 =	vshrl.u32 v10, $0x10  }
0x168: {  	s0 =	sadd.s32 $0x8, s0;
	vm1 =	veq.s32 v11, v9;
	v10 =	vand.u32 $0xFF, v10  }
0x169: {  	p1 =	slt.u32 s0, $0x7F8;
	v10 =	vor.u32 v2, v10  }
.Ltmp7:
0x16a: {  	_ = 	snop;
	(pc) =	sbr.rel @p1 .LBB2_12-.Ltmp7, $2  }
0x16b: {  	_ =	sdelay $0x2  }
0x16c: {  	s1 =	sadd.s32 $0x80, s1;
	[tilespmem:v10+s13+$0x0] =	vst.idx.add.s32.msk vm1, v3  }
0x16d: {  	s0 =	simm.s32 $0x0  }
0x16e: {  	v9 =	vld [tilespmem:s0+$0x8000]  }
0x16f: {  	v10 =	vld [tilespmem:s0+$0x8100]  }
0x170: {  	v11 =	vld [tilespmem:s0+$0x8200]  }
0x171: {  	v12 =	vld [tilespmem:s0+$0x8300]  }
0x172: {  	v13 =	vld [tilespmem:s0+$0x8400]  }
0x173: {  	v14 =	vld [tilespmem:s0+$0x8500]  }
0x174: {  	v9 =	vadd.s32 v9, v10;
	v10 =	vld [tilespmem:s0+$0x8600]  }
0x175: {  	v9 =	vadd.s32 v11, v9;
	v11 =	vld [tilespmem:s0+$0x8700]  }
0x176: {  	v9 =	vadd.s32 v12, v9;
	v12 =	vld [tilespmem:s0+$0x8800]  }
0x177: {  	v9 =	vadd.s32 v13, v9;
	v13 =	vld [tilespmem:s0+$0x8900]  }
0x178: {  	v9 =	vadd.s32 v14, v9;
	v14 =	vld [tilespmem:s0+$0x8A00]  }
0x179: {  	v15 =	vld [tilespmem:s0+$0x8B00];
	v9 =	vadd.s32 v10, v9  }
0x17a: {  	v10 =	vld [tilespmem:s0+$0x8C00];
	v9 =	vadd.s32 v11, v9  }
0x17b: {  	v11 =	vld [tilespmem:s0+$0x8D00];
	v9 =	vadd.s32 v12, v9  }
0x17c: {  	v12 =	vld [tilespmem:s0+$0x8E00];
	v9 =	vadd.s32 v13, v9  }
0x17d: {  	s1 =	simm.s32 $0x10;
	v13 =	vld [tilespmem:s0+$0x8F00];
	v14 =	vadd.s32 v14, v9  }
0x17e: {  	s2 =	simm.s32 $0x80;
	v9 =	vld [tilespmem:s1+$0x8000];
	v14 =	vadd.s32 v15, v14  }
.LBB2_14:
0x17f: {  	p1 =	sne.s32 s2, $0x3C0;
	v15 =	vld [tilespmem:s1+$0x8100];
	v10 =	vadd.s32 v10, v14  }
0x180: {  	v14 =	vld [tilespmem:s1+$0x8200];
	v10 =	vadd.s32 v11, v10  }
0x181: {  	v11 =	vld [tilespmem:s1+$0x8300];
	v10 =	vadd.s32 v12, v10  }
0x182: {  	v12 =	vld [tilespmem:s1+$0x8400];
	v10 =	vadd.s32 v13, v10  }
0x183: {  	v13 =	vld [tilespmem:s1+$0x8500];
	[tilespmem:s0+$0x9000] =	vst v10;
	s0 =	smov.u32 s1  }
0x184: {  	v9 =	vadd.s32 v9, v15;
	v10 =	vld [tilespmem:s0+$0x8600]  }
0x185: {  	v9 =	vadd.s32 v14, v9;
	v14 =	vld [tilespmem:s0+$0x8700]  }
0x186: {  	v9 =	vadd.s32 v11, v9;
	v11 =	vld [tilespmem:s0+$0x8800]  }
0x187: {  	v9 =	vadd.s32 v12, v9;
	v12 =	vld [tilespmem:s0+$0x8900]  }
0x188: {  	v9 =	vadd.s32 v13, v9;
	v13 =	vld [tilespmem:s0+$0x8A00]  }
0x189: {  	v9 =	vadd.s32 v10, v9;
	v15 =	vld [tilespmem:s0+$0x8B00]  }
.Ltmp8:
0x18a: {  	v9 =	vadd.s32 v14, v9;
	v10 =	vld [tilespmem:s0+$0x8C00];
	(pc) =	sbr.rel @p1 .LBB2_14-.Ltmp8, $4  }
0x18b: {  	v9 =	vadd.s32 v11, v9;
	v11 =	vld [tilespmem:s0+$0x8D00]  }
0x18c: {  	v9 =	vadd.s32 v12, v9;
	v12 =	vld [tilespmem:s0+$0x8E00]  }
0x18d: {  	s1 =	sshra.s32 s2, $0x2;
	v14 =	vadd.s32 v13, v9;
	v13 =	vld [tilespmem:s0+$0x8F00]  }
0x18e: {  	s2 =	sadd.s32 $0x40, s2;
	v9 =	vld [tilespmem:s1+$0x8000];
	v14 =	vadd.s32 v15, v14  }
0x18f: {  	v15 =	vld [tilespmem:s1+$0x8100];
	v10 =	vadd.s32 v10, v14  }
0x190: {  	v14 =	vld [tilespmem:s1+$0x8200];
	v10 =	vadd.s32 v11, v10  }
0x191: {  	v11 =	vld [tilespmem:s1+$0x8300];
	v10 =	vadd.s32 v12, v10  }
0x192: {  	v12 =	vld [tilespmem:s1+$0x8400];
	v10 =	vadd.s32 v13, v10  }
0x193: {  	v13 =	vld [tilespmem:s1+$0x8500];
	[tilespmem:s0+$0x9000] =	vst v10  }
0x194: {  	v9 =	vadd.s32 v9, v15;
	v10 =	vld [tilespmem:s1+$0x8600]  }
0x195: {  	v9 =	vadd.s32 v14, v9;
	v14 =	vld [tilespmem:s1+$0x8700]  }
0x196: {  	v9 =	vadd.s32 v11, v9;
	v11 =	vld [tilespmem:s1+$0x8800]  }
0x197: {  	v9 =	vadd.s32 v12, v9;
	v12 =	vld [tilespmem:s1+$0x8900]  }
0x198: {  	v9 =	vadd.s32 v13, v9;
	v13 =	vld [tilespmem:s1+$0x8A00]  }
0x199: {  	v9 =	vadd.s32 v10, v9;
	v10 =	vld [tilespmem:s1+$0x8B00]  }
0x19a: {  	v9 =	vadd.s32 v14, v9;
	v14 =	vld [tilespmem:s1+$0x8C00]  }
0x19b: {  	v9 =	vadd.s32 v11, v9;
	v11 =	vld [tilespmem:s1+$0x8D00]  }
0x19c: {  	v9 =	vadd.s32 v12, v9;
	v12 =	vld [tilespmem:s1+$0x8E00]  }
0x19d: {  	v9 =	vadd.s32 v13, v9;
	v13 =	vld [tilespmem:s1+$0x8F00]  }
0x19e: {  	v9 =	vadd.s32 v10, v9  }
0x19f: {  	v9 =	vadd.s32 v14, v9  }
0x1a0: {  	v9 =	vadd.s32 v11, v9  }
0x1a1: {  	v9 =	vadd.s32 v12, v9  }
0x1a2: {  	v9 =	vadd.s32 v13, v9  }
0x1a3: {  	[tilespmem:s1+$0x9000] =	vst v9  }
0x1a4: {  	[spmem:s19] =	stream.linear.scatter [tilespmem:s14], [sflag:$0x1], $0x100, $0x38;
	[tilespmem:$0x13C30] =	vst v63  }
0x1a5: {  	_ =	swait.ge [sflag:s26], $0x100  }
0x1a6: {  	[sflag:s26] =	ssyncset.done $0x0  }
0x1a7: {  	[sflag:s26] =	ssyncadd.s32 $0xFFFFFF00  }
0x1a8: {  	[bflag:$0x0] =	sbarrier.arrive $0xFFFF  }
0x1a9: {  	[tilespmem:s30], [sflag:$0x1] =	stream.linear.gather [spmem:s16], $0x100, $0x38;
	[tilespmem:$0x13C30] =	vst v63  }
0x1aa: {  	_ =	swait.ge [sflag:s26], $0x100  }
0x1ab: {  	[sflag:s26] =	ssyncset.done $0x0  }
0x1ac: {  	[sflag:s26] =	ssyncadd.s32 $0xFFFFFF00  }
0x1ad: {  	[tilespmem:s31], [sflag:$0x1] =	stream.linear.gather [spmem:s20], $0x100, $0x38;
	[tilespmem:$0x13C30] =	vst v63  }
0x1ae: {  	_ =	swait.ge [sflag:s26], $0x100  }
0x1af: {  	[sflag:s26] =	ssyncset.done $0x0  }
0x1b0: {  	s12 =	simm.s32 $0x91F0;
	[sflag:s26] =	ssyncadd.s32 $0xFFFFFF00  }
0x1b1: {  	s15 =	simm.s32 $0x92F0;
	v9 =	vld [tilespmem:s12+$0x0]  }
0x1b2: {  	v10 =	vld [tilespmem:s15+$0x0];
	_ =	sdelay $0x2  }
0x1b3: {  	s1 =	simm.s32 $0x91E0  }
0x1b4: {  	s2 =	simm.s32 $0x92E0;
	v11 =	vld [tilespmem:s1+$0x0]  }
0x1b5: {  	v12 =	vld [tilespmem:s2+$0x0];
	v9 =	vadd.s32 v9, v10  }
0x1b6: {  	(xrf0) =	vadd.scan.msk.s32 $0xffff, v9;
	_ =	sdelay $0x1  }
0x1b7: {  	v9 =	vperm.xlane v9, v5;
	_ =	sdelay $0x1  }
0x1b8: {  	v10 =	vadd.s32 v11, v12  }
0x1b9: {  	(xrf0) =	vadd.scan.msk.s32 $0xffff, v10  }
0x1ba: {  	(xrf0) =	vadd.scan.msk.s32 $0xffff, v9;
	v9, _, _ =	vpop (xrf0)  }
0x1bb: {  	s3 =	simm.s32 $0x91D0;
	(v2sf) =	vpush v9, $0xF  }
0x1bc: {  	s4 =	simm.s32 $0x92D0;
	v11 =	vld [tilespmem:s3+$0x0]  }
0x1bd: {  	v12 =	vld [tilespmem:s4+$0x0];
	_ =	sdelay $0x3  }
0x1be: {  	v13, _, _ =	vpop (xrf0)  }
0x1bf: {  	s5 =	ssub.s32 $0x1000, s29;
	s0 =	simm.s32 $0x0;
	v11 =	vadd.s32 v11, v12;
	v12, _, _ =	vpop (xrf0);
	(v2sf) =	vpush v13, $0xF  }
0x1c0: {  	s7 =	simm.s32 $0x92C0;
	v10 =	vperm.xlane v10, v5;
	v9 =	vmov s5;
	(xrf0) =	vadd.scan.msk.s32 $0xffff, v11;
	v12 =	vadd.s32 s0, v12  }
0x1c1: {  	s6 =	simm.s32 $0x91C0;
	v13 =	vld [tilespmem:s7+$0x0];
	vm1 =	vlt.s32 v12, v9  }
0x1c2: {  	(xrf0) =	vadd.scan.msk.s32 $0xffff, v10;
	v12 =	vld [tilespmem:s6+$0x0];
	v10 =	vsel vm1, $0x80000010, v6  }
0x1c3: {  	(xrf0) =	vmin.scan.msk.u32 $0xffff, v10;
	_ =	sdelay $0x2  }
0x1c4: {  	v10, _, _ =	vpop (xrf0)  }
0x1c5: {  	(v2sf) =	vpush v10, $0xF;
	v10 =	vperm.xlane v11, v5;
	v11 =	vadd.s32 v12, v13;
	s2 =	spop (v2sf)  }
0x1c6: {  	s8 =	simm.s32 $0x91B0;
	v12, _, _ =	vpop (xrf0);
	(xrf0) =	vadd.scan.msk.s32 $0xffff, v11;
	s10 =	sadd.s32 $0x0, s2  }
0x1c7: {  	s9 =	simm.s32 $0x92B0;
	v13 =	vld [tilespmem:s8+$0x0];
	v14, _, _ =	vpop (xrf0);
	(xrf0) =	vadd.scan.msk.s32 $0xffff, v10;
	v12 =	vadd.s32 s10, v12  }
0x1c8: {  	v10 =	vld [tilespmem:s9+$0x0];
	vm1 =	vlt.s32 v12, v9  }
0x1c9: {  	(v2sf) =	vpush v14, $0xF;
	v12 =	vsel vm1, $0x80000010, v6;
	_ =	sdelay $0x2  }
0x1ca: {  	s11 =	spop (v2sf);
	(xrf0) =	vmin.scan.msk.u32 $0xffff, v12;
	v12, _, _ =	vpop (xrf0)  }
0x1cb: {  	v10 =	vadd.s32 v13, v10;
	s1 =	sadd.s32 s10, s11;
	v13, _, _ =	vpop (xrf0)  }
0x1cc: {  	v11 =	vperm.xlane v11, v5;
	v13 =	vadd.s32 s1, v13  }
0x1cd: {  	(xrf0) =	vadd.scan.msk.s32 $0xffff, v10;
	vm1 =	vlt.s32 v13, v9  }
0x1ce: {  	s12 =	simm.s32 $0x91A0;
	(xrf0) =	vadd.scan.msk.s32 $0xffff, v11;
	v14 =	vsel vm1, $0x80000010, v6  }
0x1cf: {  	s15 =	simm.s32 $0x92A0;
	v11 =	vld [tilespmem:s12+$0x0];
	(xrf0) =	vmin.scan.msk.u32 $0xffff, v14  }
0x1d0: {  	v13 =	vld [tilespmem:s15+$0x0]  }
0x1d1: {  	(v2sf) =	vpush v12, $0xF  }
0x1d2: {  	v14, _, _ =	vpop (xrf0)  }
0x1d3: {  	v15, _, _ =	vpop (xrf0)  }
0x1d4: {  	v12 =	vperm.xlane v10, v5;
	(v2sf) =	vpush v14, $0xF;
	v10, _, _ =	vpop (xrf0)  }
0x1d5: {  	s29 =	spop (v2sf);
	v11 =	vadd.s32 v11, v13;
	(v2sf) =	vpush v15, $0xF;
	v13, _, _ =	vpop (xrf0)  }
0x1d6: {  	s5 =	spop (v2sf);
	(v2sf) =	vpush v13, $0xF  }
0x1d7: {  	s4 =	simm.s32 $0x800000BF  }
0x1d8: {  	s7 =	simm.s32 $0x800000EF;
	s6 =	simm.s32 $0x9290;
	s8 =	sadd.s32 s1, s29  }
0x1d9: {  	s9 =	simm.s32 $0x800000CF;
	s2 =	simm.s32 $0x800000AF;
	v10 =	vadd.s32 s8, v10  }
0x1da: {  	p1 =	por $0x0, $0x0;
	s10 =	simm.s32 $0x8000008F;
	s1 =	simm.s32 $0x8000009F;
	(xrf0) =	vadd.scan.msk.s32 $0xffff, v11;
	vm1 =	vlt.s32 v10, v9  }
0x1db: {  	s3 =	simm.s32 $0x9190;
	s11 =	sxor.u32 $0x80000000, s5;
	s5 =	ssub.s32 $0x800000FF, s5;
	(xrf0) =	vadd.scan.msk.s32 $0xffff, v12;
	v12 =	vld [tilespmem:s6+$0x0];
	v14 =	vsel vm1, $0x80000010, v6  }
0x1dc: {  	s15 =	simm.s32 $0x800000DF;
	p2 =	slt.s32 s11, $0x10;
	s5 =	smov.u32 @p1 s0;
	v11 =	vperm.xlane v11, v5;
	v10 =	vld [tilespmem:s3+$0x0];
	(xrf0) =	vmin.scan.msk.u32 $0xffff, v14  }
.LBB2_16:
0x1dd: {  	p3 =	sne.s32 s10, $0x8000000F;
	s0 =	smov.u32 @p2 s5;
	p1 =	por p1, p2  }
0x1de: {  	s11 =	smov.u32 s9;
	s9 =	smov.u32 s4;
	s4 =	smov.u32 s2  }
0x1df: {  	s2 =	smov.u32 s1;
	s1 =	smov.u32 s10;
	s10 =	sadd.s32 $0xFFFFFFF0, s10  }
0x1e0: {  	v13, _, _ =	vpop (xrf0);
	s5 =	spop (v2sf)  }
.Ltmp9:
0x1e1: {  	v10 =	vadd.s32 v10, v12;
	(v2sf) =	vpush v13, $0xF;
	v12, _, _ =	vpop (xrf0);
	s8 =	sadd.s32 s8, s5;
	(pc) =	sbr.rel @p3 .LBB2_16-.Ltmp9, $4  }
0x1e2: {  	s3 =	sadd.s32 $0xFFFFFFF0, s3;
	v13 =	vperm.xlane v10, v5;
	(xrf0) =	vadd.scan.msk.s32 $0xffff, v10;
	v12 =	vadd.s32 s8, v12  }
0x1e3: {  	s6 =	sadd.s32 $0xFFFFFFF0, s6;
	v10 =	vld [tilespmem:s3+$0x0];
	(xrf0) =	vadd.scan.msk.s32 $0xffff, v11;
	vm1 =	vlt.s32 v12, v9;
	v11, _, _ =	vpop (xrf0);
	s5 =	spop (v2sf)  }
0x1e4: {  	v12 =	vld [tilespmem:s6+$0x0];
	v14 =	vsel vm1, $0x80000010, v6;
	(v2sf) =	vpush v11, $0xF;
	s12 =	sxor.u32 $0x80000000, s5;
	s5 =	ssub.s32 s7, s5;
	v11 =	vmov v13;
	s7 =	smov.u32 s15  }
0x1e5: {  	s15 =	smov.u32 s11;
	(xrf0) =	vmin.scan.msk.u32 $0xffff, v14;
	p2 =	slt.s32 s12, $0x10;
	s5 =	smov.u32 @p1 s0  }
0x1e6: {  	_ =	sdelay $0x1  }
0x1e7: {  	v13, _, _ =	vpop (xrf0)  }
0x1e8: {  	(v2sf) =	vpush v13, $0xF;
	_ =	sdelay $0x3  }
0x1e9: {  	s3 =	spop (v2sf)  }
0x1ea: {  	s3 =	sadd.s32 s8, s3;
	v10 =	vadd.s32 v10, v12;
	v60, _, _ =	vpop (xrf0)  }
0x1eb: {  	(xrf0) =	vadd.scan.msk.s32 $0xffff, v10;
	v12 =	vadd.s32 s3, v60  }
0x1ec: {  	v10 =	vperm.xlane v10, v5;
	(xrf0) =	vadd.scan.msk.s32 $0xffff, v11;
	vm1 =	vlt.s32 v12, v9  }
0x1ed: {  	v11 =	vsel vm1, $0x80000010, v6  }
0x1ee: {  	(xrf0) =	vmin.scan.msk.u32 $0xffff, v11  }
0x1ef: {  	(xrf0) =	vadd.scan.msk.s32 $0xffff, v10  }
0x1f0: {  	s6 =	spop (v2sf);
	v10, _, _ =	vpop (xrf0)  }
0x1f1: {  	v11, _, _ =	vpop (xrf0);
	s10 =	spop (v2sf)  }
0x1f2: {  	v61, _, _ =	vpop (xrf0);
	s3 =	sadd.s32 s3, s10  }
0x1f3: {  	v12 =	vadd.s32 s3, v61;
	s11 =	spop (v2sf)  }
0x1f4: {  	vm1 =	vlt.s32 v12, v9;
	v62, _, _ =	vpop (xrf0);
	s10 =	spop (v2sf)  }
0x1f5: {  	v63 =	vsel vm1, $0x80000010, v6;
	v14, _, _ =	vpop (xrf0);
	s3 =	sadd.s32 s3, s10  }
0x1f6: {  	(xrf0) =	vmin.scan.msk.u32 $0xffff, v63;
	v14 =	vadd.s32 s3, v14  }
0x1f7: {  	(v2sf) =	vpush v10, $0xF;
	vm1 =	vlt.s32 v14, v9  }
0x1f8: {  	v9 =	vsel vm1, $0x80000010, v6  }
0x1f9: {  	(v2sf) =	vpush v11, $0xF;
	(xrf0) =	vmin.scan.msk.u32 $0xffff, v9  }
0x1fa: {  	(v2sf) =	vpush v62, $0xF;
	_ =	sdelay $0x1  }
0x1fb: {  	v9, _, _ =	vpop (xrf0)  }
0x1fc: {  	(v2sf) =	vpush v9, $0xF;
	_ =	sdelay $0x1  }
0x1fd: {  	v9, _, _ =	vpop (xrf0)  }
0x1fe: {  	s0 =	smov.u32 @p2 s5;
	(v2sf) =	vpush v9, $0xF  }
0x1ff: {  	p1 =	por p1, p2;
	s12 =	sxor.u32 $0x80000000, s6;
	s5 =	ssub.s32 s7, s6  }
0x200: {  	p2 =	slt.s32 s12, $0x10;
	s5 =	smov.u32 @p1 s0  }
0x201: {  	s0 =	smov.u32 @p2 s5  }
0x202: {  	p1 =	por p1, p2;
	s29 =	sxor.u32 $0x80000000, s11;
	s5 =	ssub.s32 s15, s11  }
0x203: {  	p2 =	slt.s32 s29, $0x10;
	s5 =	smov.u32 @p1 s0  }
0x204: {  	s0 =	smov.u32 @p2 s5;
	s6 =	spop (v2sf)  }
0x205: {  	p1 =	por p1, p2;
	s7 =	sxor.u32 $0x80000000, s6;
	s3 =	ssub.s32 s9, s6  }
0x206: {  	p2 =	slt.s32 s7, $0x10;
	s3 =	smov.u32 @p1 s0;
	s8 =	spop (v2sf)  }
0x207: {  	s0 =	smov.u32 @p2 s3;
	s9 =	spop (v2sf)  }
0x208: {  	p1 =	por p1, p2;
	s5 =	sxor.u32 $0x80000000, s9;
	s3 =	ssub.s32 s4, s9  }
0x209: {  	p2 =	slt.s32 s5, $0x10;
	s3 =	smov.u32 @p1 s0  }
0x20a: {  	s0 =	smov.u32 @p2 s3;
	s10 =	spop (v2sf)  }
0x20b: {  	p1 =	por p1, p2;
	s11 =	sxor.u32 $0x80000000, s10;
	s2 =	ssub.s32 s2, s10  }
0x20c: {  	p2 =	slt.s32 s11, $0x10;
	s2 =	smov.u32 @p1 s0  }
0x20d: {  	s0 =	smov.u32 @p2 s2;
	s12 =	spop (v2sf)  }
0x20e: {  	p1 =	por p1, p2;
	s15 =	sxor.u32 $0x80000000, s12;
	s1 =	ssub.s32 s1, s12  }
0x20f: {  	p2 =	slt.s32 s15, $0x10;
	s1 =	smov.u32 @p1 s0  }
0x210: {  	s0 =	smov.u32 @p2 s1  }
0x211: {  	s28 =	sshll.u32 s28, $0x18;
	s0 =	sshll.u32 s0, $0x10  }
0x212: {  	s0 =	sor.u32 s28, s0  }
0x213: {  	s1 =	simm.s32 $0xFFFFFFFF;
	p1 =	slt.s32 s0, $0x3F000000  }
0x214: {  	s1 =	simm.s32 @!p1 $0xC0FFFFFF  }
0x215: {  	s29 =	simm.s32 $0x9340;
	v9 =	vmov s1  }
0x216: {  	s1 =	simm.s32 $0xAB40;
	[tilespmem:s29+$0xFFFFFFC0] =	vst v9  }
0x217: {  	[tilespmem:s1+$0xFFFFFFC0] =	vst v4  }
0x218: {  	[tilespmem:s29+$0xFFFFFFD0] =	vst v9  }
0x219: {  	[tilespmem:s1+$0xFFFFFFD0] =	vst v4  }
0x21a: {  	[tilespmem:s29+$0xFFFFFFE0] =	vst v9  }
0x21b: {  	[tilespmem:s1+$0xFFFFFFE0] =	vst v4  }
0x21c: {  	[tilespmem:s29+$0xFFFFFFF0] =	vst v9  }
0x21d: {  	[tilespmem:s1+$0xFFFFFFF0] =	vst v4  }
0x21e: {  	[tilespmem:s29+$0x0] =	vst v9  }
0x21f: {  	[tilespmem:s1+$0x0] =	vst v4  }
0x220: {  	[tilespmem:s29+$0x10] =	vst v9  }
0x221: {  	[tilespmem:s1+$0x10] =	vst v4  }
0x222: {  	[tilespmem:s29+$0x20] =	vst v9  }
0x223: {  	[tilespmem:s1+$0x20] =	vst v4  }
0x224: {  	[tilespmem:s29+$0x30] =	vst v9  }
0x225: {  	s3 =	simm.s32 $0x93C0;
	s2 =	simm.s32 $0x0;
	[tilespmem:s1+$0x30] =	vst v4  }
.LBB2_18:
0x226: {  	[tilespmem:s3+$0xFFFFFFC0] =	vst v9;
	s1 =	sadd.s32 $0x80, s1  }
0x227: {  	[tilespmem:s1+$0xFFFFFFC0] =	vst v4  }
0x228: {  	[tilespmem:s3+$0xFFFFFFD0] =	vst v9  }
0x229: {  	[tilespmem:s1+$0xFFFFFFD0] =	vst v4  }
0x22a: {  	[tilespmem:s3+$0xFFFFFFE0] =	vst v9  }
0x22b: {  	[tilespmem:s1+$0xFFFFFFE0] =	vst v4  }
0x22c: {  	[tilespmem:s3+$0xFFFFFFF0] =	vst v9  }
0x22d: {  	[tilespmem:s1+$0xFFFFFFF0] =	vst v4  }
0x22e: {  	[tilespmem:s3+$0x0] =	vst v9  }
0x22f: {  	s2 =	sadd.s32 $0x8, s2;
	[tilespmem:s1+$0x0] =	vst v4  }
0x230: {  	p2 =	slt.u32 s2, $0x178;
	[tilespmem:s3+$0x10] =	vst v9  }
.Ltmp10:
0x231: {  	[tilespmem:s1+$0x10] =	vst v4;
	(pc) =	sbr.rel @p2 .LBB2_18-.Ltmp10, $4  }
0x232: {  	[tilespmem:s3+$0x20] =	vst v9  }
0x233: {  	[tilespmem:s1+$0x20] =	vst v4  }
0x234: {  	[tilespmem:s3+$0x30] =	vst v9  }
0x235: {  	s3 =	sadd.s32 $0x80, s3;
	[tilespmem:s1+$0x30] =	vst v4  }
0x236: {  	v10 =	vmov s0;
	v9 =	vimm.s32 $0x0;
	s0 =	simm.s32 $0xFFFFFFFC;
	s1 =	simm.s32 $0x20;
	s2 =	rddreg [dreg:$0xd]  }
.LBB2_20:
0x237: {  	v11 =	vld [tilespmem:s1+$0xFFFFFFE0];
	_ =	sdelay $0x4  }
0x238: {  	vm1 =	vge.s32 v11, v10  }
0x239: {  	v12 =	vsel vm1, $0x1, v0  }
0x23a: {  	(xrf0) =	vadd.scan.msk.s32 $0xffff, v12;
	_ =	sdelay $0x5  }
0x23b: {  	v12, _, _ =	vpop (xrf0)  }
0x23c: {  	v12 =	vadd.s32 v12, v9  }
0x23d: {  	v12 =	vadd.s32 $0xFFFFFFFF, v12  }
0x23e: {  	vm2 =	vlt.s32 v12, $0x17FF  }
0x23f: {  	v12 =	vnsel vm2, $0x17FF, v12;
	_ =	sdelay $0x3  }
0x240: {  	s3 =	sadd.s32 $0xFFFFFFD0, s2;
	v11 =	vxor.u32 $0xFFFFFFFF, v11  }
0x241: {  	v13 =	vor.u32 s3, v1;
	[tilespmem:v12+s17+$0x0] =	vst.idx.msk vm1, v11  }
0x242: {  	[tilespmem:v12+s18+$0x0] =	vst.idx.msk vm1, v13  }
0x243: {  	v11 =	vld [tilespmem:s1+$0xFFFFFFF0];
	_ =	sdelay $0x4  }
0x244: {  	vm2 =	vge.s32 v11, v10  }
0x245: {  	v52 =	vsel vm2, $0x1, v0  }
0x246: {  	(xrf0) =	vadd.scan.msk.s32 $0xffff, v52;
	_ =	sdelay $0x3  }
0x247: {  	v53 =	vmpcnt.ones.xlane vm1;
	_ =	sdelay $0x1  }
0x248: {  	v9 =	vadd.s32 v9, v53;
	v54, _, _ =	vpop (xrf0)  }
0x249: {  	v12 =	vadd.s32 v54, v9  }
0x24a: {  	v12 =	vadd.s32 $0xFFFFFFFF, v12  }
0x24b: {  	vm1 =	vlt.s32 v12, $0x17FF  }
0x24c: {  	v12 =	vnsel vm1, $0x17FF, v12;
	_ =	sdelay $0x3  }
0x24d: {  	s28 =	sadd.s32 $0xFFFFFFE0, s2;
	v11 =	vxor.u32 $0xFFFFFFFF, v11  }
0x24e: {  	v55 =	vor.u32 s28, v1;
	[tilespmem:v12+s17+$0x0] =	vst.idx.msk vm2, v11  }
0x24f: {  	[tilespmem:v12+s18+$0x0] =	vst.idx.msk vm2, v55  }
0x250: {  	v11 =	vld [tilespmem:s1+$0x0];
	_ =	sdelay $0x4  }
0x251: {  	vm1 =	vge.s32 v11, v10  }
0x252: {  	v56 =	vsel vm1, $0x1, v0  }
0x253: {  	(xrf0) =	vadd.scan.msk.s32 $0xffff, v56;
	_ =	sdelay $0x3  }
0x254: {  	v57 =	vmpcnt.ones.xlane vm2;
	_ =	sdelay $0x1  }
0x255: {  	v9 =	vadd.s32 v9, v57;
	v58, _, _ =	vpop (xrf0)  }
0x256: {  	v12 =	vadd.s32 v58, v9  }
0x257: {  	v12 =	vadd.s32 $0xFFFFFFFF, v12  }
0x258: {  	vm2 =	vlt.s32 v12, $0x17FF  }
0x259: {  	v12 =	vnsel vm2, $0x17FF, v12;
	_ =	sdelay $0x3  }
0x25a: {  	s29 =	sadd.s32 $0xFFFFFFF0, s2;
	v11 =	vxor.u32 $0xFFFFFFFF, v11  }
0x25b: {  	v59 =	vor.u32 s29, v1;
	[tilespmem:v12+s17+$0x0] =	vst.idx.msk vm1, v11  }
0x25c: {  	[tilespmem:v12+s18+$0x0] =	vst.idx.msk vm1, v59  }
0x25d: {  	v11 =	vld [tilespmem:s1+$0x10];
	_ =	sdelay $0x4  }
0x25e: {  	vm2 =	vge.s32 v11, v10  }
0x25f: {  	v60 =	vsel vm2, $0x1, v0  }
0x260: {  	(xrf0) =	vadd.scan.msk.s32 $0xffff, v60;
	_ =	sdelay $0x3  }
0x261: {  	v61 =	vmpcnt.ones.xlane vm1;
	_ =	sdelay $0x1  }
0x262: {  	v9 =	vadd.s32 v9, v61;
	v62, _, _ =	vpop (xrf0)  }
0x263: {  	v12 =	vadd.s32 v62, v9  }
0x264: {  	v12 =	vadd.s32 $0xFFFFFFFF, v12  }
0x265: {  	vm1 =	vlt.s32 v12, $0x17FF  }
0x266: {  	s0 =	sadd.s32 $0x4, s0;
	v12 =	vnsel vm1, $0x17FF, v12  }
0x267: {  	p2 =	slt.u32 s0, $0x7FC  }
.Ltmp11:
0x268: {  	_ = 	snop;
	(pc) =	sbr.rel @p2 .LBB2_20-.Ltmp11, $4  }
0x269: {  	_ = 	snop  }
0x26a: {  	v11 =	vxor.u32 $0xFFFFFFFF, v11;
	v63 =	vmpcnt.ones.xlane vm2  }
0x26b: {  	[tilespmem:v12+s17+$0x0] =	vst.idx.msk vm2, v11;
	v11 =	vor.u32 s2, v1  }
0x26c: {  	s1 =	sadd.s32 $0x40, s1;
	v9 =	vadd.s32 v9, v63;
	s2 =	sadd.s32 $0x40, s2;
	[tilespmem:v12+s18+$0x0] =	vst.idx.msk vm2, v11  }
.Ltmp12:
0x26d: {  	(pc) =	sbr.rel @!p0 .LBB2_22-.Ltmp12, $1  }
0x26e: {  	_ =	sdelay $0x3  }
0x26f: {  	[bflag:$0x0] =	sbarrier.arrive $0xFFFF  }
0x270: {  	s1 =	simm.s32 $0xF300;
	s0 =	rddreg [dreg:$0x9]  }
0x271: {  	[tilespmem:s1], [sflag:$0x1] =	stream.linear.gather [spmem:s0], $0x1800, $0x38;
	[tilespmem:$0x13C30] =	vst v63  }
0x272: {  	_ =	swait.ge [sflag:s26], $0x1800  }
0x273: {  	[sflag:s26] =	ssyncset.done $0x0  }
0x274: {  	s12 =	simm.s32 $0x10B00;
	s11 =	rddreg [dreg:$0xa];
	[sflag:s26] =	ssyncadd.s32 $0xFFFFE800  }
0x275: {  	[tilespmem:s12], [sflag:$0x1] =	stream.linear.gather [spmem:s11], $0x1800, $0x38;
	[tilespmem:$0x13C30] =	vst v63  }
0x276: {  	_ =	swait.ge [sflag:s26], $0x1800  }
0x277: {  	[sflag:s26] =	ssyncset.done $0x0  }
0x278: {  	[sflag:s26] =	ssyncadd.s32 $0xFFFFE800  }
0x279: {  	[tilespmem:s21], [sflag:$0x1] =	stream.linear.gather [spmem:s20], $0x10, $0x38;
	[tilespmem:$0x13C30] =	vst v63  }
0x27a: {  	v11 =	vadd.s32 v1, v9;
	s15 =	simm.s32 $0x0;
	_ =	swait.ge [sflag:s26], $0x10  }
0x27b: {  	v10 =	vadd.s32 s15, v11;
	[sflag:s26] =	ssyncset.done $0x0  }
0x27c: {  	s0 =	simm.s32 $0xF320;
	vm1 =	vlt.s32 v10, $0x17FF;
	[sflag:s26] =	ssyncadd.s32 $0xFFFFFFF0  }
0x27d: {  	s1 =	simm.s32 $0x10B20;
	v13 =	vnsel vm1, $0x17FF, v10;
	v12 =	vld [tilespmem:s0+$0xFFFFFFE0]  }
0x27e: {  	v14 =	vld [tilespmem:s1+$0xFFFFFFE0];
	_ =	sdelay $0x2  }
0x27f: {  	s2 =	simm.s32 $0x10  }
0x280: {  	v10 =	vld [tilespmem:$0x12310];
	[tilespmem:v13+s17+$0x0] =	vst.idx.msk $0xffff, v12;
	v12 =	vadd.s32 s2, v11  }
0x281: {  	[tilespmem:v13+s18+$0x0] =	vst.idx.msk $0xffff, v14;
	vm1 =	vlt.s32 v12, $0x17FF  }
0x282: {  	v13 =	vld [tilespmem:s0+$0xFFFFFFF0];
	v12 =	vnsel vm1, $0x17FF, v12  }
0x283: {  	v14 =	vld [tilespmem:s1+$0xFFFFFFF0];
	_ =	sdelay $0x2  }
0x284: {  	s28 =	simm.s32 $0x20  }
0x285: {  	[tilespmem:v12+s17+$0x0] =	vst.idx.msk $0xffff, v13;
	v13 =	vadd.s32 s28, v11  }
0x286: {  	[tilespmem:v12+s18+$0x0] =	vst.idx.msk $0xffff, v14;
	vm1 =	vlt.s32 v13, $0x17FF  }
0x287: {  	v12 =	vld [tilespmem:s0+$0x0];
	v13 =	vnsel vm1, $0x17FF, v13  }
0x288: {  	v14 =	vld [tilespmem:s1+$0x0];
	_ =	sdelay $0x2  }
0x289: {  	s29 =	simm.s32 $0x30  }
0x28a: {  	[tilespmem:v13+s17+$0x0] =	vst.idx.msk $0xffff, v12;
	v12 =	vadd.s32 s29, v11  }
0x28b: {  	[tilespmem:v13+s18+$0x0] =	vst.idx.msk $0xffff, v14;
	vm1 =	vlt.s32 v12, $0x17FF  }
0x28c: {  	v15 =	vld [tilespmem:s0+$0x10];
	v12 =	vnsel vm1, $0x17FF, v12  }
0x28d: {  	v14 =	vld [tilespmem:s1+$0x10];
	_ =	sdelay $0x2  }
0x28e: {  	s2 =	simm.s32 $0x40  }
0x28f: {  	s3 =	simm.s32 $0x4;
	v13 =	vadd.s32 s2, v11;
	[tilespmem:v12+s17+$0x0] =	vst.idx.msk $0xffff, v15  }
.LBB2_26:
0x290: {  	s3 =	sadd.s32 $0x4, s3;
	vm1 =	vlt.s32 v13, $0x17FF;
	[tilespmem:v12+s18+$0x0] =	vst.idx.msk $0xffff, v14;
	s0 =	sadd.s32 $0x40, s0;
	s1 =	sadd.s32 $0x40, s1  }
0x291: {  	p2 =	slt.u32 s3, $0x17C;
	v12 =	vld [tilespmem:s0+$0xFFFFFFE0];
	v13 =	vnsel vm1, $0x17FF, v13  }
0x292: {  	v14 =	vld [tilespmem:s1+$0xFFFFFFE0];
	_ =	sdelay $0x2  }
0x293: {  	s4 =	sadd.s32 $0x10, s2  }
0x294: {  	[tilespmem:v13+s17+$0x0] =	vst.idx.msk $0xffff, v12;
	v12 =	vadd.s32 s4, v11  }
0x295: {  	[tilespmem:v13+s18+$0x0] =	vst.idx.msk $0xffff, v14;
	vm1 =	vlt.s32 v12, $0x17FF  }
0x296: {  	v13 =	vld [tilespmem:s0+$0xFFFFFFF0];
	v12 =	vnsel vm1, $0x17FF, v12  }
0x297: {  	v14 =	vld [tilespmem:s1+$0xFFFFFFF0];
	_ =	sdelay $0x2  }
0x298: {  	s4 =	sadd.s32 $0x20, s2  }
0x299: {  	[tilespmem:v12+s17+$0x0] =	vst.idx.msk $0xffff, v13;
	v13 =	vadd.s32 s4, v11  }
0x29a: {  	[tilespmem:v12+s18+$0x0] =	vst.idx.msk $0xffff, v14;
	vm1 =	vlt.s32 v13, $0x17FF  }
0x29b: {  	v12 =	vld [tilespmem:s0+$0x0];
	v13 =	vnsel vm1, $0x17FF, v13  }
0x29c: {  	v14 =	vld [tilespmem:s1+$0x0];
	_ =	sdelay $0x2  }
0x29d: {  	s4 =	sadd.s32 $0x30, s2  }
0x29e: {  	[tilespmem:v13+s17+$0x0] =	vst.idx.msk $0xffff, v12;
	v12 =	vadd.s32 s4, v11  }
0x29f: {  	[tilespmem:v13+s18+$0x0] =	vst.idx.msk $0xffff, v14;
	vm1 =	vlt.s32 v12, $0x17FF  }
0x2a0: {  	v15 =	vld [tilespmem:s0+$0x10];
	v12 =	vnsel vm1, $0x17FF, v12  }
.Ltmp13:
0x2a1: {  	v14 =	vld [tilespmem:s1+$0x10];
	(pc) =	sbr.rel @p2 .LBB2_26-.Ltmp13, $3  }
0x2a2: {  	_ =	sdelay $0x1  }
0x2a3: {  	s2 =	sadd.s32 $0x40, s2  }
0x2a4: {  	v13 =	vadd.s32 s2, v11;
	[tilespmem:v12+s17+$0x0] =	vst.idx.msk $0xffff, v15  }
0x2a5: {  	_ =	sdelay $0x3  }
0x2a6: {  	vm1 =	vlt.s32 v13, $0x17FF;
	[tilespmem:v12+s18+$0x0] =	vst.idx.msk $0xffff, v14;
	s0 =	sadd.s32 $0x40, s0  }
0x2a7: {  	s1 =	sadd.s32 $0x40, s1;
	v12 =	vld [tilespmem:s0+$0xFFFFFFE0];
	v13 =	vnsel vm1, $0x17FF, v13  }
0x2a8: {  	v14 =	vld [tilespmem:s1+$0xFFFFFFE0];
	_ =	sdelay $0x2  }
0x2a9: {  	s3 =	sadd.s32 $0x10, s2  }
0x2aa: {  	v62 =	vadd.s32 s3, v11;
	[tilespmem:v13+s17+$0x0] =	vst.idx.msk $0xffff, v12  }
0x2ab: {  	vm1 =	vlt.s32 v62, $0x17FF;
	[tilespmem:v13+s18+$0x0] =	vst.idx.msk $0xffff, v14  }
0x2ac: {  	v12 =	vnsel vm1, $0x17FF, v62;
	v13 =	vld [tilespmem:s0+$0xFFFFFFF0]  }
0x2ad: {  	v14 =	vld [tilespmem:s1+$0xFFFFFFF0];
	_ =	sdelay $0x2  }
0x2ae: {  	s28 =	sadd.s32 $0x20, s2  }
0x2af: {  	v63 =	vadd.s32 s28, v11;
	[tilespmem:v12+s17+$0x0] =	vst.idx.msk $0xffff, v13  }
0x2b0: {  	vm1 =	vlt.s32 v63, $0x17FF;
	[tilespmem:v12+s18+$0x0] =	vst.idx.msk $0xffff, v14  }
0x2b1: {  	v13 =	vnsel vm1, $0x17FF, v63;
	v12 =	vld [tilespmem:s0+$0x0]  }
0x2b2: {  	v14 =	vld [tilespmem:s1+$0x0];
	_ =	sdelay $0x2  }
0x2b3: {  	s29 =	sadd.s32 $0x30, s2  }
0x2b4: {  	v11 =	vadd.s32 s29, v11;
	[tilespmem:v13+s17+$0x0] =	vst.idx.msk $0xffff, v12  }
0x2b5: {  	vm1 =	vlt.s32 v11, $0x17FF;
	[tilespmem:v13+s18+$0x0] =	vst.idx.msk $0xffff, v14  }
0x2b6: {  	v11 =	vnsel vm1, $0x17FF, v11;
	v12 =	vld [tilespmem:s0+$0x10]  }
0x2b7: {  	v13 =	vld [tilespmem:s1+$0x10];
	_ =	sdelay $0x3  }
0x2b8: {  	[tilespmem:v11+s17+$0x0] =	vst.idx.msk $0xffff, v12  }
0x2b9: {  	s0 =	simm.s32 $0x40;
	s1 =	simm.s32 $0x0;
	[tilespmem:v11+s18+$0x0] =	vst.idx.msk $0xffff, v13  }
.LBB2_28:
0x2ba: {  	p2 =	seq.s32 s0, $0x3FC0;
	[tilespmem:s1+$0x8000] =	vst v0;
	s1 =	smov.u32 s0;
	s0 =	sadd.s32 $0x40, s0  }
.Ltmp14:
0x2bb: {  	(pc) =	sbr.rel @!p2 .LBB2_28-.Ltmp14, $2  }
0x2bc: {  	_ =	sdelay $0x2  }
0x2bd: {  	s1 =	sshra.s32 s1, $0x2  }
0x2be: {  	v10 =	vxor.u32 $0x80000000, v10  }
0x2bf: {  	v9 =	vxor.u32 $0x80000000, v9;
	(xrf0) =	vmax.scan.msk.u32 $0xffff, v10  }
0x2c0: {  	(xrf0) =	vmax.scan.msk.u32 $0xffff, v9;
	_ =	sdelay $0x4  }
0x2c1: {  	v9, _, _ =	vpop (xrf0)  }
0x2c2: {  	(v2sf) =	vpush v9, $0xF;
	v9, _, _ =	vpop (xrf0)  }
0x2c3: {  	(v2sf) =	vpush v9, $0xF;
	_ =	sdelay $0xd  }
0x2c4: {  	s0 =	spop (v2sf)  }
0x2c5: {  	s29 =	spop (v2sf)  }
0x2c6: {  	s0 =	sadd.s32 s0, s29  }
0x2c7: {  	s0 =	sadd.s32 $0xF, s0  }
0x2c8: {  	s28 =	sshra.s32 s0, $0x4  }
0x2c9: {  	p2 =	sgt.s32 s28, $0x0  }
.Ltmp15:
0x2ca: {  	_ = 	snop;
	(pc) =	sbr.rel @!p2 .LBB2_30-.Ltmp15, $3  }
0x2cb: {  	_ =	sdelay $0x1  }
0x2cc: {  	p3 =	slt.s32 s28, $0x180  }
0x2cd: {  	[tilespmem:s1+$0x8000] =	vst v0;
	s0 =	simm.s32 $0x9300;
	s28 =	simm.s32 @!p3 $0x180  }
0x2ce: {  	p3 =	seq.s32 s28, $0x1  }
.Ltmp16:
0x2cf: {  	_ = 	snop;
	(pc) =	sbr.rel @p3 .LBB2_70-.Ltmp16, $2  }
0x2d0: {  	_ =	sdelay $0x2  }
0x2d1: {  	v9 =	vld [tilespmem:s0+$0x0];
	s1 =	sadd.s32 $0xFFFFFFFF, s28  }
.LBB2_69:
0x2d2: {  	p3 =	seq.s32 s1, $0x1;
	_ =	sdelay $0x3  }
0x2d3: {  	v9 =	vand.u32 $0xFF, v9  }
0x2d4: {  	v9 =	vor.u32 v2, v9;
	_ =	sdelay $0x1  }
.Ltmp17:
0x2d5: {  	(pc) =	sbr.rel @!p3 .LBB2_69-.Ltmp17, $3  }
0x2d6: {  	_ =	sdelay $0x1  }
0x2d7: {  	s0 =	sadd.s32 $0x10, s0;
	[tilespmem:v9+s13+$0x0] =	vst.idx.add.s32.msk $0xffff, v3  }
0x2d8: {  	s1 =	sadd.s32 $0xFFFFFFFF, s1;
	v9 =	vld [tilespmem:s0+$0x0]  }
.LBB2_70:
0x2d9: {  	_ =	sdelay $0x3  }
0x2da: {  	v9 =	vand.u32 $0xFF, v9  }
0x2db: {  	v9 =	vor.u32 v2, v9;
	_ =	sdelay $0x4  }
0x2dc: {  	[tilespmem:v9+s13+$0x0] =	vst.idx.add.s32.msk $0xffff, v3  }
.LBB2_30:
0x2dd: {  	s3 =	simm.s32 $0x0  }
0x2de: {  	v9 =	vld [tilespmem:s3+$0x8000]  }
0x2df: {  	v10 =	vld [tilespmem:s3+$0x8100]  }
0x2e0: {  	v11 =	vld [tilespmem:s3+$0x8200]  }
0x2e1: {  	v12 =	vld [tilespmem:s3+$0x8300]  }
0x2e2: {  	v13 =	vld [tilespmem:s3+$0x8400]  }
0x2e3: {  	v14 =	vld [tilespmem:s3+$0x8500]  }
0x2e4: {  	v15 =	vld [tilespmem:s3+$0x8600];
	v9 =	vadd.s32 v9, v10  }
0x2e5: {  	v16 =	vld [tilespmem:s3+$0x8700];
	v9 =	vadd.s32 v11, v9  }
0x2e6: {  	v17 =	vld [tilespmem:s3+$0x8800];
	v9 =	vadd.s32 v12, v9  }
0x2e7: {  	v10 =	vld [tilespmem:s3+$0x8900];
	v9 =	vadd.s32 v13, v9  }
0x2e8: {  	v11 =	vld [tilespmem:s3+$0x8A00];
	v9 =	vadd.s32 v14, v9  }
0x2e9: {  	v12 =	vld [tilespmem:s3+$0x8B00];
	v9 =	vadd.s32 v15, v9  }
0x2ea: {  	v13 =	vld [tilespmem:s3+$0x8C00];
	v9 =	vadd.s32 v16, v9  }
0x2eb: {  	v14 =	vld [tilespmem:s3+$0x8D00];
	v9 =	vadd.s32 v17, v9  }
0x2ec: {  	v15 =	vld [tilespmem:s3+$0x8E00];
	v9 =	vadd.s32 v10, v9  }
0x2ed: {  	s1 =	simm.s32 $0x10;
	v61 =	vld [tilespmem:s3+$0x8F00];
	v9 =	vadd.s32 v11, v9  }
0x2ee: {  	v62 =	vld [tilespmem:s1+$0x8000];
	v9 =	vadd.s32 v12, v9  }
0x2ef: {  	v10 =	vld [tilespmem:s1+$0x8100];
	v9 =	vadd.s32 v13, v9  }
0x2f0: {  	v11 =	vld [tilespmem:s1+$0x8200];
	v9 =	vadd.s32 v14, v9  }
0x2f1: {  	v12 =	vld [tilespmem:s1+$0x8300];
	v9 =	vadd.s32 v15, v9  }
0x2f2: {  	v13 =	vld [tilespmem:s1+$0x8400];
	v16 =	vadd.s32 v61, v9  }
0x2f3: {  	v14 =	vld [tilespmem:s1+$0x8500];
	(xrf0) =	vadd.scan.msk.s32 $0xffff, v16  }
0x2f4: {  	v15 =	vld [tilespmem:s1+$0x8600];
	v9 =	vadd.s32 v62, v10  }
0x2f5: {  	v10 =	vld [tilespmem:s1+$0x8700];
	v9 =	vadd.s32 v11, v9  }
0x2f6: {  	v11 =	vld [tilespmem:s1+$0x8800];
	v9 =	vadd.s32 v12, v9  }
0x2f7: {  	v12 =	vld [tilespmem:s1+$0x8900];
	v9 =	vadd.s32 v13, v9  }
0x2f8: {  	v13 =	vld [tilespmem:s1+$0x8A00];
	v9 =	vadd.s32 v14, v9  }
0x2f9: {  	v14 =	vld [tilespmem:s1+$0x8B00];
	v15 =	vadd.s32 v15, v9;
	v63, _, _ =	vpop (xrf0)  }
0x2fa: {  	s0 =	simm.s32 $0x0;
	v9 =	vld [tilespmem:s1+$0x8C00];
	v15 =	vadd.s32 v10, v15;
	(v2sf) =	vpush v63, $0xF  }
0x2fb: {  	v16 =	vsub.s32 s0, v16;
	v10 =	vld [tilespmem:s1+$0x8D00];
	v15 =	vadd.s32 v11, v15  }
0x2fc: {  	v11 =	vld [tilespmem:s1+$0x8E00];
	v15 =	vadd.s32 v12, v15;
	v16 =	vadd.s32 v63, v16  }
0x2fd: {  	s2 =	simm.s32 $0x20;
	v12 =	vld [tilespmem:s1+$0x8F00];
	v15 =	vadd.s32 v13, v15;
	[tilespmem:s3+$0x9000] =	vst v16  }
0x2fe: {  	s3 =	simm.s32 $0xC0;
	v13 =	vld [tilespmem:s2+$0x8000];
	v14 =	vadd.s32 v14, v15  }
.LBB2_31:
0x2ff: {  	p3 =	seq.s32 s3, $0x3C0;
	v15 =	vld [tilespmem:s2+$0x8100];
	v9 =	vadd.s32 v9, v14  }
0x300: {  	v14 =	vld [tilespmem:s2+$0x8200];
	v9 =	vadd.s32 v10, v9  }
0x301: {  	v10 =	vld [tilespmem:s2+$0x8300];
	v9 =	vadd.s32 v11, v9  }
0x302: {  	v11 =	vld [tilespmem:s2+$0x8400];
	v12 =	vadd.s32 v12, v9  }
0x303: {  	v9 =	vld [tilespmem:s2+$0x8500];
	(xrf0) =	vadd.scan.msk.s32 $0xffff, v12  }
0x304: {  	v13 =	vadd.s32 v13, v15;
	v15 =	vld [tilespmem:s2+$0x8600]  }
0x305: {  	v13 =	vadd.s32 v14, v13;
	v14 =	vld [tilespmem:s2+$0x8700]  }
0x306: {  	v10 =	vadd.s32 v10, v13;
	v13 =	vld [tilespmem:s2+$0x8800]  }
0x307: {  	v10 =	vadd.s32 v11, v10;
	v11 =	vld [tilespmem:s2+$0x8900]  }
0x308: {  	v9 =	vadd.s32 v9, v10;
	v16 =	vld [tilespmem:s2+$0x8A00]  }
0x309: {  	v9 =	vadd.s32 v15, v9;
	v15 =	vld [tilespmem:s2+$0x8B00];
	v17, _, _ =	vpop (xrf0);
	s4 =	spop (v2sf)  }
.Ltmp18:
0x30a: {  	v10 =	vadd.s32 v14, v9;
	v9 =	vld [tilespmem:s2+$0x8C00];
	(v2sf) =	vpush v17, $0xF;
	s0 =	sadd.s32 s0, s4;
	(pc) =	sbr.rel @!p3 .LBB2_31-.Ltmp18, $4  }
0x30b: {  	v13 =	vadd.s32 v13, v10;
	v10 =	vld [tilespmem:s2+$0x8D00];
	v12 =	vsub.s32 s0, v12  }
0x30c: {  	v13 =	vadd.s32 v11, v13;
	v11 =	vld [tilespmem:s2+$0x8E00];
	v14 =	vadd.s32 v17, v12  }
0x30d: {  	v16 =	vadd.s32 v16, v13;
	v12 =	vld [tilespmem:s2+$0x8F00];
	[tilespmem:s1+$0x9000] =	vst v14;
	s1 =	smov.u32 s2;
	s2 =	sshra.s32 s3, $0x2  }
0x30e: {  	s3 =	sadd.s32 $0x40, s3;
	v13 =	vld [tilespmem:s2+$0x8000];
	v14 =	vadd.s32 v15, v16  }
0x30f: {  	v15 =	vld [tilespmem:s2+$0x8100]  }
0x310: {  	v16 =	vld [tilespmem:s2+$0x8200]  }
0x311: {  	v17 =	vld [tilespmem:s2+$0x8300]  }
0x312: {  	v18 =	vld [tilespmem:s2+$0x8400]  }
0x313: {  	v19 =	vld [tilespmem:s2+$0x8500]  }
0x314: {  	v54 =	vld [tilespmem:s2+$0x8600];
	v13 =	vadd.s32 v13, v15  }
0x315: {  	v55 =	vld [tilespmem:s2+$0x8700];
	v13 =	vadd.s32 v16, v13  }
0x316: {  	v56 =	vld [tilespmem:s2+$0x8800];
	v13 =	vadd.s32 v17, v13  }
0x317: {  	v57 =	vld [tilespmem:s2+$0x8900];
	v13 =	vadd.s32 v18, v13  }
0x318: {  	v58 =	vld [tilespmem:s2+$0x8A00];
	v13 =	vadd.s32 v19, v13  }
0x319: {  	v59 =	vld [tilespmem:s2+$0x8B00];
	v13 =	vadd.s32 v54, v13  }
0x31a: {  	v60 =	vld [tilespmem:s2+$0x8C00];
	v13 =	vadd.s32 v55, v13  }
0x31b: {  	v9 =	vadd.s32 v9, v14;
	v61 =	vld [tilespmem:s2+$0x8D00];
	v13 =	vadd.s32 v56, v13  }
0x31c: {  	v62 =	vld [tilespmem:s2+$0x8E00];
	v9 =	vadd.s32 v10, v9;
	v10 =	vadd.s32 v57, v13  }
0x31d: {  	v9 =	vadd.s32 v11, v9;
	v11 =	vld [tilespmem:s2+$0x8F00];
	v10 =	vadd.s32 v58, v10  }
0x31e: {  	v9 =	vadd.s32 v12, v9;
	v10 =	vadd.s32 v59, v10  }
0x31f: {  	(xrf0) =	vadd.scan.msk.s32 $0xffff, v9;
	v10 =	vadd.s32 v60, v10  }
0x320: {  	v10 =	vadd.s32 v61, v10  }
0x321: {  	v10 =	vadd.s32 v62, v10  }
0x322: {  	v10 =	vadd.s32 v11, v10  }
0x323: {  	(xrf0) =	vadd.scan.msk.s32 $0xffff, v10;
	_ =	sdelay $0x1  }
0x324: {  	v11, _, _ =	vpop (xrf0)  }
0x325: {  	(v2sf) =	vpush v11, $0xF;
	_ =	sdelay $0x2  }
0x326: {  	v63, _, _ =	vpop (xrf0)  }
0x327: {  	(v2sf) =	vpush v63, $0xF;
	_ =	sdelay $0x9  }
0x328: {  	s3 =	spop (v2sf)  }
.Ltmp19:
0x329: {  	s0 =	sadd.s32 s0, s3;
	s15 =	spop (v2sf);
	(pc) =	sbr.rel @!p2 .LBB2_36-.Ltmp19, $4  }
0x32a: {  	v9 =	vsub.s32 s0, v9;
	s0 =	sadd.s32 s0, s15  }
0x32b: {  	v9 =	vadd.s32 v11, v9;
	v10 =	vsub.s32 s0, v10  }
0x32c: {  	[tilespmem:s1+$0x9000] =	vst v9;
	v9 =	vadd.s32 v63, v10  }
0x32d: {  	[tilespmem:s2+$0x9000] =	vst v9;
	s29 =	spop (v2sf)  }
0x32e: {  	p3 =	seq.s32 s28, $0x1  }
.Ltmp20:
0x32f: {  	_ = 	snop;
	(pc) =	sbr.rel @p3 .LBB2_35-.Ltmp20, $4  }
0x330: {  	_ = 	snop  }
0x331: {  	s0 =	simm.s32 $0x9300  }
0x332: {  	s1 =	simm.s32 $0xAB00;
	v10 =	vld [tilespmem:s0+$0x0]  }
0x333: {  	s2 =	sadd.s32 $0xFFFFFFFF, s28;
	v9 =	vld [tilespmem:s1+$0x0]  }
.LBB2_34:
0x334: {  	p3 =	seq.s32 s2, $0x1;
	_ =	sdelay $0x2  }
0x335: {  	v11 =	vshll.u32 v10, $0x4  }
0x336: {  	v11 =	vand.u32 $0xFF0, v11  }
0x337: {  	v11 =	vor.u32 v6, v11  }
0x338: {  	(xrf1) =	vsort.ascd.msk.u32 $0xffff, v11, v1;
	_ =	sdelay $0xd  }
0x339: {  	v11, v12, _ =	vpop (xrf1)  }
0x33a: {  	v11 =	vshra.s32 v11, $0x4  }
0x33b: {  	v11 =	vxor.u32 $0xF8000000, v11  }
0x33c: {  	[tilespmem:$0x12300] =	vst v11  }
0x33d: {  	v13 =	vld.idx.msk [tilespmem:v7+s22+$0x0], $0xffff;
	_ =	sdelay $0x3  }
0x33e: {  	v14 =	vld.idx.msk [tilespmem:v8+s22+$0x0], $0xffff;
	_ =	sdelay $0x1  }
0x33f: {  	vm1 =	veq.s32 v11, v13  }
0x340: {  	v13 =	vsel vm1, $0x80000000, v6  }
0x341: {  	(xrf0) =	vmax.scan.msk.u32 $0xffff, v13;
	_ =	sdelay $0x1  }
0x342: {  	vm1 =	vne.s32 v11, v14  }
0x343: {  	vm1 =	vmor vm1, vm0;
	_ =	sdelay $0x1  }
0x344: {  	v13 =	vld.idx.msk [tilespmem:v11+s14+$0x0], $0xffff  }
0x345: {  	v14, _, _ =	vpop (xrf0)  }
0x346: {  	v15 =	vadd.s32 $0x1, v1;
	v14 =	vxor.u32 $0x80000000, v14  }
0x347: {  	v15 =	vsub.s32 v15, v14  }
0x348: {  	[tilespmem:v11+s14+$0x0] =	vst.idx.add.s32.msk vm1, v15  }
0x349: {  	[tilespmem:$0x12310] =	vst v10  }
0x34a: {  	v10 =	vsub.s32 v13, v14;
	v11 =	vld.idx.msk [tilespmem:v12+s21+$0x0], $0xffff;
	[tilespmem:$0x12320] =	vst v9  }
0x34b: {  	v9 =	vadd.s32 v1, v10;
	v10 =	vld.idx.msk [tilespmem:v12+s23+$0x0], $0xffff;
	_ =	sdelay $0x3  }
.Ltmp21:
0x34c: {  	(pc) =	sbr.rel @!p3 .LBB2_34-.Ltmp21, $4  }
0x34d: {  	[tilespmem:v9+s24+$0x0] =	vst.idx.msk $0xffff, v11  }
0x34e: {  	s0 =	sadd.s32 $0x10, s0;
	[tilespmem:v9+s25+$0x0] =	vst.idx.msk $0xffff, v10  }
0x34f: {  	s1 =	sadd.s32 $0x10, s1;
	v10 =	vld [tilespmem:s0+$0x0]  }
0x350: {  	s2 =	sadd.s32 $0xFFFFFFFF, s2;
	v9 =	vld [tilespmem:s1+$0x0]  }
.LBB2_35:
0x351: {  	_ =	sdelay $0x2  }
0x352: {  	v11 =	vshll.u32 v10, $0x4  }
0x353: {  	v11 =	vand.u32 $0xFF0, v11  }
0x354: {  	v11 =	vor.u32 v6, v11  }
0x355: {  	(xrf1) =	vsort.ascd.msk.u32 $0xffff, v11, v1;
	_ =	sdelay $0xd  }
0x356: {  	v11, v12, _ =	vpop (xrf1)  }
0x357: {  	v11 =	vshra.s32 v11, $0x4  }
0x358: {  	v11 =	vxor.u32 $0xF8000000, v11  }
0x359: {  	[tilespmem:$0x12300] =	vst v11  }
0x35a: {  	v13 =	vld.idx.msk [tilespmem:v7+s22+$0x0], $0xffff;
	_ =	sdelay $0x3  }
0x35b: {  	v14 =	vld.idx.msk [tilespmem:v8+s22+$0x0], $0xffff  }
0x35c: {  	vm1 =	veq.s32 v11, v13  }
0x35d: {  	v13 =	vsel vm1, $0x80000000, v6  }
0x35e: {  	(xrf0) =	vmax.scan.msk.u32 $0xffff, v13;
	_ =	sdelay $0x1  }
0x35f: {  	vm1 =	vne.s32 v11, v14  }
0x360: {  	vm1 =	vmor vm1, vm0;
	_ =	sdelay $0x1  }
0x361: {  	v62 =	vld.idx.msk [tilespmem:v11+s14+$0x0], $0xffff  }
0x362: {  	v63, _, _ =	vpop (xrf0)  }
0x363: {  	v15 =	vadd.s32 $0x1, v1;
	v14 =	vxor.u32 $0x80000000, v63  }
0x364: {  	v15 =	vsub.s32 v15, v14  }
0x365: {  	[tilespmem:v11+s14+$0x0] =	vst.idx.add.s32.msk vm1, v15  }
0x366: {  	[tilespmem:$0x12310] =	vst v10;
	v10 =	vsub.s32 v62, v14  }
0x367: {  	v11 =	vld.idx.msk [tilespmem:v12+s21+$0x0], $0xffff;
	[tilespmem:$0x12320] =	vst v9;
	v9 =	vadd.s32 v1, v10  }
0x368: {  	v10 =	vld.idx.msk [tilespmem:v12+s23+$0x0], $0xffff;
	_ =	sdelay $0x3  }
0x369: {  	[tilespmem:v9+s24+$0x0] =	vst.idx.msk $0xffff, v11  }
0x36a: {  	[tilespmem:v9+s25+$0x0] =	vst.idx.msk $0xffff, v10  }
.LBB2_36:
0x36b: {  	s0 =	simm.s32 $0x40;
	s1 =	simm.s32 $0x0  }
.LBB2_37:
0x36c: {  	p3 =	seq.s32 s0, $0x3FC0;
	[tilespmem:s1+$0x8000] =	vst v0;
	s1 =	smov.u32 s0;
	s0 =	sadd.s32 $0x40, s0  }
.Ltmp22:
0x36d: {  	(pc) =	sbr.rel @!p3 .LBB2_37-.Ltmp22, $2  }
0x36e: {  	_ =	sdelay $0x2  }
0x36f: {  	s1 =	sshra.s32 s1, $0x2  }
.Ltmp23:
0x370: {  	(pc) =	sbr.rel @!p2 .LBB2_39-.Ltmp23, $2  }
0x371: {  	_ =	sdelay $0x2  }
0x372: {  	[tilespmem:s1+$0x8000] =	vst v0;
	s0 =	simm.s32 $0xC300  }
0x373: {  	p3 =	seq.s32 s28, $0x1  }
.Ltmp24:
0x374: {  	_ = 	snop;
	(pc) =	sbr.rel @p3 .LBB2_73-.Ltmp24, $2  }
0x375: {  	_ =	sdelay $0x2  }
0x376: {  	v9 =	vld [tilespmem:s0+$0x0];
	s1 =	sadd.s32 $0xFFFFFFFF, s28  }
.LBB2_72:
0x377: {  	p3 =	seq.s32 s1, $0x1;
	_ =	sdelay $0x3  }
0x378: {  	v9 =	vshrl.u32 v9, $0x8  }
0x379: {  	v9 =	vand.u32 $0xFF, v9  }
0x37a: {  	v9 =	vor.u32 v2, v9;
	_ =	sdelay $0x1  }
.Ltmp25:
0x37b: {  	(pc) =	sbr.rel @!p3 .LBB2_72-.Ltmp25, $3  }
0x37c: {  	_ =	sdelay $0x1  }
0x37d: {  	s0 =	sadd.s32 $0x10, s0;
	[tilespmem:v9+s13+$0x0] =	vst.idx.add.s32.msk $0xffff, v3  }
0x37e: {  	s1 =	sadd.s32 $0xFFFFFFFF, s1;
	v9 =	vld [tilespmem:s0+$0x0]  }
.LBB2_73:
0x37f: {  	_ =	sdelay $0x3  }
0x380: {  	v9 =	vshrl.u32 v9, $0x8  }
0x381: {  	v9 =	vand.u32 $0xFF, v9  }
0x382: {  	v9 =	vor.u32 v2, v9;
	_ =	sdelay $0x4  }
0x383: {  	[tilespmem:v9+s13+$0x0] =	vst.idx.add.s32.msk $0xffff, v3  }
.LBB2_39:
0x384: {  	s3 =	simm.s32 $0x0  }
0x385: {  	v9 =	vld [tilespmem:s3+$0x8000]  }
0x386: {  	v10 =	vld [tilespmem:s3+$0x8100]  }
0x387: {  	v11 =	vld [tilespmem:s3+$0x8200]  }
0x388: {  	v12 =	vld [tilespmem:s3+$0x8300]  }
0x389: {  	v13 =	vld [tilespmem:s3+$0x8400]  }
0x38a: {  	v14 =	vld [tilespmem:s3+$0x8500]  }
0x38b: {  	v15 =	vld [tilespmem:s3+$0x8600];
	v9 =	vadd.s32 v9, v10  }
0x38c: {  	v16 =	vld [tilespmem:s3+$0x8700];
	v9 =	vadd.s32 v11, v9  }
0x38d: {  	v17 =	vld [tilespmem:s3+$0x8800];
	v9 =	vadd.s32 v12, v9  }
0x38e: {  	v10 =	vld [tilespmem:s3+$0x8900];
	v9 =	vadd.s32 v13, v9  }
0x38f: {  	v11 =	vld [tilespmem:s3+$0x8A00];
	v9 =	vadd.s32 v14, v9  }
0x390: {  	v12 =	vld [tilespmem:s3+$0x8B00];
	v9 =	vadd.s32 v15, v9  }
0x391: {  	v13 =	vld [tilespmem:s3+$0x8C00];
	v9 =	vadd.s32 v16, v9  }
0x392: {  	v14 =	vld [tilespmem:s3+$0x8D00];
	v9 =	vadd.s32 v17, v9  }
0x393: {  	v15 =	vld [tilespmem:s3+$0x8E00];
	v9 =	vadd.s32 v10, v9  }
0x394: {  	s1 =	simm.s32 $0x10;
	v61 =	vld [tilespmem:s3+$0x8F00];
	v9 =	vadd.s32 v11, v9  }
0x395: {  	v62 =	vld [tilespmem:s1+$0x8000];
	v9 =	vadd.s32 v12, v9  }
0x396: {  	v10 =	vld [tilespmem:s1+$0x8100];
	v9 =	vadd.s32 v13, v9  }
0x397: {  	v11 =	vld [tilespmem:s1+$0x8200];
	v9 =	vadd.s32 v14, v9  }
0x398: {  	v12 =	vld [tilespmem:s1+$0x8300];
	v9 =	vadd.s32 v15, v9  }
0x399: {  	v13 =	vld [tilespmem:s1+$0x8400];
	v16 =	vadd.s32 v61, v9  }
0x39a: {  	v14 =	vld [tilespmem:s1+$0x8500];
	(xrf0) =	vadd.scan.msk.s32 $0xffff, v16  }
0x39b: {  	v15 =	vld [tilespmem:s1+$0x8600];
	v9 =	vadd.s32 v62, v10  }
0x39c: {  	v10 =	vld [tilespmem:s1+$0x8700];
	v9 =	vadd.s32 v11, v9  }
0x39d: {  	v11 =	vld [tilespmem:s1+$0x8800];
	v9 =	vadd.s32 v12, v9  }
0x39e: {  	v12 =	vld [tilespmem:s1+$0x8900];
	v9 =	vadd.s32 v13, v9  }
0x39f: {  	v13 =	vld [tilespmem:s1+$0x8A00];
	v9 =	vadd.s32 v14, v9  }
0x3a0: {  	v14 =	vld [tilespmem:s1+$0x8B00];
	v15 =	vadd.s32 v15, v9;
	v63, _, _ =	vpop (xrf0)  }
0x3a1: {  	s0 =	simm.s32 $0x0;
	v9 =	vld [tilespmem:s1+$0x8C00];
	v15 =	vadd.s32 v10, v15;
	(v2sf) =	vpush v63, $0xF  }
0x3a2: {  	v16 =	vsub.s32 s0, v16;
	v10 =	vld [tilespmem:s1+$0x8D00];
	v15 =	vadd.s32 v11, v15  }
0x3a3: {  	v11 =	vld [tilespmem:s1+$0x8E00];
	v15 =	vadd.s32 v12, v15;
	v16 =	vadd.s32 v63, v16  }
0x3a4: {  	s2 =	simm.s32 $0x20;
	v12 =	vld [tilespmem:s1+$0x8F00];
	v15 =	vadd.s32 v13, v15;
	[tilespmem:s3+$0x9000] =	vst v16  }
0x3a5: {  	s3 =	simm.s32 $0xC0;
	v13 =	vld [tilespmem:s2+$0x8000];
	v14 =	vadd.s32 v14, v15  }
.LBB2_40:
0x3a6: {  	p3 =	seq.s32 s3, $0x3C0;
	v15 =	vld [tilespmem:s2+$0x8100];
	v9 =	vadd.s32 v9, v14  }
0x3a7: {  	v14 =	vld [tilespmem:s2+$0x8200];
	v9 =	vadd.s32 v10, v9  }
0x3a8: {  	v10 =	vld [tilespmem:s2+$0x8300];
	v9 =	vadd.s32 v11, v9  }
0x3a9: {  	v11 =	vld [tilespmem:s2+$0x8400];
	v12 =	vadd.s32 v12, v9  }
0x3aa: {  	v9 =	vld [tilespmem:s2+$0x8500];
	(xrf0) =	vadd.scan.msk.s32 $0xffff, v12  }
0x3ab: {  	v13 =	vadd.s32 v13, v15;
	v15 =	vld [tilespmem:s2+$0x8600]  }
0x3ac: {  	v13 =	vadd.s32 v14, v13;
	v14 =	vld [tilespmem:s2+$0x8700]  }
0x3ad: {  	v10 =	vadd.s32 v10, v13;
	v13 =	vld [tilespmem:s2+$0x8800]  }
0x3ae: {  	v10 =	vadd.s32 v11, v10;
	v11 =	vld [tilespmem:s2+$0x8900]  }
0x3af: {  	v9 =	vadd.s32 v9, v10;
	v16 =	vld [tilespmem:s2+$0x8A00]  }
0x3b0: {  	v9 =	vadd.s32 v15, v9;
	v15 =	vld [tilespmem:s2+$0x8B00];
	v17, _, _ =	vpop (xrf0);
	s4 =	spop (v2sf)  }
.Ltmp26:
0x3b1: {  	v10 =	vadd.s32 v14, v9;
	v9 =	vld [tilespmem:s2+$0x8C00];
	(v2sf) =	vpush v17, $0xF;
	s0 =	sadd.s32 s0, s4;
	(pc) =	sbr.rel @!p3 .LBB2_40-.Ltmp26, $4  }
0x3b2: {  	v13 =	vadd.s32 v13, v10;
	v10 =	vld [tilespmem:s2+$0x8D00];
	v12 =	vsub.s32 s0, v12  }
0x3b3: {  	v13 =	vadd.s32 v11, v13;
	v11 =	vld [tilespmem:s2+$0x8E00];
	v14 =	vadd.s32 v17, v12  }
0x3b4: {  	v16 =	vadd.s32 v16, v13;
	v12 =	vld [tilespmem:s2+$0x8F00];
	[tilespmem:s1+$0x9000] =	vst v14;
	s1 =	smov.u32 s2;
	s2 =	sshra.s32 s3, $0x2  }
0x3b5: {  	s3 =	sadd.s32 $0x40, s3;
	v13 =	vld [tilespmem:s2+$0x8000];
	v14 =	vadd.s32 v15, v16  }
0x3b6: {  	v15 =	vld [tilespmem:s2+$0x8100]  }
0x3b7: {  	v16 =	vld [tilespmem:s2+$0x8200]  }
0x3b8: {  	v17 =	vld [tilespmem:s2+$0x8300]  }
0x3b9: {  	v18 =	vld [tilespmem:s2+$0x8400]  }
0x3ba: {  	v19 =	vld [tilespmem:s2+$0x8500]  }
0x3bb: {  	v54 =	vld [tilespmem:s2+$0x8600];
	v13 =	vadd.s32 v13, v15  }
0x3bc: {  	v55 =	vld [tilespmem:s2+$0x8700];
	v13 =	vadd.s32 v16, v13  }
0x3bd: {  	v56 =	vld [tilespmem:s2+$0x8800];
	v13 =	vadd.s32 v17, v13  }
0x3be: {  	v57 =	vld [tilespmem:s2+$0x8900];
	v13 =	vadd.s32 v18, v13  }
0x3bf: {  	v58 =	vld [tilespmem:s2+$0x8A00];
	v13 =	vadd.s32 v19, v13  }
0x3c0: {  	v59 =	vld [tilespmem:s2+$0x8B00];
	v13 =	vadd.s32 v54, v13  }
0x3c1: {  	v60 =	vld [tilespmem:s2+$0x8C00];
	v13 =	vadd.s32 v55, v13  }
0x3c2: {  	v9 =	vadd.s32 v9, v14;
	v61 =	vld [tilespmem:s2+$0x8D00];
	v13 =	vadd.s32 v56, v13  }
0x3c3: {  	v62 =	vld [tilespmem:s2+$0x8E00];
	v9 =	vadd.s32 v10, v9;
	v10 =	vadd.s32 v57, v13  }
0x3c4: {  	v9 =	vadd.s32 v11, v9;
	v11 =	vld [tilespmem:s2+$0x8F00];
	v10 =	vadd.s32 v58, v10  }
0x3c5: {  	v9 =	vadd.s32 v12, v9;
	v10 =	vadd.s32 v59, v10  }
0x3c6: {  	(xrf0) =	vadd.scan.msk.s32 $0xffff, v9;
	v10 =	vadd.s32 v60, v10  }
0x3c7: {  	v10 =	vadd.s32 v61, v10  }
0x3c8: {  	v10 =	vadd.s32 v62, v10  }
0x3c9: {  	v10 =	vadd.s32 v11, v10  }
0x3ca: {  	(xrf0) =	vadd.scan.msk.s32 $0xffff, v10;
	_ =	sdelay $0x1  }
0x3cb: {  	v11, _, _ =	vpop (xrf0)  }
0x3cc: {  	(v2sf) =	vpush v11, $0xF;
	_ =	sdelay $0x2  }
0x3cd: {  	v63, _, _ =	vpop (xrf0)  }
0x3ce: {  	(v2sf) =	vpush v63, $0xF;
	_ =	sdelay $0x9  }
0x3cf: {  	s3 =	spop (v2sf)  }
.Ltmp27:
0x3d0: {  	s0 =	sadd.s32 s0, s3;
	s15 =	spop (v2sf);
	(pc) =	sbr.rel @!p2 .LBB2_45-.Ltmp27, $4  }
0x3d1: {  	v9 =	vsub.s32 s0, v9;
	s0 =	sadd.s32 s0, s15  }
0x3d2: {  	v9 =	vadd.s32 v11, v9;
	v10 =	vsub.s32 s0, v10  }
0x3d3: {  	[tilespmem:s1+$0x9000] =	vst v9;
	v9 =	vadd.s32 v63, v10  }
0x3d4: {  	[tilespmem:s2+$0x9000] =	vst v9;
	s29 =	spop (v2sf)  }
0x3d5: {  	p3 =	seq.s32 s28, $0x1  }
.Ltmp28:
0x3d6: {  	_ = 	snop;
	(pc) =	sbr.rel @p3 .LBB2_44-.Ltmp28, $4  }
0x3d7: {  	_ = 	snop  }
0x3d8: {  	s0 =	simm.s32 $0xC300  }
0x3d9: {  	s1 =	simm.s32 $0xDB00;
	v10 =	vld [tilespmem:s0+$0x0]  }
0x3da: {  	s2 =	sadd.s32 $0xFFFFFFFF, s28;
	v9 =	vld [tilespmem:s1+$0x0]  }
.LBB2_43:
0x3db: {  	p3 =	seq.s32 s2, $0x1;
	_ =	sdelay $0x2  }
0x3dc: {  	v11 =	vshrl.u32 v10, $0x4  }
0x3dd: {  	v11 =	vand.u32 $0xFF0, v11  }
0x3de: {  	v11 =	vor.u32 v6, v11  }
0x3df: {  	(xrf1) =	vsort.ascd.msk.u32 $0xffff, v11, v1;
	_ =	sdelay $0xd  }
0x3e0: {  	v11, v12, _ =	vpop (xrf1)  }
0x3e1: {  	v11 =	vshra.s32 v11, $0x4  }
0x3e2: {  	v11 =	vxor.u32 $0xF8000000, v11  }
0x3e3: {  	[tilespmem:$0x12300] =	vst v11  }
0x3e4: {  	v13 =	vld.idx.msk [tilespmem:v7+s22+$0x0], $0xffff;
	_ =	sdelay $0x3  }
0x3e5: {  	v14 =	vld.idx.msk [tilespmem:v8+s22+$0x0], $0xffff;
	_ =	sdelay $0x1  }
0x3e6: {  	vm1 =	veq.s32 v11, v13  }
0x3e7: {  	v13 =	vsel vm1, $0x80000000, v6  }
0x3e8: {  	(xrf0) =	vmax.scan.msk.u32 $0xffff, v13;
	_ =	sdelay $0x1  }
0x3e9: {  	vm1 =	vne.s32 v11, v14  }
0x3ea: {  	vm1 =	vmor vm1, vm0;
	_ =	sdelay $0x1  }
0x3eb: {  	v13 =	vld.idx.msk [tilespmem:v11+s14+$0x0], $0xffff  }
0x3ec: {  	v14, _, _ =	vpop (xrf0)  }
0x3ed: {  	v15 =	vadd.s32 $0x1, v1;
	v14 =	vxor.u32 $0x80000000, v14  }
0x3ee: {  	v15 =	vsub.s32 v15, v14  }
0x3ef: {  	[tilespmem:v11+s14+$0x0] =	vst.idx.add.s32.msk vm1, v15  }
0x3f0: {  	[tilespmem:$0x12310] =	vst v10  }
0x3f1: {  	v10 =	vsub.s32 v13, v14;
	v11 =	vld.idx.msk [tilespmem:v12+s21+$0x0], $0xffff;
	[tilespmem:$0x12320] =	vst v9  }
0x3f2: {  	v9 =	vadd.s32 v1, v10;
	v10 =	vld.idx.msk [tilespmem:v12+s23+$0x0], $0xffff;
	_ =	sdelay $0x3  }
.Ltmp29:
0x3f3: {  	(pc) =	sbr.rel @!p3 .LBB2_43-.Ltmp29, $4  }
0x3f4: {  	[tilespmem:v9+s17+$0x0] =	vst.idx.msk $0xffff, v11  }
0x3f5: {  	s0 =	sadd.s32 $0x10, s0;
	[tilespmem:v9+s18+$0x0] =	vst.idx.msk $0xffff, v10  }
0x3f6: {  	s1 =	sadd.s32 $0x10, s1;
	v10 =	vld [tilespmem:s0+$0x0]  }
0x3f7: {  	s2 =	sadd.s32 $0xFFFFFFFF, s2;
	v9 =	vld [tilespmem:s1+$0x0]  }
.LBB2_44:
0x3f8: {  	_ =	sdelay $0x2  }
0x3f9: {  	v11 =	vshrl.u32 v10, $0x4  }
0x3fa: {  	v11 =	vand.u32 $0xFF0, v11  }
0x3fb: {  	v11 =	vor.u32 v6, v11  }
0x3fc: {  	(xrf1) =	vsort.ascd.msk.u32 $0xffff, v11, v1;
	_ =	sdelay $0xd  }
0x3fd: {  	v11, v12, _ =	vpop (xrf1)  }
0x3fe: {  	v11 =	vshra.s32 v11, $0x4  }
0x3ff: {  	v11 =	vxor.u32 $0xF8000000, v11  }
0x400: {  	[tilespmem:$0x12300] =	vst v11  }
0x401: {  	v13 =	vld.idx.msk [tilespmem:v7+s22+$0x0], $0xffff;
	_ =	sdelay $0x3  }
0x402: {  	v14 =	vld.idx.msk [tilespmem:v8+s22+$0x0], $0xffff  }
0x403: {  	vm1 =	veq.s32 v11, v13  }
0x404: {  	v13 =	vsel vm1, $0x80000000, v6  }
0x405: {  	(xrf0) =	vmax.scan.msk.u32 $0xffff, v13;
	_ =	sdelay $0x1  }
0x406: {  	vm1 =	vne.s32 v11, v14  }
0x407: {  	vm1 =	vmor vm1, vm0;
	_ =	sdelay $0x1  }
0x408: {  	v62 =	vld.idx.msk [tilespmem:v11+s14+$0x0], $0xffff  }
0x409: {  	v63, _, _ =	vpop (xrf0)  }
0x40a: {  	v15 =	vadd.s32 $0x1, v1;
	v14 =	vxor.u32 $0x80000000, v63  }
0x40b: {  	v15 =	vsub.s32 v15, v14  }
0x40c: {  	[tilespmem:v11+s14+$0x0] =	vst.idx.add.s32.msk vm1, v15  }
0x40d: {  	[tilespmem:$0x12310] =	vst v10;
	v10 =	vsub.s32 v62, v14  }
0x40e: {  	v11 =	vld.idx.msk [tilespmem:v12+s21+$0x0], $0xffff;
	[tilespmem:$0x12320] =	vst v9;
	v9 =	vadd.s32 v1, v10  }
0x40f: {  	v10 =	vld.idx.msk [tilespmem:v12+s23+$0x0], $0xffff;
	_ =	sdelay $0x3  }
0x410: {  	[tilespmem:v9+s17+$0x0] =	vst.idx.msk $0xffff, v11  }
0x411: {  	[tilespmem:v9+s18+$0x0] =	vst.idx.msk $0xffff, v10  }
.LBB2_45:
0x412: {  	s0 =	simm.s32 $0x40;
	s1 =	simm.s32 $0x0  }
.LBB2_46:
0x413: {  	p3 =	seq.s32 s0, $0x3FC0;
	[tilespmem:s1+$0x8000] =	vst v0;
	s1 =	smov.u32 s0;
	s0 =	sadd.s32 $0x40, s0  }
.Ltmp30:
0x414: {  	(pc) =	sbr.rel @!p3 .LBB2_46-.Ltmp30, $2  }
0x415: {  	_ =	sdelay $0x2  }
0x416: {  	s1 =	sshra.s32 s1, $0x2  }
.Ltmp31:
0x417: {  	(pc) =	sbr.rel @!p2 .LBB2_48-.Ltmp31, $2  }
0x418: {  	_ =	sdelay $0x2  }
0x419: {  	[tilespmem:s1+$0x8000] =	vst v0;
	s0 =	simm.s32 $0x9300  }
0x41a: {  	p3 =	seq.s32 s28, $0x1  }
.Ltmp32:
0x41b: {  	_ = 	snop;
	(pc) =	sbr.rel @p3 .LBB2_76-.Ltmp32, $2  }
0x41c: {  	_ =	sdelay $0x2  }
0x41d: {  	v9 =	vld [tilespmem:s0+$0x0];
	s1 =	sadd.s32 $0xFFFFFFFF, s28  }
.LBB2_75:
0x41e: {  	p3 =	seq.s32 s1, $0x1;
	_ =	sdelay $0x3  }
0x41f: {  	v9 =	vshrl.u32 v9, $0x10  }
0x420: {  	v9 =	vand.u32 $0xFF, v9  }
0x421: {  	v9 =	vor.u32 v2, v9;
	_ =	sdelay $0x1  }
.Ltmp33:
0x422: {  	(pc) =	sbr.rel @!p3 .LBB2_75-.Ltmp33, $3  }
0x423: {  	_ =	sdelay $0x1  }
0x424: {  	s0 =	sadd.s32 $0x10, s0;
	[tilespmem:v9+s13+$0x0] =	vst.idx.add.s32.msk $0xffff, v3  }
0x425: {  	s1 =	sadd.s32 $0xFFFFFFFF, s1;
	v9 =	vld [tilespmem:s0+$0x0]  }
.LBB2_76:
0x426: {  	_ =	sdelay $0x3  }
0x427: {  	v9 =	vshrl.u32 v9, $0x10  }
0x428: {  	v9 =	vand.u32 $0xFF, v9  }
0x429: {  	v9 =	vor.u32 v2, v9;
	_ =	sdelay $0x4  }
0x42a: {  	[tilespmem:v9+s13+$0x0] =	vst.idx.add.s32.msk $0xffff, v3  }
.LBB2_48:
0x42b: {  	s3 =	simm.s32 $0x0  }
0x42c: {  	v9 =	vld [tilespmem:s3+$0x8000]  }
0x42d: {  	v10 =	vld [tilespmem:s3+$0x8100]  }
0x42e: {  	v11 =	vld [tilespmem:s3+$0x8200]  }
0x42f: {  	v12 =	vld [tilespmem:s3+$0x8300]  }
0x430: {  	v13 =	vld [tilespmem:s3+$0x8400]  }
0x431: {  	v14 =	vld [tilespmem:s3+$0x8500]  }
0x432: {  	v15 =	vld [tilespmem:s3+$0x8600];
	v9 =	vadd.s32 v9, v10  }
0x433: {  	v16 =	vld [tilespmem:s3+$0x8700];
	v9 =	vadd.s32 v11, v9  }
0x434: {  	v17 =	vld [tilespmem:s3+$0x8800];
	v9 =	vadd.s32 v12, v9  }
0x435: {  	v10 =	vld [tilespmem:s3+$0x8900];
	v9 =	vadd.s32 v13, v9  }
0x436: {  	v11 =	vld [tilespmem:s3+$0x8A00];
	v9 =	vadd.s32 v14, v9  }
0x437: {  	v12 =	vld [tilespmem:s3+$0x8B00];
	v9 =	vadd.s32 v15, v9  }
0x438: {  	v13 =	vld [tilespmem:s3+$0x8C00];
	v9 =	vadd.s32 v16, v9  }
0x439: {  	v14 =	vld [tilespmem:s3+$0x8D00];
	v9 =	vadd.s32 v17, v9  }
0x43a: {  	v15 =	vld [tilespmem:s3+$0x8E00];
	v9 =	vadd.s32 v10, v9  }
0x43b: {  	s1 =	simm.s32 $0x10;
	v61 =	vld [tilespmem:s3+$0x8F00];
	v9 =	vadd.s32 v11, v9  }
0x43c: {  	v62 =	vld [tilespmem:s1+$0x8000];
	v9 =	vadd.s32 v12, v9  }
0x43d: {  	v10 =	vld [tilespmem:s1+$0x8100];
	v9 =	vadd.s32 v13, v9  }
0x43e: {  	v11 =	vld [tilespmem:s1+$0x8200];
	v9 =	vadd.s32 v14, v9  }
0x43f: {  	v12 =	vld [tilespmem:s1+$0x8300];
	v9 =	vadd.s32 v15, v9  }
0x440: {  	v13 =	vld [tilespmem:s1+$0x8400];
	v16 =	vadd.s32 v61, v9  }
0x441: {  	v14 =	vld [tilespmem:s1+$0x8500];
	(xrf0) =	vadd.scan.msk.s32 $0xffff, v16  }
0x442: {  	v15 =	vld [tilespmem:s1+$0x8600];
	v9 =	vadd.s32 v62, v10  }
0x443: {  	v10 =	vld [tilespmem:s1+$0x8700];
	v9 =	vadd.s32 v11, v9  }
0x444: {  	v11 =	vld [tilespmem:s1+$0x8800];
	v9 =	vadd.s32 v12, v9  }
0x445: {  	v12 =	vld [tilespmem:s1+$0x8900];
	v9 =	vadd.s32 v13, v9  }
0x446: {  	v13 =	vld [tilespmem:s1+$0x8A00];
	v9 =	vadd.s32 v14, v9  }
0x447: {  	v14 =	vld [tilespmem:s1+$0x8B00];
	v15 =	vadd.s32 v15, v9;
	v63, _, _ =	vpop (xrf0)  }
0x448: {  	s0 =	simm.s32 $0x0;
	v9 =	vld [tilespmem:s1+$0x8C00];
	v15 =	vadd.s32 v10, v15;
	(v2sf) =	vpush v63, $0xF  }
0x449: {  	v16 =	vsub.s32 s0, v16;
	v10 =	vld [tilespmem:s1+$0x8D00];
	v15 =	vadd.s32 v11, v15  }
0x44a: {  	v11 =	vld [tilespmem:s1+$0x8E00];
	v15 =	vadd.s32 v12, v15;
	v16 =	vadd.s32 v63, v16  }
0x44b: {  	s2 =	simm.s32 $0x20;
	v12 =	vld [tilespmem:s1+$0x8F00];
	v15 =	vadd.s32 v13, v15;
	[tilespmem:s3+$0x9000] =	vst v16  }
0x44c: {  	s3 =	simm.s32 $0xC0;
	v13 =	vld [tilespmem:s2+$0x8000];
	v14 =	vadd.s32 v14, v15  }
.LBB2_49:
0x44d: {  	p3 =	seq.s32 s3, $0x3C0;
	v15 =	vld [tilespmem:s2+$0x8100];
	v9 =	vadd.s32 v9, v14  }
0x44e: {  	v14 =	vld [tilespmem:s2+$0x8200];
	v9 =	vadd.s32 v10, v9  }
0x44f: {  	v10 =	vld [tilespmem:s2+$0x8300];
	v9 =	vadd.s32 v11, v9  }
0x450: {  	v11 =	vld [tilespmem:s2+$0x8400];
	v12 =	vadd.s32 v12, v9  }
0x451: {  	v9 =	vld [tilespmem:s2+$0x8500];
	(xrf0) =	vadd.scan.msk.s32 $0xffff, v12  }
0x452: {  	v13 =	vadd.s32 v13, v15;
	v15 =	vld [tilespmem:s2+$0x8600]  }
0x453: {  	v13 =	vadd.s32 v14, v13;
	v14 =	vld [tilespmem:s2+$0x8700]  }
0x454: {  	v10 =	vadd.s32 v10, v13;
	v13 =	vld [tilespmem:s2+$0x8800]  }
0x455: {  	v10 =	vadd.s32 v11, v10;
	v11 =	vld [tilespmem:s2+$0x8900]  }
0x456: {  	v9 =	vadd.s32 v9, v10;
	v16 =	vld [tilespmem:s2+$0x8A00]  }
0x457: {  	v9 =	vadd.s32 v15, v9;
	v15 =	vld [tilespmem:s2+$0x8B00];
	v17, _, _ =	vpop (xrf0);
	s4 =	spop (v2sf)  }
.Ltmp34:
0x458: {  	v10 =	vadd.s32 v14, v9;
	v9 =	vld [tilespmem:s2+$0x8C00];
	(v2sf) =	vpush v17, $0xF;
	s0 =	sadd.s32 s0, s4;
	(pc) =	sbr.rel @!p3 .LBB2_49-.Ltmp34, $4  }
0x459: {  	v13 =	vadd.s32 v13, v10;
	v10 =	vld [tilespmem:s2+$0x8D00];
	v12 =	vsub.s32 s0, v12  }
0x45a: {  	v13 =	vadd.s32 v11, v13;
	v11 =	vld [tilespmem:s2+$0x8E00];
	v14 =	vadd.s32 v17, v12  }
0x45b: {  	v16 =	vadd.s32 v16, v13;
	v12 =	vld [tilespmem:s2+$0x8F00];
	[tilespmem:s1+$0x9000] =	vst v14;
	s1 =	smov.u32 s2;
	s2 =	sshra.s32 s3, $0x2  }
0x45c: {  	s3 =	sadd.s32 $0x40, s3;
	v13 =	vld [tilespmem:s2+$0x8000];
	v14 =	vadd.s32 v15, v16  }
0x45d: {  	v15 =	vld [tilespmem:s2+$0x8100]  }
0x45e: {  	v16 =	vld [tilespmem:s2+$0x8200]  }
0x45f: {  	v17 =	vld [tilespmem:s2+$0x8300]  }
0x460: {  	v18 =	vld [tilespmem:s2+$0x8400]  }
0x461: {  	v19 =	vld [tilespmem:s2+$0x8500]  }
0x462: {  	v54 =	vld [tilespmem:s2+$0x8600];
	v13 =	vadd.s32 v13, v15  }
0x463: {  	v55 =	vld [tilespmem:s2+$0x8700];
	v13 =	vadd.s32 v16, v13  }
0x464: {  	v56 =	vld [tilespmem:s2+$0x8800];
	v13 =	vadd.s32 v17, v13  }
0x465: {  	v57 =	vld [tilespmem:s2+$0x8900];
	v13 =	vadd.s32 v18, v13  }
0x466: {  	v58 =	vld [tilespmem:s2+$0x8A00];
	v13 =	vadd.s32 v19, v13  }
0x467: {  	v59 =	vld [tilespmem:s2+$0x8B00];
	v13 =	vadd.s32 v54, v13  }
0x468: {  	v60 =	vld [tilespmem:s2+$0x8C00];
	v13 =	vadd.s32 v55, v13  }
0x469: {  	v9 =	vadd.s32 v9, v14;
	v61 =	vld [tilespmem:s2+$0x8D00];
	v13 =	vadd.s32 v56, v13  }
0x46a: {  	v62 =	vld [tilespmem:s2+$0x8E00];
	v9 =	vadd.s32 v10, v9;
	v10 =	vadd.s32 v57, v13  }
0x46b: {  	v9 =	vadd.s32 v11, v9;
	v11 =	vld [tilespmem:s2+$0x8F00];
	v10 =	vadd.s32 v58, v10  }
0x46c: {  	v9 =	vadd.s32 v12, v9;
	v10 =	vadd.s32 v59, v10  }
0x46d: {  	(xrf0) =	vadd.scan.msk.s32 $0xffff, v9;
	v10 =	vadd.s32 v60, v10  }
0x46e: {  	v10 =	vadd.s32 v61, v10  }
0x46f: {  	v10 =	vadd.s32 v62, v10  }
0x470: {  	v10 =	vadd.s32 v11, v10  }
0x471: {  	(xrf0) =	vadd.scan.msk.s32 $0xffff, v10;
	_ =	sdelay $0x1  }
0x472: {  	v11, _, _ =	vpop (xrf0)  }
0x473: {  	(v2sf) =	vpush v11, $0xF;
	_ =	sdelay $0x2  }
0x474: {  	v63, _, _ =	vpop (xrf0)  }
0x475: {  	(v2sf) =	vpush v63, $0xF;
	_ =	sdelay $0x9  }
0x476: {  	s3 =	spop (v2sf)  }
.Ltmp35:
0x477: {  	s0 =	sadd.s32 s0, s3;
	s15 =	spop (v2sf);
	(pc) =	sbr.rel @!p2 .LBB2_54-.Ltmp35, $4  }
0x478: {  	v9 =	vsub.s32 s0, v9;
	s0 =	sadd.s32 s0, s15  }
0x479: {  	v9 =	vadd.s32 v11, v9;
	v10 =	vsub.s32 s0, v10  }
0x47a: {  	[tilespmem:s1+$0x9000] =	vst v9;
	v9 =	vadd.s32 v63, v10  }
0x47b: {  	[tilespmem:s2+$0x9000] =	vst v9;
	s29 =	spop (v2sf)  }
0x47c: {  	p3 =	sne.s32 s28, $0x1  }
.Ltmp36:
0x47d: {  	_ = 	snop;
	(pc) =	sbr.rel @!p3 .LBB2_53-.Ltmp36, $4  }
0x47e: {  	_ = 	snop  }
0x47f: {  	s0 =	simm.s32 $0x9300  }
0x480: {  	s1 =	simm.s32 $0xAB00;
	v10 =	vld [tilespmem:s0+$0x0]  }
0x481: {  	s2 =	sadd.s32 $0xFFFFFFFF, s28;
	v9 =	vld [tilespmem:s1+$0x0]  }
.LBB2_52:
0x482: {  	p3 =	sne.s32 s2, $0x1;
	_ =	sdelay $0x2  }
0x483: {  	v11 =	vshrl.u32 v10, $0xC  }
0x484: {  	v11 =	vand.u32 $0xFF0, v11  }
0x485: {  	v11 =	vor.u32 v6, v11  }
0x486: {  	(xrf1) =	vsort.ascd.msk.u32 $0xffff, v11, v1;
	_ =	sdelay $0xd  }
0x487: {  	v11, v12, _ =	vpop (xrf1)  }
0x488: {  	v11 =	vshra.s32 v11, $0x4  }
0x489: {  	v11 =	vxor.u32 $0xF8000000, v11  }
0x48a: {  	[tilespmem:$0x12300] =	vst v11  }
0x48b: {  	v13 =	vld.idx.msk [tilespmem:v7+s22+$0x0], $0xffff;
	_ =	sdelay $0x3  }
0x48c: {  	v14 =	vld.idx.msk [tilespmem:v8+s22+$0x0], $0xffff;
	_ =	sdelay $0x1  }
0x48d: {  	vm1 =	veq.s32 v11, v13  }
0x48e: {  	v13 =	vsel vm1, $0x80000000, v6  }
0x48f: {  	(xrf0) =	vmax.scan.msk.u32 $0xffff, v13;
	_ =	sdelay $0x1  }
0x490: {  	vm1 =	vne.s32 v11, v14  }
0x491: {  	vm1 =	vmor vm1, vm0;
	_ =	sdelay $0x1  }
0x492: {  	v13 =	vld.idx.msk [tilespmem:v11+s14+$0x0], $0xffff  }
0x493: {  	v14, _, _ =	vpop (xrf0)  }
0x494: {  	v15 =	vadd.s32 $0x1, v1;
	v14 =	vxor.u32 $0x80000000, v14  }
0x495: {  	v15 =	vsub.s32 v15, v14  }
0x496: {  	[tilespmem:v11+s14+$0x0] =	vst.idx.add.s32.msk vm1, v15  }
0x497: {  	[tilespmem:$0x12310] =	vst v10  }
0x498: {  	v10 =	vsub.s32 v13, v14;
	v11 =	vld.idx.msk [tilespmem:v12+s21+$0x0], $0xffff;
	[tilespmem:$0x12320] =	vst v9  }
0x499: {  	v9 =	vadd.s32 v1, v10;
	v10 =	vld.idx.msk [tilespmem:v12+s23+$0x0], $0xffff;
	_ =	sdelay $0x3  }
.Ltmp37:
0x49a: {  	(pc) =	sbr.rel @p3 .LBB2_52-.Ltmp37, $4  }
0x49b: {  	[tilespmem:v9+s24+$0x0] =	vst.idx.msk $0xffff, v11  }
0x49c: {  	s0 =	sadd.s32 $0x10, s0;
	[tilespmem:v9+s25+$0x0] =	vst.idx.msk $0xffff, v10  }
0x49d: {  	s1 =	sadd.s32 $0x10, s1;
	v10 =	vld [tilespmem:s0+$0x0]  }
0x49e: {  	s2 =	sadd.s32 $0xFFFFFFFF, s2;
	v9 =	vld [tilespmem:s1+$0x0]  }
.LBB2_53:
0x49f: {  	_ =	sdelay $0x2  }
0x4a0: {  	v11 =	vshrl.u32 v10, $0xC  }
0x4a1: {  	v11 =	vand.u32 $0xFF0, v11  }
0x4a2: {  	v11 =	vor.u32 v6, v11  }
0x4a3: {  	(xrf1) =	vsort.ascd.msk.u32 $0xffff, v11, v1;
	_ =	sdelay $0xd  }
0x4a4: {  	v11, v12, _ =	vpop (xrf1)  }
0x4a5: {  	v11 =	vshra.s32 v11, $0x4  }
0x4a6: {  	v11 =	vxor.u32 $0xF8000000, v11  }
0x4a7: {  	[tilespmem:$0x12300] =	vst v11  }
0x4a8: {  	v13 =	vld.idx.msk [tilespmem:v7+s22+$0x0], $0xffff;
	_ =	sdelay $0x3  }
0x4a9: {  	v14 =	vld.idx.msk [tilespmem:v8+s22+$0x0], $0xffff  }
0x4aa: {  	vm1 =	veq.s32 v11, v13  }
0x4ab: {  	v13 =	vsel vm1, $0x80000000, v6  }
0x4ac: {  	(xrf0) =	vmax.scan.msk.u32 $0xffff, v13;
	_ =	sdelay $0x1  }
0x4ad: {  	vm1 =	vne.s32 v11, v14  }
0x4ae: {  	vm1 =	vmor vm1, vm0;
	_ =	sdelay $0x1  }
0x4af: {  	v62 =	vld.idx.msk [tilespmem:v11+s14+$0x0], $0xffff  }
0x4b0: {  	v63, _, _ =	vpop (xrf0)  }
0x4b1: {  	v15 =	vadd.s32 $0x1, v1;
	v14 =	vxor.u32 $0x80000000, v63  }
0x4b2: {  	v15 =	vsub.s32 v15, v14  }
0x4b3: {  	[tilespmem:v11+s14+$0x0] =	vst.idx.add.s32.msk vm1, v15  }
0x4b4: {  	[tilespmem:$0x12310] =	vst v10;
	v10 =	vsub.s32 v62, v14  }
0x4b5: {  	v11 =	vld.idx.msk [tilespmem:v12+s21+$0x0], $0xffff;
	[tilespmem:$0x12320] =	vst v9;
	v9 =	vadd.s32 v1, v10  }
0x4b6: {  	v10 =	vld.idx.msk [tilespmem:v12+s23+$0x0], $0xffff;
	_ =	sdelay $0x3  }
0x4b7: {  	[tilespmem:v9+s24+$0x0] =	vst.idx.msk $0xffff, v11  }
0x4b8: {  	[tilespmem:v9+s25+$0x0] =	vst.idx.msk $0xffff, v10  }
.LBB2_54:
.Ltmp38:
0x4b9: {  	(pc) =	sbr.rel @!p1 .LBB2_67-.Ltmp38, $1  }
0x4ba: {  	_ =	sdelay $0x3  }
0x4bb: {  	s0 =	simm.s32 $0x40;
	s1 =	simm.s32 $0x0  }
.LBB2_56:
0x4bc: {  	p1 =	seq.s32 s0, $0x3FC0;
	[tilespmem:s1+$0x8000] =	vst v0;
	s1 =	smov.u32 s0;
	s0 =	sadd.s32 $0x40, s0  }
.Ltmp39:
0x4bd: {  	(pc) =	sbr.rel @!p1 .LBB2_56-.Ltmp39, $2  }
0x4be: {  	_ =	sdelay $0x2  }
0x4bf: {  	s1 =	sshra.s32 s1, $0x2  }
.Ltmp40:
0x4c0: {  	(pc) =	sbr.rel @!p2 .LBB2_58-.Ltmp40, $2  }
0x4c1: {  	_ =	sdelay $0x2  }
0x4c2: {  	[tilespmem:s1+$0x8000] =	vst v0;
	s0 =	simm.s32 $0xC300  }
0x4c3: {  	p1 =	seq.s32 s28, $0x1  }
.Ltmp41:
0x4c4: {  	_ = 	snop;
	(pc) =	sbr.rel @p1 .LBB2_79-.Ltmp41, $2  }
0x4c5: {  	_ =	sdelay $0x2  }
0x4c6: {  	v9 =	vld [tilespmem:s0+$0x0];
	s1 =	sadd.s32 $0xFFFFFFFF, s28  }
.LBB2_78:
0x4c7: {  	p1 =	seq.s32 s1, $0x1;
	_ =	sdelay $0x3  }
0x4c8: {  	v9 =	vshrl.u32 v9, $0x18  }
0x4c9: {  	v10 =	vand.u32 $0xF8, v9  }
0x4ca: {  	v9 =	vand.u32 $0x7, v9;
	v10 =	vor.u32 v2, v10  }
0x4cb: {  	v9 =	vor.u32 v9, v10;
	_ =	sdelay $0x1  }
.Ltmp42:
0x4cc: {  	(pc) =	sbr.rel @!p1 .LBB2_78-.Ltmp42, $3  }
0x4cd: {  	_ =	sdelay $0x1  }
0x4ce: {  	s0 =	sadd.s32 $0x10, s0;
	[tilespmem:v9+s13+$0x0] =	vst.idx.add.s32.msk $0xffff, v3  }
0x4cf: {  	s1 =	sadd.s32 $0xFFFFFFFF, s1;
	v9 =	vld [tilespmem:s0+$0x0]  }
.LBB2_79:
0x4d0: {  	_ =	sdelay $0x3  }
0x4d1: {  	v9 =	vshrl.u32 v9, $0x18  }
0x4d2: {  	v10 =	vand.u32 $0xF8, v9  }
0x4d3: {  	v9 =	vand.u32 $0x7, v9;
	v10 =	vor.u32 v2, v10  }
0x4d4: {  	v9 =	vor.u32 v9, v10;
	_ =	sdelay $0x4  }
0x4d5: {  	[tilespmem:v9+s13+$0x0] =	vst.idx.add.s32.msk $0xffff, v3  }
.LBB2_58:
0x4d6: {  	s3 =	simm.s32 $0x0  }
0x4d7: {  	v9 =	vld [tilespmem:s3+$0x8000]  }
0x4d8: {  	v10 =	vld [tilespmem:s3+$0x8100]  }
0x4d9: {  	v11 =	vld [tilespmem:s3+$0x8200]  }
0x4da: {  	v12 =	vld [tilespmem:s3+$0x8300]  }
0x4db: {  	v13 =	vld [tilespmem:s3+$0x8400]  }
0x4dc: {  	v14 =	vld [tilespmem:s3+$0x8500]  }
0x4dd: {  	v15 =	vld [tilespmem:s3+$0x8600];
	v9 =	vadd.s32 v9, v10  }
0x4de: {  	v16 =	vld [tilespmem:s3+$0x8700];
	v9 =	vadd.s32 v11, v9  }
0x4df: {  	v17 =	vld [tilespmem:s3+$0x8800];
	v9 =	vadd.s32 v12, v9  }
0x4e0: {  	v10 =	vld [tilespmem:s3+$0x8900];
	v9 =	vadd.s32 v13, v9  }
0x4e1: {  	v11 =	vld [tilespmem:s3+$0x8A00];
	v9 =	vadd.s32 v14, v9  }
0x4e2: {  	v12 =	vld [tilespmem:s3+$0x8B00];
	v9 =	vadd.s32 v15, v9  }
0x4e3: {  	v13 =	vld [tilespmem:s3+$0x8C00];
	v9 =	vadd.s32 v16, v9  }
0x4e4: {  	v14 =	vld [tilespmem:s3+$0x8D00];
	v9 =	vadd.s32 v17, v9  }
0x4e5: {  	v15 =	vld [tilespmem:s3+$0x8E00];
	v9 =	vadd.s32 v10, v9  }
0x4e6: {  	s1 =	simm.s32 $0x10;
	v61 =	vld [tilespmem:s3+$0x8F00];
	v9 =	vadd.s32 v11, v9  }
0x4e7: {  	v62 =	vld [tilespmem:s1+$0x8000];
	v9 =	vadd.s32 v12, v9  }
0x4e8: {  	v10 =	vld [tilespmem:s1+$0x8100];
	v9 =	vadd.s32 v13, v9  }
0x4e9: {  	v11 =	vld [tilespmem:s1+$0x8200];
	v9 =	vadd.s32 v14, v9  }
0x4ea: {  	v12 =	vld [tilespmem:s1+$0x8300];
	v9 =	vadd.s32 v15, v9  }
0x4eb: {  	v13 =	vld [tilespmem:s1+$0x8400];
	v16 =	vadd.s32 v61, v9  }
0x4ec: {  	v14 =	vld [tilespmem:s1+$0x8500];
	(xrf0) =	vadd.scan.msk.s32 $0xffff, v16  }
0x4ed: {  	v15 =	vld [tilespmem:s1+$0x8600];
	v9 =	vadd.s32 v62, v10  }
0x4ee: {  	v10 =	vld [tilespmem:s1+$0x8700];
	v9 =	vadd.s32 v11, v9  }
0x4ef: {  	v11 =	vld [tilespmem:s1+$0x8800];
	v9 =	vadd.s32 v12, v9  }
0x4f0: {  	v12 =	vld [tilespmem:s1+$0x8900];
	v9 =	vadd.s32 v13, v9  }
0x4f1: {  	v13 =	vld [tilespmem:s1+$0x8A00];
	v9 =	vadd.s32 v14, v9  }
0x4f2: {  	v14 =	vld [tilespmem:s1+$0x8B00];
	v15 =	vadd.s32 v15, v9;
	v63, _, _ =	vpop (xrf0)  }
0x4f3: {  	s0 =	simm.s32 $0x0;
	v9 =	vld [tilespmem:s1+$0x8C00];
	v15 =	vadd.s32 v10, v15;
	(v2sf) =	vpush v63, $0xF  }
0x4f4: {  	v16 =	vsub.s32 s0, v16;
	v10 =	vld [tilespmem:s1+$0x8D00];
	v15 =	vadd.s32 v11, v15  }
0x4f5: {  	v11 =	vld [tilespmem:s1+$0x8E00];
	v15 =	vadd.s32 v12, v15;
	v16 =	vadd.s32 v63, v16  }
0x4f6: {  	s2 =	simm.s32 $0x20;
	v12 =	vld [tilespmem:s1+$0x8F00];
	v15 =	vadd.s32 v13, v15;
	[tilespmem:s3+$0x9000] =	vst v16  }
0x4f7: {  	s3 =	simm.s32 $0xC0;
	v13 =	vld [tilespmem:s2+$0x8000];
	v14 =	vadd.s32 v14, v15  }
.LBB2_59:
0x4f8: {  	p1 =	seq.s32 s3, $0x3C0;
	v15 =	vld [tilespmem:s2+$0x8100];
	v9 =	vadd.s32 v9, v14  }
0x4f9: {  	v14 =	vld [tilespmem:s2+$0x8200];
	v9 =	vadd.s32 v10, v9  }
0x4fa: {  	v10 =	vld [tilespmem:s2+$0x8300];
	v9 =	vadd.s32 v11, v9  }
0x4fb: {  	v11 =	vld [tilespmem:s2+$0x8400];
	v12 =	vadd.s32 v12, v9  }
0x4fc: {  	v9 =	vld [tilespmem:s2+$0x8500];
	(xrf0) =	vadd.scan.msk.s32 $0xffff, v12  }
0x4fd: {  	v13 =	vadd.s32 v13, v15;
	v15 =	vld [tilespmem:s2+$0x8600]  }
0x4fe: {  	v13 =	vadd.s32 v14, v13;
	v14 =	vld [tilespmem:s2+$0x8700]  }
0x4ff: {  	v10 =	vadd.s32 v10, v13;
	v13 =	vld [tilespmem:s2+$0x8800]  }
0x500: {  	v10 =	vadd.s32 v11, v10;
	v11 =	vld [tilespmem:s2+$0x8900]  }
0x501: {  	v9 =	vadd.s32 v9, v10;
	v16 =	vld [tilespmem:s2+$0x8A00]  }
0x502: {  	v9 =	vadd.s32 v15, v9;
	v15 =	vld [tilespmem:s2+$0x8B00];
	v17, _, _ =	vpop (xrf0);
	s4 =	spop (v2sf)  }
.Ltmp43:
0x503: {  	v10 =	vadd.s32 v14, v9;
	v9 =	vld [tilespmem:s2+$0x8C00];
	(v2sf) =	vpush v17, $0xF;
	s0 =	sadd.s32 s0, s4;
	(pc) =	sbr.rel @!p1 .LBB2_59-.Ltmp43, $4  }
0x504: {  	v13 =	vadd.s32 v13, v10;
	v10 =	vld [tilespmem:s2+$0x8D00];
	v12 =	vsub.s32 s0, v12  }
0x505: {  	v13 =	vadd.s32 v11, v13;
	v11 =	vld [tilespmem:s2+$0x8E00];
	v14 =	vadd.s32 v17, v12  }
0x506: {  	v16 =	vadd.s32 v16, v13;
	v12 =	vld [tilespmem:s2+$0x8F00];
	[tilespmem:s1+$0x9000] =	vst v14;
	s1 =	smov.u32 s2;
	s2 =	sshra.s32 s3, $0x2  }
0x507: {  	s3 =	sadd.s32 $0x40, s3;
	v13 =	vld [tilespmem:s2+$0x8000];
	v14 =	vadd.s32 v15, v16  }
0x508: {  	v15 =	vld [tilespmem:s2+$0x8100]  }
0x509: {  	v16 =	vld [tilespmem:s2+$0x8200]  }
0x50a: {  	v17 =	vld [tilespmem:s2+$0x8300]  }
0x50b: {  	v18 =	vld [tilespmem:s2+$0x8400]  }
0x50c: {  	v19 =	vld [tilespmem:s2+$0x8500]  }
0x50d: {  	v54 =	vld [tilespmem:s2+$0x8600];
	v13 =	vadd.s32 v13, v15  }
0x50e: {  	v55 =	vld [tilespmem:s2+$0x8700];
	v13 =	vadd.s32 v16, v13  }
0x50f: {  	v56 =	vld [tilespmem:s2+$0x8800];
	v13 =	vadd.s32 v17, v13  }
0x510: {  	v57 =	vld [tilespmem:s2+$0x8900];
	v13 =	vadd.s32 v18, v13  }
0x511: {  	v58 =	vld [tilespmem:s2+$0x8A00];
	v13 =	vadd.s32 v19, v13  }
0x512: {  	v59 =	vld [tilespmem:s2+$0x8B00];
	v13 =	vadd.s32 v54, v13  }
0x513: {  	v60 =	vld [tilespmem:s2+$0x8C00];
	v13 =	vadd.s32 v55, v13  }
0x514: {  	v9 =	vadd.s32 v9, v14;
	v61 =	vld [tilespmem:s2+$0x8D00];
	v13 =	vadd.s32 v56, v13  }
0x515: {  	v62 =	vld [tilespmem:s2+$0x8E00];
	v9 =	vadd.s32 v10, v9;
	v10 =	vadd.s32 v57, v13  }
0x516: {  	v9 =	vadd.s32 v11, v9;
	v11 =	vld [tilespmem:s2+$0x8F00];
	v10 =	vadd.s32 v58, v10  }
0x517: {  	v9 =	vadd.s32 v12, v9;
	v10 =	vadd.s32 v59, v10  }
0x518: {  	(xrf0) =	vadd.scan.msk.s32 $0xffff, v9;
	v10 =	vadd.s32 v60, v10  }
0x519: {  	v10 =	vadd.s32 v61, v10  }
0x51a: {  	v10 =	vadd.s32 v62, v10  }
0x51b: {  	v10 =	vadd.s32 v11, v10  }
0x51c: {  	(xrf0) =	vadd.scan.msk.s32 $0xffff, v10;
	_ =	sdelay $0x1  }
0x51d: {  	v11, _, _ =	vpop (xrf0)  }
0x51e: {  	(v2sf) =	vpush v11, $0xF;
	_ =	sdelay $0x2  }
0x51f: {  	v63, _, _ =	vpop (xrf0)  }
0x520: {  	(v2sf) =	vpush v63, $0xF;
	_ =	sdelay $0x9  }
0x521: {  	s3 =	spop (v2sf)  }
.Ltmp44:
0x522: {  	s0 =	sadd.s32 s0, s3;
	s15 =	spop (v2sf);
	(pc) =	sbr.rel @!p2 .LBB2_64-.Ltmp44, $4  }
0x523: {  	v9 =	vsub.s32 s0, v9;
	s0 =	sadd.s32 s0, s15  }
0x524: {  	v9 =	vadd.s32 v11, v9;
	v10 =	vsub.s32 s0, v10  }
0x525: {  	[tilespmem:s1+$0x9000] =	vst v9;
	v9 =	vadd.s32 v63, v10  }
0x526: {  	[tilespmem:s2+$0x9000] =	vst v9;
	s29 =	spop (v2sf)  }
0x527: {  	p1 =	sne.s32 s28, $0x1  }
.Ltmp45:
0x528: {  	_ = 	snop;
	(pc) =	sbr.rel @!p1 .LBB2_63-.Ltmp45, $4  }
0x529: {  	_ = 	snop  }
0x52a: {  	s0 =	simm.s32 $0xC300  }
0x52b: {  	s1 =	simm.s32 $0xDB00;
	v10 =	vld [tilespmem:s0+$0x0]  }
0x52c: {  	s2 =	sadd.s32 $0xFFFFFFFF, s28;
	v9 =	vld [tilespmem:s1+$0x0]  }
.LBB2_62:
0x52d: {  	p1 =	sne.s32 s2, $0x1;
	_ =	sdelay $0x2  }
0x52e: {  	v11 =	vshrl.u32 v10, $0x14  }
0x52f: {  	v11 =	vand.u32 $0xFF0, v11  }
0x530: {  	v11 =	vor.u32 v6, v11  }
0x531: {  	(xrf1) =	vsort.ascd.msk.u32 $0xffff, v11, v1;
	_ =	sdelay $0xd  }
0x532: {  	v11, v12, _ =	vpop (xrf1)  }
0x533: {  	v11 =	vshra.s32 v11, $0x4  }
0x534: {  	v11 =	vxor.u32 $0xF8000000, v11  }
0x535: {  	[tilespmem:$0x12300] =	vst v11  }
0x536: {  	v13 =	vld.idx.msk [tilespmem:v7+s22+$0x0], $0xffff;
	_ =	sdelay $0x3  }
0x537: {  	v14 =	vld.idx.msk [tilespmem:v8+s22+$0x0], $0xffff;
	_ =	sdelay $0x1  }
0x538: {  	vm1 =	veq.s32 v11, v13  }
0x539: {  	v13 =	vsel vm1, $0x80000000, v6  }
0x53a: {  	(xrf0) =	vmax.scan.msk.u32 $0xffff, v13;
	_ =	sdelay $0x1  }
0x53b: {  	vm1 =	vne.s32 v11, v14  }
0x53c: {  	vm1 =	vmor vm1, vm0;
	_ =	sdelay $0x1  }
0x53d: {  	v13 =	vld.idx.msk [tilespmem:v11+s14+$0x0], $0xffff  }
0x53e: {  	v14, _, _ =	vpop (xrf0)  }
0x53f: {  	v15 =	vadd.s32 $0x1, v1;
	v14 =	vxor.u32 $0x80000000, v14  }
0x540: {  	v15 =	vsub.s32 v15, v14  }
0x541: {  	[tilespmem:v11+s14+$0x0] =	vst.idx.add.s32.msk vm1, v15  }
0x542: {  	[tilespmem:$0x12310] =	vst v10  }
0x543: {  	v10 =	vsub.s32 v13, v14;
	v11 =	vld.idx.msk [tilespmem:v12+s21+$0x0], $0xffff;
	[tilespmem:$0x12320] =	vst v9  }
0x544: {  	v9 =	vadd.s32 v1, v10;
	v10 =	vld.idx.msk [tilespmem:v12+s23+$0x0], $0xffff;
	_ =	sdelay $0x3  }
.Ltmp46:
0x545: {  	(pc) =	sbr.rel @p1 .LBB2_62-.Ltmp46, $4  }
0x546: {  	[tilespmem:v9+s17+$0x0] =	vst.idx.msk $0xffff, v11  }
0x547: {  	s0 =	sadd.s32 $0x10, s0;
	[tilespmem:v9+s18+$0x0] =	vst.idx.msk $0xffff, v10  }
0x548: {  	s1 =	sadd.s32 $0x10, s1;
	v10 =	vld [tilespmem:s0+$0x0]  }
0x549: {  	s2 =	sadd.s32 $0xFFFFFFFF, s2;
	v9 =	vld [tilespmem:s1+$0x0]  }
.LBB2_63:
0x54a: {  	_ =	sdelay $0x2  }
0x54b: {  	v11 =	vshrl.u32 v10, $0x14  }
0x54c: {  	v11 =	vand.u32 $0xFF0, v11  }
0x54d: {  	v11 =	vor.u32 v6, v11  }
0x54e: {  	(xrf1) =	vsort.ascd.msk.u32 $0xffff, v11, v1;
	_ =	sdelay $0xd  }
0x54f: {  	v11, v12, _ =	vpop (xrf1)  }
0x550: {  	v11 =	vshra.s32 v11, $0x4  }
0x551: {  	v11 =	vxor.u32 $0xF8000000, v11  }
0x552: {  	[tilespmem:$0x12300] =	vst v11  }
0x553: {  	v13 =	vld.idx.msk [tilespmem:v7+s22+$0x0], $0xffff;
	_ =	sdelay $0x3  }
0x554: {  	v14 =	vld.idx.msk [tilespmem:v8+s22+$0x0], $0xffff  }
0x555: {  	vm1 =	veq.s32 v11, v13  }
0x556: {  	v13 =	vsel vm1, $0x80000000, v6  }
0x557: {  	(xrf0) =	vmax.scan.msk.u32 $0xffff, v13;
	_ =	sdelay $0x1  }
0x558: {  	vm1 =	vne.s32 v11, v14  }
0x559: {  	vm1 =	vmor vm1, vm0;
	_ =	sdelay $0x1  }
0x55a: {  	v62 =	vld.idx.msk [tilespmem:v11+s14+$0x0], $0xffff  }
0x55b: {  	v63, _, _ =	vpop (xrf0)  }
0x55c: {  	v15 =	vadd.s32 $0x1, v1;
	v14 =	vxor.u32 $0x80000000, v63  }
0x55d: {  	v15 =	vsub.s32 v15, v14  }
0x55e: {  	[tilespmem:v11+s14+$0x0] =	vst.idx.add.s32.msk vm1, v15  }
0x55f: {  	[tilespmem:$0x12310] =	vst v10;
	v10 =	vsub.s32 v62, v14  }
0x560: {  	v11 =	vld.idx.msk [tilespmem:v12+s21+$0x0], $0xffff;
	[tilespmem:$0x12320] =	vst v9;
	v9 =	vadd.s32 v1, v10  }
0x561: {  	v10 =	vld.idx.msk [tilespmem:v12+s23+$0x0], $0xffff;
	_ =	sdelay $0x3  }
0x562: {  	[tilespmem:v9+s17+$0x0] =	vst.idx.msk $0xffff, v11  }
0x563: {  	[tilespmem:v9+s18+$0x0] =	vst.idx.msk $0xffff, v10  }
.LBB2_64:
0x564: {  	s0 =	simm.s32 $0x0  }
0x565: {  	s1 =	simm.s32 $0x40;
	v9 =	vld [tilespmem:s0+$0xAB00]  }
.LBB2_65:
0x566: {  	p1 =	sne.s32 s1, $0x3FC0  }
.Ltmp47:
0x567: {  	_ = 	snop;
	(pc) =	sbr.rel @p1 .LBB2_65-.Ltmp47, $3  }
0x568: {  	_ =	sdelay $0x1  }
0x569: {  	[tilespmem:s0+$0xDB00] =	vst v9;
	s0 =	sshra.s32 s1, $0x2;
	s1 =	sadd.s32 $0x40, s1  }
0x56a: {  	v9 =	vld [tilespmem:s0+$0xAB00]  }
0x56b: {  	_ =	sdelay $0x3  }
0x56c: {  	[tilespmem:s0+$0xDB00] =	vst v9  }
.LBB2_67:
.Ltmp48:
0x56d: {  	s0 =	simm.s32 $0x0;
	s1 =	rddreg [dreg:$0xb];
	(pc) =	sbr.rel .LBB2_23-.Ltmp48, $4  }
0x56e: {  	[hbm4b:s1+s0] =	stream.linear.scatter [tilespmem:s25], [sflag:$0x1], $0x1000, $0x38;
	[tilespmem:$0x13C30] =	vst v63  }
0x56f: {  	_ =	swait.ge [sflag:s26], $0x1000  }
0x570: {  	[sflag:s26] =	ssyncset.done $0x0  }
0x571: {  	s1 =	rddreg [dreg:$0xe];
	[sflag:s26] =	ssyncadd.s32 $0xFFFFF000  }
.LBB2_24:
0x572: {  	_ =	sfence.sel $0x180000  }
0x573: {  	[bflag:$0x0] =	sbarrier.arrive $0xFFFF  }
0x574: {  	_ =	strace $0x90000047  }
0x575: {  	s0 =	stileid.u32;
	[bflag:$0x2] =	sbarrier.arrive $0xFFFF  }
0x576: {  	p0 =	sne.s32 s0, $0x0;
	s0 =	rddreg [dreg:$0x4]  }
0x577: {  	s0 =	sadd.s32 @!p0 $0x100000, s0  }
0x578: {  	[sflag:s0] =	ssyncadd.tile.s32 @!p0 $0x1;
	_ =	shalt  }
.Lfunc_end2:
_tile_overlayer_lowered:
.L_overlay_start_2:
0x579: {  	(tag) =	ssettag $0x2  }
0x57a: {  	s0 =	rddreg [dreg:$0x0];
	s2 =	stileid.u32  }
0x57b: {  	s1 =	rddreg [dreg:$0x1];
	p0 =	sne.s32 s2, $0x0  }
0x57c: {  	s3 =	rddreg [dreg:$0x2];
	[bflag:$0x3] =	sbarrier.arrive $0xFFFF;
	s2 =	simm.s32 @!p0 $0x1C01  }
0x57d: {  	[timem:s3], [sflag:s2] =	dma.local @!p0 [hbm:s0], s1  }
0x57e: {  	s0 =	simm.s32 @!p0 $0x1  }
0x57f: {  	_ =	swait.ge @!p0 [sflag:s0], s1  }
0x580: {  	s1 =	ssub.s32 @!p0 $0x0, s1;
	[sflag:s0] =	ssyncset.done @!p0 $0x0  }
0x581: {  	[sflag:s0] =	ssyncadd.s32 @!p0 s1  }
0x582: {  	[bflag:$0x3] =	sbarrier.arrive $0xFFFF  }
0x583: {  	_ =	shalt  }

</sc_bundles>
